<compile_context>
chip_gen: v7x
topology: tpu7x:2x2x1
jax: 0.10.2.dev20260603
libtpu: 0.0.44.dev20260713+nightly
codegen_flags: <defaults>
</compile_context>

<pallas_src>
import functools

import jax
import jax.numpy as jnp
from jax import lax
from jax.experimental import pallas as pl
from jax.experimental.pallas import tpu as pltpu
from jax.experimental.pallas import tpu_sc as plsc

B = 4096
MF_DIM = 32
WORD_DIM = 64
DOC_LEN = 200
HALF = 100
NC = 2
NS = 16
NW = NC * NS
BPW = B // NW
UNROLL = 8
SPLIT_A = 96
SPLIT_B = 104



def _doc_body(udoc_h, idoc_h, doc_h, ud_o, id_o,
              didx_v, rows_v, dout_v, sem0, sem1):
    wid = lax.axis_index("s") * NC + lax.axis_index("c")
    base = wid * BPW
    inv_len = jnp.float32(1.0 / DOC_LEN)
    sems = (sem0, sem1)

    def do_doc(doc_idx_h, out_h):
        pltpu.sync_copy(doc_idx_h.at[pl.ds(base, BPW)], didx_v)

        def fire(i, b):
            pltpu.async_copy(doc_h.at[didx_v.at[i, pl.ds(0, SPLIT_A)]],
                             rows_v.at[b, pl.ds(0, SPLIT_A)], sems[b])
            pltpu.async_copy(doc_h.at[didx_v.at[i, pl.ds(SPLIT_A, SPLIT_B)]],
                             rows_v.at[b, pl.ds(SPLIT_A, SPLIT_B)], sems[b])

        def drain(b):
            pltpu.make_async_copy(doc_h.at[didx_v.at[0, pl.ds(0, SPLIT_A)]],
                                  rows_v.at[b], sems[b]).wait()

        def reduce_store(i, b):
            def red(r2, acc):
                a0, a1, a2, a3 = acc
                r0 = r2 * UNROLL
                for rr in range(UNROLL):
                    a0 = a0 + rows_v[b, r0 + rr, pl.ds(0, 16)]
                    a1 = a1 + rows_v[b, r0 + rr, pl.ds(16, 16)]
                    a2 = a2 + rows_v[b, r0 + rr, pl.ds(32, 16)]
                    a3 = a3 + rows_v[b, r0 + rr, pl.ds(48, 16)]
                return (a0, a1, a2, a3)

            z = jnp.zeros((16,), jnp.float32)
            a0, a1, a2, a3 = lax.fori_loop(0, DOC_LEN // UNROLL, red,
                                           (z, z, z, z))
            dout_v[i, pl.ds(0, 16)] = a0 * inv_len
            dout_v[i, pl.ds(16, 16)] = a1 * inv_len
            dout_v[i, pl.ds(32, 16)] = a2 * inv_len
            dout_v[i, pl.ds(48, 16)] = a3 * inv_len

        fire(0, 0)
        fire(1, 1)

        def pair(g, carry):
            for b in range(2):
                i = 2 * g + b
                drain(b)
                reduce_store(i, b)
                fire(i + 2, b)
            return carry

        lax.fori_loop(0, BPW // 2 - 1, pair, jnp.int32(0))
        for b in range(2):
            drain(b)
            reduce_store(BPW - 2 + b, b)

        pltpu.sync_copy(dout_v, out_h.at[pl.ds(base, BPW)])

    do_doc(udoc_h, ud_o)
    do_doc(idoc_h, id_o)



CHUNK = 1024
BPS = B // NC


def _mf_body(user_h, item_h, gu_h, gi_h, tu_h, ti_h,
             gu_o, gi_o, tu_o, ti_o,
             idx_s, stage_sh, sem, osem):
    cid = lax.axis_index("c")
    base = cid * BPS

    tables = (gu_h, tu_h, gi_h, ti_h)
    outs = (gu_o, tu_o, gi_o, ti_o)
    idx_arrs = (user_h, user_h, item_h, item_h)

    for t in range(4):
        for c in range(BPS // CHUNK):
            off = base + c * CHUNK
            pltpu.sync_copy(idx_arrs[t].at[pl.ds(off, CHUNK)], idx_s)

            def fetch(i, carry):
                idx = idx_s[i]
                pltpu.async_copy(tables[t].at[pl.ds(idx, 1)],
                                 stage_sh.at[pl.ds(i, 1)], sem)
                return carry

            lax.fori_loop(0, CHUNK, fetch, jnp.int32(0))

            def drain(i, carry):
                pltpu.make_async_copy(tables[t].at[pl.ds(0, 1)],
                                      stage_sh.at[pl.ds(0, 1)], sem).wait()
                return carry

            lax.fori_loop(0, CHUNK, drain, jnp.int32(0))
            pltpu.async_copy(stage_sh, outs[t].at[pl.ds(off, CHUNK)], osem)
            pltpu.make_async_copy(stage_sh, outs[t].at[pl.ds(off, CHUNK)],
                                  osem).wait()


@jax.jit
def kernel(user, item, user_doc, item_doc, gamma_user_w, gamma_item_w,
           theta_user_w, theta_item_w, doc_w):
    mesh = plsc.VectorSubcoreMesh(core_axis_name="c", subcore_axis_name="s")

    doc_f = pl.kernel(
        _doc_body,
        out_type=(
            jax.ShapeDtypeStruct((B, WORD_DIM), jnp.float32),
            jax.ShapeDtypeStruct((B, WORD_DIM), jnp.float32),
        ),
        mesh=mesh,
        compiler_params=pltpu.CompilerParams(use_tc_tiling_on_sc=False),
        scratch_types=[
            pltpu.VMEM((BPW, DOC_LEN), jnp.int32),
            pltpu.VMEM((2, DOC_LEN, WORD_DIM), jnp.float32),
            pltpu.VMEM((BPW, WORD_DIM), jnp.float32),
            pltpu.SemaphoreType.DMA,
            pltpu.SemaphoreType.DMA,
        ],
    )
    ud_e, id_e = doc_f(user_doc, item_doc, doc_w)

    mf_f = pl.kernel(
        _mf_body,
        out_type=(
            jax.ShapeDtypeStruct((B, MF_DIM), jnp.float32),
            jax.ShapeDtypeStruct((B, MF_DIM), jnp.float32),
            jax.ShapeDtypeStruct((B, MF_DIM), jnp.float32),
            jax.ShapeDtypeStruct((B, MF_DIM), jnp.float32),
        ),
        mesh=plsc.ScalarSubcoreMesh(axis_name="c", num_cores=NC),
        compiler_params=pltpu.CompilerParams(use_tc_tiling_on_sc=True),
        scratch_types=[
            pltpu.SMEM((CHUNK,), jnp.int32),
            pltpu.VMEM_SHARED((CHUNK, MF_DIM), jnp.float32),
            pltpu.SemaphoreType.DMA,
            pltpu.SemaphoreType.DMA,
        ],
    )
    tok = (ud_e[0, 0] * 0.0).astype(jnp.int32) + (id_e[0, 0] * 0.0).astype(jnp.int32)
    gu_e, gi_e, tu_e, ti_e = mf_f(user + tok, item + tok,
                                  gamma_user_w, gamma_item_w,
                                  theta_user_w, theta_item_w)
    return (gu_e, gi_e, tu_e, ti_e, ud_e, id_e)

# --- scband reference (transcript-rebuilt; emitter-appended) ---
"""Pipeline reference for scband-encoder-17437567222106 (READ-ONLY COPY).

The authoritative reference and input builder live on the scoring server;
editing this copy changes nothing except your own understanding.
"""

import jax, jax.numpy as jnp
import numpy as np

NUM_USERS = 100000
NUM_ITEMS = 1000000
MF_DIM = 32
NUM_WORDS = 100000
WORD_DIM = 64
SEQ_LEN = 50
USER_SEQ_NUM = 4
ITEM_SEQ_NUM = 4
B = 4096


def setup_inputs(seed: int = 0) -> dict:
    key = jax.random.key(seed)
    ks = jax.random.split(key, 9)
    user = jax.random.randint(ks[0], (B,), 0, NUM_USERS, dtype=jnp.int32)
    item = jax.random.randint(ks[1], (B,), 0, NUM_ITEMS, dtype=jnp.int32)
    user_doc = jax.random.randint(ks[2], (B, SEQ_LEN * USER_SEQ_NUM), 0, NUM_WORDS, dtype=jnp.int32)
    item_doc = jax.random.randint(ks[3], (B, SEQ_LEN * ITEM_SEQ_NUM), 0, NUM_WORDS, dtype=jnp.int32)
    # Embedding tables; gamma/theta tables are scaled by 0.1 as in reinit()
    gamma_user_w = 0.1 * jax.random.normal(ks[4], (NUM_USERS, MF_DIM), dtype=jnp.float32)
    gamma_item_w = 0.1 * jax.random.normal(ks[5], (NUM_ITEMS, MF_DIM), dtype=jnp.float32)
    theta_user_w = 0.1 * jax.random.normal(ks[6], (NUM_USERS, MF_DIM), dtype=jnp.float32)
    theta_item_w = 0.1 * jax.random.normal(ks[7], (NUM_ITEMS, MF_DIM), dtype=jnp.float32)
    doc_w = jax.random.normal(ks[8], (NUM_WORDS, WORD_DIM), dtype=jnp.float32)
    return {
        "user": user,
        "item": item,
        "user_doc": user_doc,
        "item_doc": item_doc,
        "gamma_user_w": gamma_user_w,
        "gamma_item_w": gamma_item_w,
        "theta_user_w": theta_user_w,
        "theta_item_w": theta_item_w,
        "doc_w": doc_w,
    }


def reference(user, item, user_doc, item_doc, gamma_user_w, gamma_item_w, theta_user_w, theta_item_w, doc_w):
    gamma_user_embed = jnp.take(gamma_user_w, user, axis=0)
    gamma_item_embed = jnp.take(gamma_item_w, item, axis=0)
    theta_user_embed = jnp.take(theta_user_w, user, axis=0)
    theta_item_embed = jnp.take(theta_item_w, item, axis=0)
    user_doc_embed = jnp.take(doc_w, user_doc, axis=0).reshape(-1, SEQ_LEN * USER_SEQ_NUM, WORD_DIM)
    item_doc_embed = jnp.take(doc_w, item_doc, axis=0).reshape(-1, SEQ_LEN * ITEM_SEQ_NUM, WORD_DIM)
    user_doc_embed = jnp.mean(user_doc_embed, axis=1)
    item_doc_embed = jnp.mean(item_doc_embed, axis=1)
    return (gamma_user_embed, gamma_item_embed, theta_user_embed, theta_item_embed, user_doc_embed, item_doc_embed)

if __name__ == "__main__":
    import jax
    _d = setup_inputs()
    print(jax.jit(kernel)(*tuple(_d.values())))

</pallas_src>

<mosaic_0001>
#map = affine_map<(d0) -> (0)>
#map1 = affine_map<(d0) -> (0, 0)>
module attributes {stable_mosaic.version = 14 : i64} {
  func.func @_mf_body(%arg0: i32, %arg1: memref<4096xi32, #tpu.memory_space<hbm>>, %arg2: memref<4096xi32, #tpu.memory_space<hbm>>, %arg3: memref<100000x32xf32, #tpu.memory_space<hbm>>, %arg4: memref<1000000x32xf32, #tpu.memory_space<hbm>>, %arg5: memref<100000x32xf32, #tpu.memory_space<hbm>>, %arg6: memref<1000000x32xf32, #tpu.memory_space<hbm>>, %arg7: memref<4096x32xf32, #tpu.memory_space<hbm>>, %arg8: memref<4096x32xf32, #tpu.memory_space<hbm>>, %arg9: memref<4096x32xf32, #tpu.memory_space<hbm>>, %arg10: memref<4096x32xf32, #tpu.memory_space<hbm>>, %arg11: memref<1024xi32, #tpu.memory_space<smem>>, %arg12: memref<1024x32xf32, #tpu.memory_space<vmem_shared>>, %arg13: memref<!tpu.dma_semaphore, #tpu.memory_space<semaphore_mem>>, %arg14: memref<!tpu.dma_semaphore, #tpu.memory_space<semaphore_mem>>) attributes {dimension_semantics = [#tpu.dimension_semantics<core_parallel>], iteration_bounds = array<i64: 2>, scalar_prefetch = 0 : i64, scratch_operands = 4 : i64, tpu.core_type = #tpu.core_type<sc_scalar_subcore>, window_params = [{transform_indices = #map}, {transform_indices = #map}, {transform_indices = #map1}, {transform_indices = #map1}, {transform_indices = #map1}, {transform_indices = #map1}, {transform_indices = #map1}, {transform_indices = #map1}, {transform_indices = #map1}, {transform_indices = #map1}]} {
    %mul3A = arith.constant 2048 : i32
    %mul3A_0 = arith.muli %arg0, %mul3A : i32
    %add3A = arith.constant 0 : i32
    %add3A_1 = arith.addi %mul3A_0, %add3A : i32
    "tpu.region"() ({
      %run_scoped3A = tpu.sem_alloc : memref<!tpu.dma_semaphore, #tpu.memory_space<semaphore_mem>>
      %dma_start3A_141 = tpu.memref_slice %arg1[%add3A_1] : memref<4096xi32, #tpu.memory_space<hbm>> -> memref<1024xi32, #tpu.memory_space<hbm>>
      tpu.enqueue_dma source(%dma_start3A_141 : memref<1024xi32, #tpu.memory_space<hbm>>) target(%arg11 : memref<1024xi32, #tpu.memory_space<smem>>) target_semaphore(%run_scoped3A : memref<!tpu.dma_semaphore, #tpu.memory_space<semaphore_mem>>)
      %dma_wait3A_142 = tpu.memref_slice %arg1[%add3A_1] : memref<4096xi32, #tpu.memory_space<hbm>> -> memref<1024xi32, #tpu.memory_space<hbm>>
      tpu.wait_dma2 semaphore(%run_scoped3A : memref<!tpu.dma_semaphore, #tpu.memory_space<semaphore_mem>>) src(%dma_wait3A_142 : memref<1024xi32, #tpu.memory_space<hbm>>) dst(%arg11 : memref<1024xi32, #tpu.memory_space<smem>>)
      tpu.yield
    }) : () -> ()
    %scan3A = arith.constant 0 : i32
    %scan3A_2 = arith.constant 0 : i32
    %scan3A_3 = arith.constant 1024 : i32
    %scan3A_4 = arith.addi %scan3A_2, %scan3A_3 : i32
    %scan3A_5 = arith.constant 1 : i32
    scf.for %scan3A_141 = %scan3A_2 to %scan3A_4 step %scan3A_5  : i32 {
      %get3A = arith.index_cast %scan3A_141 : i32 to index
      %get3A_142 = memref.load %arg11[%get3A] : memref<1024xi32, #tpu.memory_space<smem>>
      %dma_start3A_143 = arith.constant 0 : i32
      %dma_start3A_144 = tpu.memref_slice %arg12[%scan3A_141, %dma_start3A_143] : memref<1024x32xf32, #tpu.memory_space<vmem_shared>> -> memref<1x32xf32, #tpu.memory_space<vmem_shared>>
      %dma_start3A_145 = arith.constant 0 : i32
      %dma_start3A_146 = tpu.memref_slice %arg3[%get3A_142, %dma_start3A_145] : memref<100000x32xf32, #tpu.memory_space<hbm>> -> memref<1x32xf32, #tpu.memory_space<hbm>>
      tpu.enqueue_dma source(%dma_start3A_146 : memref<1x32xf32, #tpu.memory_space<hbm>>) target(%dma_start3A_144 : memref<1x32xf32, #tpu.memory_space<vmem_shared>>) target_semaphore(%arg13 : memref<!tpu.dma_semaphore, #tpu.memory_space<semaphore_mem>>)
    }
    %scan3A_6 = arith.constant 1024 : i32
    %scan3A_7 = arith.constant 0 : i32
    %scan3A_8 = arith.constant 0 : i32
    %scan3A_9 = arith.constant 1024 : i32
    %scan3A_10 = arith.addi %scan3A_8, %scan3A_9 : i32
    %scan3A_11 = arith.constant 1 : i32
    scf.for %scan3A_141 = %scan3A_8 to %scan3A_10 step %scan3A_11  : i32 {
      %dma_wait3A_142 = arith.constant 0 : i32
      %dma_wait3A_143 = arith.constant 0 : i32
      %dma_wait3A_144 = tpu.memref_slice %arg12[%dma_wait3A_142, %dma_wait3A_143] : memref<1024x32xf32, #tpu.memory_space<vmem_shared>> -> memref<1x32xf32, #tpu.memory_space<vmem_shared>>
      %dma_wait3A_145 = arith.constant 0 : i32
      %dma_wait3A_146 = arith.constant 0 : i32
      %dma_wait3A_147 = tpu.memref_slice %arg3[%dma_wait3A_145, %dma_wait3A_146] : memref<100000x32xf32, #tpu.memory_space<hbm>> -> memref<1x32xf32, #tpu.memory_space<hbm>>
      tpu.wait_dma2 semaphore(%arg13 : memref<!tpu.dma_semaphore, #tpu.memory_space<semaphore_mem>>) src(%dma_wait3A_147 : memref<1x32xf32, #tpu.memory_space<hbm>>) dst(%dma_wait3A_144 : memref<1x32xf32, #tpu.memory_space<vmem_shared>>)
    }
    %scan3A_12 = arith.constant 1024 : i32
    %dma_start3A = arith.constant 0 : i32
    %dma_start3A_13 = tpu.memref_slice %arg7[%add3A_1, %dma_start3A] : memref<4096x32xf32, #tpu.memory_space<hbm>> -> memref<1024x32xf32, #tpu.memory_space<hbm>>
    tpu.enqueue_dma source(%arg12 : memref<1024x32xf32, #tpu.memory_space<vmem_shared>>) target(%dma_start3A_13 : memref<1024x32xf32, #tpu.memory_space<hbm>>) target_semaphore(%arg14 : memref<!tpu.dma_semaphore, #tpu.memory_space<semaphore_mem>>)
    %dma_wait3A = arith.constant 0 : i32
    %dma_wait3A_14 = tpu.memref_slice %arg7[%add3A_1, %dma_wait3A] : memref<4096x32xf32, #tpu.memory_space<hbm>> -> memref<1024x32xf32, #tpu.memory_space<hbm>>
    tpu.wait_dma2 semaphore(%arg14 : memref<!tpu.dma_semaphore, #tpu.memory_space<semaphore_mem>>) src(%arg12 : memref<1024x32xf32, #tpu.memory_space<vmem_shared>>) dst(%dma_wait3A_14 : memref<1024x32xf32, #tpu.memory_space<hbm>>)
    %add3A_15 = arith.constant 1024 : i32
    %add3A_16 = arith.addi %mul3A_0, %add3A_15 : i32
    "tpu.region"() ({
      %run_scoped3A = tpu.sem_alloc : memref<!tpu.dma_semaphore, #tpu.memory_space<semaphore_mem>>
      %dma_start3A_141 = tpu.memref_slice %arg1[%add3A_16] : memref<4096xi32, #tpu.memory_space<hbm>> -> memref<1024xi32, #tpu.memory_space<hbm>>
      tpu.enqueue_dma source(%dma_start3A_141 : memref<1024xi32, #tpu.memory_space<hbm>>) target(%arg11 : memref<1024xi32, #tpu.memory_space<smem>>) target_semaphore(%run_scoped3A : memref<!tpu.dma_semaphore, #tpu.memory_space<semaphore_mem>>)
      %dma_wait3A_142 = tpu.memref_slice %arg1[%add3A_16] : memref<4096xi32, #tpu.memory_space<hbm>> -> memref<1024xi32, #tpu.memory_space<hbm>>
      tpu.wait_dma2 semaphore(%run_scoped3A : memref<!tpu.dma_semaphore, #tpu.memory_space<semaphore_mem>>) src(%dma_wait3A_142 : memref<1024xi32, #tpu.memory_space<hbm>>) dst(%arg11 : memref<1024xi32, #tpu.memory_space<smem>>)
      tpu.yield
    }) : () -> ()
    %scan3A_17 = arith.constant 0 : i32
    %scan3A_18 = arith.constant 0 : i32
    %scan3A_19 = arith.constant 1024 : i32
    %scan3A_20 = arith.addi %scan3A_18, %scan3A_19 : i32
    %scan3A_21 = arith.constant 1 : i32
    scf.for %scan3A_141 = %scan3A_18 to %scan3A_20 step %scan3A_21  : i32 {
      %get3A = arith.index_cast %scan3A_141 : i32 to index
      %get3A_142 = memref.load %arg11[%get3A] : memref<1024xi32, #tpu.memory_space<smem>>
      %dma_start3A_143 = arith.constant 0 : i32
      %dma_start3A_144 = tpu.memref_slice %arg12[%scan3A_141, %dma_start3A_143] : memref<1024x32xf32, #tpu.memory_space<vmem_shared>> -> memref<1x32xf32, #tpu.memory_space<vmem_shared>>
      %dma_start3A_145 = arith.constant 0 : i32
      %dma_start3A_146 = tpu.memref_slice %arg3[%get3A_142, %dma_start3A_145] : memref<100000x32xf32, #tpu.memory_space<hbm>> -> memref<1x32xf32, #tpu.memory_space<hbm>>
      tpu.enqueue_dma source(%dma_start3A_146 : memref<1x32xf32, #tpu.memory_space<hbm>>) target(%dma_start3A_144 : memref<1x32xf32, #tpu.memory_space<vmem_shared>>) target_semaphore(%arg13 : memref<!tpu.dma_semaphore, #tpu.memory_space<semaphore_mem>>)
    }
    %scan3A_22 = arith.constant 1024 : i32
    %scan3A_23 = arith.constant 0 : i32
    %scan3A_24 = arith.constant 0 : i32
    %scan3A_25 = arith.constant 1024 : i32
    %scan3A_26 = arith.addi %scan3A_24, %scan3A_25 : i32
    %scan3A_27 = arith.constant 1 : i32
    scf.for %scan3A_141 = %scan3A_24 to %scan3A_26 step %scan3A_27  : i32 {
      %dma_wait3A_142 = arith.constant 0 : i32
      %dma_wait3A_143 = arith.constant 0 : i32
      %dma_wait3A_144 = tpu.memref_slice %arg12[%dma_wait3A_142, %dma_wait3A_143] : memref<1024x32xf32, #tpu.memory_space<vmem_shared>> -> memref<1x32xf32, #tpu.memory_space<vmem_shared>>
      %dma_wait3A_145 = arith.constant 0 : i32
      %dma_wait3A_146 = arith.constant 0 : i32
      %dma_wait3A_147 = tpu.memref_slice %arg3[%dma_wait3A_145, %dma_wait3A_146] : memref<100000x32xf32, #tpu.memory_space<hbm>> -> memref<1x32xf32, #tpu.memory_space<hbm>>
      tpu.wait_dma2 semaphore(%arg13 : memref<!tpu.dma_semaphore, #tpu.memory_space<semaphore_mem>>) src(%dma_wait3A_147 : memref<1x32xf32, #tpu.memory_space<hbm>>) dst(%dma_wait3A_144 : memref<1x32xf32, #tpu.memory_space<vmem_shared>>)
    }
    %scan3A_28 = arith.constant 1024 : i32
    %dma_start3A_29 = arith.constant 0 : i32
    %dma_start3A_30 = tpu.memref_slice %arg7[%add3A_16, %dma_start3A_29] : memref<4096x32xf32, #tpu.memory_space<hbm>> -> memref<1024x32xf32, #tpu.memory_space<hbm>>
    tpu.enqueue_dma source(%arg12 : memref<1024x32xf32, #tpu.memory_space<vmem_shared>>) target(%dma_start3A_30 : memref<1024x32xf32, #tpu.memory_space<hbm>>) target_semaphore(%arg14 : memref<!tpu.dma_semaphore, #tpu.memory_space<semaphore_mem>>)
    %dma_wait3A_31 = arith.constant 0 : i32
    %dma_wait3A_32 = tpu.memref_slice %arg7[%add3A_16, %dma_wait3A_31] : memref<4096x32xf32, #tpu.memory_space<hbm>> -> memref<1024x32xf32, #tpu.memory_space<hbm>>
    tpu.wait_dma2 semaphore(%arg14 : memref<!tpu.dma_semaphore, #tpu.memory_space<semaphore_mem>>) src(%arg12 : memref<1024x32xf32, #tpu.memory_space<vmem_shared>>) dst(%dma_wait3A_32 : memref<1024x32xf32, #tpu.memory_space<hbm>>)
    %add3A_33 = arith.constant 0 : i32
    %add3A_34 = arith.addi %mul3A_0, %add3A_33 : i32
    "tpu.region"() ({
      %run_scoped3A = tpu.sem_alloc : memref<!tpu.dma_semaphore, #tpu.memory_space<semaphore_mem>>
      %dma_start3A_141 = tpu.memref_slice %arg1[%add3A_34] : memref<4096xi32, #tpu.memory_space<hbm>> -> memref<1024xi32, #tpu.memory_space<hbm>>
      tpu.enqueue_dma source(%dma_start3A_141 : memref<1024xi32, #tpu.memory_space<hbm>>) target(%arg11 : memref<1024xi32, #tpu.memory_space<smem>>) target_semaphore(%run_scoped3A : memref<!tpu.dma_semaphore, #tpu.memory_space<semaphore_mem>>)
      %dma_wait3A_142 = tpu.memref_slice %arg1[%add3A_34] : memref<4096xi32, #tpu.memory_space<hbm>> -> memref<1024xi32, #tpu.memory_space<hbm>>
      tpu.wait_dma2 semaphore(%run_scoped3A : memref<!tpu.dma_semaphore, #tpu.memory_space<semaphore_mem>>) src(%dma_wait3A_142 : memref<1024xi32, #tpu.memory_space<hbm>>) dst(%arg11 : memref<1024xi32, #tpu.memory_space<smem>>)
      tpu.yield
    }) : () -> ()
    %scan3A_35 = arith.constant 0 : i32
    %scan3A_36 = arith.constant 0 : i32
    %scan3A_37 = arith.constant 1024 : i32
    %scan3A_38 = arith.addi %scan3A_36, %scan3A_37 : i32
    %scan3A_39 = arith.constant 1 : i32
    scf.for %scan3A_141 = %scan3A_36 to %scan3A_38 step %scan3A_39  : i32 {
      %get3A = arith.index_cast %scan3A_141 : i32 to index
      %get3A_142 = memref.load %arg11[%get3A] : memref<1024xi32, #tpu.memory_space<smem>>
      %dma_start3A_143 = arith.constant 0 : i32
      %dma_start3A_144 = tpu.memref_slice %arg12[%scan3A_141, %dma_start3A_143] : memref<1024x32xf32, #tpu.memory_space<vmem_shared>> -> memref<1x32xf32, #tpu.memory_space<vmem_shared>>
      %dma_start3A_145 = arith.constant 0 : i32
      %dma_start3A_146 = tpu.memref_slice %arg5[%get3A_142, %dma_start3A_145] : memref<100000x32xf32, #tpu.memory_space<hbm>> -> memref<1x32xf32, #tpu.memory_space<hbm>>
      tpu.enqueue_dma source(%dma_start3A_146 : memref<1x32xf32, #tpu.memory_space<hbm>>) target(%dma_start3A_144 : memref<1x32xf32, #tpu.memory_space<vmem_shared>>) target_semaphore(%arg13 : memref<!tpu.dma_semaphore, #tpu.memory_space<semaphore_mem>>)
    }
    %scan3A_40 = arith.constant 1024 : i32
    %scan3A_41 = arith.constant 0 : i32
    %scan3A_42 = arith.constant 0 : i32
    %scan3A_43 = arith.constant 1024 : i32
    %scan3A_44 = arith.addi %scan3A_42, %scan3A_43 : i32
    %scan3A_45 = arith.constant 1 : i32
    scf.for %scan3A_141 = %scan3A_42 to %scan3A_44 step %scan3A_45  : i32 {
      %dma_wait3A_142 = arith.constant 0 : i32
      %dma_wait3A_143 = arith.constant 0 : i32
      %dma_wait3A_144 = tpu.memref_slice %arg12[%dma_wait3A_142, %dma_wait3A_143] : memref<1024x32xf32, #tpu.memory_space<vmem_shared>> -> memref<1x32xf32, #tpu.memory_space<vmem_shared>>
      %dma_wait3A_145 = arith.constant 0 : i32
      %dma_wait3A_146 = arith.constant 0 : i32
      %dma_wait3A_147 = tpu.memref_slice %arg5[%dma_wait3A_145, %dma_wait3A_146] : memref<100000x32xf32, #tpu.memory_space<hbm>> -> memref<1x32xf32, #tpu.memory_space<hbm>>
      tpu.wait_dma2 semaphore(%arg13 : memref<!tpu.dma_semaphore, #tpu.memory_space<semaphore_mem>>) src(%dma_wait3A_147 : memref<1x32xf32, #tpu.memory_space<hbm>>) dst(%dma_wait3A_144 : memref<1x32xf32, #tpu.memory_space<vmem_shared>>)
    }
    %scan3A_46 = arith.constant 1024 : i32
    %dma_start3A_47 = arith.constant 0 : i32
    %dma_start3A_48 = tpu.memref_slice %arg9[%add3A_34, %dma_start3A_47] : memref<4096x32xf32, #tpu.memory_space<hbm>> -> memref<1024x32xf32, #tpu.memory_space<hbm>>
    tpu.enqueue_dma source(%arg12 : memref<1024x32xf32, #tpu.memory_space<vmem_shared>>) target(%dma_start3A_48 : memref<1024x32xf32, #tpu.memory_space<hbm>>) target_semaphore(%arg14 : memref<!tpu.dma_semaphore, #tpu.memory_space<semaphore_mem>>)
    %dma_wait3A_49 = arith.constant 0 : i32
    %dma_wait3A_50 = tpu.memref_slice %arg9[%add3A_34, %dma_wait3A_49] : memref<4096x32xf32, #tpu.memory_space<hbm>> -> memref<1024x32xf32, #tpu.memory_space<hbm>>
    tpu.wait_dma2 semaphore(%arg14 : memref<!tpu.dma_semaphore, #tpu.memory_space<semaphore_mem>>) src(%arg12 : memref<1024x32xf32, #tpu.memory_space<vmem_shared>>) dst(%dma_wait3A_50 : memref<1024x32xf32, #tpu.memory_space<hbm>>)
    %add3A_51 = arith.constant 1024 : i32
    %add3A_52 = arith.addi %mul3A_0, %add3A_51 : i32
    "tpu.region"() ({
      %run_scoped3A = tpu.sem_alloc : memref<!tpu.dma_semaphore, #tpu.memory_space<semaphore_mem>>
      %dma_start3A_141 = tpu.memref_slice %arg1[%add3A_52] : memref<4096xi32, #tpu.memory_space<hbm>> -> memref<1024xi32, #tpu.memory_space<hbm>>
      tpu.enqueue_dma source(%dma_start3A_141 : memref<1024xi32, #tpu.memory_space<hbm>>) target(%arg11 : memref<1024xi32, #tpu.memory_space<smem>>) target_semaphore(%run_scoped3A : memref<!tpu.dma_semaphore, #tpu.memory_space<semaphore_mem>>)
      %dma_wait3A_142 = tpu.memref_slice %arg1[%add3A_52] : memref<4096xi32, #tpu.memory_space<hbm>> -> memref<1024xi32, #tpu.memory_space<hbm>>
      tpu.wait_dma2 semaphore(%run_scoped3A : memref<!tpu.dma_semaphore, #tpu.memory_space<semaphore_mem>>) src(%dma_wait3A_142 : memref<1024xi32, #tpu.memory_space<hbm>>) dst(%arg11 : memref<1024xi32, #tpu.memory_space<smem>>)
      tpu.yield
    }) : () -> ()
    %scan3A_53 = arith.constant 0 : i32
    %scan3A_54 = arith.constant 0 : i32
    %scan3A_55 = arith.constant 1024 : i32
    %scan3A_56 = arith.addi %scan3A_54, %scan3A_55 : i32
    %scan3A_57 = arith.constant 1 : i32
    scf.for %scan3A_141 = %scan3A_54 to %scan3A_56 step %scan3A_57  : i32 {
      %get3A = arith.index_cast %scan3A_141 : i32 to index
      %get3A_142 = memref.load %arg11[%get3A] : memref<1024xi32, #tpu.memory_space<smem>>
      %dma_start3A_143 = arith.constant 0 : i32
      %dma_start3A_144 = tpu.memref_slice %arg12[%scan3A_141, %dma_start3A_143] : memref<1024x32xf32, #tpu.memory_space<vmem_shared>> -> memref<1x32xf32, #tpu.memory_space<vmem_shared>>
      %dma_start3A_145 = arith.constant 0 : i32
      %dma_start3A_146 = tpu.memref_slice %arg5[%get3A_142, %dma_start3A_145] : memref<100000x32xf32, #tpu.memory_space<hbm>> -> memref<1x32xf32, #tpu.memory_space<hbm>>
      tpu.enqueue_dma source(%dma_start3A_146 : memref<1x32xf32, #tpu.memory_space<hbm>>) target(%dma_start3A_144 : memref<1x32xf32, #tpu.memory_space<vmem_shared>>) target_semaphore(%arg13 : memref<!tpu.dma_semaphore, #tpu.memory_space<semaphore_mem>>)
    }
    %scan3A_58 = arith.constant 1024 : i32
    %scan3A_59 = arith.constant 0 : i32
    %scan3A_60 = arith.constant 0 : i32
    %scan3A_61 = arith.constant 1024 : i32
    %scan3A_62 = arith.addi %scan3A_60, %scan3A_61 : i32
    %scan3A_63 = arith.constant 1 : i32
    scf.for %scan3A_141 = %scan3A_60 to %scan3A_62 step %scan3A_63  : i32 {
      %dma_wait3A_142 = arith.constant 0 : i32
      %dma_wait3A_143 = arith.constant 0 : i32
      %dma_wait3A_144 = tpu.memref_slice %arg12[%dma_wait3A_142, %dma_wait3A_143] : memref<1024x32xf32, #tpu.memory_space<vmem_shared>> -> memref<1x32xf32, #tpu.memory_space<vmem_shared>>
      %dma_wait3A_145 = arith.constant 0 : i32
      %dma_wait3A_146 = arith.constant 0 : i32
      %dma_wait3A_147 = tpu.memref_slice %arg5[%dma_wait3A_145, %dma_wait3A_146] : memref<100000x32xf32, #tpu.memory_space<hbm>> -> memref<1x32xf32, #tpu.memory_space<hbm>>
      tpu.wait_dma2 semaphore(%arg13 : memref<!tpu.dma_semaphore, #tpu.memory_space<semaphore_mem>>) src(%dma_wait3A_147 : memref<1x32xf32, #tpu.memory_space<hbm>>) dst(%dma_wait3A_144 : memref<1x32xf32, #tpu.memory_space<vmem_shared>>)
    }
    %scan3A_64 = arith.constant 1024 : i32
    %dma_start3A_65 = arith.constant 0 : i32
    %dma_start3A_66 = tpu.memref_slice %arg9[%add3A_52, %dma_start3A_65] : memref<4096x32xf32, #tpu.memory_space<hbm>> -> memref<1024x32xf32, #tpu.memory_space<hbm>>
    tpu.enqueue_dma source(%arg12 : memref<1024x32xf32, #tpu.memory_space<vmem_shared>>) target(%dma_start3A_66 : memref<1024x32xf32, #tpu.memory_space<hbm>>) target_semaphore(%arg14 : memref<!tpu.dma_semaphore, #tpu.memory_space<semaphore_mem>>)
    %dma_wait3A_67 = arith.constant 0 : i32
    %dma_wait3A_68 = tpu.memref_slice %arg9[%add3A_52, %dma_wait3A_67] : memref<4096x32xf32, #tpu.memory_space<hbm>> -> memref<1024x32xf32, #tpu.memory_space<hbm>>
    tpu.wait_dma2 semaphore(%arg14 : memref<!tpu.dma_semaphore, #tpu.memory_space<semaphore_mem>>) src(%arg12 : memref<1024x32xf32, #tpu.memory_space<vmem_shared>>) dst(%dma_wait3A_68 : memref<1024x32xf32, #tpu.memory_space<hbm>>)
    %add3A_69 = arith.constant 0 : i32
    %add3A_70 = arith.addi %mul3A_0, %add3A_69 : i32
    "tpu.region"() ({
      %run_scoped3A = tpu.sem_alloc : memref<!tpu.dma_semaphore, #tpu.memory_space<semaphore_mem>>
      %dma_start3A_141 = tpu.memref_slice %arg2[%add3A_70] : memref<4096xi32, #tpu.memory_space<hbm>> -> memref<1024xi32, #tpu.memory_space<hbm>>
      tpu.enqueue_dma source(%dma_start3A_141 : memref<1024xi32, #tpu.memory_space<hbm>>) target(%arg11 : memref<1024xi32, #tpu.memory_space<smem>>) target_semaphore(%run_scoped3A : memref<!tpu.dma_semaphore, #tpu.memory_space<semaphore_mem>>)
      %dma_wait3A_142 = tpu.memref_slice %arg2[%add3A_70] : memref<4096xi32, #tpu.memory_space<hbm>> -> memref<1024xi32, #tpu.memory_space<hbm>>
      tpu.wait_dma2 semaphore(%run_scoped3A : memref<!tpu.dma_semaphore, #tpu.memory_space<semaphore_mem>>) src(%dma_wait3A_142 : memref<1024xi32, #tpu.memory_space<hbm>>) dst(%arg11 : memref<1024xi32, #tpu.memory_space<smem>>)
      tpu.yield
    }) : () -> ()
    %scan3A_71 = arith.constant 0 : i32
    %scan3A_72 = arith.constant 0 : i32
    %scan3A_73 = arith.constant 1024 : i32
    %scan3A_74 = arith.addi %scan3A_72, %scan3A_73 : i32
    %scan3A_75 = arith.constant 1 : i32
    scf.for %scan3A_141 = %scan3A_72 to %scan3A_74 step %scan3A_75  : i32 {
      %get3A = arith.index_cast %scan3A_141 : i32 to index
      %get3A_142 = memref.load %arg11[%get3A] : memref<1024xi32, #tpu.memory_space<smem>>
      %dma_start3A_143 = arith.constant 0 : i32
      %dma_start3A_144 = tpu.memref_slice %arg12[%scan3A_141, %dma_start3A_143] : memref<1024x32xf32, #tpu.memory_space<vmem_shared>> -> memref<1x32xf32, #tpu.memory_space<vmem_shared>>
      %dma_start3A_145 = arith.constant 0 : i32
      %dma_start3A_146 = tpu.memref_slice %arg4[%get3A_142, %dma_start3A_145] : memref<1000000x32xf32, #tpu.memory_space<hbm>> -> memref<1x32xf32, #tpu.memory_space<hbm>>
      tpu.enqueue_dma source(%dma_start3A_146 : memref<1x32xf32, #tpu.memory_space<hbm>>) target(%dma_start3A_144 : memref<1x32xf32, #tpu.memory_space<vmem_shared>>) target_semaphore(%arg13 : memref<!tpu.dma_semaphore, #tpu.memory_space<semaphore_mem>>)
    }
    %scan3A_76 = arith.constant 1024 : i32
    %scan3A_77 = arith.constant 0 : i32
    %scan3A_78 = arith.constant 0 : i32
    %scan3A_79 = arith.constant 1024 : i32
    %scan3A_80 = arith.addi %scan3A_78, %scan3A_79 : i32
    %scan3A_81 = arith.constant 1 : i32
    scf.for %scan3A_141 = %scan3A_78 to %scan3A_80 step %scan3A_81  : i32 {
      %dma_wait3A_142 = arith.constant 0 : i32
      %dma_wait3A_143 = arith.constant 0 : i32
      %dma_wait3A_144 = tpu.memref_slice %arg12[%dma_wait3A_142, %dma_wait3A_143] : memref<1024x32xf32, #tpu.memory_space<vmem_shared>> -> memref<1x32xf32, #tpu.memory_space<vmem_shared>>
      %dma_wait3A_145 = arith.constant 0 : i32
      %dma_wait3A_146 = arith.constant 0 : i32
      %dma_wait3A_147 = tpu.memref_slice %arg4[%dma_wait3A_145, %dma_wait3A_146] : memref<1000000x32xf32, #tpu.memory_space<hbm>> -> memref<1x32xf32, #tpu.memory_space<hbm>>
      tpu.wait_dma2 semaphore(%arg13 : memref<!tpu.dma_semaphore, #tpu.memory_space<semaphore_mem>>) src(%dma_wait3A_147 : memref<1x32xf32, #tpu.memory_space<hbm>>) dst(%dma_wait3A_144 : memref<1x32xf32, #tpu.memory_space<vmem_shared>>)
    }
    %scan3A_82 = arith.constant 1024 : i32
    %dma_start3A_83 = arith.constant 0 : i32
    %dma_start3A_84 = tpu.memref_slice %arg8[%add3A_70, %dma_start3A_83] : memref<4096x32xf32, #tpu.memory_space<hbm>> -> memref<1024x32xf32, #tpu.memory_space<hbm>>
    tpu.enqueue_dma source(%arg12 : memref<1024x32xf32, #tpu.memory_space<vmem_shared>>) target(%dma_start3A_84 : memref<1024x32xf32, #tpu.memory_space<hbm>>) target_semaphore(%arg14 : memref<!tpu.dma_semaphore, #tpu.memory_space<semaphore_mem>>)
    %dma_wait3A_85 = arith.constant 0 : i32
    %dma_wait3A_86 = tpu.memref_slice %arg8[%add3A_70, %dma_wait3A_85] : memref<4096x32xf32, #tpu.memory_space<hbm>> -> memref<1024x32xf32, #tpu.memory_space<hbm>>
    tpu.wait_dma2 semaphore(%arg14 : memref<!tpu.dma_semaphore, #tpu.memory_space<semaphore_mem>>) src(%arg12 : memref<1024x32xf32, #tpu.memory_space<vmem_shared>>) dst(%dma_wait3A_86 : memref<1024x32xf32, #tpu.memory_space<hbm>>)
    %add3A_87 = arith.constant 1024 : i32
    %add3A_88 = arith.addi %mul3A_0, %add3A_87 : i32
    "tpu.region"() ({
      %run_scoped3A = tpu.sem_alloc : memref<!tpu.dma_semaphore, #tpu.memory_space<semaphore_mem>>
      %dma_start3A_141 = tpu.memref_slice %arg2[%add3A_88] : memref<4096xi32, #tpu.memory_space<hbm>> -> memref<1024xi32, #tpu.memory_space<hbm>>
      tpu.enqueue_dma source(%dma_start3A_141 : memref<1024xi32, #tpu.memory_space<hbm>>) target(%arg11 : memref<1024xi32, #tpu.memory_space<smem>>) target_semaphore(%run_scoped3A : memref<!tpu.dma_semaphore, #tpu.memory_space<semaphore_mem>>)
      %dma_wait3A_142 = tpu.memref_slice %arg2[%add3A_88] : memref<4096xi32, #tpu.memory_space<hbm>> -> memref<1024xi32, #tpu.memory_space<hbm>>
      tpu.wait_dma2 semaphore(%run_scoped3A : memref<!tpu.dma_semaphore, #tpu.memory_space<semaphore_mem>>) src(%dma_wait3A_142 : memref<1024xi32, #tpu.memory_space<hbm>>) dst(%arg11 : memref<1024xi32, #tpu.memory_space<smem>>)
      tpu.yield
    }) : () -> ()
    %scan3A_89 = arith.constant 0 : i32
    %scan3A_90 = arith.constant 0 : i32
    %scan3A_91 = arith.constant 1024 : i32
    %scan3A_92 = arith.addi %scan3A_90, %scan3A_91 : i32
    %scan3A_93 = arith.constant 1 : i32
    scf.for %scan3A_141 = %scan3A_90 to %scan3A_92 step %scan3A_93  : i32 {
      %get3A = arith.index_cast %scan3A_141 : i32 to index
      %get3A_142 = memref.load %arg11[%get3A] : memref<1024xi32, #tpu.memory_space<smem>>
      %dma_start3A_143 = arith.constant 0 : i32
      %dma_start3A_144 = tpu.memref_slice %arg12[%scan3A_141, %dma_start3A_143] : memref<1024x32xf32, #tpu.memory_space<vmem_shared>> -> memref<1x32xf32, #tpu.memory_space<vmem_shared>>
      %dma_start3A_145 = arith.constant 0 : i32
      %dma_start3A_146 = tpu.memref_slice %arg4[%get3A_142, %dma_start3A_145] : memref<1000000x32xf32, #tpu.memory_space<hbm>> -> memref<1x32xf32, #tpu.memory_space<hbm>>
      tpu.enqueue_dma source(%dma_start3A_146 : memref<1x32xf32, #tpu.memory_space<hbm>>) target(%dma_start3A_144 : memref<1x32xf32, #tpu.memory_space<vmem_shared>>) target_semaphore(%arg13 : memref<!tpu.dma_semaphore, #tpu.memory_space<semaphore_mem>>)
    }
    %scan3A_94 = arith.constant 1024 : i32
    %scan3A_95 = arith.constant 0 : i32
    %scan3A_96 = arith.constant 0 : i32
    %scan3A_97 = arith.constant 1024 : i32
    %scan3A_98 = arith.addi %scan3A_96, %scan3A_97 : i32
    %scan3A_99 = arith.constant 1 : i32
    scf.for %scan3A_141 = %scan3A_96 to %scan3A_98 step %scan3A_99  : i32 {
      %dma_wait3A_142 = arith.constant 0 : i32
      %dma_wait3A_143 = arith.constant 0 : i32
      %dma_wait3A_144 = tpu.memref_slice %arg12[%dma_wait3A_142, %dma_wait3A_143] : memref<1024x32xf32, #tpu.memory_space<vmem_shared>> -> memref<1x32xf32, #tpu.memory_space<vmem_shared>>
      %dma_wait3A_145 = arith.constant 0 : i32
      %dma_wait3A_146 = arith.constant 0 : i32
      %dma_wait3A_147 = tpu.memref_slice %arg4[%dma_wait3A_145, %dma_wait3A_146] : memref<1000000x32xf32, #tpu.memory_space<hbm>> -> memref<1x32xf32, #tpu.memory_space<hbm>>
      tpu.wait_dma2 semaphore(%arg13 : memref<!tpu.dma_semaphore, #tpu.memory_space<semaphore_mem>>) src(%dma_wait3A_147 : memref<1x32xf32, #tpu.memory_space<hbm>>) dst(%dma_wait3A_144 : memref<1x32xf32, #tpu.memory_space<vmem_shared>>)
    }
    %scan3A_100 = arith.constant 1024 : i32
    %dma_start3A_101 = arith.constant 0 : i32
    %dma_start3A_102 = tpu.memref_slice %arg8[%add3A_88, %dma_start3A_101] : memref<4096x32xf32, #tpu.memory_space<hbm>> -> memref<1024x32xf32, #tpu.memory_space<hbm>>
    tpu.enqueue_dma source(%arg12 : memref<1024x32xf32, #tpu.memory_space<vmem_shared>>) target(%dma_start3A_102 : memref<1024x32xf32, #tpu.memory_space<hbm>>) target_semaphore(%arg14 : memref<!tpu.dma_semaphore, #tpu.memory_space<semaphore_mem>>)
    %dma_wait3A_103 = arith.constant 0 : i32
    %dma_wait3A_104 = tpu.memref_slice %arg8[%add3A_88, %dma_wait3A_103] : memref<4096x32xf32, #tpu.memory_space<hbm>> -> memref<1024x32xf32, #tpu.memory_space<hbm>>
    tpu.wait_dma2 semaphore(%arg14 : memref<!tpu.dma_semaphore, #tpu.memory_space<semaphore_mem>>) src(%arg12 : memref<1024x32xf32, #tpu.memory_space<vmem_shared>>) dst(%dma_wait3A_104 : memref<1024x32xf32, #tpu.memory_space<hbm>>)
    %add3A_105 = arith.constant 0 : i32
    %add3A_106 = arith.addi %mul3A_0, %add3A_105 : i32
    "tpu.region"() ({
      %run_scoped3A = tpu.sem_alloc : memref<!tpu.dma_semaphore, #tpu.memory_space<semaphore_mem>>
      %dma_start3A_141 = tpu.memref_slice %arg2[%add3A_106] : memref<4096xi32, #tpu.memory_space<hbm>> -> memref<1024xi32, #tpu.memory_space<hbm>>
      tpu.enqueue_dma source(%dma_start3A_141 : memref<1024xi32, #tpu.memory_space<hbm>>) target(%arg11 : memref<1024xi32, #tpu.memory_space<smem>>) target_semaphore(%run_scoped3A : memref<!tpu.dma_semaphore, #tpu.memory_space<semaphore_mem>>)
      %dma_wait3A_142 = tpu.memref_slice %arg2[%add3A_106] : memref<4096xi32, #tpu.memory_space<hbm>> -> memref<1024xi32, #tpu.memory_space<hbm>>
      tpu.wait_dma2 semaphore(%run_scoped3A : memref<!tpu.dma_semaphore, #tpu.memory_space<semaphore_mem>>) src(%dma_wait3A_142 : memref<1024xi32, #tpu.memory_space<hbm>>) dst(%arg11 : memref<1024xi32, #tpu.memory_space<smem>>)
      tpu.yield
    }) : () -> ()
    %scan3A_107 = arith.constant 0 : i32
    %scan3A_108 = arith.constant 0 : i32
    %scan3A_109 = arith.constant 1024 : i32
    %scan3A_110 = arith.addi %scan3A_108, %scan3A_109 : i32
    %scan3A_111 = arith.constant 1 : i32
    scf.for %scan3A_141 = %scan3A_108 to %scan3A_110 step %scan3A_111  : i32 {
      %get3A = arith.index_cast %scan3A_141 : i32 to index
      %get3A_142 = memref.load %arg11[%get3A] : memref<1024xi32, #tpu.memory_space<smem>>
      %dma_start3A_143 = arith.constant 0 : i32
      %dma_start3A_144 = tpu.memref_slice %arg12[%scan3A_141, %dma_start3A_143] : memref<1024x32xf32, #tpu.memory_space<vmem_shared>> -> memref<1x32xf32, #tpu.memory_space<vmem_shared>>
      %dma_start3A_145 = arith.constant 0 : i32
      %dma_start3A_146 = tpu.memref_slice %arg6[%get3A_142, %dma_start3A_145] : memref<1000000x32xf32, #tpu.memory_space<hbm>> -> memref<1x32xf32, #tpu.memory_space<hbm>>
      tpu.enqueue_dma source(%dma_start3A_146 : memref<1x32xf32, #tpu.memory_space<hbm>>) target(%dma_start3A_144 : memref<1x32xf32, #tpu.memory_space<vmem_shared>>) target_semaphore(%arg13 : memref<!tpu.dma_semaphore, #tpu.memory_space<semaphore_mem>>)
    }
    %scan3A_112 = arith.constant 1024 : i32
    %scan3A_113 = arith.constant 0 : i32
    %scan3A_114 = arith.constant 0 : i32
    %scan3A_115 = arith.constant 1024 : i32
    %scan3A_116 = arith.addi %scan3A_114, %scan3A_115 : i32
    %scan3A_117 = arith.constant 1 : i32
    scf.for %scan3A_141 = %scan3A_114 to %scan3A_116 step %scan3A_117  : i32 {
      %dma_wait3A_142 = arith.constant 0 : i32
      %dma_wait3A_143 = arith.constant 0 : i32
      %dma_wait3A_144 = tpu.memref_slice %arg12[%dma_wait3A_142, %dma_wait3A_143] : memref<1024x32xf32, #tpu.memory_space<vmem_shared>> -> memref<1x32xf32, #tpu.memory_space<vmem_shared>>
      %dma_wait3A_145 = arith.constant 0 : i32
      %dma_wait3A_146 = arith.constant 0 : i32
      %dma_wait3A_147 = tpu.memref_slice %arg6[%dma_wait3A_145, %dma_wait3A_146] : memref<1000000x32xf32, #tpu.memory_space<hbm>> -> memref<1x32xf32, #tpu.memory_space<hbm>>
      tpu.wait_dma2 semaphore(%arg13 : memref<!tpu.dma_semaphore, #tpu.memory_space<semaphore_mem>>) src(%dma_wait3A_147 : memref<1x32xf32, #tpu.memory_space<hbm>>) dst(%dma_wait3A_144 : memref<1x32xf32, #tpu.memory_space<vmem_shared>>)
    }
    %scan3A_118 = arith.constant 1024 : i32
    %dma_start3A_119 = arith.constant 0 : i32
    %dma_start3A_120 = tpu.memref_slice %arg10[%add3A_106, %dma_start3A_119] : memref<4096x32xf32, #tpu.memory_space<hbm>> -> memref<1024x32xf32, #tpu.memory_space<hbm>>
    tpu.enqueue_dma source(%arg12 : memref<1024x32xf32, #tpu.memory_space<vmem_shared>>) target(%dma_start3A_120 : memref<1024x32xf32, #tpu.memory_space<hbm>>) target_semaphore(%arg14 : memref<!tpu.dma_semaphore, #tpu.memory_space<semaphore_mem>>)
    %dma_wait3A_121 = arith.constant 0 : i32
    %dma_wait3A_122 = tpu.memref_slice %arg10[%add3A_106, %dma_wait3A_121] : memref<4096x32xf32, #tpu.memory_space<hbm>> -> memref<1024x32xf32, #tpu.memory_space<hbm>>
    tpu.wait_dma2 semaphore(%arg14 : memref<!tpu.dma_semaphore, #tpu.memory_space<semaphore_mem>>) src(%arg12 : memref<1024x32xf32, #tpu.memory_space<vmem_shared>>) dst(%dma_wait3A_122 : memref<1024x32xf32, #tpu.memory_space<hbm>>)
    %add3A_123 = arith.constant 1024 : i32
    %add3A_124 = arith.addi %mul3A_0, %add3A_123 : i32
    "tpu.region"() ({
      %run_scoped3A = tpu.sem_alloc : memref<!tpu.dma_semaphore, #tpu.memory_space<semaphore_mem>>
      %dma_start3A_141 = tpu.memref_slice %arg2[%add3A_124] : memref<4096xi32, #tpu.memory_space<hbm>> -> memref<1024xi32, #tpu.memory_space<hbm>>
      tpu.enqueue_dma source(%dma_start3A_141 : memref<1024xi32, #tpu.memory_space<hbm>>) target(%arg11 : memref<1024xi32, #tpu.memory_space<smem>>) target_semaphore(%run_scoped3A : memref<!tpu.dma_semaphore, #tpu.memory_space<semaphore_mem>>)
      %dma_wait3A_142 = tpu.memref_slice %arg2[%add3A_124] : memref<4096xi32, #tpu.memory_space<hbm>> -> memref<1024xi32, #tpu.memory_space<hbm>>
      tpu.wait_dma2 semaphore(%run_scoped3A : memref<!tpu.dma_semaphore, #tpu.memory_space<semaphore_mem>>) src(%dma_wait3A_142 : memref<1024xi32, #tpu.memory_space<hbm>>) dst(%arg11 : memref<1024xi32, #tpu.memory_space<smem>>)
      tpu.yield
    }) : () -> ()
    %scan3A_125 = arith.constant 0 : i32
    %scan3A_126 = arith.constant 0 : i32
    %scan3A_127 = arith.constant 1024 : i32
    %scan3A_128 = arith.addi %scan3A_126, %scan3A_127 : i32
    %scan3A_129 = arith.constant 1 : i32
    scf.for %scan3A_141 = %scan3A_126 to %scan3A_128 step %scan3A_129  : i32 {
      %get3A = arith.index_cast %scan3A_141 : i32 to index
      %get3A_142 = memref.load %arg11[%get3A] : memref<1024xi32, #tpu.memory_space<smem>>
      %dma_start3A_143 = arith.constant 0 : i32
      %dma_start3A_144 = tpu.memref_slice %arg12[%scan3A_141, %dma_start3A_143] : memref<1024x32xf32, #tpu.memory_space<vmem_shared>> -> memref<1x32xf32, #tpu.memory_space<vmem_shared>>
      %dma_start3A_145 = arith.constant 0 : i32
      %dma_start3A_146 = tpu.memref_slice %arg6[%get3A_142, %dma_start3A_145] : memref<1000000x32xf32, #tpu.memory_space<hbm>> -> memref<1x32xf32, #tpu.memory_space<hbm>>
      tpu.enqueue_dma source(%dma_start3A_146 : memref<1x32xf32, #tpu.memory_space<hbm>>) target(%dma_start3A_144 : memref<1x32xf32, #tpu.memory_space<vmem_shared>>) target_semaphore(%arg13 : memref<!tpu.dma_semaphore, #tpu.memory_space<semaphore_mem>>)
    }
    %scan3A_130 = arith.constant 1024 : i32
    %scan3A_131 = arith.constant 0 : i32
    %scan3A_132 = arith.constant 0 : i32
    %scan3A_133 = arith.constant 1024 : i32
    %scan3A_134 = arith.addi %scan3A_132, %scan3A_133 : i32
    %scan3A_135 = arith.constant 1 : i32
    scf.for %scan3A_141 = %scan3A_132 to %scan3A_134 step %scan3A_135  : i32 {
      %dma_wait3A_142 = arith.constant 0 : i32
      %dma_wait3A_143 = arith.constant 0 : i32
      %dma_wait3A_144 = tpu.memref_slice %arg12[%dma_wait3A_142, %dma_wait3A_143] : memref<1024x32xf32, #tpu.memory_space<vmem_shared>> -> memref<1x32xf32, #tpu.memory_space<vmem_shared>>
      %dma_wait3A_145 = arith.constant 0 : i32
      %dma_wait3A_146 = arith.constant 0 : i32
      %dma_wait3A_147 = tpu.memref_slice %arg6[%dma_wait3A_145, %dma_wait3A_146] : memref<1000000x32xf32, #tpu.memory_space<hbm>> -> memref<1x32xf32, #tpu.memory_space<hbm>>
      tpu.wait_dma2 semaphore(%arg13 : memref<!tpu.dma_semaphore, #tpu.memory_space<semaphore_mem>>) src(%dma_wait3A_147 : memref<1x32xf32, #tpu.memory_space<hbm>>) dst(%dma_wait3A_144 : memref<1x32xf32, #tpu.memory_space<vmem_shared>>)
    }
    %scan3A_136 = arith.constant 1024 : i32
    %dma_start3A_137 = arith.constant 0 : i32
    %dma_start3A_138 = tpu.memref_slice %arg10[%add3A_124, %dma_start3A_137] : memref<4096x32xf32, #tpu.memory_space<hbm>> -> memref<1024x32xf32, #tpu.memory_space<hbm>>
    tpu.enqueue_dma source(%arg12 : memref<1024x32xf32, #tpu.memory_space<vmem_shared>>) target(%dma_start3A_138 : memref<1024x32xf32, #tpu.memory_space<hbm>>) target_semaphore(%arg14 : memref<!tpu.dma_semaphore, #tpu.memory_space<semaphore_mem>>)
    %dma_wait3A_139 = arith.constant 0 : i32
    %dma_wait3A_140 = tpu.memref_slice %arg10[%add3A_124, %dma_wait3A_139] : memref<4096x32xf32, #tpu.memory_space<hbm>> -> memref<1024x32xf32, #tpu.memory_space<hbm>>
    tpu.wait_dma2 semaphore(%arg14 : memref<!tpu.dma_semaphore, #tpu.memory_space<semaphore_mem>>) src(%arg12 : memref<1024x32xf32, #tpu.memory_space<vmem_shared>>) dst(%dma_wait3A_140 : memref<1024x32xf32, #tpu.memory_space<hbm>>)
    return
  }
}

#map = affine_map<(d0, d1) -> (0, 0)>
module attributes {stable_mosaic.version = 14 : i64} {
  func.func @_doc_body(%arg0: i32, %arg1: i32, %arg2: memref<4096x200xi32, #tpu.memory_space<hbm>>, %arg3: memref<4096x200xi32, #tpu.memory_space<hbm>>, %arg4: memref<100000x64xf32, #tpu.memory_space<hbm>>, %arg5: memref<4096x64xf32, #tpu.memory_space<hbm>>, %arg6: memref<4096x64xf32, #tpu.memory_space<hbm>>, %arg7: memref<128x200xi32, #tpu.memory_space<vmem>>, %arg8: memref<2x200x64xf32, #tpu.memory_space<vmem>>, %arg9: memref<128x64xf32, #tpu.memory_space<vmem>>, %arg10: memref<!tpu.dma_semaphore, #tpu.memory_space<semaphore_mem>>, %arg11: memref<!tpu.dma_semaphore, #tpu.memory_space<semaphore_mem>>) attributes {dimension_semantics = [#tpu.dimension_semantics<core_parallel>, #tpu.dimension_semantics<subcore_parallel>], iteration_bounds = array<i64: 2, 16>, scalar_prefetch = 0 : i64, scratch_operands = 5 : i64, tpu.core_type = #tpu.core_type<sc_vector_subcore>, window_params = [{transform_indices = #map}, {transform_indices = #map}, {transform_indices = #map}, {transform_indices = #map}, {transform_indices = #map}]} {
    %mul3A = arith.constant 2 : i32
    %mul3A_0 = arith.muli %arg1, %mul3A : i32
    %add3A = arith.addi %mul3A_0, %arg0 : i32
    %mul3A_1 = arith.constant 128 : i32
    %mul3A_2 = arith.muli %add3A, %mul3A_1 : i32
    "tpu.region"() ({
      %run_scoped3A = tpu.sem_alloc : memref<!tpu.dma_semaphore, #tpu.memory_space<semaphore_mem>>
      %dma_start3A_332 = arith.constant 0 : i32
      %dma_start3A_333 = tpu.memref_slice %arg2[%mul3A_2, %dma_start3A_332] : memref<4096x200xi32, #tpu.memory_space<hbm>> -> memref<128x200xi32, #tpu.memory_space<hbm>>
      %dma_start3A_334 = arith.constant 0 : i32
      %dma_start3A_335 = tpu.memref_slice %arg2[%mul3A_2, %dma_start3A_334] : memref<4096x200xi32, #tpu.memory_space<hbm>> -> memref<128x200xi32, #tpu.memory_space<hbm>>
      tpu.enqueue_dma source(%dma_start3A_335 : memref<128x200xi32, #tpu.memory_space<hbm>>) target(%arg7 : memref<128x200xi32, #tpu.memory_space<vmem>>) target_semaphore(%run_scoped3A : memref<!tpu.dma_semaphore, #tpu.memory_space<semaphore_mem>>)
      %dma_wait3A_336 = arith.constant 0 : i32
      %dma_wait3A_337 = tpu.memref_slice %arg2[%mul3A_2, %dma_wait3A_336] : memref<4096x200xi32, #tpu.memory_space<hbm>> -> memref<128x200xi32, #tpu.memory_space<hbm>>
      %dma_wait3A_338 = arith.constant 0 : i32
      %dma_wait3A_339 = tpu.memref_slice %arg2[%mul3A_2, %dma_wait3A_338] : memref<4096x200xi32, #tpu.memory_space<hbm>> -> memref<128x200xi32, #tpu.memory_space<hbm>>
      tpu.wait_dma2 semaphore(%run_scoped3A : memref<!tpu.dma_semaphore, #tpu.memory_space<semaphore_mem>>) src(%dma_wait3A_339 : memref<128x200xi32, #tpu.memory_space<hbm>>) dst(%arg7 : memref<128x200xi32, #tpu.memory_space<vmem>>)
      tpu.yield
    }) : () -> ()
    %dma_start3A = arith.constant 0 : i32
    %dma_start3A_3 = arith.constant 0 : i32
    %dma_start3A_4 = arith.constant 0 : i32
    %dma_start3A_5 = arith.constant 0 : i32
    %dma_start3A_6 = tpu.memref_slice %arg8[%dma_start3A_3, %dma_start3A_4, %dma_start3A_5] : memref<2x200x64xf32, #tpu.memory_space<vmem>> -> memref<1x96x64xf32, #tpu.memory_space<vmem>>
    %dma_start3A_7 = tpu.memref_squeeze %dma_start3A_6 : memref<1x96x64xf32, #tpu.memory_space<vmem>> -> memref<96x64xf32, #tpu.memory_space<vmem>>
    %dma_start3A_8 = arith.constant 0 : i32
    %dma_start3A_9 = tpu.memref_slice %arg7[%dma_start3A, %dma_start3A_8] : memref<128x200xi32, #tpu.memory_space<vmem>> -> memref<1x96xi32, #tpu.memory_space<vmem>>
    %dma_start3A_10 = tpu.memref_squeeze %dma_start3A_9 : memref<1x96xi32, #tpu.memory_space<vmem>> -> memref<96xi32, #tpu.memory_space<vmem>>
    %dma_start3A_11 = arith.constant 0 : i32
    %dma_start3A_12 = arith.constant 0 : i32
    %dma_start3A_13 = tpu.memref_slice %arg4[%dma_start3A_11, %dma_start3A_12] : memref<100000x64xf32, #tpu.memory_space<hbm>> -> memref<100000x64xf32, #tpu.memory_space<hbm>>
    tpu.enqueue_indirect_dma source(%dma_start3A_13 : memref<100000x64xf32, #tpu.memory_space<hbm>>) target(%dma_start3A_7 : memref<96x64xf32, #tpu.memory_space<vmem>>) offsets(%dma_start3A_10 : memref<96xi32, #tpu.memory_space<vmem>>) semaphore(%arg10 : memref<!tpu.dma_semaphore, #tpu.memory_space<semaphore_mem>>)
    %dma_start3A_14 = arith.constant 0 : i32
    %dma_start3A_15 = arith.constant 0 : i32
    %dma_start3A_16 = arith.constant 96 : i32
    %dma_start3A_17 = arith.constant 0 : i32
    %dma_start3A_18 = tpu.memref_slice %arg8[%dma_start3A_15, %dma_start3A_16, %dma_start3A_17] : memref<2x200x64xf32, #tpu.memory_space<vmem>> -> memref<1x104x64xf32, #tpu.memory_space<vmem>>
    %dma_start3A_19 = tpu.memref_squeeze %dma_start3A_18 : memref<1x104x64xf32, #tpu.memory_space<vmem>> -> memref<104x64xf32, #tpu.memory_space<vmem>>
    %dma_start3A_20 = arith.constant 96 : i32
    %dma_start3A_21 = tpu.memref_slice %arg7[%dma_start3A_14, %dma_start3A_20] : memref<128x200xi32, #tpu.memory_space<vmem>> -> memref<1x104xi32, #tpu.memory_space<vmem>>
    %dma_start3A_22 = tpu.memref_squeeze %dma_start3A_21 : memref<1x104xi32, #tpu.memory_space<vmem>> -> memref<104xi32, #tpu.memory_space<vmem>>
    %dma_start3A_23 = arith.constant 0 : i32
    %dma_start3A_24 = arith.constant 0 : i32
    %dma_start3A_25 = tpu.memref_slice %arg4[%dma_start3A_23, %dma_start3A_24] : memref<100000x64xf32, #tpu.memory_space<hbm>> -> memref<100000x64xf32, #tpu.memory_space<hbm>>
    tpu.enqueue_indirect_dma source(%dma_start3A_25 : memref<100000x64xf32, #tpu.memory_space<hbm>>) target(%dma_start3A_19 : memref<104x64xf32, #tpu.memory_space<vmem>>) offsets(%dma_start3A_22 : memref<104xi32, #tpu.memory_space<vmem>>) semaphore(%arg10 : memref<!tpu.dma_semaphore, #tpu.memory_space<semaphore_mem>>)
    %dma_start3A_26 = arith.constant 1 : i32
    %dma_start3A_27 = arith.constant 1 : i32
    %dma_start3A_28 = arith.constant 0 : i32
    %dma_start3A_29 = arith.constant 0 : i32
    %dma_start3A_30 = tpu.memref_slice %arg8[%dma_start3A_27, %dma_start3A_28, %dma_start3A_29] : memref<2x200x64xf32, #tpu.memory_space<vmem>> -> memref<1x96x64xf32, #tpu.memory_space<vmem>>
    %dma_start3A_31 = tpu.memref_squeeze %dma_start3A_30 : memref<1x96x64xf32, #tpu.memory_space<vmem>> -> memref<96x64xf32, #tpu.memory_space<vmem>>
    %dma_start3A_32 = arith.constant 0 : i32
    %dma_start3A_33 = tpu.memref_slice %arg7[%dma_start3A_26, %dma_start3A_32] : memref<128x200xi32, #tpu.memory_space<vmem>> -> memref<1x96xi32, #tpu.memory_space<vmem>>
    %dma_start3A_34 = tpu.memref_squeeze %dma_start3A_33 : memref<1x96xi32, #tpu.memory_space<vmem>> -> memref<96xi32, #tpu.memory_space<vmem>>
    %dma_start3A_35 = arith.constant 0 : i32
    %dma_start3A_36 = arith.constant 0 : i32
    %dma_start3A_37 = tpu.memref_slice %arg4[%dma_start3A_35, %dma_start3A_36] : memref<100000x64xf32, #tpu.memory_space<hbm>> -> memref<100000x64xf32, #tpu.memory_space<hbm>>
    tpu.enqueue_indirect_dma source(%dma_start3A_37 : memref<100000x64xf32, #tpu.memory_space<hbm>>) target(%dma_start3A_31 : memref<96x64xf32, #tpu.memory_space<vmem>>) offsets(%dma_start3A_34 : memref<96xi32, #tpu.memory_space<vmem>>) semaphore(%arg11 : memref<!tpu.dma_semaphore, #tpu.memory_space<semaphore_mem>>)
    %dma_start3A_38 = arith.constant 1 : i32
    %dma_start3A_39 = arith.constant 1 : i32
    %dma_start3A_40 = arith.constant 96 : i32
    %dma_start3A_41 = arith.constant 0 : i32
    %dma_start3A_42 = tpu.memref_slice %arg8[%dma_start3A_39, %dma_start3A_40, %dma_start3A_41] : memref<2x200x64xf32, #tpu.memory_space<vmem>> -> memref<1x104x64xf32, #tpu.memory_space<vmem>>
    %dma_start3A_43 = tpu.memref_squeeze %dma_start3A_42 : memref<1x104x64xf32, #tpu.memory_space<vmem>> -> memref<104x64xf32, #tpu.memory_space<vmem>>
    %dma_start3A_44 = arith.constant 96 : i32
    %dma_start3A_45 = tpu.memref_slice %arg7[%dma_start3A_38, %dma_start3A_44] : memref<128x200xi32, #tpu.memory_space<vmem>> -> memref<1x104xi32, #tpu.memory_space<vmem>>
    %dma_start3A_46 = tpu.memref_squeeze %dma_start3A_45 : memref<1x104xi32, #tpu.memory_space<vmem>> -> memref<104xi32, #tpu.memory_space<vmem>>
    %dma_start3A_47 = arith.constant 0 : i32
    %dma_start3A_48 = arith.constant 0 : i32
    %dma_start3A_49 = tpu.memref_slice %arg4[%dma_start3A_47, %dma_start3A_48] : memref<100000x64xf32, #tpu.memory_space<hbm>> -> memref<100000x64xf32, #tpu.memory_space<hbm>>
    tpu.enqueue_indirect_dma source(%dma_start3A_49 : memref<100000x64xf32, #tpu.memory_space<hbm>>) target(%dma_start3A_43 : memref<104x64xf32, #tpu.memory_space<vmem>>) offsets(%dma_start3A_46 : memref<104xi32, #tpu.memory_space<vmem>>) semaphore(%arg11 : memref<!tpu.dma_semaphore, #tpu.memory_space<semaphore_mem>>)
    %scan3A = arith.constant 0 : i32
    %scan3A_50 = arith.constant 5.000000e-03 : f32
    %scan3A_51 = arith.constant 0 : i32
    %scan3A_52 = arith.constant 63 : i32
    %scan3A_53 = arith.addi %scan3A_51, %scan3A_52 : i32
    %scan3A_54 = arith.constant 1 : i32
    scf.for %scan3A_332 = %scan3A_51 to %scan3A_53 step %scan3A_54  : i32 {
      %mul3A_333 = arith.constant 2 : i32
      %mul3A_334 = arith.muli %mul3A_333, %scan3A_332 : i32
      %add3A_335 = arith.constant 0 : i32
      %add3A_336 = arith.addi %mul3A_334, %add3A_335 : i32
      %dma_wait3A_337 = arith.constant 0 : i32
      %dma_wait3A_338 = arith.constant 0 : i32
      %dma_wait3A_339 = arith.constant 0 : i32
      %dma_wait3A_340 = arith.constant 0 : i32
      %dma_wait3A_341 = tpu.memref_slice %arg8[%dma_wait3A_338, %dma_wait3A_339, %dma_wait3A_340] : memref<2x200x64xf32, #tpu.memory_space<vmem>> -> memref<1x200x64xf32, #tpu.memory_space<vmem>>
      %dma_wait3A_342 = tpu.memref_squeeze %dma_wait3A_341 : memref<1x200x64xf32, #tpu.memory_space<vmem>> -> memref<200x64xf32, #tpu.memory_space<vmem>>
      %dma_wait3A_343 = arith.constant 0 : i32
      %dma_wait3A_344 = tpu.memref_slice %arg7[%dma_wait3A_337, %dma_wait3A_343] : memref<128x200xi32, #tpu.memory_space<vmem>> -> memref<1x96xi32, #tpu.memory_space<vmem>>
      %dma_wait3A_345 = tpu.memref_squeeze %dma_wait3A_344 : memref<1x96xi32, #tpu.memory_space<vmem>> -> memref<96xi32, #tpu.memory_space<vmem>>
      %dma_wait3A_346 = arith.constant 0 : i32
      %dma_wait3A_347 = arith.constant 0 : i32
      %dma_wait3A_348 = tpu.memref_slice %arg4[%dma_wait3A_346, %dma_wait3A_347] : memref<100000x64xf32, #tpu.memory_space<hbm>> -> memref<100000x64xf32, #tpu.memory_space<hbm>>
      tpu.wait_indirect_dma semaphore(%arg10 : memref<!tpu.dma_semaphore, #tpu.memory_space<semaphore_mem>>) src(%dma_wait3A_348 : memref<100000x64xf32, #tpu.memory_space<hbm>>) dst(%dma_wait3A_342 : memref<200x64xf32, #tpu.memory_space<vmem>>)
      %broadcast_in_dim3A_349 = arith.constant 0.000000e+00 : f32
      %broadcast_in_dim3A_350 = vector.broadcast %broadcast_in_dim3A_349 : f32 to vector<16xf32>
      %scan3A_351 = arith.constant 0 : i32
      %scan3A_352 = arith.constant 25 : i32
      %scan3A_353 = arith.addi %scan3A_351, %scan3A_352 : i32
      %scan3A_354 = arith.constant 1 : i32
      %scan3A_355:4 = scf.for %scan3A_485 = %scan3A_351 to %scan3A_353 step %scan3A_354 iter_args(%scan3A_486 = %broadcast_in_dim3A_350, %scan3A_487 = %broadcast_in_dim3A_350, %scan3A_488 = %broadcast_in_dim3A_350, %scan3A_489 = %broadcast_in_dim3A_350) -> (vector<16xf32>, vector<16xf32>, vector<16xf32>, vector<16xf32>)  : i32 {
        %mul3A_490 = arith.constant 8 : i32
        %mul3A_491 = arith.muli %scan3A_485, %mul3A_490 : i32
        %add3A_492 = arith.constant 0 : i32
        %add3A_493 = arith.addi %mul3A_491, %add3A_492 : i32
        %get3A = arith.constant 0 : i32
        %get3A_494 = arith.index_cast %get3A : i32 to index
        %get3A_495 = arith.index_cast %add3A_493 : i32 to index
        %get3A_496 = arith.constant 0 : index
        %get3A_497 = tpu.vector_load %arg8[%get3A_494, %get3A_495, %get3A_496] {strides = array<i32>} : memref<2x200x64xf32, #tpu.memory_space<vmem>>, vector<1x1x16xf32>,
        %get3A_498 = vector.shape_cast %get3A_497 : vector<1x1x16xf32> to vector<16xf32>
        %add3A_499 = arith.addf %scan3A_486, %get3A_498 : vector<16xf32>
        %add3A_500 = arith.constant 0 : i32
        %add3A_501 = arith.addi %mul3A_491, %add3A_500 : i32
        %get3A_502 = arith.constant 0 : i32
        %get3A_503 = arith.index_cast %get3A_502 : i32 to index
        %get3A_504 = arith.index_cast %add3A_501 : i32 to index
        %get3A_505 = arith.constant 16 : index
        %get3A_506 = tpu.vector_load %arg8[%get3A_503, %get3A_504, %get3A_505] {strides = array<i32>} : memref<2x200x64xf32, #tpu.memory_space<vmem>>, vector<1x1x16xf32>,
        %get3A_507 = vector.shape_cast %get3A_506 : vector<1x1x16xf32> to vector<16xf32>
        %add3A_508 = arith.addf %scan3A_487, %get3A_507 : vector<16xf32>
        %add3A_509 = arith.constant 0 : i32
        %add3A_510 = arith.addi %mul3A_491, %add3A_509 : i32
        %get3A_511 = arith.constant 0 : i32
        %get3A_512 = arith.index_cast %get3A_511 : i32 to index
        %get3A_513 = arith.index_cast %add3A_510 : i32 to index
        %get3A_514 = arith.constant 32 : index
        %get3A_515 = tpu.vector_load %arg8[%get3A_512, %get3A_513, %get3A_514] {strides = array<i32>} : memref<2x200x64xf32, #tpu.memory_space<vmem>>, vector<1x1x16xf32>,
        %get3A_516 = vector.shape_cast %get3A_515 : vector<1x1x16xf32> to vector<16xf32>
        %add3A_517 = arith.addf %scan3A_488, %get3A_516 : vector<16xf32>
        %add3A_518 = arith.constant 0 : i32
        %add3A_519 = arith.addi %mul3A_491, %add3A_518 : i32
        %get3A_520 = arith.constant 0 : i32
        %get3A_521 = arith.index_cast %get3A_520 : i32 to index
        %get3A_522 = arith.index_cast %add3A_519 : i32 to index
        %get3A_523 = arith.constant 48 : index
        %get3A_524 = tpu.vector_load %arg8[%get3A_521, %get3A_522, %get3A_523] {strides = array<i32>} : memref<2x200x64xf32, #tpu.memory_space<vmem>>, vector<1x1x16xf32>,
        %get3A_525 = vector.shape_cast %get3A_524 : vector<1x1x16xf32> to vector<16xf32>
        %add3A_526 = arith.addf %scan3A_489, %get3A_525 : vector<16xf32>
        %add3A_527 = arith.constant 1 : i32
        %add3A_528 = arith.addi %mul3A_491, %add3A_527 : i32
        %get3A_529 = arith.constant 0 : i32
        %get3A_530 = arith.index_cast %get3A_529 : i32 to index
        %get3A_531 = arith.index_cast %add3A_528 : i32 to index
        %get3A_532 = arith.constant 0 : index
        %get3A_533 = tpu.vector_load %arg8[%get3A_530, %get3A_531, %get3A_532] {strides = array<i32>} : memref<2x200x64xf32, #tpu.memory_space<vmem>>, vector<1x1x16xf32>,
        %get3A_534 = vector.shape_cast %get3A_533 : vector<1x1x16xf32> to vector<16xf32>
        %add3A_535 = arith.addf %add3A_499, %get3A_534 : vector<16xf32>
        %add3A_536 = arith.constant 1 : i32
        %add3A_537 = arith.addi %mul3A_491, %add3A_536 : i32
        %get3A_538 = arith.constant 0 : i32
        %get3A_539 = arith.index_cast %get3A_538 : i32 to index
        %get3A_540 = arith.index_cast %add3A_537 : i32 to index
        %get3A_541 = arith.constant 16 : index
        %get3A_542 = tpu.vector_load %arg8[%get3A_539, %get3A_540, %get3A_541] {strides = array<i32>} : memref<2x200x64xf32, #tpu.memory_space<vmem>>, vector<1x1x16xf32>,
        %get3A_543 = vector.shape_cast %get3A_542 : vector<1x1x16xf32> to vector<16xf32>
        %add3A_544 = arith.addf %add3A_508, %get3A_543 : vector<16xf32>
        %add3A_545 = arith.constant 1 : i32
        %add3A_546 = arith.addi %mul3A_491, %add3A_545 : i32
        %get3A_547 = arith.constant 0 : i32
        %get3A_548 = arith.index_cast %get3A_547 : i32 to index
        %get3A_549 = arith.index_cast %add3A_546 : i32 to index
        %get3A_550 = arith.constant 32 : index
        %get3A_551 = tpu.vector_load %arg8[%get3A_548, %get3A_549, %get3A_550] {strides = array<i32>} : memref<2x200x64xf32, #tpu.memory_space<vmem>>, vector<1x1x16xf32>,
        %get3A_552 = vector.shape_cast %get3A_551 : vector<1x1x16xf32> to vector<16xf32>
        %add3A_553 = arith.addf %add3A_517, %get3A_552 : vector<16xf32>
        %add3A_554 = arith.constant 1 : i32
        %add3A_555 = arith.addi %mul3A_491, %add3A_554 : i32
        %get3A_556 = arith.constant 0 : i32
        %get3A_557 = arith.index_cast %get3A_556 : i32 to index
        %get3A_558 = arith.index_cast %add3A_555 : i32 to index
        %get3A_559 = arith.constant 48 : index
        %get3A_560 = tpu.vector_load %arg8[%get3A_557, %get3A_558, %get3A_559] {strides = array<i32>} : memref<2x200x64xf32, #tpu.memory_space<vmem>>, vector<1x1x16xf32>,
        %get3A_561 = vector.shape_cast %get3A_560 : vector<1x1x16xf32> to vector<16xf32>
        %add3A_562 = arith.addf %add3A_526, %get3A_561 : vector<16xf32>
        %add3A_563 = arith.constant 2 : i32
        %add3A_564 = arith.addi %mul3A_491, %add3A_563 : i32
        %get3A_565 = arith.constant 0 : i32
        %get3A_566 = arith.index_cast %get3A_565 : i32 to index
        %get3A_567 = arith.index_cast %add3A_564 : i32 to index
        %get3A_568 = arith.constant 0 : index
        %get3A_569 = tpu.vector_load %arg8[%get3A_566, %get3A_567, %get3A_568] {strides = array<i32>} : memref<2x200x64xf32, #tpu.memory_space<vmem>>, vector<1x1x16xf32>,
        %get3A_570 = vector.shape_cast %get3A_569 : vector<1x1x16xf32> to vector<16xf32>
        %add3A_571 = arith.addf %add3A_535, %get3A_570 : vector<16xf32>
        %add3A_572 = arith.constant 2 : i32
        %add3A_573 = arith.addi %mul3A_491, %add3A_572 : i32
        %get3A_574 = arith.constant 0 : i32
        %get3A_575 = arith.index_cast %get3A_574 : i32 to index
        %get3A_576 = arith.index_cast %add3A_573 : i32 to index
        %get3A_577 = arith.constant 16 : index
        %get3A_578 = tpu.vector_load %arg8[%get3A_575, %get3A_576, %get3A_577] {strides = array<i32>} : memref<2x200x64xf32, #tpu.memory_space<vmem>>, vector<1x1x16xf32>,
        %get3A_579 = vector.shape_cast %get3A_578 : vector<1x1x16xf32> to vector<16xf32>
        %add3A_580 = arith.addf %add3A_544, %get3A_579 : vector<16xf32>
        %add3A_581 = arith.constant 2 : i32
        %add3A_582 = arith.addi %mul3A_491, %add3A_581 : i32
        %get3A_583 = arith.constant 0 : i32
        %get3A_584 = arith.index_cast %get3A_583 : i32 to index
        %get3A_585 = arith.index_cast %add3A_582 : i32 to index
        %get3A_586 = arith.constant 32 : index
        %get3A_587 = tpu.vector_load %arg8[%get3A_584, %get3A_585, %get3A_586] {strides = array<i32>} : memref<2x200x64xf32, #tpu.memory_space<vmem>>, vector<1x1x16xf32>,
        %get3A_588 = vector.shape_cast %get3A_587 : vector<1x1x16xf32> to vector<16xf32>
        %add3A_589 = arith.addf %add3A_553, %get3A_588 : vector<16xf32>
        %add3A_590 = arith.constant 2 : i32
        %add3A_591 = arith.addi %mul3A_491, %add3A_590 : i32
        %get3A_592 = arith.constant 0 : i32
        %get3A_593 = arith.index_cast %get3A_592 : i32 to index
        %get3A_594 = arith.index_cast %add3A_591 : i32 to index
        %get3A_595 = arith.constant 48 : index
        %get3A_596 = tpu.vector_load %arg8[%get3A_593, %get3A_594, %get3A_595] {strides = array<i32>} : memref<2x200x64xf32, #tpu.memory_space<vmem>>, vector<1x1x16xf32>,
        %get3A_597 = vector.shape_cast %get3A_596 : vector<1x1x16xf32> to vector<16xf32>
        %add3A_598 = arith.addf %add3A_562, %get3A_597 : vector<16xf32>
        %add3A_599 = arith.constant 3 : i32
        %add3A_600 = arith.addi %mul3A_491, %add3A_599 : i32
        %get3A_601 = arith.constant 0 : i32
        %get3A_602 = arith.index_cast %get3A_601 : i32 to index
        %get3A_603 = arith.index_cast %add3A_600 : i32 to index
        %get3A_604 = arith.constant 0 : index
        %get3A_605 = tpu.vector_load %arg8[%get3A_602, %get3A_603, %get3A_604] {strides = array<i32>} : memref<2x200x64xf32, #tpu.memory_space<vmem>>, vector<1x1x16xf32>,
        %get3A_606 = vector.shape_cast %get3A_605 : vector<1x1x16xf32> to vector<16xf32>
        %add3A_607 = arith.addf %add3A_571, %get3A_606 : vector<16xf32>
        %add3A_608 = arith.constant 3 : i32
        %add3A_609 = arith.addi %mul3A_491, %add3A_608 : i32
        %get3A_610 = arith.constant 0 : i32
        %get3A_611 = arith.index_cast %get3A_610 : i32 to index
        %get3A_612 = arith.index_cast %add3A_609 : i32 to index
        %get3A_613 = arith.constant 16 : index
        %get3A_614 = tpu.vector_load %arg8[%get3A_611, %get3A_612, %get3A_613] {strides = array<i32>} : memref<2x200x64xf32, #tpu.memory_space<vmem>>, vector<1x1x16xf32>,
        %get3A_615 = vector.shape_cast %get3A_614 : vector<1x1x16xf32> to vector<16xf32>
        %add3A_616 = arith.addf %add3A_580, %get3A_615 : vector<16xf32>
        %add3A_617 = arith.constant 3 : i32
        %add3A_618 = arith.addi %mul3A_491, %add3A_617 : i32
        %get3A_619 = arith.constant 0 : i32
        %get3A_620 = arith.index_cast %get3A_619 : i32 to index
        %get3A_621 = arith.index_cast %add3A_618 : i32 to index
        %get3A_622 = arith.constant 32 : index
        %get3A_623 = tpu.vector_load %arg8[%get3A_620, %get3A_621, %get3A_622] {strides = array<i32>} : memref<2x200x64xf32, #tpu.memory_space<vmem>>, vector<1x1x16xf32>,
        %get3A_624 = vector.shape_cast %get3A_623 : vector<1x1x16xf32> to vector<16xf32>
        %add3A_625 = arith.addf %add3A_589, %get3A_624 : vector<16xf32>
        %add3A_626 = arith.constant 3 : i32
        %add3A_627 = arith.addi %mul3A_491, %add3A_626 : i32
        %get3A_628 = arith.constant 0 : i32
        %get3A_629 = arith.index_cast %get3A_628 : i32 to index
        %get3A_630 = arith.index_cast %add3A_627 : i32 to index
        %get3A_631 = arith.constant 48 : index
        %get3A_632 = tpu.vector_load %arg8[%get3A_629, %get3A_630, %get3A_631] {strides = array<i32>} : memref<2x200x64xf32, #tpu.memory_space<vmem>>, vector<1x1x16xf32>,
        %get3A_633 = vector.shape_cast %get3A_632 : vector<1x1x16xf32> to vector<16xf32>
        %add3A_634 = arith.addf %add3A_598, %get3A_633 : vector<16xf32>
        %add3A_635 = arith.constant 4 : i32
        %add3A_636 = arith.addi %mul3A_491, %add3A_635 : i32
        %get3A_637 = arith.constant 0 : i32
        %get3A_638 = arith.index_cast %get3A_637 : i32 to index
        %get3A_639 = arith.index_cast %add3A_636 : i32 to index
        %get3A_640 = arith.constant 0 : index
        %get3A_641 = tpu.vector_load %arg8[%get3A_638, %get3A_639, %get3A_640] {strides = array<i32>} : memref<2x200x64xf32, #tpu.memory_space<vmem>>, vector<1x1x16xf32>,
        %get3A_642 = vector.shape_cast %get3A_641 : vector<1x1x16xf32> to vector<16xf32>
        %add3A_643 = arith.addf %add3A_607, %get3A_642 : vector<16xf32>
        %add3A_644 = arith.constant 4 : i32
        %add3A_645 = arith.addi %mul3A_491, %add3A_644 : i32
        %get3A_646 = arith.constant 0 : i32
        %get3A_647 = arith.index_cast %get3A_646 : i32 to index
        %get3A_648 = arith.index_cast %add3A_645 : i32 to index
        %get3A_649 = arith.constant 16 : index
        %get3A_650 = tpu.vector_load %arg8[%get3A_647, %get3A_648, %get3A_649] {strides = array<i32>} : memref<2x200x64xf32, #tpu.memory_space<vmem>>, vector<1x1x16xf32>,
        %get3A_651 = vector.shape_cast %get3A_650 : vector<1x1x16xf32> to vector<16xf32>
        %add3A_652 = arith.addf %add3A_616, %get3A_651 : vector<16xf32>
        %add3A_653 = arith.constant 4 : i32
        %add3A_654 = arith.addi %mul3A_491, %add3A_653 : i32
        %get3A_655 = arith.constant 0 : i32
        %get3A_656 = arith.index_cast %get3A_655 : i32 to index
        %get3A_657 = arith.index_cast %add3A_654 : i32 to index
        %get3A_658 = arith.constant 32 : index
        %get3A_659 = tpu.vector_load %arg8[%get3A_656, %get3A_657, %get3A_658] {strides = array<i32>} : memref<2x200x64xf32, #tpu.memory_space<vmem>>, vector<1x1x16xf32>,
        %get3A_660 = vector.shape_cast %get3A_659 : vector<1x1x16xf32> to vector<16xf32>
        %add3A_661 = arith.addf %add3A_625, %get3A_660 : vector<16xf32>
        %add3A_662 = arith.constant 4 : i32
        %add3A_663 = arith.addi %mul3A_491, %add3A_662 : i32
        %get3A_664 = arith.constant 0 : i32
        %get3A_665 = arith.index_cast %get3A_664 : i32 to index
        %get3A_666 = arith.index_cast %add3A_663 : i32 to index
        %get3A_667 = arith.constant 48 : index
        %get3A_668 = tpu.vector_load %arg8[%get3A_665, %get3A_666, %get3A_667] {strides = array<i32>} : memref<2x200x64xf32, #tpu.memory_space<vmem>>, vector<1x1x16xf32>,
        %get3A_669 = vector.shape_cast %get3A_668 : vector<1x1x16xf32> to vector<16xf32>
        %add3A_670 = arith.addf %add3A_634, %get3A_669 : vector<16xf32>
        %add3A_671 = arith.constant 5 : i32
        %add3A_672 = arith.addi %mul3A_491, %add3A_671 : i32
        %get3A_673 = arith.constant 0 : i32
        %get3A_674 = arith.index_cast %get3A_673 : i32 to index
        %get3A_675 = arith.index_cast %add3A_672 : i32 to index
        %get3A_676 = arith.constant 0 : index
        %get3A_677 = tpu.vector_load %arg8[%get3A_674, %get3A_675, %get3A_676] {strides = array<i32>} : memref<2x200x64xf32, #tpu.memory_space<vmem>>, vector<1x1x16xf32>,
        %get3A_678 = vector.shape_cast %get3A_677 : vector<1x1x16xf32> to vector<16xf32>
        %add3A_679 = arith.addf %add3A_643, %get3A_678 : vector<16xf32>
        %add3A_680 = arith.constant 5 : i32
        %add3A_681 = arith.addi %mul3A_491, %add3A_680 : i32
        %get3A_682 = arith.constant 0 : i32
        %get3A_683 = arith.index_cast %get3A_682 : i32 to index
        %get3A_684 = arith.index_cast %add3A_681 : i32 to index
        %get3A_685 = arith.constant 16 : index
        %get3A_686 = tpu.vector_load %arg8[%get3A_683, %get3A_684, %get3A_685] {strides = array<i32>} : memref<2x200x64xf32, #tpu.memory_space<vmem>>, vector<1x1x16xf32>,
        %get3A_687 = vector.shape_cast %get3A_686 : vector<1x1x16xf32> to vector<16xf32>
        %add3A_688 = arith.addf %add3A_652, %get3A_687 : vector<16xf32>
        %add3A_689 = arith.constant 5 : i32
        %add3A_690 = arith.addi %mul3A_491, %add3A_689 : i32
        %get3A_691 = arith.constant 0 : i32
        %get3A_692 = arith.index_cast %get3A_691 : i32 to index
        %get3A_693 = arith.index_cast %add3A_690 : i32 to index
        %get3A_694 = arith.constant 32 : index
        %get3A_695 = tpu.vector_load %arg8[%get3A_692, %get3A_693, %get3A_694] {strides = array<i32>} : memref<2x200x64xf32, #tpu.memory_space<vmem>>, vector<1x1x16xf32>,
        %get3A_696 = vector.shape_cast %get3A_695 : vector<1x1x16xf32> to vector<16xf32>
        %add3A_697 = arith.addf %add3A_661, %get3A_696 : vector<16xf32>
        %add3A_698 = arith.constant 5 : i32
        %add3A_699 = arith.addi %mul3A_491, %add3A_698 : i32
        %get3A_700 = arith.constant 0 : i32
        %get3A_701 = arith.index_cast %get3A_700 : i32 to index
        %get3A_702 = arith.index_cast %add3A_699 : i32 to index
        %get3A_703 = arith.constant 48 : index
        %get3A_704 = tpu.vector_load %arg8[%get3A_701, %get3A_702, %get3A_703] {strides = array<i32>} : memref<2x200x64xf32, #tpu.memory_space<vmem>>, vector<1x1x16xf32>,
        %get3A_705 = vector.shape_cast %get3A_704 : vector<1x1x16xf32> to vector<16xf32>
        %add3A_706 = arith.addf %add3A_670, %get3A_705 : vector<16xf32>
        %add3A_707 = arith.constant 6 : i32
        %add3A_708 = arith.addi %mul3A_491, %add3A_707 : i32
        %get3A_709 = arith.constant 0 : i32
        %get3A_710 = arith.index_cast %get3A_709 : i32 to index
        %get3A_711 = arith.index_cast %add3A_708 : i32 to index
        %get3A_712 = arith.constant 0 : index
        %get3A_713 = tpu.vector_load %arg8[%get3A_710, %get3A_711, %get3A_712] {strides = array<i32>} : memref<2x200x64xf32, #tpu.memory_space<vmem>>, vector<1x1x16xf32>,
        %get3A_714 = vector.shape_cast %get3A_713 : vector<1x1x16xf32> to vector<16xf32>
        %add3A_715 = arith.addf %add3A_679, %get3A_714 : vector<16xf32>
        %add3A_716 = arith.constant 6 : i32
        %add3A_717 = arith.addi %mul3A_491, %add3A_716 : i32
        %get3A_718 = arith.constant 0 : i32
        %get3A_719 = arith.index_cast %get3A_718 : i32 to index
        %get3A_720 = arith.index_cast %add3A_717 : i32 to index
        %get3A_721 = arith.constant 16 : index
        %get3A_722 = tpu.vector_load %arg8[%get3A_719, %get3A_720, %get3A_721] {strides = array<i32>} : memref<2x200x64xf32, #tpu.memory_space<vmem>>, vector<1x1x16xf32>,
        %get3A_723 = vector.shape_cast %get3A_722 : vector<1x1x16xf32> to vector<16xf32>
        %add3A_724 = arith.addf %add3A_688, %get3A_723 : vector<16xf32>
        %add3A_725 = arith.constant 6 : i32
        %add3A_726 = arith.addi %mul3A_491, %add3A_725 : i32
        %get3A_727 = arith.constant 0 : i32
        %get3A_728 = arith.index_cast %get3A_727 : i32 to index
        %get3A_729 = arith.index_cast %add3A_726 : i32 to index
        %get3A_730 = arith.constant 32 : index
        %get3A_731 = tpu.vector_load %arg8[%get3A_728, %get3A_729, %get3A_730] {strides = array<i32>} : memref<2x200x64xf32, #tpu.memory_space<vmem>>, vector<1x1x16xf32>,
        %get3A_732 = vector.shape_cast %get3A_731 : vector<1x1x16xf32> to vector<16xf32>
        %add3A_733 = arith.addf %add3A_697, %get3A_732 : vector<16xf32>
        %add3A_734 = arith.constant 6 : i32
        %add3A_735 = arith.addi %mul3A_491, %add3A_734 : i32
        %get3A_736 = arith.constant 0 : i32
        %get3A_737 = arith.index_cast %get3A_736 : i32 to index
        %get3A_738 = arith.index_cast %add3A_735 : i32 to index
        %get3A_739 = arith.constant 48 : index
        %get3A_740 = tpu.vector_load %arg8[%get3A_737, %get3A_738, %get3A_739] {strides = array<i32>} : memref<2x200x64xf32, #tpu.memory_space<vmem>>, vector<1x1x16xf32>,
        %get3A_741 = vector.shape_cast %get3A_740 : vector<1x1x16xf32> to vector<16xf32>
        %add3A_742 = arith.addf %add3A_706, %get3A_741 : vector<16xf32>
        %add3A_743 = arith.constant 7 : i32
        %add3A_744 = arith.addi %mul3A_491, %add3A_743 : i32
        %get3A_745 = arith.constant 0 : i32
        %get3A_746 = arith.index_cast %get3A_745 : i32 to index
        %get3A_747 = arith.index_cast %add3A_744 : i32 to index
        %get3A_748 = arith.constant 0 : index
        %get3A_749 = tpu.vector_load %arg8[%get3A_746, %get3A_747, %get3A_748] {strides = array<i32>} : memref<2x200x64xf32, #tpu.memory_space<vmem>>, vector<1x1x16xf32>,
        %get3A_750 = vector.shape_cast %get3A_749 : vector<1x1x16xf32> to vector<16xf32>
        %add3A_751 = arith.addf %add3A_715, %get3A_750 : vector<16xf32>
        %add3A_752 = arith.constant 7 : i32
        %add3A_753 = arith.addi %mul3A_491, %add3A_752 : i32
        %get3A_754 = arith.constant 0 : i32
        %get3A_755 = arith.index_cast %get3A_754 : i32 to index
        %get3A_756 = arith.index_cast %add3A_753 : i32 to index
        %get3A_757 = arith.constant 16 : index
        %get3A_758 = tpu.vector_load %arg8[%get3A_755, %get3A_756, %get3A_757] {strides = array<i32>} : memref<2x200x64xf32, #tpu.memory_space<vmem>>, vector<1x1x16xf32>,
        %get3A_759 = vector.shape_cast %get3A_758 : vector<1x1x16xf32> to vector<16xf32>
        %add3A_760 = arith.addf %add3A_724, %get3A_759 : vector<16xf32>
        %add3A_761 = arith.constant 7 : i32
        %add3A_762 = arith.addi %mul3A_491, %add3A_761 : i32
        %get3A_763 = arith.constant 0 : i32
        %get3A_764 = arith.index_cast %get3A_763 : i32 to index
        %get3A_765 = arith.index_cast %add3A_762 : i32 to index
        %get3A_766 = arith.constant 32 : index
        %get3A_767 = tpu.vector_load %arg8[%get3A_764, %get3A_765, %get3A_766] {strides = array<i32>} : memref<2x200x64xf32, #tpu.memory_space<vmem>>, vector<1x1x16xf32>,
        %get3A_768 = vector.shape_cast %get3A_767 : vector<1x1x16xf32> to vector<16xf32>
        %add3A_769 = arith.addf %add3A_733, %get3A_768 : vector<16xf32>
        %add3A_770 = arith.constant 7 : i32
        %add3A_771 = arith.addi %mul3A_491, %add3A_770 : i32
        %get3A_772 = arith.constant 0 : i32
        %get3A_773 = arith.index_cast %get3A_772 : i32 to index
        %get3A_774 = arith.index_cast %add3A_771 : i32 to index
        %get3A_775 = arith.constant 48 : index
        %get3A_776 = tpu.vector_load %arg8[%get3A_773, %get3A_774, %get3A_775] {strides = array<i32>} : memref<2x200x64xf32, #tpu.memory_space<vmem>>, vector<1x1x16xf32>,
        %get3A_777 = vector.shape_cast %get3A_776 : vector<1x1x16xf32> to vector<16xf32>
        %add3A_778 = arith.addf %add3A_742, %get3A_777 : vector<16xf32>
        scf.yield %add3A_751, %add3A_760, %add3A_769, %add3A_778 : vector<16xf32>, vector<16xf32>, vector<16xf32>, vector<16xf32>
      }
      %scan3A_356 = arith.constant 25 : i32
      %mul3A_357 = vector.broadcast %scan3A_50 : f32 to vector<16xf32>
      %mul3A_358 = arith.mulf %scan3A_355#0, %mul3A_357 : vector<16xf32>
      %swap3A_359 = arith.index_cast %add3A_336 : i32 to index
      %swap3A_360 = arith.constant 0 : index
      %swap3A_361 = tpu.vector_load %arg9[%swap3A_359, %swap3A_360] {strides = array<i32>} : memref<128x64xf32, #tpu.memory_space<vmem>>, vector<1x16xf32>,
      %swap3A_362 = vector.shape_cast %swap3A_361 : vector<1x16xf32> to vector<16xf32>
      %swap3A_363 = vector.shape_cast %mul3A_358 : vector<16xf32> to vector<1x16xf32>
      tpu.vector_store %arg9[%swap3A_359, %swap3A_360], %swap3A_363 {strides = array<i32>} : memref<128x64xf32, #tpu.memory_space<vmem>>, vector<1x16xf32>,
      %mul3A_364 = vector.broadcast %scan3A_50 : f32 to vector<16xf32>
      %mul3A_365 = arith.mulf %scan3A_355#1, %mul3A_364 : vector<16xf32>
      %swap3A_366 = arith.index_cast %add3A_336 : i32 to index
      %swap3A_367 = arith.constant 16 : index
      %swap3A_368 = tpu.vector_load %arg9[%swap3A_366, %swap3A_367] {strides = array<i32>} : memref<128x64xf32, #tpu.memory_space<vmem>>, vector<1x16xf32>,
      %swap3A_369 = vector.shape_cast %swap3A_368 : vector<1x16xf32> to vector<16xf32>
      %swap3A_370 = vector.shape_cast %mul3A_365 : vector<16xf32> to vector<1x16xf32>
      tpu.vector_store %arg9[%swap3A_366, %swap3A_367], %swap3A_370 {strides = array<i32>} : memref<128x64xf32, #tpu.memory_space<vmem>>, vector<1x16xf32>,
      %mul3A_371 = vector.broadcast %scan3A_50 : f32 to vector<16xf32>
      %mul3A_372 = arith.mulf %scan3A_355#2, %mul3A_371 : vector<16xf32>
      %swap3A_373 = arith.index_cast %add3A_336 : i32 to index
      %swap3A_374 = arith.constant 32 : index
      %swap3A_375 = tpu.vector_load %arg9[%swap3A_373, %swap3A_374] {strides = array<i32>} : memref<128x64xf32, #tpu.memory_space<vmem>>, vector<1x16xf32>,
      %swap3A_376 = vector.shape_cast %swap3A_375 : vector<1x16xf32> to vector<16xf32>
      %swap3A_377 = vector.shape_cast %mul3A_372 : vector<16xf32> to vector<1x16xf32>
      tpu.vector_store %arg9[%swap3A_373, %swap3A_374], %swap3A_377 {strides = array<i32>} : memref<128x64xf32, #tpu.memory_space<vmem>>, vector<1x16xf32>,
      %mul3A_378 = vector.broadcast %scan3A_50 : f32 to vector<16xf32>
      %mul3A_379 = arith.mulf %scan3A_355#3, %mul3A_378 : vector<16xf32>
      %swap3A_380 = arith.index_cast %add3A_336 : i32 to index
      %swap3A_381 = arith.constant 48 : index
      %swap3A_382 = tpu.vector_load %arg9[%swap3A_380, %swap3A_381] {strides = array<i32>} : memref<128x64xf32, #tpu.memory_space<vmem>>, vector<1x16xf32>,
      %swap3A_383 = vector.shape_cast %swap3A_382 : vector<1x16xf32> to vector<16xf32>
      %swap3A_384 = vector.shape_cast %mul3A_379 : vector<16xf32> to vector<1x16xf32>
      tpu.vector_store %arg9[%swap3A_380, %swap3A_381], %swap3A_384 {strides = array<i32>} : memref<128x64xf32, #tpu.memory_space<vmem>>, vector<1x16xf32>,
      %add3A_385 = arith.constant 2 : i32
      %add3A_386 = arith.addi %add3A_336, %add3A_385 : i32
      %dma_start3A_387 = arith.constant 0 : i32
      %dma_start3A_388 = arith.constant 0 : i32
      %dma_start3A_389 = arith.constant 0 : i32
      %dma_start3A_390 = tpu.memref_slice %arg8[%dma_start3A_387, %dma_start3A_388, %dma_start3A_389] : memref<2x200x64xf32, #tpu.memory_space<vmem>> -> memref<1x96x64xf32, #tpu.memory_space<vmem>>
      %dma_start3A_391 = tpu.memref_squeeze %dma_start3A_390 : memref<1x96x64xf32, #tpu.memory_space<vmem>> -> memref<96x64xf32, #tpu.memory_space<vmem>>
      %dma_start3A_392 = arith.constant 0 : i32
      %dma_start3A_393 = tpu.memref_slice %arg7[%add3A_386, %dma_start3A_392] : memref<128x200xi32, #tpu.memory_space<vmem>> -> memref<1x96xi32, #tpu.memory_space<vmem>>
      %dma_start3A_394 = tpu.memref_squeeze %dma_start3A_393 : memref<1x96xi32, #tpu.memory_space<vmem>> -> memref<96xi32, #tpu.memory_space<vmem>>
      %dma_start3A_395 = arith.constant 0 : i32
      %dma_start3A_396 = arith.constant 0 : i32
      %dma_start3A_397 = tpu.memref_slice %arg4[%dma_start3A_395, %dma_start3A_396] : memref<100000x64xf32, #tpu.memory_space<hbm>> -> memref<100000x64xf32, #tpu.memory_space<hbm>>
      tpu.enqueue_indirect_dma source(%dma_start3A_397 : memref<100000x64xf32, #tpu.memory_space<hbm>>) target(%dma_start3A_391 : memref<96x64xf32, #tpu.memory_space<vmem>>) offsets(%dma_start3A_394 : memref<96xi32, #tpu.memory_space<vmem>>) semaphore(%arg10 : memref<!tpu.dma_semaphore, #tpu.memory_space<semaphore_mem>>)
      %dma_start3A_398 = arith.constant 0 : i32
      %dma_start3A_399 = arith.constant 96 : i32
      %dma_start3A_400 = arith.constant 0 : i32
      %dma_start3A_401 = tpu.memref_slice %arg8[%dma_start3A_398, %dma_start3A_399, %dma_start3A_400] : memref<2x200x64xf32, #tpu.memory_space<vmem>> -> memref<1x104x64xf32, #tpu.memory_space<vmem>>
      %dma_start3A_402 = tpu.memref_squeeze %dma_start3A_401 : memref<1x104x64xf32, #tpu.memory_space<vmem>> -> memref<104x64xf32, #tpu.memory_space<vmem>>
      %dma_start3A_403 = arith.constant 96 : i32
      %dma_start3A_404 = tpu.memref_slice %arg7[%add3A_386, %dma_start3A_403] : memref<128x200xi32, #tpu.memory_space<vmem>> -> memref<1x104xi32, #tpu.memory_space<vmem>>
      %dma_start3A_405 = tpu.memref_squeeze %dma_start3A_404 : memref<1x104xi32, #tpu.memory_space<vmem>> -> memref<104xi32, #tpu.memory_space<vmem>>
      %dma_start3A_406 = arith.constant 0 : i32
      %dma_start3A_407 = arith.constant 0 : i32
      %dma_start3A_408 = tpu.memref_slice %arg4[%dma_start3A_406, %dma_start3A_407] : memref<100000x64xf32, #tpu.memory_space<hbm>> -> memref<100000x64xf32, #tpu.memory_space<hbm>>
      tpu.enqueue_indirect_dma source(%dma_start3A_408 : memref<100000x64xf32, #tpu.memory_space<hbm>>) target(%dma_start3A_402 : memref<104x64xf32, #tpu.memory_space<vmem>>) offsets(%dma_start3A_405 : memref<104xi32, #tpu.memory_space<vmem>>) semaphore(%arg10 : memref<!tpu.dma_semaphore, #tpu.memory_space<semaphore_mem>>)
      %mul3A_409 = arith.constant 2 : i32
      %mul3A_410 = arith.muli %mul3A_409, %scan3A_332 : i32
      %add3A_411 = arith.constant 1 : i32
      %add3A_412 = arith.addi %mul3A_410, %add3A_411 : i32
      %dma_wait3A_413 = arith.constant 0 : i32
      %dma_wait3A_414 = arith.constant 1 : i32
      %dma_wait3A_415 = arith.constant 0 : i32
      %dma_wait3A_416 = arith.constant 0 : i32
      %dma_wait3A_417 = tpu.memref_slice %arg8[%dma_wait3A_414, %dma_wait3A_415, %dma_wait3A_416] : memref<2x200x64xf32, #tpu.memory_space<vmem>> -> memref<1x200x64xf32, #tpu.memory_space<vmem>>
      %dma_wait3A_418 = tpu.memref_squeeze %dma_wait3A_417 : memref<1x200x64xf32, #tpu.memory_space<vmem>> -> memref<200x64xf32, #tpu.memory_space<vmem>>
      %dma_wait3A_419 = arith.constant 0 : i32
      %dma_wait3A_420 = tpu.memref_slice %arg7[%dma_wait3A_413, %dma_wait3A_419] : memref<128x200xi32, #tpu.memory_space<vmem>> -> memref<1x96xi32, #tpu.memory_space<vmem>>
      %dma_wait3A_421 = tpu.memref_squeeze %dma_wait3A_420 : memref<1x96xi32, #tpu.memory_space<vmem>> -> memref<96xi32, #tpu.memory_space<vmem>>
      %dma_wait3A_422 = arith.constant 0 : i32
      %dma_wait3A_423 = arith.constant 0 : i32
      %dma_wait3A_424 = tpu.memref_slice %arg4[%dma_wait3A_422, %dma_wait3A_423] : memref<100000x64xf32, #tpu.memory_space<hbm>> -> memref<100000x64xf32, #tpu.memory_space<hbm>>
      tpu.wait_indirect_dma semaphore(%arg11 : memref<!tpu.dma_semaphore, #tpu.memory_space<semaphore_mem>>) src(%dma_wait3A_424 : memref<100000x64xf32, #tpu.memory_space<hbm>>) dst(%dma_wait3A_418 : memref<200x64xf32, #tpu.memory_space<vmem>>)
      %broadcast_in_dim3A_425 = arith.constant 0.000000e+00 : f32
      %broadcast_in_dim3A_426 = vector.broadcast %broadcast_in_dim3A_425 : f32 to vector<16xf32>
      %scan3A_427 = arith.constant 0 : i32
      %scan3A_428 = arith.constant 25 : i32
      %scan3A_429 = arith.addi %scan3A_427, %scan3A_428 : i32
      %scan3A_430 = arith.constant 1 : i32
      %scan3A_431:4 = scf.for %scan3A_485 = %scan3A_427 to %scan3A_429 step %scan3A_430 iter_args(%scan3A_486 = %broadcast_in_dim3A_426, %scan3A_487 = %broadcast_in_dim3A_426, %scan3A_488 = %broadcast_in_dim3A_426, %scan3A_489 = %broadcast_in_dim3A_426) -> (vector<16xf32>, vector<16xf32>, vector<16xf32>, vector<16xf32>)  : i32 {
        %mul3A_490 = arith.constant 8 : i32
        %mul3A_491 = arith.muli %scan3A_485, %mul3A_490 : i32
        %add3A_492 = arith.constant 0 : i32
        %add3A_493 = arith.addi %mul3A_491, %add3A_492 : i32
        %get3A = arith.constant 1 : i32
        %get3A_494 = arith.index_cast %get3A : i32 to index
        %get3A_495 = arith.index_cast %add3A_493 : i32 to index
        %get3A_496 = arith.constant 0 : index
        %get3A_497 = tpu.vector_load %arg8[%get3A_494, %get3A_495, %get3A_496] {strides = array<i32>} : memref<2x200x64xf32, #tpu.memory_space<vmem>>, vector<1x1x16xf32>,
        %get3A_498 = vector.shape_cast %get3A_497 : vector<1x1x16xf32> to vector<16xf32>
        %add3A_499 = arith.addf %scan3A_486, %get3A_498 : vector<16xf32>
        %add3A_500 = arith.constant 0 : i32
        %add3A_501 = arith.addi %mul3A_491, %add3A_500 : i32
        %get3A_502 = arith.constant 1 : i32
        %get3A_503 = arith.index_cast %get3A_502 : i32 to index
        %get3A_504 = arith.index_cast %add3A_501 : i32 to index
        %get3A_505 = arith.constant 16 : index
        %get3A_506 = tpu.vector_load %arg8[%get3A_503, %get3A_504, %get3A_505] {strides = array<i32>} : memref<2x200x64xf32, #tpu.memory_space<vmem>>, vector<1x1x16xf32>,
        %get3A_507 = vector.shape_cast %get3A_506 : vector<1x1x16xf32> to vector<16xf32>
        %add3A_508 = arith.addf %scan3A_487, %get3A_507 : vector<16xf32>
        %add3A_509 = arith.constant 0 : i32
        %add3A_510 = arith.addi %mul3A_491, %add3A_509 : i32
        %get3A_511 = arith.constant 1 : i32
        %get3A_512 = arith.index_cast %get3A_511 : i32 to index
        %get3A_513 = arith.index_cast %add3A_510 : i32 to index
        %get3A_514 = arith.constant 32 : index
        %get3A_515 = tpu.vector_load %arg8[%get3A_512, %get3A_513, %get3A_514] {strides = array<i32>} : memref<2x200x64xf32, #tpu.memory_space<vmem>>, vector<1x1x16xf32>,
        %get3A_516 = vector.shape_cast %get3A_515 : vector<1x1x16xf32> to vector<16xf32>
        %add3A_517 = arith.addf %scan3A_488, %get3A_516 : vector<16xf32>
        %add3A_518 = arith.constant 0 : i32
        %add3A_519 = arith.addi %mul3A_491, %add3A_518 : i32
        %get3A_520 = arith.constant 1 : i32
        %get3A_521 = arith.index_cast %get3A_520 : i32 to index
        %get3A_522 = arith.index_cast %add3A_519 : i32 to index
        %get3A_523 = arith.constant 48 : index
        %get3A_524 = tpu.vector_load %arg8[%get3A_521, %get3A_522, %get3A_523] {strides = array<i32>} : memref<2x200x64xf32, #tpu.memory_space<vmem>>, vector<1x1x16xf32>,
        %get3A_525 = vector.shape_cast %get3A_524 : vector<1x1x16xf32> to vector<16xf32>
        %add3A_526 = arith.addf %scan3A_489, %get3A_525 : vector<16xf32>
        %add3A_527 = arith.constant 1 : i32
        %add3A_528 = arith.addi %mul3A_491, %add3A_527 : i32
        %get3A_529 = arith.constant 1 : i32
        %get3A_530 = arith.index_cast %get3A_529 : i32 to index
        %get3A_531 = arith.index_cast %add3A_528 : i32 to index
        %get3A_532 = arith.constant 0 : index
        %get3A_533 = tpu.vector_load %arg8[%get3A_530, %get3A_531, %get3A_532] {strides = array<i32>} : memref<2x200x64xf32, #tpu.memory_space<vmem>>, vector<1x1x16xf32>,
        %get3A_534 = vector.shape_cast %get3A_533 : vector<1x1x16xf32> to vector<16xf32>
        %add3A_535 = arith.addf %add3A_499, %get3A_534 : vector<16xf32>
        %add3A_536 = arith.constant 1 : i32
        %add3A_537 = arith.addi %mul3A_491, %add3A_536 : i32
        %get3A_538 = arith.constant 1 : i32
        %get3A_539 = arith.index_cast %get3A_538 : i32 to index
        %get3A_540 = arith.index_cast %add3A_537 : i32 to index
        %get3A_541 = arith.constant 16 : index
        %get3A_542 = tpu.vector_load %arg8[%get3A_539, %get3A_540, %get3A_541] {strides = array<i32>} : memref<2x200x64xf32, #tpu.memory_space<vmem>>, vector<1x1x16xf32>,
        %get3A_543 = vector.shape_cast %get3A_542 : vector<1x1x16xf32> to vector<16xf32>
        %add3A_544 = arith.addf %add3A_508, %get3A_543 : vector<16xf32>
        %add3A_545 = arith.constant 1 : i32
        %add3A_546 = arith.addi %mul3A_491, %add3A_545 : i32
        %get3A_547 = arith.constant 1 : i32
        %get3A_548 = arith.index_cast %get3A_547 : i32 to index
        %get3A_549 = arith.index_cast %add3A_546 : i32 to index
        %get3A_550 = arith.constant 32 : index
        %get3A_551 = tpu.vector_load %arg8[%get3A_548, %get3A_549, %get3A_550] {strides = array<i32>} : memref<2x200x64xf32, #tpu.memory_space<vmem>>, vector<1x1x16xf32>,
        %get3A_552 = vector.shape_cast %get3A_551 : vector<1x1x16xf32> to vector<16xf32>
        %add3A_553 = arith.addf %add3A_517, %get3A_552 : vector<16xf32>
        %add3A_554 = arith.constant 1 : i32
        %add3A_555 = arith.addi %mul3A_491, %add3A_554 : i32
        %get3A_556 = arith.constant 1 : i32
        %get3A_557 = arith.index_cast %get3A_556 : i32 to index
        %get3A_558 = arith.index_cast %add3A_555 : i32 to index
        %get3A_559 = arith.constant 48 : index
        %get3A_560 = tpu.vector_load %arg8[%get3A_557, %get3A_558, %get3A_559] {strides = array<i32>} : memref<2x200x64xf32, #tpu.memory_space<vmem>>, vector<1x1x16xf32>,
        %get3A_561 = vector.shape_cast %get3A_560 : vector<1x1x16xf32> to vector<16xf32>
        %add3A_562 = arith.addf %add3A_526, %get3A_561 : vector<16xf32>
        %add3A_563 = arith.constant 2 : i32
        %add3A_564 = arith.addi %mul3A_491, %add3A_563 : i32
        %get3A_565 = arith.constant 1 : i32
        %get3A_566 = arith.index_cast %get3A_565 : i32 to index
        %get3A_567 = arith.index_cast %add3A_564 : i32 to index
        %get3A_568 = arith.constant 0 : index
        %get3A_569 = tpu.vector_load %arg8[%get3A_566, %get3A_567, %get3A_568] {strides = array<i32>} : memref<2x200x64xf32, #tpu.memory_space<vmem>>, vector<1x1x16xf32>,
        %get3A_570 = vector.shape_cast %get3A_569 : vector<1x1x16xf32> to vector<16xf32>
        %add3A_571 = arith.addf %add3A_535, %get3A_570 : vector<16xf32>
        %add3A_572 = arith.constant 2 : i32
        %add3A_573 = arith.addi %mul3A_491, %add3A_572 : i32
        %get3A_574 = arith.constant 1 : i32
        %get3A_575 = arith.index_cast %get3A_574 : i32 to index
        %get3A_576 = arith.index_cast %add3A_573 : i32 to index
        %get3A_577 = arith.constant 16 : index
        %get3A_578 = tpu.vector_load %arg8[%get3A_575, %get3A_576, %get3A_577] {strides = array<i32>} : memref<2x200x64xf32, #tpu.memory_space<vmem>>, vector<1x1x16xf32>,
        %get3A_579 = vector.shape_cast %get3A_578 : vector<1x1x16xf32> to vector<16xf32>
        %add3A_580 = arith.addf %add3A_544, %get3A_579 : vector<16xf32>
        %add3A_581 = arith.constant 2 : i32
        %add3A_582 = arith.addi %mul3A_491, %add3A_581 : i32
        %get3A_583 = arith.constant 1 : i32
        %get3A_584 = arith.index_cast %get3A_583 : i32 to index
        %get3A_585 = arith.index_cast %add3A_582 : i32 to index
        %get3A_586 = arith.constant 32 : index
        %get3A_587 = tpu.vector_load %arg8[%get3A_584, %get3A_585, %get3A_586] {strides = array<i32>} : memref<2x200x64xf32, #tpu.memory_space<vmem>>, vector<1x1x16xf32>,
        %get3A_588 = vector.shape_cast %get3A_587 : vector<1x1x16xf32> to vector<16xf32>
        %add3A_589 = arith.addf %add3A_553, %get3A_588 : vector<16xf32>
        %add3A_590 = arith.constant 2 : i32
        %add3A_591 = arith.addi %mul3A_491, %add3A_590 : i32
        %get3A_592 = arith.constant 1 : i32
        %get3A_593 = arith.index_cast %get3A_592 : i32 to index
        %get3A_594 = arith.index_cast %add3A_591 : i32 to index
        %get3A_595 = arith.constant 48 : index
        %get3A_596 = tpu.vector_load %arg8[%get3A_593, %get3A_594, %get3A_595] {strides = array<i32>} : memref<2x200x64xf32, #tpu.memory_space<vmem>>, vector<1x1x16xf32>,
        %get3A_597 = vector.shape_cast %get3A_596 : vector<1x1x16xf32> to vector<16xf32>
        %add3A_598 = arith.addf %add3A_562, %get3A_597 : vector<16xf32>
        %add3A_599 = arith.constant 3 : i32
        %add3A_600 = arith.addi %mul3A_491, %add3A_599 : i32
        %get3A_601 = arith.constant 1 : i32
        %get3A_602 = arith.index_cast %get3A_601 : i32 to index
        %get3A_603 = arith.index_cast %add3A_600 : i32 to index
        %get3A_604 = arith.constant 0 : index
        %get3A_605 = tpu.vector_load %arg8[%get3A_602, %get3A_603, %get3A_604] {strides = array<i32>} : memref<2x200x64xf32, #tpu.memory_space<vmem>>, vector<1x1x16xf32>,
        %get3A_606 = vector.shape_cast %get3A_605 : vector<1x1x16xf32> to vector<16xf32>
        %add3A_607 = arith.addf %add3A_571, %get3A_606 : vector<16xf32>
        %add3A_608 = arith.constant 3 : i32
        %add3A_609 = arith.addi %mul3A_491, %add3A_608 : i32
        %get3A_610 = arith.constant 1 : i32
        %get3A_611 = arith.index_cast %get3A_610 : i32 to index
        %get3A_612 = arith.index_cast %add3A_609 : i32 to index
        %get3A_613 = arith.constant 16 : index
        %get3A_614 = tpu.vector_load %arg8[%get3A_611, %get3A_612, %get3A_613] {strides = array<i32>} : memref<2x200x64xf32, #tpu.memory_space<vmem>>, vector<1x1x16xf32>,
        %get3A_615 = vector.shape_cast %get3A_614 : vector<1x1x16xf32> to vector<16xf32>
        %add3A_616 = arith.addf %add3A_580, %get3A_615 : vector<16xf32>
        %add3A_617 = arith.constant 3 : i32
        %add3A_618 = arith.addi %mul3A_491, %add3A_617 : i32
        %get3A_619 = arith.constant 1 : i32
        %get3A_620 = arith.index_cast %get3A_619 : i32 to index
        %get3A_621 = arith.index_cast %add3A_618 : i32 to index
        %get3A_622 = arith.constant 32 : index
        %get3A_623 = tpu.vector_load %arg8[%get3A_620, %get3A_621, %get3A_622] {strides = array<i32>} : memref<2x200x64xf32, #tpu.memory_space<vmem>>, vector<1x1x16xf32>,
        %get3A_624 = vector.shape_cast %get3A_623 : vector<1x1x16xf32> to vector<16xf32>
        %add3A_625 = arith.addf %add3A_589, %get3A_624 : vector<16xf32>
        %add3A_626 = arith.constant 3 : i32
        %add3A_627 = arith.addi %mul3A_491, %add3A_626 : i32
        %get3A_628 = arith.constant 1 : i32
        %get3A_629 = arith.index_cast %get3A_628 : i32 to index
        %get3A_630 = arith.index_cast %add3A_627 : i32 to index
        %get3A_631 = arith.constant 48 : index
        %get3A_632 = tpu.vector_load %arg8[%get3A_629, %get3A_630, %get3A_631] {strides = array<i32>} : memref<2x200x64xf32, #tpu.memory_space<vmem>>, vector<1x1x16xf32>,
        %get3A_633 = vector.shape_cast %get3A_632 : vector<1x1x16xf32> to vector<16xf32>
        %add3A_634 = arith.addf %add3A_598, %get3A_633 : vector<16xf32>
        %add3A_635 = arith.constant 4 : i32
        %add3A_636 = arith.addi %mul3A_491, %add3A_635 : i32
        %get3A_637 = arith.constant 1 : i32
        %get3A_638 = arith.index_cast %get3A_637 : i32 to index
        %get3A_639 = arith.index_cast %add3A_636 : i32 to index
        %get3A_640 = arith.constant 0 : index
        %get3A_641 = tpu.vector_load %arg8[%get3A_638, %get3A_639, %get3A_640] {strides = array<i32>} : memref<2x200x64xf32, #tpu.memory_space<vmem>>, vector<1x1x16xf32>,
        %get3A_642 = vector.shape_cast %get3A_641 : vector<1x1x16xf32> to vector<16xf32>
        %add3A_643 = arith.addf %add3A_607, %get3A_642 : vector<16xf32>
        %add3A_644 = arith.constant 4 : i32
        %add3A_645 = arith.addi %mul3A_491, %add3A_644 : i32
        %get3A_646 = arith.constant 1 : i32
        %get3A_647 = arith.index_cast %get3A_646 : i32 to index
        %get3A_648 = arith.index_cast %add3A_645 : i32 to index
        %get3A_649 = arith.constant 16 : index
        %get3A_650 = tpu.vector_load %arg8[%get3A_647, %get3A_648, %get3A_649] {strides = array<i32>} : memref<2x200x64xf32, #tpu.memory_space<vmem>>, vector<1x1x16xf32>,
        %get3A_651 = vector.shape_cast %get3A_650 : vector<1x1x16xf32> to vector<16xf32>
        %add3A_652 = arith.addf %add3A_616, %get3A_651 : vector<16xf32>
        %add3A_653 = arith.constant 4 : i32
        %add3A_654 = arith.addi %mul3A_491, %add3A_653 : i32
        %get3A_655 = arith.constant 1 : i32
        %get3A_656 = arith.index_cast %get3A_655 : i32 to index
        %get3A_657 = arith.index_cast %add3A_654 : i32 to index
        %get3A_658 = arith.constant 32 : index
        %get3A_659 = tpu.vector_load %arg8[%get3A_656, %get3A_657, %get3A_658] {strides = array<i32>} : memref<2x200x64xf32, #tpu.memory_space<vmem>>, vector<1x1x16xf32>,
        %get3A_660 = vector.shape_cast %get3A_659 : vector<1x1x16xf32> to vector<16xf32>
        %add3A_661 = arith.addf %add3A_625, %get3A_660 : vector<16xf32>
        %add3A_662 = arith.constant 4 : i32
        %add3A_663 = arith.addi %mul3A_491, %add3A_662 : i32
        %get3A_664 = arith.constant 1 : i32
        %get3A_665 = arith.index_cast %get3A_664 : i32 to index
        %get3A_666 = arith.index_cast %add3A_663 : i32 to index
        %get3A_667 = arith.constant 48 : index
        %get3A_668 = tpu.vector_load %arg8[%get3A_665, %get3A_666, %get3A_667] {strides = array<i32>} : memref<2x200x64xf32, #tpu.memory_space<vmem>>, vector<1x1x16xf32>,
        %get3A_669 = vector.shape_cast %get3A_668 : vector<1x1x16xf32> to vector<16xf32>
        %add3A_670 = arith.addf %add3A_634, %get3A_669 : vector<16xf32>
        %add3A_671 = arith.constant 5 : i32
        %add3A_672 = arith.addi %mul3A_491, %add3A_671 : i32
        %get3A_673 = arith.constant 1 : i32
        %get3A_674 = arith.index_cast %get3A_673 : i32 to index
        %get3A_675 = arith.index_cast %add3A_672 : i32 to index
        %get3A_676 = arith.constant 0 : index
        %get3A_677 = tpu.vector_load %arg8[%get3A_674, %get3A_675, %get3A_676] {strides = array<i32>} : memref<2x200x64xf32, #tpu.memory_space<vmem>>, vector<1x1x16xf32>,
        %get3A_678 = vector.shape_cast %get3A_677 : vector<1x1x16xf32> to vector<16xf32>
        %add3A_679 = arith.addf %add3A_643, %get3A_678 : vector<16xf32>
        %add3A_680 = arith.constant 5 : i32
        %add3A_681 = arith.addi %mul3A_491, %add3A_680 : i32
        %get3A_682 = arith.constant 1 : i32
        %get3A_683 = arith.index_cast %get3A_682 : i32 to index
        %get3A_684 = arith.index_cast %add3A_681 : i32 to index
        %get3A_685 = arith.constant 16 : index
        %get3A_686 = tpu.vector_load %arg8[%get3A_683, %get3A_684, %get3A_685] {strides = array<i32>} : memref<2x200x64xf32, #tpu.memory_space<vmem>>, vector<1x1x16xf32>,
        %get3A_687 = vector.shape_cast %get3A_686 : vector<1x1x16xf32> to vector<16xf32>
        %add3A_688 = arith.addf %add3A_652, %get3A_687 : vector<16xf32>
        %add3A_689 = arith.constant 5 : i32
        %add3A_690 = arith.addi %mul3A_491, %add3A_689 : i32
        %get3A_691 = arith.constant 1 : i32
        %get3A_692 = arith.index_cast %get3A_691 : i32 to index
        %get3A_693 = arith.index_cast %add3A_690 : i32 to index
        %get3A_694 = arith.constant 32 : index
        %get3A_695 = tpu.vector_load %arg8[%get3A_692, %get3A_693, %get3A_694] {strides = array<i32>} : memref<2x200x64xf32, #tpu.memory_space<vmem>>, vector<1x1x16xf32>,
        %get3A_696 = vector.shape_cast %get3A_695 : vector<1x1x16xf32> to vector<16xf32>
        %add3A_697 = arith.addf %add3A_661, %get3A_696 : vector<16xf32>
        %add3A_698 = arith.constant 5 : i32
        %add3A_699 = arith.addi %mul3A_491, %add3A_698 : i32
        %get3A_700 = arith.constant 1 : i32
        %get3A_701 = arith.index_cast %get3A_700 : i32 to index
        %get3A_702 = arith.index_cast %add3A_699 : i32 to index
        %get3A_703 = arith.constant 48 : index
        %get3A_704 = tpu.vector_load %arg8[%get3A_701, %get3A_702, %get3A_703] {strides = array<i32>} : memref<2x200x64xf32, #tpu.memory_space<vmem>>, vector<1x1x16xf32>,
        %get3A_705 = vector.shape_cast %get3A_704 : vector<1x1x16xf32> to vector<16xf32>
        %add3A_706 = arith.addf %add3A_670, %get3A_705 : vector<16xf32>
        %add3A_707 = arith.constant 6 : i32
        %add3A_708 = arith.addi %mul3A_491, %add3A_707 : i32
        %get3A_709 = arith.constant 1 : i32
        %get3A_710 = arith.index_cast %get3A_709 : i32 to index
        %get3A_711 = arith.index_cast %add3A_708 : i32 to index
        %get3A_712 = arith.constant 0 : index
        %get3A_713 = tpu.vector_load %arg8[%get3A_710, %get3A_711, %get3A_712] {strides = array<i32>} : memref<2x200x64xf32, #tpu.memory_space<vmem>>, vector<1x1x16xf32>,
        %get3A_714 = vector.shape_cast %get3A_713 : vector<1x1x16xf32> to vector<16xf32>
        %add3A_715 = arith.addf %add3A_679, %get3A_714 : vector<16xf32>
        %add3A_716 = arith.constant 6 : i32
        %add3A_717 = arith.addi %mul3A_491, %add3A_716 : i32
        %get3A_718 = arith.constant 1 : i32
        %get3A_719 = arith.index_cast %get3A_718 : i32 to index
        %get3A_720 = arith.index_cast %add3A_717 : i32 to index
        %get3A_721 = arith.constant 16 : index
        %get3A_722 = tpu.vector_load %arg8[%get3A_719, %get3A_720, %get3A_721] {strides = array<i32>} : memref<2x200x64xf32, #tpu.memory_space<vmem>>, vector<1x1x16xf32>,
        %get3A_723 = vector.shape_cast %get3A_722 : vector<1x1x16xf32> to vector<16xf32>
        %add3A_724 = arith.addf %add3A_688, %get3A_723 : vector<16xf32>
        %add3A_725 = arith.constant 6 : i32
        %add3A_726 = arith.addi %mul3A_491, %add3A_725 : i32
        %get3A_727 = arith.constant 1 : i32
        %get3A_728 = arith.index_cast %get3A_727 : i32 to index
        %get3A_729 = arith.index_cast %add3A_726 : i32 to index
        %get3A_730 = arith.constant 32 : index
        %get3A_731 = tpu.vector_load %arg8[%get3A_728, %get3A_729, %get3A_730] {strides = array<i32>} : memref<2x200x64xf32, #tpu.memory_space<vmem>>, vector<1x1x16xf32>,
        %get3A_732 = vector.shape_cast %get3A_731 : vector<1x1x16xf32> to vector<16xf32>
        %add3A_733 = arith.addf %add3A_697, %get3A_732 : vector<16xf32>
        %add3A_734 = arith.constant 6 : i32
        %add3A_735 = arith.addi %mul3A_491, %add3A_734 : i32
        %get3A_736 = arith.constant 1 : i32
        %get3A_737 = arith.index_cast %get3A_736 : i32 to index
        %get3A_738 = arith.index_cast %add3A_735 : i32 to index
        %get3A_739 = arith.constant 48 : index
        %get3A_740 = tpu.vector_load %arg8[%get3A_737, %get3A_738, %get3A_739] {strides = array<i32>} : memref<2x200x64xf32, #tpu.memory_space<vmem>>, vector<1x1x16xf32>,
        %get3A_741 = vector.shape_cast %get3A_740 : vector<1x1x16xf32> to vector<16xf32>
        %add3A_742 = arith.addf %add3A_706, %get3A_741 : vector<16xf32>
        %add3A_743 = arith.constant 7 : i32
        %add3A_744 = arith.addi %mul3A_491, %add3A_743 : i32
        %get3A_745 = arith.constant 1 : i32
        %get3A_746 = arith.index_cast %get3A_745 : i32 to index
        %get3A_747 = arith.index_cast %add3A_744 : i32 to index
        %get3A_748 = arith.constant 0 : index
        %get3A_749 = tpu.vector_load %arg8[%get3A_746, %get3A_747, %get3A_748] {strides = array<i32>} : memref<2x200x64xf32, #tpu.memory_space<vmem>>, vector<1x1x16xf32>,
        %get3A_750 = vector.shape_cast %get3A_749 : vector<1x1x16xf32> to vector<16xf32>
        %add3A_751 = arith.addf %add3A_715, %get3A_750 : vector<16xf32>
        %add3A_752 = arith.constant 7 : i32
        %add3A_753 = arith.addi %mul3A_491, %add3A_752 : i32
        %get3A_754 = arith.constant 1 : i32
        %get3A_755 = arith.index_cast %get3A_754 : i32 to index
        %get3A_756 = arith.index_cast %add3A_753 : i32 to index
        %get3A_757 = arith.constant 16 : index
        %get3A_758 = tpu.vector_load %arg8[%get3A_755, %get3A_756, %get3A_757] {strides = array<i32>} : memref<2x200x64xf32, #tpu.memory_space<vmem>>, vector<1x1x16xf32>,
        %get3A_759 = vector.shape_cast %get3A_758 : vector<1x1x16xf32> to vector<16xf32>
        %add3A_760 = arith.addf %add3A_724, %get3A_759 : vector<16xf32>
        %add3A_761 = arith.constant 7 : i32
        %add3A_762 = arith.addi %mul3A_491, %add3A_761 : i32
        %get3A_763 = arith.constant 1 : i32
        %get3A_764 = arith.index_cast %get3A_763 : i32 to index
        %get3A_765 = arith.index_cast %add3A_762 : i32 to index
        %get3A_766 = arith.constant 32 : index
        %get3A_767 = tpu.vector_load %arg8[%get3A_764, %get3A_765, %get3A_766] {strides = array<i32>} : memref<2x200x64xf32, #tpu.memory_space<vmem>>, vector<1x1x16xf32>,
        %get3A_768 = vector.shape_cast %get3A_767 : vector<1x1x16xf32> to vector<16xf32>
        %add3A_769 = arith.addf %add3A_733, %get3A_768 : vector<16xf32>
        %add3A_770 = arith.constant 7 : i32
        %add3A_771 = arith.addi %mul3A_491, %add3A_770 : i32
        %get3A_772 = arith.constant 1 : i32
        %get3A_773 = arith.index_cast %get3A_772 : i32 to index
        %get3A_774 = arith.index_cast %add3A_771 : i32 to index
        %get3A_775 = arith.constant 48 : index
        %get3A_776 = tpu.vector_load %arg8[%get3A_773, %get3A_774, %get3A_775] {strides = array<i32>} : memref<2x200x64xf32, #tpu.memory_space<vmem>>, vector<1x1x16xf32>,
        %get3A_777 = vector.shape_cast %get3A_776 : vector<1x1x16xf32> to vector<16xf32>
        %add3A_778 = arith.addf %add3A_742, %get3A_777 : vector<16xf32>
        scf.yield %add3A_751, %add3A_760, %add3A_769, %add3A_778 : vector<16xf32>, vector<16xf32>, vector<16xf32>, vector<16xf32>
      }
      %scan3A_432 = arith.constant 25 : i32
      %mul3A_433 = vector.broadcast %scan3A_50 : f32 to vector<16xf32>
      %mul3A_434 = arith.mulf %scan3A_431#0, %mul3A_433 : vector<16xf32>
      %swap3A_435 = arith.index_cast %add3A_412 : i32 to index
      %swap3A_436 = arith.constant 0 : index
      %swap3A_437 = tpu.vector_load %arg9[%swap3A_435, %swap3A_436] {strides = array<i32>} : memref<128x64xf32, #tpu.memory_space<vmem>>, vector<1x16xf32>,
      %swap3A_438 = vector.shape_cast %swap3A_437 : vector<1x16xf32> to vector<16xf32>
      %swap3A_439 = vector.shape_cast %mul3A_434 : vector<16xf32> to vector<1x16xf32>
      tpu.vector_store %arg9[%swap3A_435, %swap3A_436], %swap3A_439 {strides = array<i32>} : memref<128x64xf32, #tpu.memory_space<vmem>>, vector<1x16xf32>,
      %mul3A_440 = vector.broadcast %scan3A_50 : f32 to vector<16xf32>
      %mul3A_441 = arith.mulf %scan3A_431#1, %mul3A_440 : vector<16xf32>
      %swap3A_442 = arith.index_cast %add3A_412 : i32 to index
      %swap3A_443 = arith.constant 16 : index
      %swap3A_444 = tpu.vector_load %arg9[%swap3A_442, %swap3A_443] {strides = array<i32>} : memref<128x64xf32, #tpu.memory_space<vmem>>, vector<1x16xf32>,
      %swap3A_445 = vector.shape_cast %swap3A_444 : vector<1x16xf32> to vector<16xf32>
      %swap3A_446 = vector.shape_cast %mul3A_441 : vector<16xf32> to vector<1x16xf32>
      tpu.vector_store %arg9[%swap3A_442, %swap3A_443], %swap3A_446 {strides = array<i32>} : memref<128x64xf32, #tpu.memory_space<vmem>>, vector<1x16xf32>,
      %mul3A_447 = vector.broadcast %scan3A_50 : f32 to vector<16xf32>
      %mul3A_448 = arith.mulf %scan3A_431#2, %mul3A_447 : vector<16xf32>
      %swap3A_449 = arith.index_cast %add3A_412 : i32 to index
      %swap3A_450 = arith.constant 32 : index
      %swap3A_451 = tpu.vector_load %arg9[%swap3A_449, %swap3A_450] {strides = array<i32>} : memref<128x64xf32, #tpu.memory_space<vmem>>, vector<1x16xf32>,
      %swap3A_452 = vector.shape_cast %swap3A_451 : vector<1x16xf32> to vector<16xf32>
      %swap3A_453 = vector.shape_cast %mul3A_448 : vector<16xf32> to vector<1x16xf32>
      tpu.vector_store %arg9[%swap3A_449, %swap3A_450], %swap3A_453 {strides = array<i32>} : memref<128x64xf32, #tpu.memory_space<vmem>>, vector<1x16xf32>,
      %mul3A_454 = vector.broadcast %scan3A_50 : f32 to vector<16xf32>
      %mul3A_455 = arith.mulf %scan3A_431#3, %mul3A_454 : vector<16xf32>
      %swap3A_456 = arith.index_cast %add3A_412 : i32 to index
      %swap3A_457 = arith.constant 48 : index
      %swap3A_458 = tpu.vector_load %arg9[%swap3A_456, %swap3A_457] {strides = array<i32>} : memref<128x64xf32, #tpu.memory_space<vmem>>, vector<1x16xf32>,
      %swap3A_459 = vector.shape_cast %swap3A_458 : vector<1x16xf32> to vector<16xf32>
      %swap3A_460 = vector.shape_cast %mul3A_455 : vector<16xf32> to vector<1x16xf32>
      tpu.vector_store %arg9[%swap3A_456, %swap3A_457], %swap3A_460 {strides = array<i32>} : memref<128x64xf32, #tpu.memory_space<vmem>>, vector<1x16xf32>,
      %add3A_461 = arith.constant 2 : i32
      %add3A_462 = arith.addi %add3A_412, %add3A_461 : i32
      %dma_start3A_463 = arith.constant 1 : i32
      %dma_start3A_464 = arith.constant 0 : i32
      %dma_start3A_465 = arith.constant 0 : i32
      %dma_start3A_466 = tpu.memref_slice %arg8[%dma_start3A_463, %dma_start3A_464, %dma_start3A_465] : memref<2x200x64xf32, #tpu.memory_space<vmem>> -> memref<1x96x64xf32, #tpu.memory_space<vmem>>
      %dma_start3A_467 = tpu.memref_squeeze %dma_start3A_466 : memref<1x96x64xf32, #tpu.memory_space<vmem>> -> memref<96x64xf32, #tpu.memory_space<vmem>>
      %dma_start3A_468 = arith.constant 0 : i32
      %dma_start3A_469 = tpu.memref_slice %arg7[%add3A_462, %dma_start3A_468] : memref<128x200xi32, #tpu.memory_space<vmem>> -> memref<1x96xi32, #tpu.memory_space<vmem>>
      %dma_start3A_470 = tpu.memref_squeeze %dma_start3A_469 : memref<1x96xi32, #tpu.memory_space<vmem>> -> memref<96xi32, #tpu.memory_space<vmem>>
      %dma_start3A_471 = arith.constant 0 : i32
      %dma_start3A_472 = arith.constant 0 : i32
      %dma_start3A_473 = tpu.memref_slice %arg4[%dma_start3A_471, %dma_start3A_472] : memref<100000x64xf32, #tpu.memory_space<hbm>> -> memref<100000x64xf32, #tpu.memory_space<hbm>>
      tpu.enqueue_indirect_dma source(%dma_start3A_473 : memref<100000x64xf32, #tpu.memory_space<hbm>>) target(%dma_start3A_467 : memref<96x64xf32, #tpu.memory_space<vmem>>) offsets(%dma_start3A_470 : memref<96xi32, #tpu.memory_space<vmem>>) semaphore(%arg11 : memref<!tpu.dma_semaphore, #tpu.memory_space<semaphore_mem>>)
      %dma_start3A_474 = arith.constant 1 : i32
      %dma_start3A_475 = arith.constant 96 : i32
      %dma_start3A_476 = arith.constant 0 : i32
      %dma_start3A_477 = tpu.memref_slice %arg8[%dma_start3A_474, %dma_start3A_475, %dma_start3A_476] : memref<2x200x64xf32, #tpu.memory_space<vmem>> -> memref<1x104x64xf32, #tpu.memory_space<vmem>>
      %dma_start3A_478 = tpu.memref_squeeze %dma_start3A_477 : memref<1x104x64xf32, #tpu.memory_space<vmem>> -> memref<104x64xf32, #tpu.memory_space<vmem>>
      %dma_start3A_479 = arith.constant 96 : i32
      %dma_start3A_480 = tpu.memref_slice %arg7[%add3A_462, %dma_start3A_479] : memref<128x200xi32, #tpu.memory_space<vmem>> -> memref<1x104xi32, #tpu.memory_space<vmem>>
      %dma_start3A_481 = tpu.memref_squeeze %dma_start3A_480 : memref<1x104xi32, #tpu.memory_space<vmem>> -> memref<104xi32, #tpu.memory_space<vmem>>
      %dma_start3A_482 = arith.constant 0 : i32
      %dma_start3A_483 = arith.constant 0 : i32
      %dma_start3A_484 = tpu.memref_slice %arg4[%dma_start3A_482, %dma_start3A_483] : memref<100000x64xf32, #tpu.memory_space<hbm>> -> memref<100000x64xf32, #tpu.memory_space<hbm>>
      tpu.enqueue_indirect_dma source(%dma_start3A_484 : memref<100000x64xf32, #tpu.memory_space<hbm>>) target(%dma_start3A_478 : memref<104x64xf32, #tpu.memory_space<vmem>>) offsets(%dma_start3A_481 : memref<104xi32, #tpu.memory_space<vmem>>) semaphore(%arg11 : memref<!tpu.dma_semaphore, #tpu.memory_space<semaphore_mem>>)
    }
    %scan3A_55 = arith.constant 63 : i32
    %dma_wait3A = arith.constant 0 : i32
    %dma_wait3A_56 = arith.constant 0 : i32
    %dma_wait3A_57 = arith.constant 0 : i32
    %dma_wait3A_58 = arith.constant 0 : i32
    %dma_wait3A_59 = tpu.memref_slice %arg8[%dma_wait3A_56, %dma_wait3A_57, %dma_wait3A_58] : memref<2x200x64xf32, #tpu.memory_space<vmem>> -> memref<1x200x64xf32, #tpu.memory_space<vmem>>
    %dma_wait3A_60 = tpu.memref_squeeze %dma_wait3A_59 : memref<1x200x64xf32, #tpu.memory_space<vmem>> -> memref<200x64xf32, #tpu.memory_space<vmem>>
    %dma_wait3A_61 = arith.constant 0 : i32
    %dma_wait3A_62 = tpu.memref_slice %arg7[%dma_wait3A, %dma_wait3A_61] : memref<128x200xi32, #tpu.memory_space<vmem>> -> memref<1x96xi32, #tpu.memory_space<vmem>>
    %dma_wait3A_63 = tpu.memref_squeeze %dma_wait3A_62 : memref<1x96xi32, #tpu.memory_space<vmem>> -> memref<96xi32, #tpu.memory_space<vmem>>
    %dma_wait3A_64 = arith.constant 0 : i32
    %dma_wait3A_65 = arith.constant 0 : i32
    %dma_wait3A_66 = tpu.memref_slice %arg4[%dma_wait3A_64, %dma_wait3A_65] : memref<100000x64xf32, #tpu.memory_space<hbm>> -> memref<100000x64xf32, #tpu.memory_space<hbm>>
    tpu.wait_indirect_dma semaphore(%arg10 : memref<!tpu.dma_semaphore, #tpu.memory_space<semaphore_mem>>) src(%dma_wait3A_66 : memref<100000x64xf32, #tpu.memory_space<hbm>>) dst(%dma_wait3A_60 : memref<200x64xf32, #tpu.memory_space<vmem>>)
    %broadcast_in_dim3A = arith.constant 0.000000e+00 : f32
    %broadcast_in_dim3A_67 = vector.broadcast %broadcast_in_dim3A : f32 to vector<16xf32>
    %scan3A_68 = arith.constant 0 : i32
    %scan3A_69 = arith.constant 25 : i32
    %scan3A_70 = arith.addi %scan3A_68, %scan3A_69 : i32
    %scan3A_71 = arith.constant 1 : i32
    %scan3A_72:4 = scf.for %scan3A_332 = %scan3A_68 to %scan3A_70 step %scan3A_71 iter_args(%scan3A_333 = %broadcast_in_dim3A_67, %scan3A_334 = %broadcast_in_dim3A_67, %scan3A_335 = %broadcast_in_dim3A_67, %scan3A_336 = %broadcast_in_dim3A_67) -> (vector<16xf32>, vector<16xf32>, vector<16xf32>, vector<16xf32>)  : i32 {
      %mul3A_337 = arith.constant 8 : i32
      %mul3A_338 = arith.muli %scan3A_332, %mul3A_337 : i32
      %add3A_339 = arith.constant 0 : i32
      %add3A_340 = arith.addi %mul3A_338, %add3A_339 : i32
      %get3A = arith.constant 0 : i32
      %get3A_341 = arith.index_cast %get3A : i32 to index
      %get3A_342 = arith.index_cast %add3A_340 : i32 to index
      %get3A_343 = arith.constant 0 : index
      %get3A_344 = tpu.vector_load %arg8[%get3A_341, %get3A_342, %get3A_343] {strides = array<i32>} : memref<2x200x64xf32, #tpu.memory_space<vmem>>, vector<1x1x16xf32>,
      %get3A_345 = vector.shape_cast %get3A_344 : vector<1x1x16xf32> to vector<16xf32>
      %add3A_346 = arith.addf %scan3A_333, %get3A_345 : vector<16xf32>
      %add3A_347 = arith.constant 0 : i32
      %add3A_348 = arith.addi %mul3A_338, %add3A_347 : i32
      %get3A_349 = arith.constant 0 : i32
      %get3A_350 = arith.index_cast %get3A_349 : i32 to index
      %get3A_351 = arith.index_cast %add3A_348 : i32 to index
      %get3A_352 = arith.constant 16 : index
      %get3A_353 = tpu.vector_load %arg8[%get3A_350, %get3A_351, %get3A_352] {strides = array<i32>} : memref<2x200x64xf32, #tpu.memory_space<vmem>>, vector<1x1x16xf32>,
      %get3A_354 = vector.shape_cast %get3A_353 : vector<1x1x16xf32> to vector<16xf32>
      %add3A_355 = arith.addf %scan3A_334, %get3A_354 : vector<16xf32>
      %add3A_356 = arith.constant 0 : i32
      %add3A_357 = arith.addi %mul3A_338, %add3A_356 : i32
      %get3A_358 = arith.constant 0 : i32
      %get3A_359 = arith.index_cast %get3A_358 : i32 to index
      %get3A_360 = arith.index_cast %add3A_357 : i32 to index
      %get3A_361 = arith.constant 32 : index
      %get3A_362 = tpu.vector_load %arg8[%get3A_359, %get3A_360, %get3A_361] {strides = array<i32>} : memref<2x200x64xf32, #tpu.memory_space<vmem>>, vector<1x1x16xf32>,
      %get3A_363 = vector.shape_cast %get3A_362 : vector<1x1x16xf32> to vector<16xf32>
      %add3A_364 = arith.addf %scan3A_335, %get3A_363 : vector<16xf32>
      %add3A_365 = arith.constant 0 : i32
      %add3A_366 = arith.addi %mul3A_338, %add3A_365 : i32
      %get3A_367 = arith.constant 0 : i32
      %get3A_368 = arith.index_cast %get3A_367 : i32 to index
      %get3A_369 = arith.index_cast %add3A_366 : i32 to index
      %get3A_370 = arith.constant 48 : index
      %get3A_371 = tpu.vector_load %arg8[%get3A_368, %get3A_369, %get3A_370] {strides = array<i32>} : memref<2x200x64xf32, #tpu.memory_space<vmem>>, vector<1x1x16xf32>,
      %get3A_372 = vector.shape_cast %get3A_371 : vector<1x1x16xf32> to vector<16xf32>
      %add3A_373 = arith.addf %scan3A_336, %get3A_372 : vector<16xf32>
      %add3A_374 = arith.constant 1 : i32
      %add3A_375 = arith.addi %mul3A_338, %add3A_374 : i32
      %get3A_376 = arith.constant 0 : i32
      %get3A_377 = arith.index_cast %get3A_376 : i32 to index
      %get3A_378 = arith.index_cast %add3A_375 : i32 to index
      %get3A_379 = arith.constant 0 : index
      %get3A_380 = tpu.vector_load %arg8[%get3A_377, %get3A_378, %get3A_379] {strides = array<i32>} : memref<2x200x64xf32, #tpu.memory_space<vmem>>, vector<1x1x16xf32>,
      %get3A_381 = vector.shape_cast %get3A_380 : vector<1x1x16xf32> to vector<16xf32>
      %add3A_382 = arith.addf %add3A_346, %get3A_381 : vector<16xf32>
      %add3A_383 = arith.constant 1 : i32
      %add3A_384 = arith.addi %mul3A_338, %add3A_383 : i32
      %get3A_385 = arith.constant 0 : i32
      %get3A_386 = arith.index_cast %get3A_385 : i32 to index
      %get3A_387 = arith.index_cast %add3A_384 : i32 to index
      %get3A_388 = arith.constant 16 : index
      %get3A_389 = tpu.vector_load %arg8[%get3A_386, %get3A_387, %get3A_388] {strides = array<i32>} : memref<2x200x64xf32, #tpu.memory_space<vmem>>, vector<1x1x16xf32>,
      %get3A_390 = vector.shape_cast %get3A_389 : vector<1x1x16xf32> to vector<16xf32>
      %add3A_391 = arith.addf %add3A_355, %get3A_390 : vector<16xf32>
      %add3A_392 = arith.constant 1 : i32
      %add3A_393 = arith.addi %mul3A_338, %add3A_392 : i32
      %get3A_394 = arith.constant 0 : i32
      %get3A_395 = arith.index_cast %get3A_394 : i32 to index
      %get3A_396 = arith.index_cast %add3A_393 : i32 to index
      %get3A_397 = arith.constant 32 : index
      %get3A_398 = tpu.vector_load %arg8[%get3A_395, %get3A_396, %get3A_397] {strides = array<i32>} : memref<2x200x64xf32, #tpu.memory_space<vmem>>, vector<1x1x16xf32>,
      %get3A_399 = vector.shape_cast %get3A_398 : vector<1x1x16xf32> to vector<16xf32>
      %add3A_400 = arith.addf %add3A_364, %get3A_399 : vector<16xf32>
      %add3A_401 = arith.constant 1 : i32
      %add3A_402 = arith.addi %mul3A_338, %add3A_401 : i32
      %get3A_403 = arith.constant 0 : i32
      %get3A_404 = arith.index_cast %get3A_403 : i32 to index
      %get3A_405 = arith.index_cast %add3A_402 : i32 to index
      %get3A_406 = arith.constant 48 : index
      %get3A_407 = tpu.vector_load %arg8[%get3A_404, %get3A_405, %get3A_406] {strides = array<i32>} : memref<2x200x64xf32, #tpu.memory_space<vmem>>, vector<1x1x16xf32>,
      %get3A_408 = vector.shape_cast %get3A_407 : vector<1x1x16xf32> to vector<16xf32>
      %add3A_409 = arith.addf %add3A_373, %get3A_408 : vector<16xf32>
      %add3A_410 = arith.constant 2 : i32
      %add3A_411 = arith.addi %mul3A_338, %add3A_410 : i32
      %get3A_412 = arith.constant 0 : i32
      %get3A_413 = arith.index_cast %get3A_412 : i32 to index
      %get3A_414 = arith.index_cast %add3A_411 : i32 to index
      %get3A_415 = arith.constant 0 : index
      %get3A_416 = tpu.vector_load %arg8[%get3A_413, %get3A_414, %get3A_415] {strides = array<i32>} : memref<2x200x64xf32, #tpu.memory_space<vmem>>, vector<1x1x16xf32>,
      %get3A_417 = vector.shape_cast %get3A_416 : vector<1x1x16xf32> to vector<16xf32>
      %add3A_418 = arith.addf %add3A_382, %get3A_417 : vector<16xf32>
      %add3A_419 = arith.constant 2 : i32
      %add3A_420 = arith.addi %mul3A_338, %add3A_419 : i32
      %get3A_421 = arith.constant 0 : i32
      %get3A_422 = arith.index_cast %get3A_421 : i32 to index
      %get3A_423 = arith.index_cast %add3A_420 : i32 to index
      %get3A_424 = arith.constant 16 : index
      %get3A_425 = tpu.vector_load %arg8[%get3A_422, %get3A_423, %get3A_424] {strides = array<i32>} : memref<2x200x64xf32, #tpu.memory_space<vmem>>, vector<1x1x16xf32>,
      %get3A_426 = vector.shape_cast %get3A_425 : vector<1x1x16xf32> to vector<16xf32>
      %add3A_427 = arith.addf %add3A_391, %get3A_426 : vector<16xf32>
      %add3A_428 = arith.constant 2 : i32
      %add3A_429 = arith.addi %mul3A_338, %add3A_428 : i32
      %get3A_430 = arith.constant 0 : i32
      %get3A_431 = arith.index_cast %get3A_430 : i32 to index
      %get3A_432 = arith.index_cast %add3A_429 : i32 to index
      %get3A_433 = arith.constant 32 : index
      %get3A_434 = tpu.vector_load %arg8[%get3A_431, %get3A_432, %get3A_433] {strides = array<i32>} : memref<2x200x64xf32, #tpu.memory_space<vmem>>, vector<1x1x16xf32>,
      %get3A_435 = vector.shape_cast %get3A_434 : vector<1x1x16xf32> to vector<16xf32>
      %add3A_436 = arith.addf %add3A_400, %get3A_435 : vector<16xf32>
      %add3A_437 = arith.constant 2 : i32
      %add3A_438 = arith.addi %mul3A_338, %add3A_437 : i32
      %get3A_439 = arith.constant 0 : i32
      %get3A_440 = arith.index_cast %get3A_439 : i32 to index
      %get3A_441 = arith.index_cast %add3A_438 : i32 to index
      %get3A_442 = arith.constant 48 : index
      %get3A_443 = tpu.vector_load %arg8[%get3A_440, %get3A_441, %get3A_442] {strides = array<i32>} : memref<2x200x64xf32, #tpu.memory_space<vmem>>, vector<1x1x16xf32>,
      %get3A_444 = vector.shape_cast %get3A_443 : vector<1x1x16xf32> to vector<16xf32>
      %add3A_445 = arith.addf %add3A_409, %get3A_444 : vector<16xf32>
      %add3A_446 = arith.constant 3 : i32
      %add3A_447 = arith.addi %mul3A_338, %add3A_446 : i32
      %get3A_448 = arith.constant 0 : i32
      %get3A_449 = arith.index_cast %get3A_448 : i32 to index
      %get3A_450 = arith.index_cast %add3A_447 : i32 to index
      %get3A_451 = arith.constant 0 : index
      %get3A_452 = tpu.vector_load %arg8[%get3A_449, %get3A_450, %get3A_451] {strides = array<i32>} : memref<2x200x64xf32, #tpu.memory_space<vmem>>, vector<1x1x16xf32>,
      %get3A_453 = vector.shape_cast %get3A_452 : vector<1x1x16xf32> to vector<16xf32>
      %add3A_454 = arith.addf %add3A_418, %get3A_453 : vector<16xf32>
      %add3A_455 = arith.constant 3 : i32
      %add3A_456 = arith.addi %mul3A_338, %add3A_455 : i32
      %get3A_457 = arith.constant 0 : i32
      %get3A_458 = arith.index_cast %get3A_457 : i32 to index
      %get3A_459 = arith.index_cast %add3A_456 : i32 to index
      %get3A_460 = arith.constant 16 : index
      %get3A_461 = tpu.vector_load %arg8[%get3A_458, %get3A_459, %get3A_460] {strides = array<i32>} : memref<2x200x64xf32, #tpu.memory_space<vmem>>, vector<1x1x16xf32>,
      %get3A_462 = vector.shape_cast %get3A_461 : vector<1x1x16xf32> to vector<16xf32>
      %add3A_463 = arith.addf %add3A_427, %get3A_462 : vector<16xf32>
      %add3A_464 = arith.constant 3 : i32
      %add3A_465 = arith.addi %mul3A_338, %add3A_464 : i32
      %get3A_466 = arith.constant 0 : i32
      %get3A_467 = arith.index_cast %get3A_466 : i32 to index
      %get3A_468 = arith.index_cast %add3A_465 : i32 to index
      %get3A_469 = arith.constant 32 : index
      %get3A_470 = tpu.vector_load %arg8[%get3A_467, %get3A_468, %get3A_469] {strides = array<i32>} : memref<2x200x64xf32, #tpu.memory_space<vmem>>, vector<1x1x16xf32>,
      %get3A_471 = vector.shape_cast %get3A_470 : vector<1x1x16xf32> to vector<16xf32>
      %add3A_472 = arith.addf %add3A_436, %get3A_471 : vector<16xf32>
      %add3A_473 = arith.constant 3 : i32
      %add3A_474 = arith.addi %mul3A_338, %add3A_473 : i32
      %get3A_475 = arith.constant 0 : i32
      %get3A_476 = arith.index_cast %get3A_475 : i32 to index
      %get3A_477 = arith.index_cast %add3A_474 : i32 to index
      %get3A_478 = arith.constant 48 : index
      %get3A_479 = tpu.vector_load %arg8[%get3A_476, %get3A_477, %get3A_478] {strides = array<i32>} : memref<2x200x64xf32, #tpu.memory_space<vmem>>, vector<1x1x16xf32>,
      %get3A_480 = vector.shape_cast %get3A_479 : vector<1x1x16xf32> to vector<16xf32>
      %add3A_481 = arith.addf %add3A_445, %get3A_480 : vector<16xf32>
      %add3A_482 = arith.constant 4 : i32
      %add3A_483 = arith.addi %mul3A_338, %add3A_482 : i32
      %get3A_484 = arith.constant 0 : i32
      %get3A_485 = arith.index_cast %get3A_484 : i32 to index
      %get3A_486 = arith.index_cast %add3A_483 : i32 to index
      %get3A_487 = arith.constant 0 : index
      %get3A_488 = tpu.vector_load %arg8[%get3A_485, %get3A_486, %get3A_487] {strides = array<i32>} : memref<2x200x64xf32, #tpu.memory_space<vmem>>, vector<1x1x16xf32>,
      %get3A_489 = vector.shape_cast %get3A_488 : vector<1x1x16xf32> to vector<16xf32>
      %add3A_490 = arith.addf %add3A_454, %get3A_489 : vector<16xf32>
      %add3A_491 = arith.constant 4 : i32
      %add3A_492 = arith.addi %mul3A_338, %add3A_491 : i32
      %get3A_493 = arith.constant 0 : i32
      %get3A_494 = arith.index_cast %get3A_493 : i32 to index
      %get3A_495 = arith.index_cast %add3A_492 : i32 to index
      %get3A_496 = arith.constant 16 : index
      %get3A_497 = tpu.vector_load %arg8[%get3A_494, %get3A_495, %get3A_496] {strides = array<i32>} : memref<2x200x64xf32, #tpu.memory_space<vmem>>, vector<1x1x16xf32>,
      %get3A_498 = vector.shape_cast %get3A_497 : vector<1x1x16xf32> to vector<16xf32>
      %add3A_499 = arith.addf %add3A_463, %get3A_498 : vector<16xf32>
      %add3A_500 = arith.constant 4 : i32
      %add3A_501 = arith.addi %mul3A_338, %add3A_500 : i32
      %get3A_502 = arith.constant 0 : i32
      %get3A_503 = arith.index_cast %get3A_502 : i32 to index
      %get3A_504 = arith.index_cast %add3A_501 : i32 to index
      %get3A_505 = arith.constant 32 : index
      %get3A_506 = tpu.vector_load %arg8[%get3A_503, %get3A_504, %get3A_505] {strides = array<i32>} : memref<2x200x64xf32, #tpu.memory_space<vmem>>, vector<1x1x16xf32>,
      %get3A_507 = vector.shape_cast %get3A_506 : vector<1x1x16xf32> to vector<16xf32>
      %add3A_508 = arith.addf %add3A_472, %get3A_507 : vector<16xf32>
      %add3A_509 = arith.constant 4 : i32
      %add3A_510 = arith.addi %mul3A_338, %add3A_509 : i32
      %get3A_511 = arith.constant 0 : i32
      %get3A_512 = arith.index_cast %get3A_511 : i32 to index
      %get3A_513 = arith.index_cast %add3A_510 : i32 to index
      %get3A_514 = arith.constant 48 : index
      %get3A_515 = tpu.vector_load %arg8[%get3A_512, %get3A_513, %get3A_514] {strides = array<i32>} : memref<2x200x64xf32, #tpu.memory_space<vmem>>, vector<1x1x16xf32>,
      %get3A_516 = vector.shape_cast %get3A_515 : vector<1x1x16xf32> to vector<16xf32>
      %add3A_517 = arith.addf %add3A_481, %get3A_516 : vector<16xf32>
      %add3A_518 = arith.constant 5 : i32
      %add3A_519 = arith.addi %mul3A_338, %add3A_518 : i32
      %get3A_520 = arith.constant 0 : i32
      %get3A_521 = arith.index_cast %get3A_520 : i32 to index
      %get3A_522 = arith.index_cast %add3A_519 : i32 to index
      %get3A_523 = arith.constant 0 : index
      %get3A_524 = tpu.vector_load %arg8[%get3A_521, %get3A_522, %get3A_523] {strides = array<i32>} : memref<2x200x64xf32, #tpu.memory_space<vmem>>, vector<1x1x16xf32>,
      %get3A_525 = vector.shape_cast %get3A_524 : vector<1x1x16xf32> to vector<16xf32>
      %add3A_526 = arith.addf %add3A_490, %get3A_525 : vector<16xf32>
      %add3A_527 = arith.constant 5 : i32
      %add3A_528 = arith.addi %mul3A_338, %add3A_527 : i32
      %get3A_529 = arith.constant 0 : i32
      %get3A_530 = arith.index_cast %get3A_529 : i32 to index
      %get3A_531 = arith.index_cast %add3A_528 : i32 to index
      %get3A_532 = arith.constant 16 : index
      %get3A_533 = tpu.vector_load %arg8[%get3A_530, %get3A_531, %get3A_532] {strides = array<i32>} : memref<2x200x64xf32, #tpu.memory_space<vmem>>, vector<1x1x16xf32>,
      %get3A_534 = vector.shape_cast %get3A_533 : vector<1x1x16xf32> to vector<16xf32>
      %add3A_535 = arith.addf %add3A_499, %get3A_534 : vector<16xf32>
      %add3A_536 = arith.constant 5 : i32
      %add3A_537 = arith.addi %mul3A_338, %add3A_536 : i32
      %get3A_538 = arith.constant 0 : i32
      %get3A_539 = arith.index_cast %get3A_538 : i32 to index
      %get3A_540 = arith.index_cast %add3A_537 : i32 to index
      %get3A_541 = arith.constant 32 : index
      %get3A_542 = tpu.vector_load %arg8[%get3A_539, %get3A_540, %get3A_541] {strides = array<i32>} : memref<2x200x64xf32, #tpu.memory_space<vmem>>, vector<1x1x16xf32>,
      %get3A_543 = vector.shape_cast %get3A_542 : vector<1x1x16xf32> to vector<16xf32>
      %add3A_544 = arith.addf %add3A_508, %get3A_543 : vector<16xf32>
      %add3A_545 = arith.constant 5 : i32
      %add3A_546 = arith.addi %mul3A_338, %add3A_545 : i32
      %get3A_547 = arith.constant 0 : i32
      %get3A_548 = arith.index_cast %get3A_547 : i32 to index
      %get3A_549 = arith.index_cast %add3A_546 : i32 to index
      %get3A_550 = arith.constant 48 : index
      %get3A_551 = tpu.vector_load %arg8[%get3A_548, %get3A_549, %get3A_550] {strides = array<i32>} : memref<2x200x64xf32, #tpu.memory_space<vmem>>, vector<1x1x16xf32>,
      %get3A_552 = vector.shape_cast %get3A_551 : vector<1x1x16xf32> to vector<16xf32>
      %add3A_553 = arith.addf %add3A_517, %get3A_552 : vector<16xf32>
      %add3A_554 = arith.constant 6 : i32
      %add3A_555 = arith.addi %mul3A_338, %add3A_554 : i32
      %get3A_556 = arith.constant 0 : i32
      %get3A_557 = arith.index_cast %get3A_556 : i32 to index
      %get3A_558 = arith.index_cast %add3A_555 : i32 to index
      %get3A_559 = arith.constant 0 : index
      %get3A_560 = tpu.vector_load %arg8[%get3A_557, %get3A_558, %get3A_559] {strides = array<i32>} : memref<2x200x64xf32, #tpu.memory_space<vmem>>, vector<1x1x16xf32>,
      %get3A_561 = vector.shape_cast %get3A_560 : vector<1x1x16xf32> to vector<16xf32>
      %add3A_562 = arith.addf %add3A_526, %get3A_561 : vector<16xf32>
      %add3A_563 = arith.constant 6 : i32
      %add3A_564 = arith.addi %mul3A_338, %add3A_563 : i32
      %get3A_565 = arith.constant 0 : i32
      %get3A_566 = arith.index_cast %get3A_565 : i32 to index
      %get3A_567 = arith.index_cast %add3A_564 : i32 to index
      %get3A_568 = arith.constant 16 : index
      %get3A_569 = tpu.vector_load %arg8[%get3A_566, %get3A_567, %get3A_568] {strides = array<i32>} : memref<2x200x64xf32, #tpu.memory_space<vmem>>, vector<1x1x16xf32>,
      %get3A_570 = vector.shape_cast %get3A_569 : vector<1x1x16xf32> to vector<16xf32>
      %add3A_571 = arith.addf %add3A_535, %get3A_570 : vector<16xf32>
      %add3A_572 = arith.constant 6 : i32
      %add3A_573 = arith.addi %mul3A_338, %add3A_572 : i32
      %get3A_574 = arith.constant 0 : i32
      %get3A_575 = arith.index_cast %get3A_574 : i32 to index
      %get3A_576 = arith.index_cast %add3A_573 : i32 to index
      %get3A_577 = arith.constant 32 : index
      %get3A_578 = tpu.vector_load %arg8[%get3A_575, %get3A_576, %get3A_577] {strides = array<i32>} : memref<2x200x64xf32, #tpu.memory_space<vmem>>, vector<1x1x16xf32>,
      %get3A_579 = vector.shape_cast %get3A_578 : vector<1x1x16xf32> to vector<16xf32>
      %add3A_580 = arith.addf %add3A_544, %get3A_579 : vector<16xf32>
      %add3A_581 = arith.constant 6 : i32
      %add3A_582 = arith.addi %mul3A_338, %add3A_581 : i32
      %get3A_583 = arith.constant 0 : i32
      %get3A_584 = arith.index_cast %get3A_583 : i32 to index
      %get3A_585 = arith.index_cast %add3A_582 : i32 to index
      %get3A_586 = arith.constant 48 : index
      %get3A_587 = tpu.vector_load %arg8[%get3A_584, %get3A_585, %get3A_586] {strides = array<i32>} : memref<2x200x64xf32, #tpu.memory_space<vmem>>, vector<1x1x16xf32>,
      %get3A_588 = vector.shape_cast %get3A_587 : vector<1x1x16xf32> to vector<16xf32>
      %add3A_589 = arith.addf %add3A_553, %get3A_588 : vector<16xf32>
      %add3A_590 = arith.constant 7 : i32
      %add3A_591 = arith.addi %mul3A_338, %add3A_590 : i32
      %get3A_592 = arith.constant 0 : i32
      %get3A_593 = arith.index_cast %get3A_592 : i32 to index
      %get3A_594 = arith.index_cast %add3A_591 : i32 to index
      %get3A_595 = arith.constant 0 : index
      %get3A_596 = tpu.vector_load %arg8[%get3A_593, %get3A_594, %get3A_595] {strides = array<i32>} : memref<2x200x64xf32, #tpu.memory_space<vmem>>, vector<1x1x16xf32>,
      %get3A_597 = vector.shape_cast %get3A_596 : vector<1x1x16xf32> to vector<16xf32>
      %add3A_598 = arith.addf %add3A_562, %get3A_597 : vector<16xf32>
      %add3A_599 = arith.constant 7 : i32
      %add3A_600 = arith.addi %mul3A_338, %add3A_599 : i32
      %get3A_601 = arith.constant 0 : i32
      %get3A_602 = arith.index_cast %get3A_601 : i32 to index
      %get3A_603 = arith.index_cast %add3A_600 : i32 to index
      %get3A_604 = arith.constant 16 : index
      %get3A_605 = tpu.vector_load %arg8[%get3A_602, %get3A_603, %get3A_604] {strides = array<i32>} : memref<2x200x64xf32, #tpu.memory_space<vmem>>, vector<1x1x16xf32>,
      %get3A_606 = vector.shape_cast %get3A_605 : vector<1x1x16xf32> to vector<16xf32>
      %add3A_607 = arith.addf %add3A_571, %get3A_606 : vector<16xf32>
      %add3A_608 = arith.constant 7 : i32
      %add3A_609 = arith.addi %mul3A_338, %add3A_608 : i32
      %get3A_610 = arith.constant 0 : i32
      %get3A_611 = arith.index_cast %get3A_610 : i32 to index
      %get3A_612 = arith.index_cast %add3A_609 : i32 to index
      %get3A_613 = arith.constant 32 : index
      %get3A_614 = tpu.vector_load %arg8[%get3A_611, %get3A_612, %get3A_613] {strides = array<i32>} : memref<2x200x64xf32, #tpu.memory_space<vmem>>, vector<1x1x16xf32>,
      %get3A_615 = vector.shape_cast %get3A_614 : vector<1x1x16xf32> to vector<16xf32>
      %add3A_616 = arith.addf %add3A_580, %get3A_615 : vector<16xf32>
      %add3A_617 = arith.constant 7 : i32
      %add3A_618 = arith.addi %mul3A_338, %add3A_617 : i32
      %get3A_619 = arith.constant 0 : i32
      %get3A_620 = arith.index_cast %get3A_619 : i32 to index
      %get3A_621 = arith.index_cast %add3A_618 : i32 to index
      %get3A_622 = arith.constant 48 : index
      %get3A_623 = tpu.vector_load %arg8[%get3A_620, %get3A_621, %get3A_622] {strides = array<i32>} : memref<2x200x64xf32, #tpu.memory_space<vmem>>, vector<1x1x16xf32>,
      %get3A_624 = vector.shape_cast %get3A_623 : vector<1x1x16xf32> to vector<16xf32>
      %add3A_625 = arith.addf %add3A_589, %get3A_624 : vector<16xf32>
      scf.yield %add3A_598, %add3A_607, %add3A_616, %add3A_625 : vector<16xf32>, vector<16xf32>, vector<16xf32>, vector<16xf32>
    }
    %scan3A_73 = arith.constant 25 : i32
    %mul3A_74 = arith.constant 5.000000e-03 : f32
    %mul3A_75 = vector.broadcast %mul3A_74 : f32 to vector<16xf32>
    %mul3A_76 = arith.mulf %scan3A_72#0, %mul3A_75 : vector<16xf32>
    %swap3A = arith.constant 126 : i32
    %swap3A_77 = arith.index_cast %swap3A : i32 to index
    %swap3A_78 = arith.constant 0 : index
    %swap3A_79 = tpu.vector_load %arg9[%swap3A_77, %swap3A_78] {strides = array<i32>} : memref<128x64xf32, #tpu.memory_space<vmem>>, vector<1x16xf32>,
    %swap3A_80 = vector.shape_cast %swap3A_79 : vector<1x16xf32> to vector<16xf32>
    %swap3A_81 = vector.shape_cast %mul3A_76 : vector<16xf32> to vector<1x16xf32>
    tpu.vector_store %arg9[%swap3A_77, %swap3A_78], %swap3A_81 {strides = array<i32>} : memref<128x64xf32, #tpu.memory_space<vmem>>, vector<1x16xf32>,
    %mul3A_82 = arith.constant 5.000000e-03 : f32
    %mul3A_83 = vector.broadcast %mul3A_82 : f32 to vector<16xf32>
    %mul3A_84 = arith.mulf %scan3A_72#1, %mul3A_83 : vector<16xf32>
    %swap3A_85 = arith.constant 126 : i32
    %swap3A_86 = arith.index_cast %swap3A_85 : i32 to index
    %swap3A_87 = arith.constant 16 : index
    %swap3A_88 = tpu.vector_load %arg9[%swap3A_86, %swap3A_87] {strides = array<i32>} : memref<128x64xf32, #tpu.memory_space<vmem>>, vector<1x16xf32>,
    %swap3A_89 = vector.shape_cast %swap3A_88 : vector<1x16xf32> to vector<16xf32>
    %swap3A_90 = vector.shape_cast %mul3A_84 : vector<16xf32> to vector<1x16xf32>
    tpu.vector_store %arg9[%swap3A_86, %swap3A_87], %swap3A_90 {strides = array<i32>} : memref<128x64xf32, #tpu.memory_space<vmem>>, vector<1x16xf32>,
    %mul3A_91 = arith.constant 5.000000e-03 : f32
    %mul3A_92 = vector.broadcast %mul3A_91 : f32 to vector<16xf32>
    %mul3A_93 = arith.mulf %scan3A_72#2, %mul3A_92 : vector<16xf32>
    %swap3A_94 = arith.constant 126 : i32
    %swap3A_95 = arith.index_cast %swap3A_94 : i32 to index
    %swap3A_96 = arith.constant 32 : index
    %swap3A_97 = tpu.vector_load %arg9[%swap3A_95, %swap3A_96] {strides = array<i32>} : memref<128x64xf32, #tpu.memory_space<vmem>>, vector<1x16xf32>,
    %swap3A_98 = vector.shape_cast %swap3A_97 : vector<1x16xf32> to vector<16xf32>
    %swap3A_99 = vector.shape_cast %mul3A_93 : vector<16xf32> to vector<1x16xf32>
    tpu.vector_store %arg9[%swap3A_95, %swap3A_96], %swap3A_99 {strides = array<i32>} : memref<128x64xf32, #tpu.memory_space<vmem>>, vector<1x16xf32>,
    %mul3A_100 = arith.constant 5.000000e-03 : f32
    %mul3A_101 = vector.broadcast %mul3A_100 : f32 to vector<16xf32>
    %mul3A_102 = arith.mulf %scan3A_72#3, %mul3A_101 : vector<16xf32>
    %swap3A_103 = arith.constant 126 : i32
    %swap3A_104 = arith.index_cast %swap3A_103 : i32 to index
    %swap3A_105 = arith.constant 48 : index
    %swap3A_106 = tpu.vector_load %arg9[%swap3A_104, %swap3A_105] {strides = array<i32>} : memref<128x64xf32, #tpu.memory_space<vmem>>, vector<1x16xf32>,
    %swap3A_107 = vector.shape_cast %swap3A_106 : vector<1x16xf32> to vector<16xf32>
    %swap3A_108 = vector.shape_cast %mul3A_102 : vector<16xf32> to vector<1x16xf32>
    tpu.vector_store %arg9[%swap3A_104, %swap3A_105], %swap3A_108 {strides = array<i32>} : memref<128x64xf32, #tpu.memory_space<vmem>>, vector<1x16xf32>,
    %dma_wait3A_109 = arith.constant 0 : i32
    %dma_wait3A_110 = arith.constant 1 : i32
    %dma_wait3A_111 = arith.constant 0 : i32
    %dma_wait3A_112 = arith.constant 0 : i32
    %dma_wait3A_113 = tpu.memref_slice %arg8[%dma_wait3A_110, %dma_wait3A_111, %dma_wait3A_112] : memref<2x200x64xf32, #tpu.memory_space<vmem>> -> memref<1x200x64xf32, #tpu.memory_space<vmem>>
    %dma_wait3A_114 = tpu.memref_squeeze %dma_wait3A_113 : memref<1x200x64xf32, #tpu.memory_space<vmem>> -> memref<200x64xf32, #tpu.memory_space<vmem>>
    %dma_wait3A_115 = arith.constant 0 : i32
    %dma_wait3A_116 = tpu.memref_slice %arg7[%dma_wait3A_109, %dma_wait3A_115] : memref<128x200xi32, #tpu.memory_space<vmem>> -> memref<1x96xi32, #tpu.memory_space<vmem>>
    %dma_wait3A_117 = tpu.memref_squeeze %dma_wait3A_116 : memref<1x96xi32, #tpu.memory_space<vmem>> -> memref<96xi32, #tpu.memory_space<vmem>>
    %dma_wait3A_118 = arith.constant 0 : i32
    %dma_wait3A_119 = arith.constant 0 : i32
    %dma_wait3A_120 = tpu.memref_slice %arg4[%dma_wait3A_118, %dma_wait3A_119] : memref<100000x64xf32, #tpu.memory_space<hbm>> -> memref<100000x64xf32, #tpu.memory_space<hbm>>
    tpu.wait_indirect_dma semaphore(%arg11 : memref<!tpu.dma_semaphore, #tpu.memory_space<semaphore_mem>>) src(%dma_wait3A_120 : memref<100000x64xf32, #tpu.memory_space<hbm>>) dst(%dma_wait3A_114 : memref<200x64xf32, #tpu.memory_space<vmem>>)
    %broadcast_in_dim3A_121 = arith.constant 0.000000e+00 : f32
    %broadcast_in_dim3A_122 = vector.broadcast %broadcast_in_dim3A_121 : f32 to vector<16xf32>
    %scan3A_123 = arith.constant 0 : i32
    %scan3A_124 = arith.constant 25 : i32
    %scan3A_125 = arith.addi %scan3A_123, %scan3A_124 : i32
    %scan3A_126 = arith.constant 1 : i32
    %scan3A_127:4 = scf.for %scan3A_332 = %scan3A_123 to %scan3A_125 step %scan3A_126 iter_args(%scan3A_333 = %broadcast_in_dim3A_122, %scan3A_334 = %broadcast_in_dim3A_122, %scan3A_335 = %broadcast_in_dim3A_122, %scan3A_336 = %broadcast_in_dim3A_122) -> (vector<16xf32>, vector<16xf32>, vector<16xf32>, vector<16xf32>)  : i32 {
      %mul3A_337 = arith.constant 8 : i32
      %mul3A_338 = arith.muli %scan3A_332, %mul3A_337 : i32
      %add3A_339 = arith.constant 0 : i32
      %add3A_340 = arith.addi %mul3A_338, %add3A_339 : i32
      %get3A = arith.constant 1 : i32
      %get3A_341 = arith.index_cast %get3A : i32 to index
      %get3A_342 = arith.index_cast %add3A_340 : i32 to index
      %get3A_343 = arith.constant 0 : index
      %get3A_344 = tpu.vector_load %arg8[%get3A_341, %get3A_342, %get3A_343] {strides = array<i32>} : memref<2x200x64xf32, #tpu.memory_space<vmem>>, vector<1x1x16xf32>,
      %get3A_345 = vector.shape_cast %get3A_344 : vector<1x1x16xf32> to vector<16xf32>
      %add3A_346 = arith.addf %scan3A_333, %get3A_345 : vector<16xf32>
      %add3A_347 = arith.constant 0 : i32
      %add3A_348 = arith.addi %mul3A_338, %add3A_347 : i32
      %get3A_349 = arith.constant 1 : i32
      %get3A_350 = arith.index_cast %get3A_349 : i32 to index
      %get3A_351 = arith.index_cast %add3A_348 : i32 to index
      %get3A_352 = arith.constant 16 : index
      %get3A_353 = tpu.vector_load %arg8[%get3A_350, %get3A_351, %get3A_352] {strides = array<i32>} : memref<2x200x64xf32, #tpu.memory_space<vmem>>, vector<1x1x16xf32>,
      %get3A_354 = vector.shape_cast %get3A_353 : vector<1x1x16xf32> to vector<16xf32>
      %add3A_355 = arith.addf %scan3A_334, %get3A_354 : vector<16xf32>
      %add3A_356 = arith.constant 0 : i32
      %add3A_357 = arith.addi %mul3A_338, %add3A_356 : i32
      %get3A_358 = arith.constant 1 : i32
      %get3A_359 = arith.index_cast %get3A_358 : i32 to index
      %get3A_360 = arith.index_cast %add3A_357 : i32 to index
      %get3A_361 = arith.constant 32 : index
      %get3A_362 = tpu.vector_load %arg8[%get3A_359, %get3A_360, %get3A_361] {strides = array<i32>} : memref<2x200x64xf32, #tpu.memory_space<vmem>>, vector<1x1x16xf32>,
      %get3A_363 = vector.shape_cast %get3A_362 : vector<1x1x16xf32> to vector<16xf32>
      %add3A_364 = arith.addf %scan3A_335, %get3A_363 : vector<16xf32>
      %add3A_365 = arith.constant 0 : i32
      %add3A_366 = arith.addi %mul3A_338, %add3A_365 : i32
      %get3A_367 = arith.constant 1 : i32
      %get3A_368 = arith.index_cast %get3A_367 : i32 to index
      %get3A_369 = arith.index_cast %add3A_366 : i32 to index
      %get3A_370 = arith.constant 48 : index
      %get3A_371 = tpu.vector_load %arg8[%get3A_368, %get3A_369, %get3A_370] {strides = array<i32>} : memref<2x200x64xf32, #tpu.memory_space<vmem>>, vector<1x1x16xf32>,
      %get3A_372 = vector.shape_cast %get3A_371 : vector<1x1x16xf32> to vector<16xf32>
      %add3A_373 = arith.addf %scan3A_336, %get3A_372 : vector<16xf32>
      %add3A_374 = arith.constant 1 : i32
      %add3A_375 = arith.addi %mul3A_338, %add3A_374 : i32
      %get3A_376 = arith.constant 1 : i32
      %get3A_377 = arith.index_cast %get3A_376 : i32 to index
      %get3A_378 = arith.index_cast %add3A_375 : i32 to index
      %get3A_379 = arith.constant 0 : index
      %get3A_380 = tpu.vector_load %arg8[%get3A_377, %get3A_378, %get3A_379] {strides = array<i32>} : memref<2x200x64xf32, #tpu.memory_space<vmem>>, vector<1x1x16xf32>,
      %get3A_381 = vector.shape_cast %get3A_380 : vector<1x1x16xf32> to vector<16xf32>
      %add3A_382 = arith.addf %add3A_346, %get3A_381 : vector<16xf32>
      %add3A_383 = arith.constant 1 : i32
      %add3A_384 = arith.addi %mul3A_338, %add3A_383 : i32
      %get3A_385 = arith.constant 1 : i32
      %get3A_386 = arith.index_cast %get3A_385 : i32 to index
      %get3A_387 = arith.index_cast %add3A_384 : i32 to index
      %get3A_388 = arith.constant 16 : index
      %get3A_389 = tpu.vector_load %arg8[%get3A_386, %get3A_387, %get3A_388] {strides = array<i32>} : memref<2x200x64xf32, #tpu.memory_space<vmem>>, vector<1x1x16xf32>,
      %get3A_390 = vector.shape_cast %get3A_389 : vector<1x1x16xf32> to vector<16xf32>
      %add3A_391 = arith.addf %add3A_355, %get3A_390 : vector<16xf32>
      %add3A_392 = arith.constant 1 : i32
      %add3A_393 = arith.addi %mul3A_338, %add3A_392 : i32
      %get3A_394 = arith.constant 1 : i32
      %get3A_395 = arith.index_cast %get3A_394 : i32 to index
      %get3A_396 = arith.index_cast %add3A_393 : i32 to index
      %get3A_397 = arith.constant 32 : index
      %get3A_398 = tpu.vector_load %arg8[%get3A_395, %get3A_396, %get3A_397] {strides = array<i32>} : memref<2x200x64xf32, #tpu.memory_space<vmem>>, vector<1x1x16xf32>,
      %get3A_399 = vector.shape_cast %get3A_398 : vector<1x1x16xf32> to vector<16xf32>
      %add3A_400 = arith.addf %add3A_364, %get3A_399 : vector<16xf32>
      %add3A_401 = arith.constant 1 : i32
      %add3A_402 = arith.addi %mul3A_338, %add3A_401 : i32
      %get3A_403 = arith.constant 1 : i32
      %get3A_404 = arith.index_cast %get3A_403 : i32 to index
      %get3A_405 = arith.index_cast %add3A_402 : i32 to index
      %get3A_406 = arith.constant 48 : index
      %get3A_407 = tpu.vector_load %arg8[%get3A_404, %get3A_405, %get3A_406] {strides = array<i32>} : memref<2x200x64xf32, #tpu.memory_space<vmem>>, vector<1x1x16xf32>,
      %get3A_408 = vector.shape_cast %get3A_407 : vector<1x1x16xf32> to vector<16xf32>
      %add3A_409 = arith.addf %add3A_373, %get3A_408 : vector<16xf32>
      %add3A_410 = arith.constant 2 : i32
      %add3A_411 = arith.addi %mul3A_338, %add3A_410 : i32
      %get3A_412 = arith.constant 1 : i32
      %get3A_413 = arith.index_cast %get3A_412 : i32 to index
      %get3A_414 = arith.index_cast %add3A_411 : i32 to index
      %get3A_415 = arith.constant 0 : index
      %get3A_416 = tpu.vector_load %arg8[%get3A_413, %get3A_414, %get3A_415] {strides = array<i32>} : memref<2x200x64xf32, #tpu.memory_space<vmem>>, vector<1x1x16xf32>,
      %get3A_417 = vector.shape_cast %get3A_416 : vector<1x1x16xf32> to vector<16xf32>
      %add3A_418 = arith.addf %add3A_382, %get3A_417 : vector<16xf32>
      %add3A_419 = arith.constant 2 : i32
      %add3A_420 = arith.addi %mul3A_338, %add3A_419 : i32
      %get3A_421 = arith.constant 1 : i32
      %get3A_422 = arith.index_cast %get3A_421 : i32 to index
      %get3A_423 = arith.index_cast %add3A_420 : i32 to index
      %get3A_424 = arith.constant 16 : index
      %get3A_425 = tpu.vector_load %arg8[%get3A_422, %get3A_423, %get3A_424] {strides = array<i32>} : memref<2x200x64xf32, #tpu.memory_space<vmem>>, vector<1x1x16xf32>,
      %get3A_426 = vector.shape_cast %get3A_425 : vector<1x1x16xf32> to vector<16xf32>
      %add3A_427 = arith.addf %add3A_391, %get3A_426 : vector<16xf32>
      %add3A_428 = arith.constant 2 : i32
      %add3A_429 = arith.addi %mul3A_338, %add3A_428 : i32
      %get3A_430 = arith.constant 1 : i32
      %get3A_431 = arith.index_cast %get3A_430 : i32 to index
      %get3A_432 = arith.index_cast %add3A_429 : i32 to index
      %get3A_433 = arith.constant 32 : index
      %get3A_434 = tpu.vector_load %arg8[%get3A_431, %get3A_432, %get3A_433] {strides = array<i32>} : memref<2x200x64xf32, #tpu.memory_space<vmem>>, vector<1x1x16xf32>,
      %get3A_435 = vector.shape_cast %get3A_434 : vector<1x1x16xf32> to vector<16xf32>
      %add3A_436 = arith.addf %add3A_400, %get3A_435 : vector<16xf32>
      %add3A_437 = arith.constant 2 : i32
      %add3A_438 = arith.addi %mul3A_338, %add3A_437 : i32
      %get3A_439 = arith.constant 1 : i32
      %get3A_440 = arith.index_cast %get3A_439 : i32 to index
      %get3A_441 = arith.index_cast %add3A_438 : i32 to index
      %get3A_442 = arith.constant 48 : index
      %get3A_443 = tpu.vector_load %arg8[%get3A_440, %get3A_441, %get3A_442] {strides = array<i32>} : memref<2x200x64xf32, #tpu.memory_space<vmem>>, vector<1x1x16xf32>,
      %get3A_444 = vector.shape_cast %get3A_443 : vector<1x1x16xf32> to vector<16xf32>
      %add3A_445 = arith.addf %add3A_409, %get3A_444 : vector<16xf32>
      %add3A_446 = arith.constant 3 : i32
      %add3A_447 = arith.addi %mul3A_338, %add3A_446 : i32
      %get3A_448 = arith.constant 1 : i32
      %get3A_449 = arith.index_cast %get3A_448 : i32 to index
      %get3A_450 = arith.index_cast %add3A_447 : i32 to index
      %get3A_451 = arith.constant 0 : index
      %get3A_452 = tpu.vector_load %arg8[%get3A_449, %get3A_450, %get3A_451] {strides = array<i32>} : memref<2x200x64xf32, #tpu.memory_space<vmem>>, vector<1x1x16xf32>,
      %get3A_453 = vector.shape_cast %get3A_452 : vector<1x1x16xf32> to vector<16xf32>
      %add3A_454 = arith.addf %add3A_418, %get3A_453 : vector<16xf32>
      %add3A_455 = arith.constant 3 : i32
      %add3A_456 = arith.addi %mul3A_338, %add3A_455 : i32
      %get3A_457 = arith.constant 1 : i32
      %get3A_458 = arith.index_cast %get3A_457 : i32 to index
      %get3A_459 = arith.index_cast %add3A_456 : i32 to index
      %get3A_460 = arith.constant 16 : index
      %get3A_461 = tpu.vector_load %arg8[%get3A_458, %get3A_459, %get3A_460] {strides = array<i32>} : memref<2x200x64xf32, #tpu.memory_space<vmem>>, vector<1x1x16xf32>,
      %get3A_462 = vector.shape_cast %get3A_461 : vector<1x1x16xf32> to vector<16xf32>
      %add3A_463 = arith.addf %add3A_427, %get3A_462 : vector<16xf32>
      %add3A_464 = arith.constant 3 : i32
      %add3A_465 = arith.addi %mul3A_338, %add3A_464 : i32
      %get3A_466 = arith.constant 1 : i32
      %get3A_467 = arith.index_cast %get3A_466 : i32 to index
      %get3A_468 = arith.index_cast %add3A_465 : i32 to index
      %get3A_469 = arith.constant 32 : index
      %get3A_470 = tpu.vector_load %arg8[%get3A_467, %get3A_468, %get3A_469] {strides = array<i32>} : memref<2x200x64xf32, #tpu.memory_space<vmem>>, vector<1x1x16xf32>,
      %get3A_471 = vector.shape_cast %get3A_470 : vector<1x1x16xf32> to vector<16xf32>
      %add3A_472 = arith.addf %add3A_436, %get3A_471 : vector<16xf32>
      %add3A_473 = arith.constant 3 : i32
      %add3A_474 = arith.addi %mul3A_338, %add3A_473 : i32
      %get3A_475 = arith.constant 1 : i32
      %get3A_476 = arith.index_cast %get3A_475 : i32 to index
      %get3A_477 = arith.index_cast %add3A_474 : i32 to index
      %get3A_478 = arith.constant 48 : index
      %get3A_479 = tpu.vector_load %arg8[%get3A_476, %get3A_477, %get3A_478] {strides = array<i32>} : memref<2x200x64xf32, #tpu.memory_space<vmem>>, vector<1x1x16xf32>,
      %get3A_480 = vector.shape_cast %get3A_479 : vector<1x1x16xf32> to vector<16xf32>
      %add3A_481 = arith.addf %add3A_445, %get3A_480 : vector<16xf32>
      %add3A_482 = arith.constant 4 : i32
      %add3A_483 = arith.addi %mul3A_338, %add3A_482 : i32
      %get3A_484 = arith.constant 1 : i32
      %get3A_485 = arith.index_cast %get3A_484 : i32 to index
      %get3A_486 = arith.index_cast %add3A_483 : i32 to index
      %get3A_487 = arith.constant 0 : index
      %get3A_488 = tpu.vector_load %arg8[%get3A_485, %get3A_486, %get3A_487] {strides = array<i32>} : memref<2x200x64xf32, #tpu.memory_space<vmem>>, vector<1x1x16xf32>,
      %get3A_489 = vector.shape_cast %get3A_488 : vector<1x1x16xf32> to vector<16xf32>
      %add3A_490 = arith.addf %add3A_454, %get3A_489 : vector<16xf32>
      %add3A_491 = arith.constant 4 : i32
      %add3A_492 = arith.addi %mul3A_338, %add3A_491 : i32
      %get3A_493 = arith.constant 1 : i32
      %get3A_494 = arith.index_cast %get3A_493 : i32 to index
      %get3A_495 = arith.index_cast %add3A_492 : i32 to index
      %get3A_496 = arith.constant 16 : index
      %get3A_497 = tpu.vector_load %arg8[%get3A_494, %get3A_495, %get3A_496] {strides = array<i32>} : memref<2x200x64xf32, #tpu.memory_space<vmem>>, vector<1x1x16xf32>,
      %get3A_498 = vector.shape_cast %get3A_497 : vector<1x1x16xf32> to vector<16xf32>
      %add3A_499 = arith.addf %add3A_463, %get3A_498 : vector<16xf32>
      %add3A_500 = arith.constant 4 : i32
      %add3A_501 = arith.addi %mul3A_338, %add3A_500 : i32
      %get3A_502 = arith.constant 1 : i32
      %get3A_503 = arith.index_cast %get3A_502 : i32 to index
      %get3A_504 = arith.index_cast %add3A_501 : i32 to index
      %get3A_505 = arith.constant 32 : index
      %get3A_506 = tpu.vector_load %arg8[%get3A_503, %get3A_504, %get3A_505] {strides = array<i32>} : memref<2x200x64xf32, #tpu.memory_space<vmem>>, vector<1x1x16xf32>,
      %get3A_507 = vector.shape_cast %get3A_506 : vector<1x1x16xf32> to vector<16xf32>
      %add3A_508 = arith.addf %add3A_472, %get3A_507 : vector<16xf32>
      %add3A_509 = arith.constant 4 : i32
      %add3A_510 = arith.addi %mul3A_338, %add3A_509 : i32
      %get3A_511 = arith.constant 1 : i32
      %get3A_512 = arith.index_cast %get3A_511 : i32 to index
      %get3A_513 = arith.index_cast %add3A_510 : i32 to index
      %get3A_514 = arith.constant 48 : index
      %get3A_515 = tpu.vector_load %arg8[%get3A_512, %get3A_513, %get3A_514] {strides = array<i32>} : memref<2x200x64xf32, #tpu.memory_space<vmem>>, vector<1x1x16xf32>,
      %get3A_516 = vector.shape_cast %get3A_515 : vector<1x1x16xf32> to vector<16xf32>
      %add3A_517 = arith.addf %add3A_481, %get3A_516 : vector<16xf32>
      %add3A_518 = arith.constant 5 : i32
      %add3A_519 = arith.addi %mul3A_338, %add3A_518 : i32
      %get3A_520 = arith.constant 1 : i32
      %get3A_521 = arith.index_cast %get3A_520 : i32 to index
      %get3A_522 = arith.index_cast %add3A_519 : i32 to index
      %get3A_523 = arith.constant 0 : index
      %get3A_524 = tpu.vector_load %arg8[%get3A_521, %get3A_522, %get3A_523] {strides = array<i32>} : memref<2x200x64xf32, #tpu.memory_space<vmem>>, vector<1x1x16xf32>,
      %get3A_525 = vector.shape_cast %get3A_524 : vector<1x1x16xf32> to vector<16xf32>
      %add3A_526 = arith.addf %add3A_490, %get3A_525 : vector<16xf32>
      %add3A_527 = arith.constant 5 : i32
      %add3A_528 = arith.addi %mul3A_338, %add3A_527 : i32
      %get3A_529 = arith.constant 1 : i32
      %get3A_530 = arith.index_cast %get3A_529 : i32 to index
      %get3A_531 = arith.index_cast %add3A_528 : i32 to index
      %get3A_532 = arith.constant 16 : index
      %get3A_533 = tpu.vector_load %arg8[%get3A_530, %get3A_531, %get3A_532] {strides = array<i32>} : memref<2x200x64xf32, #tpu.memory_space<vmem>>, vector<1x1x16xf32>,
      %get3A_534 = vector.shape_cast %get3A_533 : vector<1x1x16xf32> to vector<16xf32>
      %add3A_535 = arith.addf %add3A_499, %get3A_534 : vector<16xf32>
      %add3A_536 = arith.constant 5 : i32
      %add3A_537 = arith.addi %mul3A_338, %add3A_536 : i32
      %get3A_538 = arith.constant 1 : i32
      %get3A_539 = arith.index_cast %get3A_538 : i32 to index
      %get3A_540 = arith.index_cast %add3A_537 : i32 to index
      %get3A_541 = arith.constant 32 : index
      %get3A_542 = tpu.vector_load %arg8[%get3A_539, %get3A_540, %get3A_541] {strides = array<i32>} : memref<2x200x64xf32, #tpu.memory_space<vmem>>, vector<1x1x16xf32>,
      %get3A_543 = vector.shape_cast %get3A_542 : vector<1x1x16xf32> to vector<16xf32>
      %add3A_544 = arith.addf %add3A_508, %get3A_543 : vector<16xf32>
      %add3A_545 = arith.constant 5 : i32
      %add3A_546 = arith.addi %mul3A_338, %add3A_545 : i32
      %get3A_547 = arith.constant 1 : i32
      %get3A_548 = arith.index_cast %get3A_547 : i32 to index
      %get3A_549 = arith.index_cast %add3A_546 : i32 to index
      %get3A_550 = arith.constant 48 : index
      %get3A_551 = tpu.vector_load %arg8[%get3A_548, %get3A_549, %get3A_550] {strides = array<i32>} : memref<2x200x64xf32, #tpu.memory_space<vmem>>, vector<1x1x16xf32>,
      %get3A_552 = vector.shape_cast %get3A_551 : vector<1x1x16xf32> to vector<16xf32>
      %add3A_553 = arith.addf %add3A_517, %get3A_552 : vector<16xf32>
      %add3A_554 = arith.constant 6 : i32
      %add3A_555 = arith.addi %mul3A_338, %add3A_554 : i32
      %get3A_556 = arith.constant 1 : i32
      %get3A_557 = arith.index_cast %get3A_556 : i32 to index
      %get3A_558 = arith.index_cast %add3A_555 : i32 to index
      %get3A_559 = arith.constant 0 : index
      %get3A_560 = tpu.vector_load %arg8[%get3A_557, %get3A_558, %get3A_559] {strides = array<i32>} : memref<2x200x64xf32, #tpu.memory_space<vmem>>, vector<1x1x16xf32>,
      %get3A_561 = vector.shape_cast %get3A_560 : vector<1x1x16xf32> to vector<16xf32>
      %add3A_562 = arith.addf %add3A_526, %get3A_561 : vector<16xf32>
      %add3A_563 = arith.constant 6 : i32
      %add3A_564 = arith.addi %mul3A_338, %add3A_563 : i32
      %get3A_565 = arith.constant 1 : i32
      %get3A_566 = arith.index_cast %get3A_565 : i32 to index
      %get3A_567 = arith.index_cast %add3A_564 : i32 to index
      %get3A_568 = arith.constant 16 : index
      %get3A_569 = tpu.vector_load %arg8[%get3A_566, %get3A_567, %get3A_568] {strides = array<i32>} : memref<2x200x64xf32, #tpu.memory_space<vmem>>, vector<1x1x16xf32>,
      %get3A_570 = vector.shape_cast %get3A_569 : vector<1x1x16xf32> to vector<16xf32>
      %add3A_571 = arith.addf %add3A_535, %get3A_570 : vector<16xf32>
      %add3A_572 = arith.constant 6 : i32
      %add3A_573 = arith.addi %mul3A_338, %add3A_572 : i32
      %get3A_574 = arith.constant 1 : i32
      %get3A_575 = arith.index_cast %get3A_574 : i32 to index
      %get3A_576 = arith.index_cast %add3A_573 : i32 to index
      %get3A_577 = arith.constant 32 : index
      %get3A_578 = tpu.vector_load %arg8[%get3A_575, %get3A_576, %get3A_577] {strides = array<i32>} : memref<2x200x64xf32, #tpu.memory_space<vmem>>, vector<1x1x16xf32>,
      %get3A_579 = vector.shape_cast %get3A_578 : vector<1x1x16xf32> to vector<16xf32>
      %add3A_580 = arith.addf %add3A_544, %get3A_579 : vector<16xf32>
      %add3A_581 = arith.constant 6 : i32
      %add3A_582 = arith.addi %mul3A_338, %add3A_581 : i32
      %get3A_583 = arith.constant 1 : i32
      %get3A_584 = arith.index_cast %get3A_583 : i32 to index
      %get3A_585 = arith.index_cast %add3A_582 : i32 to index
      %get3A_586 = arith.constant 48 : index
      %get3A_587 = tpu.vector_load %arg8[%get3A_584, %get3A_585, %get3A_586] {strides = array<i32>} : memref<2x200x64xf32, #tpu.memory_space<vmem>>, vector<1x1x16xf32>,
      %get3A_588 = vector.shape_cast %get3A_587 : vector<1x1x16xf32> to vector<16xf32>
      %add3A_589 = arith.addf %add3A_553, %get3A_588 : vector<16xf32>
      %add3A_590 = arith.constant 7 : i32
      %add3A_591 = arith.addi %mul3A_338, %add3A_590 : i32
      %get3A_592 = arith.constant 1 : i32
      %get3A_593 = arith.index_cast %get3A_592 : i32 to index
      %get3A_594 = arith.index_cast %add3A_591 : i32 to index
      %get3A_595 = arith.constant 0 : index
      %get3A_596 = tpu.vector_load %arg8[%get3A_593, %get3A_594, %get3A_595] {strides = array<i32>} : memref<2x200x64xf32, #tpu.memory_space<vmem>>, vector<1x1x16xf32>,
      %get3A_597 = vector.shape_cast %get3A_596 : vector<1x1x16xf32> to vector<16xf32>
      %add3A_598 = arith.addf %add3A_562, %get3A_597 : vector<16xf32>
      %add3A_599 = arith.constant 7 : i32
      %add3A_600 = arith.addi %mul3A_338, %add3A_599 : i32
      %get3A_601 = arith.constant 1 : i32
      %get3A_602 = arith.index_cast %get3A_601 : i32 to index
      %get3A_603 = arith.index_cast %add3A_600 : i32 to index
      %get3A_604 = arith.constant 16 : index
      %get3A_605 = tpu.vector_load %arg8[%get3A_602, %get3A_603, %get3A_604] {strides = array<i32>} : memref<2x200x64xf32, #tpu.memory_space<vmem>>, vector<1x1x16xf32>,
      %get3A_606 = vector.shape_cast %get3A_605 : vector<1x1x16xf32> to vector<16xf32>
      %add3A_607 = arith.addf %add3A_571, %get3A_606 : vector<16xf32>
      %add3A_608 = arith.constant 7 : i32
      %add3A_609 = arith.addi %mul3A_338, %add3A_608 : i32
      %get3A_610 = arith.constant 1 : i32
      %get3A_611 = arith.index_cast %get3A_610 : i32 to index
      %get3A_612 = arith.index_cast %add3A_609 : i32 to index
      %get3A_613 = arith.constant 32 : index
      %get3A_614 = tpu.vector_load %arg8[%get3A_611, %get3A_612, %get3A_613] {strides = array<i32>} : memref<2x200x64xf32, #tpu.memory_space<vmem>>, vector<1x1x16xf32>,
      %get3A_615 = vector.shape_cast %get3A_614 : vector<1x1x16xf32> to vector<16xf32>
      %add3A_616 = arith.addf %add3A_580, %get3A_615 : vector<16xf32>
      %add3A_617 = arith.constant 7 : i32
      %add3A_618 = arith.addi %mul3A_338, %add3A_617 : i32
      %get3A_619 = arith.constant 1 : i32
      %get3A_620 = arith.index_cast %get3A_619 : i32 to index
      %get3A_621 = arith.index_cast %add3A_618 : i32 to index
      %get3A_622 = arith.constant 48 : index
      %get3A_623 = tpu.vector_load %arg8[%get3A_620, %get3A_621, %get3A_622] {strides = array<i32>} : memref<2x200x64xf32, #tpu.memory_space<vmem>>, vector<1x1x16xf32>,
      %get3A_624 = vector.shape_cast %get3A_623 : vector<1x1x16xf32> to vector<16xf32>
      %add3A_625 = arith.addf %add3A_589, %get3A_624 : vector<16xf32>
      scf.yield %add3A_598, %add3A_607, %add3A_616, %add3A_625 : vector<16xf32>, vector<16xf32>, vector<16xf32>, vector<16xf32>
    }
    %scan3A_128 = arith.constant 25 : i32
    %mul3A_129 = arith.constant 5.000000e-03 : f32
    %mul3A_130 = vector.broadcast %mul3A_129 : f32 to vector<16xf32>
    %mul3A_131 = arith.mulf %scan3A_127#0, %mul3A_130 : vector<16xf32>
    %swap3A_132 = arith.constant 127 : i32
    %swap3A_133 = arith.index_cast %swap3A_132 : i32 to index
    %swap3A_134 = arith.constant 0 : index
    %swap3A_135 = tpu.vector_load %arg9[%swap3A_133, %swap3A_134] {strides = array<i32>} : memref<128x64xf32, #tpu.memory_space<vmem>>, vector<1x16xf32>,
    %swap3A_136 = vector.shape_cast %swap3A_135 : vector<1x16xf32> to vector<16xf32>
    %swap3A_137 = vector.shape_cast %mul3A_131 : vector<16xf32> to vector<1x16xf32>
    tpu.vector_store %arg9[%swap3A_133, %swap3A_134], %swap3A_137 {strides = array<i32>} : memref<128x64xf32, #tpu.memory_space<vmem>>, vector<1x16xf32>,
    %mul3A_138 = arith.constant 5.000000e-03 : f32
    %mul3A_139 = vector.broadcast %mul3A_138 : f32 to vector<16xf32>
    %mul3A_140 = arith.mulf %scan3A_127#1, %mul3A_139 : vector<16xf32>
    %swap3A_141 = arith.constant 127 : i32
    %swap3A_142 = arith.index_cast %swap3A_141 : i32 to index
    %swap3A_143 = arith.constant 16 : index
    %swap3A_144 = tpu.vector_load %arg9[%swap3A_142, %swap3A_143] {strides = array<i32>} : memref<128x64xf32, #tpu.memory_space<vmem>>, vector<1x16xf32>,
    %swap3A_145 = vector.shape_cast %swap3A_144 : vector<1x16xf32> to vector<16xf32>
    %swap3A_146 = vector.shape_cast %mul3A_140 : vector<16xf32> to vector<1x16xf32>
    tpu.vector_store %arg9[%swap3A_142, %swap3A_143], %swap3A_146 {strides = array<i32>} : memref<128x64xf32, #tpu.memory_space<vmem>>, vector<1x16xf32>,
    %mul3A_147 = arith.constant 5.000000e-03 : f32
    %mul3A_148 = vector.broadcast %mul3A_147 : f32 to vector<16xf32>
    %mul3A_149 = arith.mulf %scan3A_127#2, %mul3A_148 : vector<16xf32>
    %swap3A_150 = arith.constant 127 : i32
    %swap3A_151 = arith.index_cast %swap3A_150 : i32 to index
    %swap3A_152 = arith.constant 32 : index
    %swap3A_153 = tpu.vector_load %arg9[%swap3A_151, %swap3A_152] {strides = array<i32>} : memref<128x64xf32, #tpu.memory_space<vmem>>, vector<1x16xf32>,
    %swap3A_154 = vector.shape_cast %swap3A_153 : vector<1x16xf32> to vector<16xf32>
    %swap3A_155 = vector.shape_cast %mul3A_149 : vector<16xf32> to vector<1x16xf32>
    tpu.vector_store %arg9[%swap3A_151, %swap3A_152], %swap3A_155 {strides = array<i32>} : memref<128x64xf32, #tpu.memory_space<vmem>>, vector<1x16xf32>,
    %mul3A_156 = arith.constant 5.000000e-03 : f32
    %mul3A_157 = vector.broadcast %mul3A_156 : f32 to vector<16xf32>
    %mul3A_158 = arith.mulf %scan3A_127#3, %mul3A_157 : vector<16xf32>
    %swap3A_159 = arith.constant 127 : i32
    %swap3A_160 = arith.index_cast %swap3A_159 : i32 to index
    %swap3A_161 = arith.constant 48 : index
    %swap3A_162 = tpu.vector_load %arg9[%swap3A_160, %swap3A_161] {strides = array<i32>} : memref<128x64xf32, #tpu.memory_space<vmem>>, vector<1x16xf32>,
    %swap3A_163 = vector.shape_cast %swap3A_162 : vector<1x16xf32> to vector<16xf32>
    %swap3A_164 = vector.shape_cast %mul3A_158 : vector<16xf32> to vector<1x16xf32>
    tpu.vector_store %arg9[%swap3A_160, %swap3A_161], %swap3A_164 {strides = array<i32>} : memref<128x64xf32, #tpu.memory_space<vmem>>, vector<1x16xf32>,
    "tpu.region"() ({
      %run_scoped3A = tpu.sem_alloc : memref<!tpu.dma_semaphore, #tpu.memory_space<semaphore_mem>>
      %dma_start3A_332 = arith.constant 0 : i32
      %dma_start3A_333 = tpu.memref_slice %arg5[%mul3A_2, %dma_start3A_332] : memref<4096x64xf32, #tpu.memory_space<hbm>> -> memref<128x64xf32, #tpu.memory_space<hbm>>
      %dma_start3A_334 = arith.constant 0 : i32
      %dma_start3A_335 = tpu.memref_slice %arg5[%mul3A_2, %dma_start3A_334] : memref<4096x64xf32, #tpu.memory_space<hbm>> -> memref<128x64xf32, #tpu.memory_space<hbm>>
      tpu.enqueue_dma source(%arg9 : memref<128x64xf32, #tpu.memory_space<vmem>>) target(%dma_start3A_335 : memref<128x64xf32, #tpu.memory_space<hbm>>) target_semaphore(%run_scoped3A : memref<!tpu.dma_semaphore, #tpu.memory_space<semaphore_mem>>)
      %dma_wait3A_336 = arith.constant 0 : i32
      %dma_wait3A_337 = tpu.memref_slice %arg5[%mul3A_2, %dma_wait3A_336] : memref<4096x64xf32, #tpu.memory_space<hbm>> -> memref<128x64xf32, #tpu.memory_space<hbm>>
      %dma_wait3A_338 = arith.constant 0 : i32
      %dma_wait3A_339 = tpu.memref_slice %arg5[%mul3A_2, %dma_wait3A_338] : memref<4096x64xf32, #tpu.memory_space<hbm>> -> memref<128x64xf32, #tpu.memory_space<hbm>>
      tpu.wait_dma2 semaphore(%run_scoped3A : memref<!tpu.dma_semaphore, #tpu.memory_space<semaphore_mem>>) src(%arg9 : memref<128x64xf32, #tpu.memory_space<vmem>>) dst(%dma_wait3A_339 : memref<128x64xf32, #tpu.memory_space<hbm>>)
      tpu.yield
    }) : () -> ()
    "tpu.region"() ({
      %run_scoped3A = tpu.sem_alloc : memref<!tpu.dma_semaphore, #tpu.memory_space<semaphore_mem>>
      %dma_start3A_332 = arith.constant 0 : i32
      %dma_start3A_333 = tpu.memref_slice %arg3[%mul3A_2, %dma_start3A_332] : memref<4096x200xi32, #tpu.memory_space<hbm>> -> memref<128x200xi32, #tpu.memory_space<hbm>>
      %dma_start3A_334 = arith.constant 0 : i32
      %dma_start3A_335 = tpu.memref_slice %arg3[%mul3A_2, %dma_start3A_334] : memref<4096x200xi32, #tpu.memory_space<hbm>> -> memref<128x200xi32, #tpu.memory_space<hbm>>
      tpu.enqueue_dma source(%dma_start3A_335 : memref<128x200xi32, #tpu.memory_space<hbm>>) target(%arg7 : memref<128x200xi32, #tpu.memory_space<vmem>>) target_semaphore(%run_scoped3A : memref<!tpu.dma_semaphore, #tpu.memory_space<semaphore_mem>>)
      %dma_wait3A_336 = arith.constant 0 : i32
      %dma_wait3A_337 = tpu.memref_slice %arg3[%mul3A_2, %dma_wait3A_336] : memref<4096x200xi32, #tpu.memory_space<hbm>> -> memref<128x200xi32, #tpu.memory_space<hbm>>
      %dma_wait3A_338 = arith.constant 0 : i32
      %dma_wait3A_339 = tpu.memref_slice %arg3[%mul3A_2, %dma_wait3A_338] : memref<4096x200xi32, #tpu.memory_space<hbm>> -> memref<128x200xi32, #tpu.memory_space<hbm>>
      tpu.wait_dma2 semaphore(%run_scoped3A : memref<!tpu.dma_semaphore, #tpu.memory_space<semaphore_mem>>) src(%dma_wait3A_339 : memref<128x200xi32, #tpu.memory_space<hbm>>) dst(%arg7 : memref<128x200xi32, #tpu.memory_space<vmem>>)
      tpu.yield
    }) : () -> ()
    %dma_start3A_165 = arith.constant 0 : i32
    %dma_start3A_166 = arith.constant 0 : i32
    %dma_start3A_167 = arith.constant 0 : i32
    %dma_start3A_168 = arith.constant 0 : i32
    %dma_start3A_169 = tpu.memref_slice %arg8[%dma_start3A_166, %dma_start3A_167, %dma_start3A_168] : memref<2x200x64xf32, #tpu.memory_space<vmem>> -> memref<1x96x64xf32, #tpu.memory_space<vmem>>
    %dma_start3A_170 = tpu.memref_squeeze %dma_start3A_169 : memref<1x96x64xf32, #tpu.memory_space<vmem>> -> memref<96x64xf32, #tpu.memory_space<vmem>>
    %dma_start3A_171 = arith.constant 0 : i32
    %dma_start3A_172 = tpu.memref_slice %arg7[%dma_start3A_165, %dma_start3A_171] : memref<128x200xi32, #tpu.memory_space<vmem>> -> memref<1x96xi32, #tpu.memory_space<vmem>>
    %dma_start3A_173 = tpu.memref_squeeze %dma_start3A_172 : memref<1x96xi32, #tpu.memory_space<vmem>> -> memref<96xi32, #tpu.memory_space<vmem>>
    %dma_start3A_174 = arith.constant 0 : i32
    %dma_start3A_175 = arith.constant 0 : i32
    %dma_start3A_176 = tpu.memref_slice %arg4[%dma_start3A_174, %dma_start3A_175] : memref<100000x64xf32, #tpu.memory_space<hbm>> -> memref<100000x64xf32, #tpu.memory_space<hbm>>
    tpu.enqueue_indirect_dma source(%dma_start3A_176 : memref<100000x64xf32, #tpu.memory_space<hbm>>) target(%dma_start3A_170 : memref<96x64xf32, #tpu.memory_space<vmem>>) offsets(%dma_start3A_173 : memref<96xi32, #tpu.memory_space<vmem>>) semaphore(%arg10 : memref<!tpu.dma_semaphore, #tpu.memory_space<semaphore_mem>>)
    %dma_start3A_177 = arith.constant 0 : i32
    %dma_start3A_178 = arith.constant 0 : i32
    %dma_start3A_179 = arith.constant 96 : i32
    %dma_start3A_180 = arith.constant 0 : i32
    %dma_start3A_181 = tpu.memref_slice %arg8[%dma_start3A_178, %dma_start3A_179, %dma_start3A_180] : memref<2x200x64xf32, #tpu.memory_space<vmem>> -> memref<1x104x64xf32, #tpu.memory_space<vmem>>
    %dma_start3A_182 = tpu.memref_squeeze %dma_start3A_181 : memref<1x104x64xf32, #tpu.memory_space<vmem>> -> memref<104x64xf32, #tpu.memory_space<vmem>>
    %dma_start3A_183 = arith.constant 96 : i32
    %dma_start3A_184 = tpu.memref_slice %arg7[%dma_start3A_177, %dma_start3A_183] : memref<128x200xi32, #tpu.memory_space<vmem>> -> memref<1x104xi32, #tpu.memory_space<vmem>>
    %dma_start3A_185 = tpu.memref_squeeze %dma_start3A_184 : memref<1x104xi32, #tpu.memory_space<vmem>> -> memref<104xi32, #tpu.memory_space<vmem>>
    %dma_start3A_186 = arith.constant 0 : i32
    %dma_start3A_187 = arith.constant 0 : i32
    %dma_start3A_188 = tpu.memref_slice %arg4[%dma_start3A_186, %dma_start3A_187] : memref<100000x64xf32, #tpu.memory_space<hbm>> -> memref<100000x64xf32, #tpu.memory_space<hbm>>
    tpu.enqueue_indirect_dma source(%dma_start3A_188 : memref<100000x64xf32, #tpu.memory_space<hbm>>) target(%dma_start3A_182 : memref<104x64xf32, #tpu.memory_space<vmem>>) offsets(%dma_start3A_185 : memref<104xi32, #tpu.memory_space<vmem>>) semaphore(%arg10 : memref<!tpu.dma_semaphore, #tpu.memory_space<semaphore_mem>>)
    %dma_start3A_189 = arith.constant 1 : i32
    %dma_start3A_190 = arith.constant 1 : i32
    %dma_start3A_191 = arith.constant 0 : i32
    %dma_start3A_192 = arith.constant 0 : i32
    %dma_start3A_193 = tpu.memref_slice %arg8[%dma_start3A_190, %dma_start3A_191, %dma_start3A_192] : memref<2x200x64xf32, #tpu.memory_space<vmem>> -> memref<1x96x64xf32, #tpu.memory_space<vmem>>
    %dma_start3A_194 = tpu.memref_squeeze %dma_start3A_193 : memref<1x96x64xf32, #tpu.memory_space<vmem>> -> memref<96x64xf32, #tpu.memory_space<vmem>>
    %dma_start3A_195 = arith.constant 0 : i32
    %dma_start3A_196 = tpu.memref_slice %arg7[%dma_start3A_189, %dma_start3A_195] : memref<128x200xi32, #tpu.memory_space<vmem>> -> memref<1x96xi32, #tpu.memory_space<vmem>>
    %dma_start3A_197 = tpu.memref_squeeze %dma_start3A_196 : memref<1x96xi32, #tpu.memory_space<vmem>> -> memref<96xi32, #tpu.memory_space<vmem>>
    %dma_start3A_198 = arith.constant 0 : i32
    %dma_start3A_199 = arith.constant 0 : i32
    %dma_start3A_200 = tpu.memref_slice %arg4[%dma_start3A_198, %dma_start3A_199] : memref<100000x64xf32, #tpu.memory_space<hbm>> -> memref<100000x64xf32, #tpu.memory_space<hbm>>
    tpu.enqueue_indirect_dma source(%dma_start3A_200 : memref<100000x64xf32, #tpu.memory_space<hbm>>) target(%dma_start3A_194 : memref<96x64xf32, #tpu.memory_space<vmem>>) offsets(%dma_start3A_197 : memref<96xi32, #tpu.memory_space<vmem>>) semaphore(%arg11 : memref<!tpu.dma_semaphore, #tpu.memory_space<semaphore_mem>>)
    %dma_start3A_201 = arith.constant 1 : i32
    %dma_start3A_202 = arith.constant 1 : i32
    %dma_start3A_203 = arith.constant 96 : i32
    %dma_start3A_204 = arith.constant 0 : i32
    %dma_start3A_205 = tpu.memref_slice %arg8[%dma_start3A_202, %dma_start3A_203, %dma_start3A_204] : memref<2x200x64xf32, #tpu.memory_space<vmem>> -> memref<1x104x64xf32, #tpu.memory_space<vmem>>
    %dma_start3A_206 = tpu.memref_squeeze %dma_start3A_205 : memref<1x104x64xf32, #tpu.memory_space<vmem>> -> memref<104x64xf32, #tpu.memory_space<vmem>>
    %dma_start3A_207 = arith.constant 96 : i32
    %dma_start3A_208 = tpu.memref_slice %arg7[%dma_start3A_201, %dma_start3A_207] : memref<128x200xi32, #tpu.memory_space<vmem>> -> memref<1x104xi32, #tpu.memory_space<vmem>>
    %dma_start3A_209 = tpu.memref_squeeze %dma_start3A_208 : memref<1x104xi32, #tpu.memory_space<vmem>> -> memref<104xi32, #tpu.memory_space<vmem>>
    %dma_start3A_210 = arith.constant 0 : i32
    %dma_start3A_211 = arith.constant 0 : i32
    %dma_start3A_212 = tpu.memref_slice %arg4[%dma_start3A_210, %dma_start3A_211] : memref<100000x64xf32, #tpu.memory_space<hbm>> -> memref<100000x64xf32, #tpu.memory_space<hbm>>
    tpu.enqueue_indirect_dma source(%dma_start3A_212 : memref<100000x64xf32, #tpu.memory_space<hbm>>) target(%dma_start3A_206 : memref<104x64xf32, #tpu.memory_space<vmem>>) offsets(%dma_start3A_209 : memref<104xi32, #tpu.memory_space<vmem>>) semaphore(%arg11 : memref<!tpu.dma_semaphore, #tpu.memory_space<semaphore_mem>>)
    %scan3A_213 = arith.constant 0 : i32
    %scan3A_214 = arith.constant 5.000000e-03 : f32
    %scan3A_215 = arith.constant 0 : i32
    %scan3A_216 = arith.constant 63 : i32
    %scan3A_217 = arith.addi %scan3A_215, %scan3A_216 : i32
    %scan3A_218 = arith.constant 1 : i32
    scf.for %scan3A_332 = %scan3A_215 to %scan3A_217 step %scan3A_218  : i32 {
      %mul3A_333 = arith.constant 2 : i32
      %mul3A_334 = arith.muli %mul3A_333, %scan3A_332 : i32
      %add3A_335 = arith.constant 0 : i32
      %add3A_336 = arith.addi %mul3A_334, %add3A_335 : i32
      %dma_wait3A_337 = arith.constant 0 : i32
      %dma_wait3A_338 = arith.constant 0 : i32
      %dma_wait3A_339 = arith.constant 0 : i32
      %dma_wait3A_340 = arith.constant 0 : i32
      %dma_wait3A_341 = tpu.memref_slice %arg8[%dma_wait3A_338, %dma_wait3A_339, %dma_wait3A_340] : memref<2x200x64xf32, #tpu.memory_space<vmem>> -> memref<1x200x64xf32, #tpu.memory_space<vmem>>
      %dma_wait3A_342 = tpu.memref_squeeze %dma_wait3A_341 : memref<1x200x64xf32, #tpu.memory_space<vmem>> -> memref<200x64xf32, #tpu.memory_space<vmem>>
      %dma_wait3A_343 = arith.constant 0 : i32
      %dma_wait3A_344 = tpu.memref_slice %arg7[%dma_wait3A_337, %dma_wait3A_343] : memref<128x200xi32, #tpu.memory_space<vmem>> -> memref<1x96xi32, #tpu.memory_space<vmem>>
      %dma_wait3A_345 = tpu.memref_squeeze %dma_wait3A_344 : memref<1x96xi32, #tpu.memory_space<vmem>> -> memref<96xi32, #tpu.memory_space<vmem>>
      %dma_wait3A_346 = arith.constant 0 : i32
      %dma_wait3A_347 = arith.constant 0 : i32
      %dma_wait3A_348 = tpu.memref_slice %arg4[%dma_wait3A_346, %dma_wait3A_347] : memref<100000x64xf32, #tpu.memory_space<hbm>> -> memref<100000x64xf32, #tpu.memory_space<hbm>>
      tpu.wait_indirect_dma semaphore(%arg10 : memref<!tpu.dma_semaphore, #tpu.memory_space<semaphore_mem>>) src(%dma_wait3A_348 : memref<100000x64xf32, #tpu.memory_space<hbm>>) dst(%dma_wait3A_342 : memref<200x64xf32, #tpu.memory_space<vmem>>)
      %broadcast_in_dim3A_349 = arith.constant 0.000000e+00 : f32
      %broadcast_in_dim3A_350 = vector.broadcast %broadcast_in_dim3A_349 : f32 to vector<16xf32>
      %scan3A_351 = arith.constant 0 : i32
      %scan3A_352 = arith.constant 25 : i32
      %scan3A_353 = arith.addi %scan3A_351, %scan3A_352 : i32
      %scan3A_354 = arith.constant 1 : i32
      %scan3A_355:4 = scf.for %scan3A_485 = %scan3A_351 to %scan3A_353 step %scan3A_354 iter_args(%scan3A_486 = %broadcast_in_dim3A_350, %scan3A_487 = %broadcast_in_dim3A_350, %scan3A_488 = %broadcast_in_dim3A_350, %scan3A_489 = %broadcast_in_dim3A_350) -> (vector<16xf32>, vector<16xf32>, vector<16xf32>, vector<16xf32>)  : i32 {
        %mul3A_490 = arith.constant 8 : i32
        %mul3A_491 = arith.muli %scan3A_485, %mul3A_490 : i32
        %add3A_492 = arith.constant 0 : i32
        %add3A_493 = arith.addi %mul3A_491, %add3A_492 : i32
        %get3A = arith.constant 0 : i32
        %get3A_494 = arith.index_cast %get3A : i32 to index
        %get3A_495 = arith.index_cast %add3A_493 : i32 to index
        %get3A_496 = arith.constant 0 : index
        %get3A_497 = tpu.vector_load %arg8[%get3A_494, %get3A_495, %get3A_496] {strides = array<i32>} : memref<2x200x64xf32, #tpu.memory_space<vmem>>, vector<1x1x16xf32>,
        %get3A_498 = vector.shape_cast %get3A_497 : vector<1x1x16xf32> to vector<16xf32>
        %add3A_499 = arith.addf %scan3A_486, %get3A_498 : vector<16xf32>
        %add3A_500 = arith.constant 0 : i32
        %add3A_501 = arith.addi %mul3A_491, %add3A_500 : i32
        %get3A_502 = arith.constant 0 : i32
        %get3A_503 = arith.index_cast %get3A_502 : i32 to index
        %get3A_504 = arith.index_cast %add3A_501 : i32 to index
        %get3A_505 = arith.constant 16 : index
        %get3A_506 = tpu.vector_load %arg8[%get3A_503, %get3A_504, %get3A_505] {strides = array<i32>} : memref<2x200x64xf32, #tpu.memory_space<vmem>>, vector<1x1x16xf32>,
        %get3A_507 = vector.shape_cast %get3A_506 : vector<1x1x16xf32> to vector<16xf32>
        %add3A_508 = arith.addf %scan3A_487, %get3A_507 : vector<16xf32>
        %add3A_509 = arith.constant 0 : i32
        %add3A_510 = arith.addi %mul3A_491, %add3A_509 : i32
        %get3A_511 = arith.constant 0 : i32
        %get3A_512 = arith.index_cast %get3A_511 : i32 to index
        %get3A_513 = arith.index_cast %add3A_510 : i32 to index
        %get3A_514 = arith.constant 32 : index
        %get3A_515 = tpu.vector_load %arg8[%get3A_512, %get3A_513, %get3A_514] {strides = array<i32>} : memref<2x200x64xf32, #tpu.memory_space<vmem>>, vector<1x1x16xf32>,
        %get3A_516 = vector.shape_cast %get3A_515 : vector<1x1x16xf32> to vector<16xf32>
        %add3A_517 = arith.addf %scan3A_488, %get3A_516 : vector<16xf32>
        %add3A_518 = arith.constant 0 : i32
        %add3A_519 = arith.addi %mul3A_491, %add3A_518 : i32
        %get3A_520 = arith.constant 0 : i32
        %get3A_521 = arith.index_cast %get3A_520 : i32 to index
        %get3A_522 = arith.index_cast %add3A_519 : i32 to index
        %get3A_523 = arith.constant 48 : index
        %get3A_524 = tpu.vector_load %arg8[%get3A_521, %get3A_522, %get3A_523] {strides = array<i32>} : memref<2x200x64xf32, #tpu.memory_space<vmem>>, vector<1x1x16xf32>,
        %get3A_525 = vector.shape_cast %get3A_524 : vector<1x1x16xf32> to vector<16xf32>
        %add3A_526 = arith.addf %scan3A_489, %get3A_525 : vector<16xf32>
        %add3A_527 = arith.constant 1 : i32
        %add3A_528 = arith.addi %mul3A_491, %add3A_527 : i32
        %get3A_529 = arith.constant 0 : i32
        %get3A_530 = arith.index_cast %get3A_529 : i32 to index
        %get3A_531 = arith.index_cast %add3A_528 : i32 to index
        %get3A_532 = arith.constant 0 : index
        %get3A_533 = tpu.vector_load %arg8[%get3A_530, %get3A_531, %get3A_532] {strides = array<i32>} : memref<2x200x64xf32, #tpu.memory_space<vmem>>, vector<1x1x16xf32>,
        %get3A_534 = vector.shape_cast %get3A_533 : vector<1x1x16xf32> to vector<16xf32>
        %add3A_535 = arith.addf %add3A_499, %get3A_534 : vector<16xf32>
        %add3A_536 = arith.constant 1 : i32
        %add3A_537 = arith.addi %mul3A_491, %add3A_536 : i32
        %get3A_538 = arith.constant 0 : i32
        %get3A_539 = arith.index_cast %get3A_538 : i32 to index
        %get3A_540 = arith.index_cast %add3A_537 : i32 to index
        %get3A_541 = arith.constant 16 : index
        %get3A_542 = tpu.vector_load %arg8[%get3A_539, %get3A_540, %get3A_541] {strides = array<i32>} : memref<2x200x64xf32, #tpu.memory_space<vmem>>, vector<1x1x16xf32>,
        %get3A_543 = vector.shape_cast %get3A_542 : vector<1x1x16xf32> to vector<16xf32>
        %add3A_544 = arith.addf %add3A_508, %get3A_543 : vector<16xf32>
        %add3A_545 = arith.constant 1 : i32
        %add3A_546 = arith.addi %mul3A_491, %add3A_545 : i32
        %get3A_547 = arith.constant 0 : i32
        %get3A_548 = arith.index_cast %get3A_547 : i32 to index
        %get3A_549 = arith.index_cast %add3A_546 : i32 to index
        %get3A_550 = arith.constant 32 : index
        %get3A_551 = tpu.vector_load %arg8[%get3A_548, %get3A_549, %get3A_550] {strides = array<i32>} : memref<2x200x64xf32, #tpu.memory_space<vmem>>, vector<1x1x16xf32>,
        %get3A_552 = vector.shape_cast %get3A_551 : vector<1x1x16xf32> to vector<16xf32>
        %add3A_553 = arith.addf %add3A_517, %get3A_552 : vector<16xf32>
        %add3A_554 = arith.constant 1 : i32
        %add3A_555 = arith.addi %mul3A_491, %add3A_554 : i32
        %get3A_556 = arith.constant 0 : i32
        %get3A_557 = arith.index_cast %get3A_556 : i32 to index
        %get3A_558 = arith.index_cast %add3A_555 : i32 to index
        %get3A_559 = arith.constant 48 : index
        %get3A_560 = tpu.vector_load %arg8[%get3A_557, %get3A_558, %get3A_559] {strides = array<i32>} : memref<2x200x64xf32, #tpu.memory_space<vmem>>, vector<1x1x16xf32>,
        %get3A_561 = vector.shape_cast %get3A_560 : vector<1x1x16xf32> to vector<16xf32>
        %add3A_562 = arith.addf %add3A_526, %get3A_561 : vector<16xf32>
        %add3A_563 = arith.constant 2 : i32
        %add3A_564 = arith.addi %mul3A_491, %add3A_563 : i32
        %get3A_565 = arith.constant 0 : i32
        %get3A_566 = arith.index_cast %get3A_565 : i32 to index
        %get3A_567 = arith.index_cast %add3A_564 : i32 to index
        %get3A_568 = arith.constant 0 : index
        %get3A_569 = tpu.vector_load %arg8[%get3A_566, %get3A_567, %get3A_568] {strides = array<i32>} : memref<2x200x64xf32, #tpu.memory_space<vmem>>, vector<1x1x16xf32>,
        %get3A_570 = vector.shape_cast %get3A_569 : vector<1x1x16xf32> to vector<16xf32>
        %add3A_571 = arith.addf %add3A_535, %get3A_570 : vector<16xf32>
        %add3A_572 = arith.constant 2 : i32
        %add3A_573 = arith.addi %mul3A_491, %add3A_572 : i32
        %get3A_574 = arith.constant 0 : i32
        %get3A_575 = arith.index_cast %get3A_574 : i32 to index
        %get3A_576 = arith.index_cast %add3A_573 : i32 to index
        %get3A_577 = arith.constant 16 : index
        %get3A_578 = tpu.vector_load %arg8[%get3A_575, %get3A_576, %get3A_577] {strides = array<i32>} : memref<2x200x64xf32, #tpu.memory_space<vmem>>, vector<1x1x16xf32>,
        %get3A_579 = vector.shape_cast %get3A_578 : vector<1x1x16xf32> to vector<16xf32>
        %add3A_580 = arith.addf %add3A_544, %get3A_579 : vector<16xf32>
        %add3A_581 = arith.constant 2 : i32
        %add3A_582 = arith.addi %mul3A_491, %add3A_581 : i32
        %get3A_583 = arith.constant 0 : i32
        %get3A_584 = arith.index_cast %get3A_583 : i32 to index
        %get3A_585 = arith.index_cast %add3A_582 : i32 to index
        %get3A_586 = arith.constant 32 : index
        %get3A_587 = tpu.vector_load %arg8[%get3A_584, %get3A_585, %get3A_586] {strides = array<i32>} : memref<2x200x64xf32, #tpu.memory_space<vmem>>, vector<1x1x16xf32>,
        %get3A_588 = vector.shape_cast %get3A_587 : vector<1x1x16xf32> to vector<16xf32>
        %add3A_589 = arith.addf %add3A_553, %get3A_588 : vector<16xf32>
        %add3A_590 = arith.constant 2 : i32
        %add3A_591 = arith.addi %mul3A_491, %add3A_590 : i32
        %get3A_592 = arith.constant 0 : i32
        %get3A_593 = arith.index_cast %get3A_592 : i32 to index
        %get3A_594 = arith.index_cast %add3A_591 : i32 to index
        %get3A_595 = arith.constant 48 : index
        %get3A_596 = tpu.vector_load %arg8[%get3A_593, %get3A_594, %get3A_595] {strides = array<i32>} : memref<2x200x64xf32, #tpu.memory_space<vmem>>, vector<1x1x16xf32>,
        %get3A_597 = vector.shape_cast %get3A_596 : vector<1x1x16xf32> to vector<16xf32>
        %add3A_598 = arith.addf %add3A_562, %get3A_597 : vector<16xf32>
        %add3A_599 = arith.constant 3 : i32
        %add3A_600 = arith.addi %mul3A_491, %add3A_599 : i32
        %get3A_601 = arith.constant 0 : i32
        %get3A_602 = arith.index_cast %get3A_601 : i32 to index
        %get3A_603 = arith.index_cast %add3A_600 : i32 to index
        %get3A_604 = arith.constant 0 : index
        %get3A_605 = tpu.vector_load %arg8[%get3A_602, %get3A_603, %get3A_604] {strides = array<i32>} : memref<2x200x64xf32, #tpu.memory_space<vmem>>, vector<1x1x16xf32>,
        %get3A_606 = vector.shape_cast %get3A_605 : vector<1x1x16xf32> to vector<16xf32>
        %add3A_607 = arith.addf %add3A_571, %get3A_606 : vector<16xf32>
        %add3A_608 = arith.constant 3 : i32
        %add3A_609 = arith.addi %mul3A_491, %add3A_608 : i32
        %get3A_610 = arith.constant 0 : i32
        %get3A_611 = arith.index_cast %get3A_610 : i32 to index
        %get3A_612 = arith.index_cast %add3A_609 : i32 to index
        %get3A_613 = arith.constant 16 : index
        %get3A_614 = tpu.vector_load %arg8[%get3A_611, %get3A_612, %get3A_613] {strides = array<i32>} : memref<2x200x64xf32, #tpu.memory_space<vmem>>, vector<1x1x16xf32>,
        %get3A_615 = vector.shape_cast %get3A_614 : vector<1x1x16xf32> to vector<16xf32>
        %add3A_616 = arith.addf %add3A_580, %get3A_615 : vector<16xf32>
        %add3A_617 = arith.constant 3 : i32
        %add3A_618 = arith.addi %mul3A_491, %add3A_617 : i32
        %get3A_619 = arith.constant 0 : i32
        %get3A_620 = arith.index_cast %get3A_619 : i32 to index
        %get3A_621 = arith.index_cast %add3A_618 : i32 to index
        %get3A_622 = arith.constant 32 : index
        %get3A_623 = tpu.vector_load %arg8[%get3A_620, %get3A_621, %get3A_622] {strides = array<i32>} : memref<2x200x64xf32, #tpu.memory_space<vmem>>, vector<1x1x16xf32>,
        %get3A_624 = vector.shape_cast %get3A_623 : vector<1x1x16xf32> to vector<16xf32>
        %add3A_625 = arith.addf %add3A_589, %get3A_624 : vector<16xf32>
        %add3A_626 = arith.constant 3 : i32
        %add3A_627 = arith.addi %mul3A_491, %add3A_626 : i32
        %get3A_628 = arith.constant 0 : i32
        %get3A_629 = arith.index_cast %get3A_628 : i32 to index
        %get3A_630 = arith.index_cast %add3A_627 : i32 to index
        %get3A_631 = arith.constant 48 : index
        %get3A_632 = tpu.vector_load %arg8[%get3A_629, %get3A_630, %get3A_631] {strides = array<i32>} : memref<2x200x64xf32, #tpu.memory_space<vmem>>, vector<1x1x16xf32>,
        %get3A_633 = vector.shape_cast %get3A_632 : vector<1x1x16xf32> to vector<16xf32>
        %add3A_634 = arith.addf %add3A_598, %get3A_633 : vector<16xf32>
        %add3A_635 = arith.constant 4 : i32
        %add3A_636 = arith.addi %mul3A_491, %add3A_635 : i32
        %get3A_637 = arith.constant 0 : i32
        %get3A_638 = arith.index_cast %get3A_637 : i32 to index
        %get3A_639 = arith.index_cast %add3A_636 : i32 to index
        %get3A_640 = arith.constant 0 : index
        %get3A_641 = tpu.vector_load %arg8[%get3A_638, %get3A_639, %get3A_640] {strides = array<i32>} : memref<2x200x64xf32, #tpu.memory_space<vmem>>, vector<1x1x16xf32>,
        %get3A_642 = vector.shape_cast %get3A_641 : vector<1x1x16xf32> to vector<16xf32>
        %add3A_643 = arith.addf %add3A_607, %get3A_642 : vector<16xf32>
        %add3A_644 = arith.constant 4 : i32
        %add3A_645 = arith.addi %mul3A_491, %add3A_644 : i32
        %get3A_646 = arith.constant 0 : i32
        %get3A_647 = arith.index_cast %get3A_646 : i32 to index
        %get3A_648 = arith.index_cast %add3A_645 : i32 to index
        %get3A_649 = arith.constant 16 : index
        %get3A_650 = tpu.vector_load %arg8[%get3A_647, %get3A_648, %get3A_649] {strides = array<i32>} : memref<2x200x64xf32, #tpu.memory_space<vmem>>, vector<1x1x16xf32>,
        %get3A_651 = vector.shape_cast %get3A_650 : vector<1x1x16xf32> to vector<16xf32>
        %add3A_652 = arith.addf %add3A_616, %get3A_651 : vector<16xf32>
        %add3A_653 = arith.constant 4 : i32
        %add3A_654 = arith.addi %mul3A_491, %add3A_653 : i32
        %get3A_655 = arith.constant 0 : i32
        %get3A_656 = arith.index_cast %get3A_655 : i32 to index
        %get3A_657 = arith.index_cast %add3A_654 : i32 to index
        %get3A_658 = arith.constant 32 : index
        %get3A_659 = tpu.vector_load %arg8[%get3A_656, %get3A_657, %get3A_658] {strides = array<i32>} : memref<2x200x64xf32, #tpu.memory_space<vmem>>, vector<1x1x16xf32>,
        %get3A_660 = vector.shape_cast %get3A_659 : vector<1x1x16xf32> to vector<16xf32>
        %add3A_661 = arith.addf %add3A_625, %get3A_660 : vector<16xf32>
        %add3A_662 = arith.constant 4 : i32
        %add3A_663 = arith.addi %mul3A_491, %add3A_662 : i32
        %get3A_664 = arith.constant 0 : i32
        %get3A_665 = arith.index_cast %get3A_664 : i32 to index
        %get3A_666 = arith.index_cast %add3A_663 : i32 to index
        %get3A_667 = arith.constant 48 : index
        %get3A_668 = tpu.vector_load %arg8[%get3A_665, %get3A_666, %get3A_667] {strides = array<i32>} : memref<2x200x64xf32, #tpu.memory_space<vmem>>, vector<1x1x16xf32>,
        %get3A_669 = vector.shape_cast %get3A_668 : vector<1x1x16xf32> to vector<16xf32>
        %add3A_670 = arith.addf %add3A_634, %get3A_669 : vector<16xf32>
        %add3A_671 = arith.constant 5 : i32
        %add3A_672 = arith.addi %mul3A_491, %add3A_671 : i32
        %get3A_673 = arith.constant 0 : i32
        %get3A_674 = arith.index_cast %get3A_673 : i32 to index
        %get3A_675 = arith.index_cast %add3A_672 : i32 to index
        %get3A_676 = arith.constant 0 : index
        %get3A_677 = tpu.vector_load %arg8[%get3A_674, %get3A_675, %get3A_676] {strides = array<i32>} : memref<2x200x64xf32, #tpu.memory_space<vmem>>, vector<1x1x16xf32>,
        %get3A_678 = vector.shape_cast %get3A_677 : vector<1x1x16xf32> to vector<16xf32>
        %add3A_679 = arith.addf %add3A_643, %get3A_678 : vector<16xf32>
        %add3A_680 = arith.constant 5 : i32
        %add3A_681 = arith.addi %mul3A_491, %add3A_680 : i32
        %get3A_682 = arith.constant 0 : i32
        %get3A_683 = arith.index_cast %get3A_682 : i32 to index
        %get3A_684 = arith.index_cast %add3A_681 : i32 to index
        %get3A_685 = arith.constant 16 : index
        %get3A_686 = tpu.vector_load %arg8[%get3A_683, %get3A_684, %get3A_685] {strides = array<i32>} : memref<2x200x64xf32, #tpu.memory_space<vmem>>, vector<1x1x16xf32>,
        %get3A_687 = vector.shape_cast %get3A_686 : vector<1x1x16xf32> to vector<16xf32>
        %add3A_688 = arith.addf %add3A_652, %get3A_687 : vector<16xf32>
        %add3A_689 = arith.constant 5 : i32
        %add3A_690 = arith.addi %mul3A_491, %add3A_689 : i32
        %get3A_691 = arith.constant 0 : i32
        %get3A_692 = arith.index_cast %get3A_691 : i32 to index
        %get3A_693 = arith.index_cast %add3A_690 : i32 to index
        %get3A_694 = arith.constant 32 : index
        %get3A_695 = tpu.vector_load %arg8[%get3A_692, %get3A_693, %get3A_694] {strides = array<i32>} : memref<2x200x64xf32, #tpu.memory_space<vmem>>, vector<1x1x16xf32>,
        %get3A_696 = vector.shape_cast %get3A_695 : vector<1x1x16xf32> to vector<16xf32>
        %add3A_697 = arith.addf %add3A_661, %get3A_696 : vector<16xf32>
        %add3A_698 = arith.constant 5 : i32
        %add3A_699 = arith.addi %mul3A_491, %add3A_698 : i32
        %get3A_700 = arith.constant 0 : i32
        %get3A_701 = arith.index_cast %get3A_700 : i32 to index
        %get3A_702 = arith.index_cast %add3A_699 : i32 to index
        %get3A_703 = arith.constant 48 : index
        %get3A_704 = tpu.vector_load %arg8[%get3A_701, %get3A_702, %get3A_703] {strides = array<i32>} : memref<2x200x64xf32, #tpu.memory_space<vmem>>, vector<1x1x16xf32>,
        %get3A_705 = vector.shape_cast %get3A_704 : vector<1x1x16xf32> to vector<16xf32>
        %add3A_706 = arith.addf %add3A_670, %get3A_705 : vector<16xf32>
        %add3A_707 = arith.constant 6 : i32
        %add3A_708 = arith.addi %mul3A_491, %add3A_707 : i32
        %get3A_709 = arith.constant 0 : i32
        %get3A_710 = arith.index_cast %get3A_709 : i32 to index
        %get3A_711 = arith.index_cast %add3A_708 : i32 to index
        %get3A_712 = arith.constant 0 : index
        %get3A_713 = tpu.vector_load %arg8[%get3A_710, %get3A_711, %get3A_712] {strides = array<i32>} : memref<2x200x64xf32, #tpu.memory_space<vmem>>, vector<1x1x16xf32>,
        %get3A_714 = vector.shape_cast %get3A_713 : vector<1x1x16xf32> to vector<16xf32>
        %add3A_715 = arith.addf %add3A_679, %get3A_714 : vector<16xf32>
        %add3A_716 = arith.constant 6 : i32
        %add3A_717 = arith.addi %mul3A_491, %add3A_716 : i32
        %get3A_718 = arith.constant 0 : i32
        %get3A_719 = arith.index_cast %get3A_718 : i32 to index
        %get3A_720 = arith.index_cast %add3A_717 : i32 to index
        %get3A_721 = arith.constant 16 : index
        %get3A_722 = tpu.vector_load %arg8[%get3A_719, %get3A_720, %get3A_721] {strides = array<i32>} : memref<2x200x64xf32, #tpu.memory_space<vmem>>, vector<1x1x16xf32>,
        %get3A_723 = vector.shape_cast %get3A_722 : vector<1x1x16xf32> to vector<16xf32>
        %add3A_724 = arith.addf %add3A_688, %get3A_723 : vector<16xf32>
        %add3A_725 = arith.constant 6 : i32
        %add3A_726 = arith.addi %mul3A_491, %add3A_725 : i32
        %get3A_727 = arith.constant 0 : i32
        %get3A_728 = arith.index_cast %get3A_727 : i32 to index
        %get3A_729 = arith.index_cast %add3A_726 : i32 to index
        %get3A_730 = arith.constant 32 : index
        %get3A_731 = tpu.vector_load %arg8[%get3A_728, %get3A_729, %get3A_730] {strides = array<i32>} : memref<2x200x64xf32, #tpu.memory_space<vmem>>, vector<1x1x16xf32>,
        %get3A_732 = vector.shape_cast %get3A_731 : vector<1x1x16xf32> to vector<16xf32>
        %add3A_733 = arith.addf %add3A_697, %get3A_732 : vector<16xf32>
        %add3A_734 = arith.constant 6 : i32
        %add3A_735 = arith.addi %mul3A_491, %add3A_734 : i32
        %get3A_736 = arith.constant 0 : i32
        %get3A_737 = arith.index_cast %get3A_736 : i32 to index
        %get3A_738 = arith.index_cast %add3A_735 : i32 to index
        %get3A_739 = arith.constant 48 : index
        %get3A_740 = tpu.vector_load %arg8[%get3A_737, %get3A_738, %get3A_739] {strides = array<i32>} : memref<2x200x64xf32, #tpu.memory_space<vmem>>, vector<1x1x16xf32>,
        %get3A_741 = vector.shape_cast %get3A_740 : vector<1x1x16xf32> to vector<16xf32>
        %add3A_742 = arith.addf %add3A_706, %get3A_741 : vector<16xf32>
        %add3A_743 = arith.constant 7 : i32
        %add3A_744 = arith.addi %mul3A_491, %add3A_743 : i32
        %get3A_745 = arith.constant 0 : i32
        %get3A_746 = arith.index_cast %get3A_745 : i32 to index
        %get3A_747 = arith.index_cast %add3A_744 : i32 to index
        %get3A_748 = arith.constant 0 : index
        %get3A_749 = tpu.vector_load %arg8[%get3A_746, %get3A_747, %get3A_748] {strides = array<i32>} : memref<2x200x64xf32, #tpu.memory_space<vmem>>, vector<1x1x16xf32>,
        %get3A_750 = vector.shape_cast %get3A_749 : vector<1x1x16xf32> to vector<16xf32>
        %add3A_751 = arith.addf %add3A_715, %get3A_750 : vector<16xf32>
        %add3A_752 = arith.constant 7 : i32
        %add3A_753 = arith.addi %mul3A_491, %add3A_752 : i32
        %get3A_754 = arith.constant 0 : i32
        %get3A_755 = arith.index_cast %get3A_754 : i32 to index
        %get3A_756 = arith.index_cast %add3A_753 : i32 to index
        %get3A_757 = arith.constant 16 : index
        %get3A_758 = tpu.vector_load %arg8[%get3A_755, %get3A_756, %get3A_757] {strides = array<i32>} : memref<2x200x64xf32, #tpu.memory_space<vmem>>, vector<1x1x16xf32>,
        %get3A_759 = vector.shape_cast %get3A_758 : vector<1x1x16xf32> to vector<16xf32>
        %add3A_760 = arith.addf %add3A_724, %get3A_759 : vector<16xf32>
        %add3A_761 = arith.constant 7 : i32
        %add3A_762 = arith.addi %mul3A_491, %add3A_761 : i32
        %get3A_763 = arith.constant 0 : i32
        %get3A_764 = arith.index_cast %get3A_763 : i32 to index
        %get3A_765 = arith.index_cast %add3A_762 : i32 to index
        %get3A_766 = arith.constant 32 : index
        %get3A_767 = tpu.vector_load %arg8[%get3A_764, %get3A_765, %get3A_766] {strides = array<i32>} : memref<2x200x64xf32, #tpu.memory_space<vmem>>, vector<1x1x16xf32>,
        %get3A_768 = vector.shape_cast %get3A_767 : vector<1x1x16xf32> to vector<16xf32>
        %add3A_769 = arith.addf %add3A_733, %get3A_768 : vector<16xf32>
        %add3A_770 = arith.constant 7 : i32
        %add3A_771 = arith.addi %mul3A_491, %add3A_770 : i32
        %get3A_772 = arith.constant 0 : i32
        %get3A_773 = arith.index_cast %get3A_772 : i32 to index
        %get3A_774 = arith.index_cast %add3A_771 : i32 to index
        %get3A_775 = arith.constant 48 : index
        %get3A_776 = tpu.vector_load %arg8[%get3A_773, %get3A_774, %get3A_775] {strides = array<i32>} : memref<2x200x64xf32, #tpu.memory_space<vmem>>, vector<1x1x16xf32>,
        %get3A_777 = vector.shape_cast %get3A_776 : vector<1x1x16xf32> to vector<16xf32>
        %add3A_778 = arith.addf %add3A_742, %get3A_777 : vector<16xf32>
        scf.yield %add3A_751, %add3A_760, %add3A_769, %add3A_778 : vector<16xf32>, vector<16xf32>, vector<16xf32>, vector<16xf32>
      }
      %scan3A_356 = arith.constant 25 : i32
      %mul3A_357 = vector.broadcast %scan3A_214 : f32 to vector<16xf32>
      %mul3A_358 = arith.mulf %scan3A_355#0, %mul3A_357 : vector<16xf32>
      %swap3A_359 = arith.index_cast %add3A_336 : i32 to index
      %swap3A_360 = arith.constant 0 : index
      %swap3A_361 = tpu.vector_load %arg9[%swap3A_359, %swap3A_360] {strides = array<i32>} : memref<128x64xf32, #tpu.memory_space<vmem>>, vector<1x16xf32>,
      %swap3A_362 = vector.shape_cast %swap3A_361 : vector<1x16xf32> to vector<16xf32>
      %swap3A_363 = vector.shape_cast %mul3A_358 : vector<16xf32> to vector<1x16xf32>
      tpu.vector_store %arg9[%swap3A_359, %swap3A_360], %swap3A_363 {strides = array<i32>} : memref<128x64xf32, #tpu.memory_space<vmem>>, vector<1x16xf32>,
      %mul3A_364 = vector.broadcast %scan3A_214 : f32 to vector<16xf32>
      %mul3A_365 = arith.mulf %scan3A_355#1, %mul3A_364 : vector<16xf32>
      %swap3A_366 = arith.index_cast %add3A_336 : i32 to index
      %swap3A_367 = arith.constant 16 : index
      %swap3A_368 = tpu.vector_load %arg9[%swap3A_366, %swap3A_367] {strides = array<i32>} : memref<128x64xf32, #tpu.memory_space<vmem>>, vector<1x16xf32>,
      %swap3A_369 = vector.shape_cast %swap3A_368 : vector<1x16xf32> to vector<16xf32>
      %swap3A_370 = vector.shape_cast %mul3A_365 : vector<16xf32> to vector<1x16xf32>
      tpu.vector_store %arg9[%swap3A_366, %swap3A_367], %swap3A_370 {strides = array<i32>} : memref<128x64xf32, #tpu.memory_space<vmem>>, vector<1x16xf32>,
      %mul3A_371 = vector.broadcast %scan3A_214 : f32 to vector<16xf32>
      %mul3A_372 = arith.mulf %scan3A_355#2, %mul3A_371 : vector<16xf32>
      %swap3A_373 = arith.index_cast %add3A_336 : i32 to index
      %swap3A_374 = arith.constant 32 : index
      %swap3A_375 = tpu.vector_load %arg9[%swap3A_373, %swap3A_374] {strides = array<i32>} : memref<128x64xf32, #tpu.memory_space<vmem>>, vector<1x16xf32>,
      %swap3A_376 = vector.shape_cast %swap3A_375 : vector<1x16xf32> to vector<16xf32>
      %swap3A_377 = vector.shape_cast %mul3A_372 : vector<16xf32> to vector<1x16xf32>
      tpu.vector_store %arg9[%swap3A_373, %swap3A_374], %swap3A_377 {strides = array<i32>} : memref<128x64xf32, #tpu.memory_space<vmem>>, vector<1x16xf32>,
      %mul3A_378 = vector.broadcast %scan3A_214 : f32 to vector<16xf32>
      %mul3A_379 = arith.mulf %scan3A_355#3, %mul3A_378 : vector<16xf32>
      %swap3A_380 = arith.index_cast %add3A_336 : i32 to index
      %swap3A_381 = arith.constant 48 : index
      %swap3A_382 = tpu.vector_load %arg9[%swap3A_380, %swap3A_381] {strides = array<i32>} : memref<128x64xf32, #tpu.memory_space<vmem>>, vector<1x16xf32>,
      %swap3A_383 = vector.shape_cast %swap3A_382 : vector<1x16xf32> to vector<16xf32>
      %swap3A_384 = vector.shape_cast %mul3A_379 : vector<16xf32> to vector<1x16xf32>
      tpu.vector_store %arg9[%swap3A_380, %swap3A_381], %swap3A_384 {strides = array<i32>} : memref<128x64xf32, #tpu.memory_space<vmem>>, vector<1x16xf32>,
      %add3A_385 = arith.constant 2 : i32
      %add3A_386 = arith.addi %add3A_336, %add3A_385 : i32
      %dma_start3A_387 = arith.constant 0 : i32
      %dma_start3A_388 = arith.constant 0 : i32
      %dma_start3A_389 = arith.constant 0 : i32
      %dma_start3A_390 = tpu.memref_slice %arg8[%dma_start3A_387, %dma_start3A_388, %dma_start3A_389] : memref<2x200x64xf32, #tpu.memory_space<vmem>> -> memref<1x96x64xf32, #tpu.memory_space<vmem>>
      %dma_start3A_391 = tpu.memref_squeeze %dma_start3A_390 : memref<1x96x64xf32, #tpu.memory_space<vmem>> -> memref<96x64xf32, #tpu.memory_space<vmem>>
      %dma_start3A_392 = arith.constant 0 : i32
      %dma_start3A_393 = tpu.memref_slice %arg7[%add3A_386, %dma_start3A_392] : memref<128x200xi32, #tpu.memory_space<vmem>> -> memref<1x96xi32, #tpu.memory_space<vmem>>
      %dma_start3A_394 = tpu.memref_squeeze %dma_start3A_393 : memref<1x96xi32, #tpu.memory_space<vmem>> -> memref<96xi32, #tpu.memory_space<vmem>>
      %dma_start3A_395 = arith.constant 0 : i32
      %dma_start3A_396 = arith.constant 0 : i32
      %dma_start3A_397 = tpu.memref_slice %arg4[%dma_start3A_395, %dma_start3A_396] : memref<100000x64xf32, #tpu.memory_space<hbm>> -> memref<100000x64xf32, #tpu.memory_space<hbm>>
      tpu.enqueue_indirect_dma source(%dma_start3A_397 : memref<100000x64xf32, #tpu.memory_space<hbm>>) target(%dma_start3A_391 : memref<96x64xf32, #tpu.memory_space<vmem>>) offsets(%dma_start3A_394 : memref<96xi32, #tpu.memory_space<vmem>>) semaphore(%arg10 : memref<!tpu.dma_semaphore, #tpu.memory_space<semaphore_mem>>)
      %dma_start3A_398 = arith.constant 0 : i32
      %dma_start3A_399 = arith.constant 96 : i32
      %dma_start3A_400 = arith.constant 0 : i32
      %dma_start3A_401 = tpu.memref_slice %arg8[%dma_start3A_398, %dma_start3A_399, %dma_start3A_400] : memref<2x200x64xf32, #tpu.memory_space<vmem>> -> memref<1x104x64xf32, #tpu.memory_space<vmem>>
      %dma_start3A_402 = tpu.memref_squeeze %dma_start3A_401 : memref<1x104x64xf32, #tpu.memory_space<vmem>> -> memref<104x64xf32, #tpu.memory_space<vmem>>
      %dma_start3A_403 = arith.constant 96 : i32
      %dma_start3A_404 = tpu.memref_slice %arg7[%add3A_386, %dma_start3A_403] : memref<128x200xi32, #tpu.memory_space<vmem>> -> memref<1x104xi32, #tpu.memory_space<vmem>>
      %dma_start3A_405 = tpu.memref_squeeze %dma_start3A_404 : memref<1x104xi32, #tpu.memory_space<vmem>> -> memref<104xi32, #tpu.memory_space<vmem>>
      %dma_start3A_406 = arith.constant 0 : i32
      %dma_start3A_407 = arith.constant 0 : i32
      %dma_start3A_408 = tpu.memref_slice %arg4[%dma_start3A_406, %dma_start3A_407] : memref<100000x64xf32, #tpu.memory_space<hbm>> -> memref<100000x64xf32, #tpu.memory_space<hbm>>
      tpu.enqueue_indirect_dma source(%dma_start3A_408 : memref<100000x64xf32, #tpu.memory_space<hbm>>) target(%dma_start3A_402 : memref<104x64xf32, #tpu.memory_space<vmem>>) offsets(%dma_start3A_405 : memref<104xi32, #tpu.memory_space<vmem>>) semaphore(%arg10 : memref<!tpu.dma_semaphore, #tpu.memory_space<semaphore_mem>>)
      %mul3A_409 = arith.constant 2 : i32
      %mul3A_410 = arith.muli %mul3A_409, %scan3A_332 : i32
      %add3A_411 = arith.constant 1 : i32
      %add3A_412 = arith.addi %mul3A_410, %add3A_411 : i32
      %dma_wait3A_413 = arith.constant 0 : i32
      %dma_wait3A_414 = arith.constant 1 : i32
      %dma_wait3A_415 = arith.constant 0 : i32
      %dma_wait3A_416 = arith.constant 0 : i32
      %dma_wait3A_417 = tpu.memref_slice %arg8[%dma_wait3A_414, %dma_wait3A_415, %dma_wait3A_416] : memref<2x200x64xf32, #tpu.memory_space<vmem>> -> memref<1x200x64xf32, #tpu.memory_space<vmem>>
      %dma_wait3A_418 = tpu.memref_squeeze %dma_wait3A_417 : memref<1x200x64xf32, #tpu.memory_space<vmem>> -> memref<200x64xf32, #tpu.memory_space<vmem>>
      %dma_wait3A_419 = arith.constant 0 : i32
      %dma_wait3A_420 = tpu.memref_slice %arg7[%dma_wait3A_413, %dma_wait3A_419] : memref<128x200xi32, #tpu.memory_space<vmem>> -> memref<1x96xi32, #tpu.memory_space<vmem>>
      %dma_wait3A_421 = tpu.memref_squeeze %dma_wait3A_420 : memref<1x96xi32, #tpu.memory_space<vmem>> -> memref<96xi32, #tpu.memory_space<vmem>>
      %dma_wait3A_422 = arith.constant 0 : i32
      %dma_wait3A_423 = arith.constant 0 : i32
      %dma_wait3A_424 = tpu.memref_slice %arg4[%dma_wait3A_422, %dma_wait3A_423] : memref<100000x64xf32, #tpu.memory_space<hbm>> -> memref<100000x64xf32, #tpu.memory_space<hbm>>
      tpu.wait_indirect_dma semaphore(%arg11 : memref<!tpu.dma_semaphore, #tpu.memory_space<semaphore_mem>>) src(%dma_wait3A_424 : memref<100000x64xf32, #tpu.memory_space<hbm>>) dst(%dma_wait3A_418 : memref<200x64xf32, #tpu.memory_space<vmem>>)
      %broadcast_in_dim3A_425 = arith.constant 0.000000e+00 : f32
      %broadcast_in_dim3A_426 = vector.broadcast %broadcast_in_dim3A_425 : f32 to vector<16xf32>
      %scan3A_427 = arith.constant 0 : i32
      %scan3A_428 = arith.constant 25 : i32
      %scan3A_429 = arith.addi %scan3A_427, %scan3A_428 : i32
      %scan3A_430 = arith.constant 1 : i32
      %scan3A_431:4 = scf.for %scan3A_485 = %scan3A_427 to %scan3A_429 step %scan3A_430 iter_args(%scan3A_486 = %broadcast_in_dim3A_426, %scan3A_487 = %broadcast_in_dim3A_426, %scan3A_488 = %broadcast_in_dim3A_426, %scan3A_489 = %broadcast_in_dim3A_426) -> (vector<16xf32>, vector<16xf32>, vector<16xf32>, vector<16xf32>)  : i32 {
        %mul3A_490 = arith.constant 8 : i32
        %mul3A_491 = arith.muli %scan3A_485, %mul3A_490 : i32
        %add3A_492 = arith.constant 0 : i32
        %add3A_493 = arith.addi %mul3A_491, %add3A_492 : i32
        %get3A = arith.constant 1 : i32
        %get3A_494 = arith.index_cast %get3A : i32 to index
        %get3A_495 = arith.index_cast %add3A_493 : i32 to index
        %get3A_496 = arith.constant 0 : index
        %get3A_497 = tpu.vector_load %arg8[%get3A_494, %get3A_495, %get3A_496] {strides = array<i32>} : memref<2x200x64xf32, #tpu.memory_space<vmem>>, vector<1x1x16xf32>,
        %get3A_498 = vector.shape_cast %get3A_497 : vector<1x1x16xf32> to vector<16xf32>
        %add3A_499 = arith.addf %scan3A_486, %get3A_498 : vector<16xf32>
        %add3A_500 = arith.constant 0 : i32
        %add3A_501 = arith.addi %mul3A_491, %add3A_500 : i32
        %get3A_502 = arith.constant 1 : i32
        %get3A_503 = arith.index_cast %get3A_502 : i32 to index
        %get3A_504 = arith.index_cast %add3A_501 : i32 to index
        %get3A_505 = arith.constant 16 : index
        %get3A_506 = tpu.vector_load %arg8[%get3A_503, %get3A_504, %get3A_505] {strides = array<i32>} : memref<2x200x64xf32, #tpu.memory_space<vmem>>, vector<1x1x16xf32>,
        %get3A_507 = vector.shape_cast %get3A_506 : vector<1x1x16xf32> to vector<16xf32>
        %add3A_508 = arith.addf %scan3A_487, %get3A_507 : vector<16xf32>
        %add3A_509 = arith.constant 0 : i32
        %add3A_510 = arith.addi %mul3A_491, %add3A_509 : i32
        %get3A_511 = arith.constant 1 : i32
        %get3A_512 = arith.index_cast %get3A_511 : i32 to index
        %get3A_513 = arith.index_cast %add3A_510 : i32 to index
        %get3A_514 = arith.constant 32 : index
        %get3A_515 = tpu.vector_load %arg8[%get3A_512, %get3A_513, %get3A_514] {strides = array<i32>} : memref<2x200x64xf32, #tpu.memory_space<vmem>>, vector<1x1x16xf32>,
        %get3A_516 = vector.shape_cast %get3A_515 : vector<1x1x16xf32> to vector<16xf32>
        %add3A_517 = arith.addf %scan3A_488, %get3A_516 : vector<16xf32>
        %add3A_518 = arith.constant 0 : i32
        %add3A_519 = arith.addi %mul3A_491, %add3A_518 : i32
        %get3A_520 = arith.constant 1 : i32
        %get3A_521 = arith.index_cast %get3A_520 : i32 to index
        %get3A_522 = arith.index_cast %add3A_519 : i32 to index
        %get3A_523 = arith.constant 48 : index
        %get3A_524 = tpu.vector_load %arg8[%get3A_521, %get3A_522, %get3A_523] {strides = array<i32>} : memref<2x200x64xf32, #tpu.memory_space<vmem>>, vector<1x1x16xf32>,
        %get3A_525 = vector.shape_cast %get3A_524 : vector<1x1x16xf32> to vector<16xf32>
        %add3A_526 = arith.addf %scan3A_489, %get3A_525 : vector<16xf32>
        %add3A_527 = arith.constant 1 : i32
        %add3A_528 = arith.addi %mul3A_491, %add3A_527 : i32
        %get3A_529 = arith.constant 1 : i32
        %get3A_530 = arith.index_cast %get3A_529 : i32 to index
        %get3A_531 = arith.index_cast %add3A_528 : i32 to index
        %get3A_532 = arith.constant 0 : index
        %get3A_533 = tpu.vector_load %arg8[%get3A_530, %get3A_531, %get3A_532] {strides = array<i32>} : memref<2x200x64xf32, #tpu.memory_space<vmem>>, vector<1x1x16xf32>,
        %get3A_534 = vector.shape_cast %get3A_533 : vector<1x1x16xf32> to vector<16xf32>
        %add3A_535 = arith.addf %add3A_499, %get3A_534 : vector<16xf32>
        %add3A_536 = arith.constant 1 : i32
        %add3A_537 = arith.addi %mul3A_491, %add3A_536 : i32
        %get3A_538 = arith.constant 1 : i32
        %get3A_539 = arith.index_cast %get3A_538 : i32 to index
        %get3A_540 = arith.index_cast %add3A_537 : i32 to index
        %get3A_541 = arith.constant 16 : index
        %get3A_542 = tpu.vector_load %arg8[%get3A_539, %get3A_540, %get3A_541] {strides = array<i32>} : memref<2x200x64xf32, #tpu.memory_space<vmem>>, vector<1x1x16xf32>,
        %get3A_543 = vector.shape_cast %get3A_542 : vector<1x1x16xf32> to vector<16xf32>
        %add3A_544 = arith.addf %add3A_508, %get3A_543 : vector<16xf32>
        %add3A_545 = arith.constant 1 : i32
        %add3A_546 = arith.addi %mul3A_491, %add3A_545 : i32
        %get3A_547 = arith.constant 1 : i32
        %get3A_548 = arith.index_cast %get3A_547 : i32 to index
        %get3A_549 = arith.index_cast %add3A_546 : i32 to index
        %get3A_550 = arith.constant 32 : index
        %get3A_551 = tpu.vector_load %arg8[%get3A_548, %get3A_549, %get3A_550] {strides = array<i32>} : memref<2x200x64xf32, #tpu.memory_space<vmem>>, vector<1x1x16xf32>,
        %get3A_552 = vector.shape_cast %get3A_551 : vector<1x1x16xf32> to vector<16xf32>
        %add3A_553 = arith.addf %add3A_517, %get3A_552 : vector<16xf32>
        %add3A_554 = arith.constant 1 : i32
        %add3A_555 = arith.addi %mul3A_491, %add3A_554 : i32
        %get3A_556 = arith.constant 1 : i32
        %get3A_557 = arith.index_cast %get3A_556 : i32 to index
        %get3A_558 = arith.index_cast %add3A_555 : i32 to index
        %get3A_559 = arith.constant 48 : index
        %get3A_560 = tpu.vector_load %arg8[%get3A_557, %get3A_558, %get3A_559] {strides = array<i32>} : memref<2x200x64xf32, #tpu.memory_space<vmem>>, vector<1x1x16xf32>,
        %get3A_561 = vector.shape_cast %get3A_560 : vector<1x1x16xf32> to vector<16xf32>
        %add3A_562 = arith.addf %add3A_526, %get3A_561 : vector<16xf32>
        %add3A_563 = arith.constant 2 : i32
        %add3A_564 = arith.addi %mul3A_491, %add3A_563 : i32
        %get3A_565 = arith.constant 1 : i32
        %get3A_566 = arith.index_cast %get3A_565 : i32 to index
        %get3A_567 = arith.index_cast %add3A_564 : i32 to index
        %get3A_568 = arith.constant 0 : index
        %get3A_569 = tpu.vector_load %arg8[%get3A_566, %get3A_567, %get3A_568] {strides = array<i32>} : memref<2x200x64xf32, #tpu.memory_space<vmem>>, vector<1x1x16xf32>,
        %get3A_570 = vector.shape_cast %get3A_569 : vector<1x1x16xf32> to vector<16xf32>
        %add3A_571 = arith.addf %add3A_535, %get3A_570 : vector<16xf32>
        %add3A_572 = arith.constant 2 : i32
        %add3A_573 = arith.addi %mul3A_491, %add3A_572 : i32
        %get3A_574 = arith.constant 1 : i32
        %get3A_575 = arith.index_cast %get3A_574 : i32 to index
        %get3A_576 = arith.index_cast %add3A_573 : i32 to index
        %get3A_577 = arith.constant 16 : index
        %get3A_578 = tpu.vector_load %arg8[%get3A_575, %get3A_576, %get3A_577] {strides = array<i32>} : memref<2x200x64xf32, #tpu.memory_space<vmem>>, vector<1x1x16xf32>,
        %get3A_579 = vector.shape_cast %get3A_578 : vector<1x1x16xf32> to vector<16xf32>
        %add3A_580 = arith.addf %add3A_544, %get3A_579 : vector<16xf32>
        %add3A_581 = arith.constant 2 : i32
        %add3A_582 = arith.addi %mul3A_491, %add3A_581 : i32
        %get3A_583 = arith.constant 1 : i32
        %get3A_584 = arith.index_cast %get3A_583 : i32 to index
        %get3A_585 = arith.index_cast %add3A_582 : i32 to index
        %get3A_586 = arith.constant 32 : index
        %get3A_587 = tpu.vector_load %arg8[%get3A_584, %get3A_585, %get3A_586] {strides = array<i32>} : memref<2x200x64xf32, #tpu.memory_space<vmem>>, vector<1x1x16xf32>,
        %get3A_588 = vector.shape_cast %get3A_587 : vector<1x1x16xf32> to vector<16xf32>
        %add3A_589 = arith.addf %add3A_553, %get3A_588 : vector<16xf32>
        %add3A_590 = arith.constant 2 : i32
        %add3A_591 = arith.addi %mul3A_491, %add3A_590 : i32
        %get3A_592 = arith.constant 1 : i32
        %get3A_593 = arith.index_cast %get3A_592 : i32 to index
        %get3A_594 = arith.index_cast %add3A_591 : i32 to index
        %get3A_595 = arith.constant 48 : index
        %get3A_596 = tpu.vector_load %arg8[%get3A_593, %get3A_594, %get3A_595] {strides = array<i32>} : memref<2x200x64xf32, #tpu.memory_space<vmem>>, vector<1x1x16xf32>,
        %get3A_597 = vector.shape_cast %get3A_596 : vector<1x1x16xf32> to vector<16xf32>
        %add3A_598 = arith.addf %add3A_562, %get3A_597 : vector<16xf32>
        %add3A_599 = arith.constant 3 : i32
        %add3A_600 = arith.addi %mul3A_491, %add3A_599 : i32
        %get3A_601 = arith.constant 1 : i32
        %get3A_602 = arith.index_cast %get3A_601 : i32 to index
        %get3A_603 = arith.index_cast %add3A_600 : i32 to index
        %get3A_604 = arith.constant 0 : index
        %get3A_605 = tpu.vector_load %arg8[%get3A_602, %get3A_603, %get3A_604] {strides = array<i32>} : memref<2x200x64xf32, #tpu.memory_space<vmem>>, vector<1x1x16xf32>,
        %get3A_606 = vector.shape_cast %get3A_605 : vector<1x1x16xf32> to vector<16xf32>
        %add3A_607 = arith.addf %add3A_571, %get3A_606 : vector<16xf32>
        %add3A_608 = arith.constant 3 : i32
        %add3A_609 = arith.addi %mul3A_491, %add3A_608 : i32
        %get3A_610 = arith.constant 1 : i32
        %get3A_611 = arith.index_cast %get3A_610 : i32 to index
        %get3A_612 = arith.index_cast %add3A_609 : i32 to index
        %get3A_613 = arith.constant 16 : index
        %get3A_614 = tpu.vector_load %arg8[%get3A_611, %get3A_612, %get3A_613] {strides = array<i32>} : memref<2x200x64xf32, #tpu.memory_space<vmem>>, vector<1x1x16xf32>,
        %get3A_615 = vector.shape_cast %get3A_614 : vector<1x1x16xf32> to vector<16xf32>
        %add3A_616 = arith.addf %add3A_580, %get3A_615 : vector<16xf32>
        %add3A_617 = arith.constant 3 : i32
        %add3A_618 = arith.addi %mul3A_491, %add3A_617 : i32
        %get3A_619 = arith.constant 1 : i32
        %get3A_620 = arith.index_cast %get3A_619 : i32 to index
        %get3A_621 = arith.index_cast %add3A_618 : i32 to index
        %get3A_622 = arith.constant 32 : index
        %get3A_623 = tpu.vector_load %arg8[%get3A_620, %get3A_621, %get3A_622] {strides = array<i32>} : memref<2x200x64xf32, #tpu.memory_space<vmem>>, vector<1x1x16xf32>,
        %get3A_624 = vector.shape_cast %get3A_623 : vector<1x1x16xf32> to vector<16xf32>
        %add3A_625 = arith.addf %add3A_589, %get3A_624 : vector<16xf32>
        %add3A_626 = arith.constant 3 : i32
        %add3A_627 = arith.addi %mul3A_491, %add3A_626 : i32
        %get3A_628 = arith.constant 1 : i32
        %get3A_629 = arith.index_cast %get3A_628 : i32 to index
        %get3A_630 = arith.index_cast %add3A_627 : i32 to index
        %get3A_631 = arith.constant 48 : index
        %get3A_632 = tpu.vector_load %arg8[%get3A_629, %get3A_630, %get3A_631] {strides = array<i32>} : memref<2x200x64xf32, #tpu.memory_space<vmem>>, vector<1x1x16xf32>,
        %get3A_633 = vector.shape_cast %get3A_632 : vector<1x1x16xf32> to vector<16xf32>
        %add3A_634 = arith.addf %add3A_598, %get3A_633 : vector<16xf32>
        %add3A_635 = arith.constant 4 : i32
        %add3A_636 = arith.addi %mul3A_491, %add3A_635 : i32
        %get3A_637 = arith.constant 1 : i32
        %get3A_638 = arith.index_cast %get3A_637 : i32 to index
        %get3A_639 = arith.index_cast %add3A_636 : i32 to index
        %get3A_640 = arith.constant 0 : index
        %get3A_641 = tpu.vector_load %arg8[%get3A_638, %get3A_639, %get3A_640] {strides = array<i32>} : memref<2x200x64xf32, #tpu.memory_space<vmem>>, vector<1x1x16xf32>,
        %get3A_642 = vector.shape_cast %get3A_641 : vector<1x1x16xf32> to vector<16xf32>
        %add3A_643 = arith.addf %add3A_607, %get3A_642 : vector<16xf32>
        %add3A_644 = arith.constant 4 : i32
        %add3A_645 = arith.addi %mul3A_491, %add3A_644 : i32
        %get3A_646 = arith.constant 1 : i32
        %get3A_647 = arith.index_cast %get3A_646 : i32 to index
        %get3A_648 = arith.index_cast %add3A_645 : i32 to index
        %get3A_649 = arith.constant 16 : index
        %get3A_650 = tpu.vector_load %arg8[%get3A_647, %get3A_648, %get3A_649] {strides = array<i32>} : memref<2x200x64xf32, #tpu.memory_space<vmem>>, vector<1x1x16xf32>,
        %get3A_651 = vector.shape_cast %get3A_650 : vector<1x1x16xf32> to vector<16xf32>
        %add3A_652 = arith.addf %add3A_616, %get3A_651 : vector<16xf32>
        %add3A_653 = arith.constant 4 : i32
        %add3A_654 = arith.addi %mul3A_491, %add3A_653 : i32
        %get3A_655 = arith.constant 1 : i32
        %get3A_656 = arith.index_cast %get3A_655 : i32 to index
        %get3A_657 = arith.index_cast %add3A_654 : i32 to index
        %get3A_658 = arith.constant 32 : index
        %get3A_659 = tpu.vector_load %arg8[%get3A_656, %get3A_657, %get3A_658] {strides = array<i32>} : memref<2x200x64xf32, #tpu.memory_space<vmem>>, vector<1x1x16xf32>,
        %get3A_660 = vector.shape_cast %get3A_659 : vector<1x1x16xf32> to vector<16xf32>
        %add3A_661 = arith.addf %add3A_625, %get3A_660 : vector<16xf32>
        %add3A_662 = arith.constant 4 : i32
        %add3A_663 = arith.addi %mul3A_491, %add3A_662 : i32
        %get3A_664 = arith.constant 1 : i32
        %get3A_665 = arith.index_cast %get3A_664 : i32 to index
        %get3A_666 = arith.index_cast %add3A_663 : i32 to index
        %get3A_667 = arith.constant 48 : index
        %get3A_668 = tpu.vector_load %arg8[%get3A_665, %get3A_666, %get3A_667] {strides = array<i32>} : memref<2x200x64xf32, #tpu.memory_space<vmem>>, vector<1x1x16xf32>,
        %get3A_669 = vector.shape_cast %get3A_668 : vector<1x1x16xf32> to vector<16xf32>
        %add3A_670 = arith.addf %add3A_634, %get3A_669 : vector<16xf32>
        %add3A_671 = arith.constant 5 : i32
        %add3A_672 = arith.addi %mul3A_491, %add3A_671 : i32
        %get3A_673 = arith.constant 1 : i32
        %get3A_674 = arith.index_cast %get3A_673 : i32 to index
        %get3A_675 = arith.index_cast %add3A_672 : i32 to index
        %get3A_676 = arith.constant 0 : index
        %get3A_677 = tpu.vector_load %arg8[%get3A_674, %get3A_675, %get3A_676] {strides = array<i32>} : memref<2x200x64xf32, #tpu.memory_space<vmem>>, vector<1x1x16xf32>,
        %get3A_678 = vector.shape_cast %get3A_677 : vector<1x1x16xf32> to vector<16xf32>
        %add3A_679 = arith.addf %add3A_643, %get3A_678 : vector<16xf32>
        %add3A_680 = arith.constant 5 : i32
        %add3A_681 = arith.addi %mul3A_491, %add3A_680 : i32
        %get3A_682 = arith.constant 1 : i32
        %get3A_683 = arith.index_cast %get3A_682 : i32 to index
        %get3A_684 = arith.index_cast %add3A_681 : i32 to index
        %get3A_685 = arith.constant 16 : index
        %get3A_686 = tpu.vector_load %arg8[%get3A_683, %get3A_684, %get3A_685] {strides = array<i32>} : memref<2x200x64xf32, #tpu.memory_space<vmem>>, vector<1x1x16xf32>,
        %get3A_687 = vector.shape_cast %get3A_686 : vector<1x1x16xf32> to vector<16xf32>
        %add3A_688 = arith.addf %add3A_652, %get3A_687 : vector<16xf32>
        %add3A_689 = arith.constant 5 : i32
        %add3A_690 = arith.addi %mul3A_491, %add3A_689 : i32
        %get3A_691 = arith.constant 1 : i32
        %get3A_692 = arith.index_cast %get3A_691 : i32 to index
        %get3A_693 = arith.index_cast %add3A_690 : i32 to index
        %get3A_694 = arith.constant 32 : index
        %get3A_695 = tpu.vector_load %arg8[%get3A_692, %get3A_693, %get3A_694] {strides = array<i32>} : memref<2x200x64xf32, #tpu.memory_space<vmem>>, vector<1x1x16xf32>,
        %get3A_696 = vector.shape_cast %get3A_695 : vector<1x1x16xf32> to vector<16xf32>
        %add3A_697 = arith.addf %add3A_661, %get3A_696 : vector<16xf32>
        %add3A_698 = arith.constant 5 : i32
        %add3A_699 = arith.addi %mul3A_491, %add3A_698 : i32
        %get3A_700 = arith.constant 1 : i32
        %get3A_701 = arith.index_cast %get3A_700 : i32 to index
        %get3A_702 = arith.index_cast %add3A_699 : i32 to index
        %get3A_703 = arith.constant 48 : index
        %get3A_704 = tpu.vector_load %arg8[%get3A_701, %get3A_702, %get3A_703] {strides = array<i32>} : memref<2x200x64xf32, #tpu.memory_space<vmem>>, vector<1x1x16xf32>,
        %get3A_705 = vector.shape_cast %get3A_704 : vector<1x1x16xf32> to vector<16xf32>
        %add3A_706 = arith.addf %add3A_670, %get3A_705 : vector<16xf32>
        %add3A_707 = arith.constant 6 : i32
        %add3A_708 = arith.addi %mul3A_491, %add3A_707 : i32
        %get3A_709 = arith.constant 1 : i32
        %get3A_710 = arith.index_cast %get3A_709 : i32 to index
        %get3A_711 = arith.index_cast %add3A_708 : i32 to index
        %get3A_712 = arith.constant 0 : index
        %get3A_713 = tpu.vector_load %arg8[%get3A_710, %get3A_711, %get3A_712] {strides = array<i32>} : memref<2x200x64xf32, #tpu.memory_space<vmem>>, vector<1x1x16xf32>,
        %get3A_714 = vector.shape_cast %get3A_713 : vector<1x1x16xf32> to vector<16xf32>
        %add3A_715 = arith.addf %add3A_679, %get3A_714 : vector<16xf32>
        %add3A_716 = arith.constant 6 : i32
        %add3A_717 = arith.addi %mul3A_491, %add3A_716 : i32
        %get3A_718 = arith.constant 1 : i32
        %get3A_719 = arith.index_cast %get3A_718 : i32 to index
        %get3A_720 = arith.index_cast %add3A_717 : i32 to index
        %get3A_721 = arith.constant 16 : index
        %get3A_722 = tpu.vector_load %arg8[%get3A_719, %get3A_720, %get3A_721] {strides = array<i32>} : memref<2x200x64xf32, #tpu.memory_space<vmem>>, vector<1x1x16xf32>,
        %get3A_723 = vector.shape_cast %get3A_722 : vector<1x1x16xf32> to vector<16xf32>
        %add3A_724 = arith.addf %add3A_688, %get3A_723 : vector<16xf32>
        %add3A_725 = arith.constant 6 : i32
        %add3A_726 = arith.addi %mul3A_491, %add3A_725 : i32
        %get3A_727 = arith.constant 1 : i32
        %get3A_728 = arith.index_cast %get3A_727 : i32 to index
        %get3A_729 = arith.index_cast %add3A_726 : i32 to index
        %get3A_730 = arith.constant 32 : index
        %get3A_731 = tpu.vector_load %arg8[%get3A_728, %get3A_729, %get3A_730] {strides = array<i32>} : memref<2x200x64xf32, #tpu.memory_space<vmem>>, vector<1x1x16xf32>,
        %get3A_732 = vector.shape_cast %get3A_731 : vector<1x1x16xf32> to vector<16xf32>
        %add3A_733 = arith.addf %add3A_697, %get3A_732 : vector<16xf32>
        %add3A_734 = arith.constant 6 : i32
        %add3A_735 = arith.addi %mul3A_491, %add3A_734 : i32
        %get3A_736 = arith.constant 1 : i32
        %get3A_737 = arith.index_cast %get3A_736 : i32 to index
        %get3A_738 = arith.index_cast %add3A_735 : i32 to index
        %get3A_739 = arith.constant 48 : index
        %get3A_740 = tpu.vector_load %arg8[%get3A_737, %get3A_738, %get3A_739] {strides = array<i32>} : memref<2x200x64xf32, #tpu.memory_space<vmem>>, vector<1x1x16xf32>,
        %get3A_741 = vector.shape_cast %get3A_740 : vector<1x1x16xf32> to vector<16xf32>
        %add3A_742 = arith.addf %add3A_706, %get3A_741 : vector<16xf32>
        %add3A_743 = arith.constant 7 : i32
        %add3A_744 = arith.addi %mul3A_491, %add3A_743 : i32
        %get3A_745 = arith.constant 1 : i32
        %get3A_746 = arith.index_cast %get3A_745 : i32 to index
        %get3A_747 = arith.index_cast %add3A_744 : i32 to index
        %get3A_748 = arith.constant 0 : index
        %get3A_749 = tpu.vector_load %arg8[%get3A_746, %get3A_747, %get3A_748] {strides = array<i32>} : memref<2x200x64xf32, #tpu.memory_space<vmem>>, vector<1x1x16xf32>,
        %get3A_750 = vector.shape_cast %get3A_749 : vector<1x1x16xf32> to vector<16xf32>
        %add3A_751 = arith.addf %add3A_715, %get3A_750 : vector<16xf32>
        %add3A_752 = arith.constant 7 : i32
        %add3A_753 = arith.addi %mul3A_491, %add3A_752 : i32
        %get3A_754 = arith.constant 1 : i32
        %get3A_755 = arith.index_cast %get3A_754 : i32 to index
        %get3A_756 = arith.index_cast %add3A_753 : i32 to index
        %get3A_757 = arith.constant 16 : index
        %get3A_758 = tpu.vector_load %arg8[%get3A_755, %get3A_756, %get3A_757] {strides = array<i32>} : memref<2x200x64xf32, #tpu.memory_space<vmem>>, vector<1x1x16xf32>,
        %get3A_759 = vector.shape_cast %get3A_758 : vector<1x1x16xf32> to vector<16xf32>
        %add3A_760 = arith.addf %add3A_724, %get3A_759 : vector<16xf32>
        %add3A_761 = arith.constant 7 : i32
        %add3A_762 = arith.addi %mul3A_491, %add3A_761 : i32
        %get3A_763 = arith.constant 1 : i32
        %get3A_764 = arith.index_cast %get3A_763 : i32 to index
        %get3A_765 = arith.index_cast %add3A_762 : i32 to index
        %get3A_766 = arith.constant 32 : index
        %get3A_767 = tpu.vector_load %arg8[%get3A_764, %get3A_765, %get3A_766] {strides = array<i32>} : memref<2x200x64xf32, #tpu.memory_space<vmem>>, vector<1x1x16xf32>,
        %get3A_768 = vector.shape_cast %get3A_767 : vector<1x1x16xf32> to vector<16xf32>
        %add3A_769 = arith.addf %add3A_733, %get3A_768 : vector<16xf32>
        %add3A_770 = arith.constant 7 : i32
        %add3A_771 = arith.addi %mul3A_491, %add3A_770 : i32
        %get3A_772 = arith.constant 1 : i32
        %get3A_773 = arith.index_cast %get3A_772 : i32 to index
        %get3A_774 = arith.index_cast %add3A_771 : i32 to index
        %get3A_775 = arith.constant 48 : index
        %get3A_776 = tpu.vector_load %arg8[%get3A_773, %get3A_774, %get3A_775] {strides = array<i32>} : memref<2x200x64xf32, #tpu.memory_space<vmem>>, vector<1x1x16xf32>,
        %get3A_777 = vector.shape_cast %get3A_776 : vector<1x1x16xf32> to vector<16xf32>
        %add3A_778 = arith.addf %add3A_742, %get3A_777 : vector<16xf32>
        scf.yield %add3A_751, %add3A_760, %add3A_769, %add3A_778 : vector<16xf32>, vector<16xf32>, vector<16xf32>, vector<16xf32>
      }
      %scan3A_432 = arith.constant 25 : i32
      %mul3A_433 = vector.broadcast %scan3A_214 : f32 to vector<16xf32>
      %mul3A_434 = arith.mulf %scan3A_431#0, %mul3A_433 : vector<16xf32>
      %swap3A_435 = arith.index_cast %add3A_412 : i32 to index
      %swap3A_436 = arith.constant 0 : index
      %swap3A_437 = tpu.vector_load %arg9[%swap3A_435, %swap3A_436] {strides = array<i32>} : memref<128x64xf32, #tpu.memory_space<vmem>>, vector<1x16xf32>,
      %swap3A_438 = vector.shape_cast %swap3A_437 : vector<1x16xf32> to vector<16xf32>
      %swap3A_439 = vector.shape_cast %mul3A_434 : vector<16xf32> to vector<1x16xf32>
      tpu.vector_store %arg9[%swap3A_435, %swap3A_436], %swap3A_439 {strides = array<i32>} : memref<128x64xf32, #tpu.memory_space<vmem>>, vector<1x16xf32>,
      %mul3A_440 = vector.broadcast %scan3A_214 : f32 to vector<16xf32>
      %mul3A_441 = arith.mulf %scan3A_431#1, %mul3A_440 : vector<16xf32>
      %swap3A_442 = arith.index_cast %add3A_412 : i32 to index
      %swap3A_443 = arith.constant 16 : index
      %swap3A_444 = tpu.vector_load %arg9[%swap3A_442, %swap3A_443] {strides = array<i32>} : memref<128x64xf32, #tpu.memory_space<vmem>>, vector<1x16xf32>,
      %swap3A_445 = vector.shape_cast %swap3A_444 : vector<1x16xf32> to vector<16xf32>
      %swap3A_446 = vector.shape_cast %mul3A_441 : vector<16xf32> to vector<1x16xf32>
      tpu.vector_store %arg9[%swap3A_442, %swap3A_443], %swap3A_446 {strides = array<i32>} : memref<128x64xf32, #tpu.memory_space<vmem>>, vector<1x16xf32>,
      %mul3A_447 = vector.broadcast %scan3A_214 : f32 to vector<16xf32>
      %mul3A_448 = arith.mulf %scan3A_431#2, %mul3A_447 : vector<16xf32>
      %swap3A_449 = arith.index_cast %add3A_412 : i32 to index
      %swap3A_450 = arith.constant 32 : index
      %swap3A_451 = tpu.vector_load %arg9[%swap3A_449, %swap3A_450] {strides = array<i32>} : memref<128x64xf32, #tpu.memory_space<vmem>>, vector<1x16xf32>,
      %swap3A_452 = vector.shape_cast %swap3A_451 : vector<1x16xf32> to vector<16xf32>
      %swap3A_453 = vector.shape_cast %mul3A_448 : vector<16xf32> to vector<1x16xf32>
      tpu.vector_store %arg9[%swap3A_449, %swap3A_450], %swap3A_453 {strides = array<i32>} : memref<128x64xf32, #tpu.memory_space<vmem>>, vector<1x16xf32>,
      %mul3A_454 = vector.broadcast %scan3A_214 : f32 to vector<16xf32>
      %mul3A_455 = arith.mulf %scan3A_431#3, %mul3A_454 : vector<16xf32>
      %swap3A_456 = arith.index_cast %add3A_412 : i32 to index
      %swap3A_457 = arith.constant 48 : index
      %swap3A_458 = tpu.vector_load %arg9[%swap3A_456, %swap3A_457] {strides = array<i32>} : memref<128x64xf32, #tpu.memory_space<vmem>>, vector<1x16xf32>,
      %swap3A_459 = vector.shape_cast %swap3A_458 : vector<1x16xf32> to vector<16xf32>
      %swap3A_460 = vector.shape_cast %mul3A_455 : vector<16xf32> to vector<1x16xf32>
      tpu.vector_store %arg9[%swap3A_456, %swap3A_457], %swap3A_460 {strides = array<i32>} : memref<128x64xf32, #tpu.memory_space<vmem>>, vector<1x16xf32>,
      %add3A_461 = arith.constant 2 : i32
      %add3A_462 = arith.addi %add3A_412, %add3A_461 : i32
      %dma_start3A_463 = arith.constant 1 : i32
      %dma_start3A_464 = arith.constant 0 : i32
      %dma_start3A_465 = arith.constant 0 : i32
      %dma_start3A_466 = tpu.memref_slice %arg8[%dma_start3A_463, %dma_start3A_464, %dma_start3A_465] : memref<2x200x64xf32, #tpu.memory_space<vmem>> -> memref<1x96x64xf32, #tpu.memory_space<vmem>>
      %dma_start3A_467 = tpu.memref_squeeze %dma_start3A_466 : memref<1x96x64xf32, #tpu.memory_space<vmem>> -> memref<96x64xf32, #tpu.memory_space<vmem>>
      %dma_start3A_468 = arith.constant 0 : i32
      %dma_start3A_469 = tpu.memref_slice %arg7[%add3A_462, %dma_start3A_468] : memref<128x200xi32, #tpu.memory_space<vmem>> -> memref<1x96xi32, #tpu.memory_space<vmem>>
      %dma_start3A_470 = tpu.memref_squeeze %dma_start3A_469 : memref<1x96xi32, #tpu.memory_space<vmem>> -> memref<96xi32, #tpu.memory_space<vmem>>
      %dma_start3A_471 = arith.constant 0 : i32
      %dma_start3A_472 = arith.constant 0 : i32
      %dma_start3A_473 = tpu.memref_slice %arg4[%dma_start3A_471, %dma_start3A_472] : memref<100000x64xf32, #tpu.memory_space<hbm>> -> memref<100000x64xf32, #tpu.memory_space<hbm>>
      tpu.enqueue_indirect_dma source(%dma_start3A_473 : memref<100000x64xf32, #tpu.memory_space<hbm>>) target(%dma_start3A_467 : memref<96x64xf32, #tpu.memory_space<vmem>>) offsets(%dma_start3A_470 : memref<96xi32, #tpu.memory_space<vmem>>) semaphore(%arg11 : memref<!tpu.dma_semaphore, #tpu.memory_space<semaphore_mem>>)
      %dma_start3A_474 = arith.constant 1 : i32
      %dma_start3A_475 = arith.constant 96 : i32
      %dma_start3A_476 = arith.constant 0 : i32
      %dma_start3A_477 = tpu.memref_slice %arg8[%dma_start3A_474, %dma_start3A_475, %dma_start3A_476] : memref<2x200x64xf32, #tpu.memory_space<vmem>> -> memref<1x104x64xf32, #tpu.memory_space<vmem>>
      %dma_start3A_478 = tpu.memref_squeeze %dma_start3A_477 : memref<1x104x64xf32, #tpu.memory_space<vmem>> -> memref<104x64xf32, #tpu.memory_space<vmem>>
      %dma_start3A_479 = arith.constant 96 : i32
      %dma_start3A_480 = tpu.memref_slice %arg7[%add3A_462, %dma_start3A_479] : memref<128x200xi32, #tpu.memory_space<vmem>> -> memref<1x104xi32, #tpu.memory_space<vmem>>
      %dma_start3A_481 = tpu.memref_squeeze %dma_start3A_480 : memref<1x104xi32, #tpu.memory_space<vmem>> -> memref<104xi32, #tpu.memory_space<vmem>>
      %dma_start3A_482 = arith.constant 0 : i32
      %dma_start3A_483 = arith.constant 0 : i32
      %dma_start3A_484 = tpu.memref_slice %arg4[%dma_start3A_482, %dma_start3A_483] : memref<100000x64xf32, #tpu.memory_space<hbm>> -> memref<100000x64xf32, #tpu.memory_space<hbm>>
      tpu.enqueue_indirect_dma source(%dma_start3A_484 : memref<100000x64xf32, #tpu.memory_space<hbm>>) target(%dma_start3A_478 : memref<104x64xf32, #tpu.memory_space<vmem>>) offsets(%dma_start3A_481 : memref<104xi32, #tpu.memory_space<vmem>>) semaphore(%arg11 : memref<!tpu.dma_semaphore, #tpu.memory_space<semaphore_mem>>)
    }
    %scan3A_219 = arith.constant 63 : i32
    %dma_wait3A_220 = arith.constant 0 : i32
    %dma_wait3A_221 = arith.constant 0 : i32
    %dma_wait3A_222 = arith.constant 0 : i32
    %dma_wait3A_223 = arith.constant 0 : i32
    %dma_wait3A_224 = tpu.memref_slice %arg8[%dma_wait3A_221, %dma_wait3A_222, %dma_wait3A_223] : memref<2x200x64xf32, #tpu.memory_space<vmem>> -> memref<1x200x64xf32, #tpu.memory_space<vmem>>
    %dma_wait3A_225 = tpu.memref_squeeze %dma_wait3A_224 : memref<1x200x64xf32, #tpu.memory_space<vmem>> -> memref<200x64xf32, #tpu.memory_space<vmem>>
    %dma_wait3A_226 = arith.constant 0 : i32
    %dma_wait3A_227 = tpu.memref_slice %arg7[%dma_wait3A_220, %dma_wait3A_226] : memref<128x200xi32, #tpu.memory_space<vmem>> -> memref<1x96xi32, #tpu.memory_space<vmem>>
    %dma_wait3A_228 = tpu.memref_squeeze %dma_wait3A_227 : memref<1x96xi32, #tpu.memory_space<vmem>> -> memref<96xi32, #tpu.memory_space<vmem>>
    %dma_wait3A_229 = arith.constant 0 : i32
    %dma_wait3A_230 = arith.constant 0 : i32
    %dma_wait3A_231 = tpu.memref_slice %arg4[%dma_wait3A_229, %dma_wait3A_230] : memref<100000x64xf32, #tpu.memory_space<hbm>> -> memref<100000x64xf32, #tpu.memory_space<hbm>>
    tpu.wait_indirect_dma semaphore(%arg10 : memref<!tpu.dma_semaphore, #tpu.memory_space<semaphore_mem>>) src(%dma_wait3A_231 : memref<100000x64xf32, #tpu.memory_space<hbm>>) dst(%dma_wait3A_225 : memref<200x64xf32, #tpu.memory_space<vmem>>)
    %broadcast_in_dim3A_232 = arith.constant 0.000000e+00 : f32
    %broadcast_in_dim3A_233 = vector.broadcast %broadcast_in_dim3A_232 : f32 to vector<16xf32>
    %scan3A_234 = arith.constant 0 : i32
    %scan3A_235 = arith.constant 25 : i32
    %scan3A_236 = arith.addi %scan3A_234, %scan3A_235 : i32
    %scan3A_237 = arith.constant 1 : i32
    %scan3A_238:4 = scf.for %scan3A_332 = %scan3A_234 to %scan3A_236 step %scan3A_237 iter_args(%scan3A_333 = %broadcast_in_dim3A_233, %scan3A_334 = %broadcast_in_dim3A_233, %scan3A_335 = %broadcast_in_dim3A_233, %scan3A_336 = %broadcast_in_dim3A_233) -> (vector<16xf32>, vector<16xf32>, vector<16xf32>, vector<16xf32>)  : i32 {
      %mul3A_337 = arith.constant 8 : i32
      %mul3A_338 = arith.muli %scan3A_332, %mul3A_337 : i32
      %add3A_339 = arith.constant 0 : i32
      %add3A_340 = arith.addi %mul3A_338, %add3A_339 : i32
      %get3A = arith.constant 0 : i32
      %get3A_341 = arith.index_cast %get3A : i32 to index
      %get3A_342 = arith.index_cast %add3A_340 : i32 to index
      %get3A_343 = arith.constant 0 : index
      %get3A_344 = tpu.vector_load %arg8[%get3A_341, %get3A_342, %get3A_343] {strides = array<i32>} : memref<2x200x64xf32, #tpu.memory_space<vmem>>, vector<1x1x16xf32>,
      %get3A_345 = vector.shape_cast %get3A_344 : vector<1x1x16xf32> to vector<16xf32>
      %add3A_346 = arith.addf %scan3A_333, %get3A_345 : vector<16xf32>
      %add3A_347 = arith.constant 0 : i32
      %add3A_348 = arith.addi %mul3A_338, %add3A_347 : i32
      %get3A_349 = arith.constant 0 : i32
      %get3A_350 = arith.index_cast %get3A_349 : i32 to index
      %get3A_351 = arith.index_cast %add3A_348 : i32 to index
      %get3A_352 = arith.constant 16 : index
      %get3A_353 = tpu.vector_load %arg8[%get3A_350, %get3A_351, %get3A_352] {strides = array<i32>} : memref<2x200x64xf32, #tpu.memory_space<vmem>>, vector<1x1x16xf32>,
      %get3A_354 = vector.shape_cast %get3A_353 : vector<1x1x16xf32> to vector<16xf32>
      %add3A_355 = arith.addf %scan3A_334, %get3A_354 : vector<16xf32>
      %add3A_356 = arith.constant 0 : i32
      %add3A_357 = arith.addi %mul3A_338, %add3A_356 : i32
      %get3A_358 = arith.constant 0 : i32
      %get3A_359 = arith.index_cast %get3A_358 : i32 to index
      %get3A_360 = arith.index_cast %add3A_357 : i32 to index
      %get3A_361 = arith.constant 32 : index
      %get3A_362 = tpu.vector_load %arg8[%get3A_359, %get3A_360, %get3A_361] {strides = array<i32>} : memref<2x200x64xf32, #tpu.memory_space<vmem>>, vector<1x1x16xf32>,
      %get3A_363 = vector.shape_cast %get3A_362 : vector<1x1x16xf32> to vector<16xf32>
      %add3A_364 = arith.addf %scan3A_335, %get3A_363 : vector<16xf32>
      %add3A_365 = arith.constant 0 : i32
      %add3A_366 = arith.addi %mul3A_338, %add3A_365 : i32
      %get3A_367 = arith.constant 0 : i32
      %get3A_368 = arith.index_cast %get3A_367 : i32 to index
      %get3A_369 = arith.index_cast %add3A_366 : i32 to index
      %get3A_370 = arith.constant 48 : index
      %get3A_371 = tpu.vector_load %arg8[%get3A_368, %get3A_369, %get3A_370] {strides = array<i32>} : memref<2x200x64xf32, #tpu.memory_space<vmem>>, vector<1x1x16xf32>,
      %get3A_372 = vector.shape_cast %get3A_371 : vector<1x1x16xf32> to vector<16xf32>
      %add3A_373 = arith.addf %scan3A_336, %get3A_372 : vector<16xf32>
      %add3A_374 = arith.constant 1 : i32
      %add3A_375 = arith.addi %mul3A_338, %add3A_374 : i32
      %get3A_376 = arith.constant 0 : i32
      %get3A_377 = arith.index_cast %get3A_376 : i32 to index
      %get3A_378 = arith.index_cast %add3A_375 : i32 to index
      %get3A_379 = arith.constant 0 : index
      %get3A_380 = tpu.vector_load %arg8[%get3A_377, %get3A_378, %get3A_379] {strides = array<i32>} : memref<2x200x64xf32, #tpu.memory_space<vmem>>, vector<1x1x16xf32>,
      %get3A_381 = vector.shape_cast %get3A_380 : vector<1x1x16xf32> to vector<16xf32>
      %add3A_382 = arith.addf %add3A_346, %get3A_381 : vector<16xf32>
      %add3A_383 = arith.constant 1 : i32
      %add3A_384 = arith.addi %mul3A_338, %add3A_383 : i32
      %get3A_385 = arith.constant 0 : i32
      %get3A_386 = arith.index_cast %get3A_385 : i32 to index
      %get3A_387 = arith.index_cast %add3A_384 : i32 to index
      %get3A_388 = arith.constant 16 : index
      %get3A_389 = tpu.vector_load %arg8[%get3A_386, %get3A_387, %get3A_388] {strides = array<i32>} : memref<2x200x64xf32, #tpu.memory_space<vmem>>, vector<1x1x16xf32>,
      %get3A_390 = vector.shape_cast %get3A_389 : vector<1x1x16xf32> to vector<16xf32>
      %add3A_391 = arith.addf %add3A_355, %get3A_390 : vector<16xf32>
      %add3A_392 = arith.constant 1 : i32
      %add3A_393 = arith.addi %mul3A_338, %add3A_392 : i32
      %get3A_394 = arith.constant 0 : i32
      %get3A_395 = arith.index_cast %get3A_394 : i32 to index
      %get3A_396 = arith.index_cast %add3A_393 : i32 to index
      %get3A_397 = arith.constant 32 : index
      %get3A_398 = tpu.vector_load %arg8[%get3A_395, %get3A_396, %get3A_397] {strides = array<i32>} : memref<2x200x64xf32, #tpu.memory_space<vmem>>, vector<1x1x16xf32>,
      %get3A_399 = vector.shape_cast %get3A_398 : vector<1x1x16xf32> to vector<16xf32>
      %add3A_400 = arith.addf %add3A_364, %get3A_399 : vector<16xf32>
      %add3A_401 = arith.constant 1 : i32
      %add3A_402 = arith.addi %mul3A_338, %add3A_401 : i32
      %get3A_403 = arith.constant 0 : i32
      %get3A_404 = arith.index_cast %get3A_403 : i32 to index
      %get3A_405 = arith.index_cast %add3A_402 : i32 to index
      %get3A_406 = arith.constant 48 : index
      %get3A_407 = tpu.vector_load %arg8[%get3A_404, %get3A_405, %get3A_406] {strides = array<i32>} : memref<2x200x64xf32, #tpu.memory_space<vmem>>, vector<1x1x16xf32>,
      %get3A_408 = vector.shape_cast %get3A_407 : vector<1x1x16xf32> to vector<16xf32>
      %add3A_409 = arith.addf %add3A_373, %get3A_408 : vector<16xf32>
      %add3A_410 = arith.constant 2 : i32
      %add3A_411 = arith.addi %mul3A_338, %add3A_410 : i32
      %get3A_412 = arith.constant 0 : i32
      %get3A_413 = arith.index_cast %get3A_412 : i32 to index
      %get3A_414 = arith.index_cast %add3A_411 : i32 to index
      %get3A_415 = arith.constant 0 : index
      %get3A_416 = tpu.vector_load %arg8[%get3A_413, %get3A_414, %get3A_415] {strides = array<i32>} : memref<2x200x64xf32, #tpu.memory_space<vmem>>, vector<1x1x16xf32>,
      %get3A_417 = vector.shape_cast %get3A_416 : vector<1x1x16xf32> to vector<16xf32>
      %add3A_418 = arith.addf %add3A_382, %get3A_417 : vector<16xf32>
      %add3A_419 = arith.constant 2 : i32
      %add3A_420 = arith.addi %mul3A_338, %add3A_419 : i32
      %get3A_421 = arith.constant 0 : i32
      %get3A_422 = arith.index_cast %get3A_421 : i32 to index
      %get3A_423 = arith.index_cast %add3A_420 : i32 to index
      %get3A_424 = arith.constant 16 : index
      %get3A_425 = tpu.vector_load %arg8[%get3A_422, %get3A_423, %get3A_424] {strides = array<i32>} : memref<2x200x64xf32, #tpu.memory_space<vmem>>, vector<1x1x16xf32>,
      %get3A_426 = vector.shape_cast %get3A_425 : vector<1x1x16xf32> to vector<16xf32>
      %add3A_427 = arith.addf %add3A_391, %get3A_426 : vector<16xf32>
      %add3A_428 = arith.constant 2 : i32
      %add3A_429 = arith.addi %mul3A_338, %add3A_428 : i32
      %get3A_430 = arith.constant 0 : i32
      %get3A_431 = arith.index_cast %get3A_430 : i32 to index
      %get3A_432 = arith.index_cast %add3A_429 : i32 to index
      %get3A_433 = arith.constant 32 : index
      %get3A_434 = tpu.vector_load %arg8[%get3A_431, %get3A_432, %get3A_433] {strides = array<i32>} : memref<2x200x64xf32, #tpu.memory_space<vmem>>, vector<1x1x16xf32>,
      %get3A_435 = vector.shape_cast %get3A_434 : vector<1x1x16xf32> to vector<16xf32>
      %add3A_436 = arith.addf %add3A_400, %get3A_435 : vector<16xf32>
      %add3A_437 = arith.constant 2 : i32
      %add3A_438 = arith.addi %mul3A_338, %add3A_437 : i32
      %get3A_439 = arith.constant 0 : i32
      %get3A_440 = arith.index_cast %get3A_439 : i32 to index
      %get3A_441 = arith.index_cast %add3A_438 : i32 to index
      %get3A_442 = arith.constant 48 : index
      %get3A_443 = tpu.vector_load %arg8[%get3A_440, %get3A_441, %get3A_442] {strides = array<i32>} : memref<2x200x64xf32, #tpu.memory_space<vmem>>, vector<1x1x16xf32>,
      %get3A_444 = vector.shape_cast %get3A_443 : vector<1x1x16xf32> to vector<16xf32>
      %add3A_445 = arith.addf %add3A_409, %get3A_444 : vector<16xf32>
      %add3A_446 = arith.constant 3 : i32
      %add3A_447 = arith.addi %mul3A_338, %add3A_446 : i32
      %get3A_448 = arith.constant 0 : i32
      %get3A_449 = arith.index_cast %get3A_448 : i32 to index
      %get3A_450 = arith.index_cast %add3A_447 : i32 to index
      %get3A_451 = arith.constant 0 : index
      %get3A_452 = tpu.vector_load %arg8[%get3A_449, %get3A_450, %get3A_451] {strides = array<i32>} : memref<2x200x64xf32, #tpu.memory_space<vmem>>, vector<1x1x16xf32>,
      %get3A_453 = vector.shape_cast %get3A_452 : vector<1x1x16xf32> to vector<16xf32>
      %add3A_454 = arith.addf %add3A_418, %get3A_453 : vector<16xf32>
      %add3A_455 = arith.constant 3 : i32
      %add3A_456 = arith.addi %mul3A_338, %add3A_455 : i32
      %get3A_457 = arith.constant 0 : i32
      %get3A_458 = arith.index_cast %get3A_457 : i32 to index
      %get3A_459 = arith.index_cast %add3A_456 : i32 to index
      %get3A_460 = arith.constant 16 : index
      %get3A_461 = tpu.vector_load %arg8[%get3A_458, %get3A_459, %get3A_460] {strides = array<i32>} : memref<2x200x64xf32, #tpu.memory_space<vmem>>, vector<1x1x16xf32>,
      %get3A_462 = vector.shape_cast %get3A_461 : vector<1x1x16xf32> to vector<16xf32>
      %add3A_463 = arith.addf %add3A_427, %get3A_462 : vector<16xf32>
      %add3A_464 = arith.constant 3 : i32
      %add3A_465 = arith.addi %mul3A_338, %add3A_464 : i32
      %get3A_466 = arith.constant 0 : i32
      %get3A_467 = arith.index_cast %get3A_466 : i32 to index
      %get3A_468 = arith.index_cast %add3A_465 : i32 to index
      %get3A_469 = arith.constant 32 : index
      %get3A_470 = tpu.vector_load %arg8[%get3A_467, %get3A_468, %get3A_469] {strides = array<i32>} : memref<2x200x64xf32, #tpu.memory_space<vmem>>, vector<1x1x16xf32>,
      %get3A_471 = vector.shape_cast %get3A_470 : vector<1x1x16xf32> to vector<16xf32>
      %add3A_472 = arith.addf %add3A_436, %get3A_471 : vector<16xf32>
      %add3A_473 = arith.constant 3 : i32
      %add3A_474 = arith.addi %mul3A_338, %add3A_473 : i32
      %get3A_475 = arith.constant 0 : i32
      %get3A_476 = arith.index_cast %get3A_475 : i32 to index
      %get3A_477 = arith.index_cast %add3A_474 : i32 to index
      %get3A_478 = arith.constant 48 : index
      %get3A_479 = tpu.vector_load %arg8[%get3A_476, %get3A_477, %get3A_478] {strides = array<i32>} : memref<2x200x64xf32, #tpu.memory_space<vmem>>, vector<1x1x16xf32>,
      %get3A_480 = vector.shape_cast %get3A_479 : vector<1x1x16xf32> to vector<16xf32>
      %add3A_481 = arith.addf %add3A_445, %get3A_480 : vector<16xf32>
      %add3A_482 = arith.constant 4 : i32
      %add3A_483 = arith.addi %mul3A_338, %add3A_482 : i32
      %get3A_484 = arith.constant 0 : i32
      %get3A_485 = arith.index_cast %get3A_484 : i32 to index
      %get3A_486 = arith.index_cast %add3A_483 : i32 to index
      %get3A_487 = arith.constant 0 : index
      %get3A_488 = tpu.vector_load %arg8[%get3A_485, %get3A_486, %get3A_487] {strides = array<i32>} : memref<2x200x64xf32, #tpu.memory_space<vmem>>, vector<1x1x16xf32>,
      %get3A_489 = vector.shape_cast %get3A_488 : vector<1x1x16xf32> to vector<16xf32>
      %add3A_490 = arith.addf %add3A_454, %get3A_489 : vector<16xf32>
      %add3A_491 = arith.constant 4 : i32
      %add3A_492 = arith.addi %mul3A_338, %add3A_491 : i32
      %get3A_493 = arith.constant 0 : i32
      %get3A_494 = arith.index_cast %get3A_493 : i32 to index
      %get3A_495 = arith.index_cast %add3A_492 : i32 to index
      %get3A_496 = arith.constant 16 : index
      %get3A_497 = tpu.vector_load %arg8[%get3A_494, %get3A_495, %get3A_496] {strides = array<i32>} : memref<2x200x64xf32, #tpu.memory_space<vmem>>, vector<1x1x16xf32>,
      %get3A_498 = vector.shape_cast %get3A_497 : vector<1x1x16xf32> to vector<16xf32>
      %add3A_499 = arith.addf %add3A_463, %get3A_498 : vector<16xf32>
      %add3A_500 = arith.constant 4 : i32
      %add3A_501 = arith.addi %mul3A_338, %add3A_500 : i32
      %get3A_502 = arith.constant 0 : i32
      %get3A_503 = arith.index_cast %get3A_502 : i32 to index
      %get3A_504 = arith.index_cast %add3A_501 : i32 to index
      %get3A_505 = arith.constant 32 : index
      %get3A_506 = tpu.vector_load %arg8[%get3A_503, %get3A_504, %get3A_505] {strides = array<i32>} : memref<2x200x64xf32, #tpu.memory_space<vmem>>, vector<1x1x16xf32>,
      %get3A_507 = vector.shape_cast %get3A_506 : vector<1x1x16xf32> to vector<16xf32>
      %add3A_508 = arith.addf %add3A_472, %get3A_507 : vector<16xf32>
      %add3A_509 = arith.constant 4 : i32
      %add3A_510 = arith.addi %mul3A_338, %add3A_509 : i32
      %get3A_511 = arith.constant 0 : i32
      %get3A_512 = arith.index_cast %get3A_511 : i32 to index
      %get3A_513 = arith.index_cast %add3A_510 : i32 to index
      %get3A_514 = arith.constant 48 : index
      %get3A_515 = tpu.vector_load %arg8[%get3A_512, %get3A_513, %get3A_514] {strides = array<i32>} : memref<2x200x64xf32, #tpu.memory_space<vmem>>, vector<1x1x16xf32>,
      %get3A_516 = vector.shape_cast %get3A_515 : vector<1x1x16xf32> to vector<16xf32>
      %add3A_517 = arith.addf %add3A_481, %get3A_516 : vector<16xf32>
      %add3A_518 = arith.constant 5 : i32
      %add3A_519 = arith.addi %mul3A_338, %add3A_518 : i32
      %get3A_520 = arith.constant 0 : i32
      %get3A_521 = arith.index_cast %get3A_520 : i32 to index
      %get3A_522 = arith.index_cast %add3A_519 : i32 to index
      %get3A_523 = arith.constant 0 : index
      %get3A_524 = tpu.vector_load %arg8[%get3A_521, %get3A_522, %get3A_523] {strides = array<i32>} : memref<2x200x64xf32, #tpu.memory_space<vmem>>, vector<1x1x16xf32>,
      %get3A_525 = vector.shape_cast %get3A_524 : vector<1x1x16xf32> to vector<16xf32>
      %add3A_526 = arith.addf %add3A_490, %get3A_525 : vector<16xf32>
      %add3A_527 = arith.constant 5 : i32
      %add3A_528 = arith.addi %mul3A_338, %add3A_527 : i32
      %get3A_529 = arith.constant 0 : i32
      %get3A_530 = arith.index_cast %get3A_529 : i32 to index
      %get3A_531 = arith.index_cast %add3A_528 : i32 to index
      %get3A_532 = arith.constant 16 : index
      %get3A_533 = tpu.vector_load %arg8[%get3A_530, %get3A_531, %get3A_532] {strides = array<i32>} : memref<2x200x64xf32, #tpu.memory_space<vmem>>, vector<1x1x16xf32>,
      %get3A_534 = vector.shape_cast %get3A_533 : vector<1x1x16xf32> to vector<16xf32>
      %add3A_535 = arith.addf %add3A_499, %get3A_534 : vector<16xf32>
      %add3A_536 = arith.constant 5 : i32
      %add3A_537 = arith.addi %mul3A_338, %add3A_536 : i32
      %get3A_538 = arith.constant 0 : i32
      %get3A_539 = arith.index_cast %get3A_538 : i32 to index
      %get3A_540 = arith.index_cast %add3A_537 : i32 to index
      %get3A_541 = arith.constant 32 : index
      %get3A_542 = tpu.vector_load %arg8[%get3A_539, %get3A_540, %get3A_541] {strides = array<i32>} : memref<2x200x64xf32, #tpu.memory_space<vmem>>, vector<1x1x16xf32>,
      %get3A_543 = vector.shape_cast %get3A_542 : vector<1x1x16xf32> to vector<16xf32>
      %add3A_544 = arith.addf %add3A_508, %get3A_543 : vector<16xf32>
      %add3A_545 = arith.constant 5 : i32
      %add3A_546 = arith.addi %mul3A_338, %add3A_545 : i32
      %get3A_547 = arith.constant 0 : i32
      %get3A_548 = arith.index_cast %get3A_547 : i32 to index
      %get3A_549 = arith.index_cast %add3A_546 : i32 to index
      %get3A_550 = arith.constant 48 : index
      %get3A_551 = tpu.vector_load %arg8[%get3A_548, %get3A_549, %get3A_550] {strides = array<i32>} : memref<2x200x64xf32, #tpu.memory_space<vmem>>, vector<1x1x16xf32>,
      %get3A_552 = vector.shape_cast %get3A_551 : vector<1x1x16xf32> to vector<16xf32>
      %add3A_553 = arith.addf %add3A_517, %get3A_552 : vector<16xf32>
      %add3A_554 = arith.constant 6 : i32
      %add3A_555 = arith.addi %mul3A_338, %add3A_554 : i32
      %get3A_556 = arith.constant 0 : i32
      %get3A_557 = arith.index_cast %get3A_556 : i32 to index
      %get3A_558 = arith.index_cast %add3A_555 : i32 to index
      %get3A_559 = arith.constant 0 : index
      %get3A_560 = tpu.vector_load %arg8[%get3A_557, %get3A_558, %get3A_559] {strides = array<i32>} : memref<2x200x64xf32, #tpu.memory_space<vmem>>, vector<1x1x16xf32>,
      %get3A_561 = vector.shape_cast %get3A_560 : vector<1x1x16xf32> to vector<16xf32>
      %add3A_562 = arith.addf %add3A_526, %get3A_561 : vector<16xf32>
      %add3A_563 = arith.constant 6 : i32
      %add3A_564 = arith.addi %mul3A_338, %add3A_563 : i32
      %get3A_565 = arith.constant 0 : i32
      %get3A_566 = arith.index_cast %get3A_565 : i32 to index
      %get3A_567 = arith.index_cast %add3A_564 : i32 to index
      %get3A_568 = arith.constant 16 : index
      %get3A_569 = tpu.vector_load %arg8[%get3A_566, %get3A_567, %get3A_568] {strides = array<i32>} : memref<2x200x64xf32, #tpu.memory_space<vmem>>, vector<1x1x16xf32>,
      %get3A_570 = vector.shape_cast %get3A_569 : vector<1x1x16xf32> to vector<16xf32>
      %add3A_571 = arith.addf %add3A_535, %get3A_570 : vector<16xf32>
      %add3A_572 = arith.constant 6 : i32
      %add3A_573 = arith.addi %mul3A_338, %add3A_572 : i32
      %get3A_574 = arith.constant 0 : i32
      %get3A_575 = arith.index_cast %get3A_574 : i32 to index
      %get3A_576 = arith.index_cast %add3A_573 : i32 to index
      %get3A_577 = arith.constant 32 : index
      %get3A_578 = tpu.vector_load %arg8[%get3A_575, %get3A_576, %get3A_577] {strides = array<i32>} : memref<2x200x64xf32, #tpu.memory_space<vmem>>, vector<1x1x16xf32>,
      %get3A_579 = vector.shape_cast %get3A_578 : vector<1x1x16xf32> to vector<16xf32>
      %add3A_580 = arith.addf %add3A_544, %get3A_579 : vector<16xf32>
      %add3A_581 = arith.constant 6 : i32
      %add3A_582 = arith.addi %mul3A_338, %add3A_581 : i32
      %get3A_583 = arith.constant 0 : i32
      %get3A_584 = arith.index_cast %get3A_583 : i32 to index
      %get3A_585 = arith.index_cast %add3A_582 : i32 to index
      %get3A_586 = arith.constant 48 : index
      %get3A_587 = tpu.vector_load %arg8[%get3A_584, %get3A_585, %get3A_586] {strides = array<i32>} : memref<2x200x64xf32, #tpu.memory_space<vmem>>, vector<1x1x16xf32>,
      %get3A_588 = vector.shape_cast %get3A_587 : vector<1x1x16xf32> to vector<16xf32>
      %add3A_589 = arith.addf %add3A_553, %get3A_588 : vector<16xf32>
      %add3A_590 = arith.constant 7 : i32
      %add3A_591 = arith.addi %mul3A_338, %add3A_590 : i32
      %get3A_592 = arith.constant 0 : i32
      %get3A_593 = arith.index_cast %get3A_592 : i32 to index
      %get3A_594 = arith.index_cast %add3A_591 : i32 to index
      %get3A_595 = arith.constant 0 : index
      %get3A_596 = tpu.vector_load %arg8[%get3A_593, %get3A_594, %get3A_595] {strides = array<i32>} : memref<2x200x64xf32, #tpu.memory_space<vmem>>, vector<1x1x16xf32>,
      %get3A_597 = vector.shape_cast %get3A_596 : vector<1x1x16xf32> to vector<16xf32>
      %add3A_598 = arith.addf %add3A_562, %get3A_597 : vector<16xf32>
      %add3A_599 = arith.constant 7 : i32
      %add3A_600 = arith.addi %mul3A_338, %add3A_599 : i32
      %get3A_601 = arith.constant 0 : i32
      %get3A_602 = arith.index_cast %get3A_601 : i32 to index
      %get3A_603 = arith.index_cast %add3A_600 : i32 to index
      %get3A_604 = arith.constant 16 : index
      %get3A_605 = tpu.vector_load %arg8[%get3A_602, %get3A_603, %get3A_604] {strides = array<i32>} : memref<2x200x64xf32, #tpu.memory_space<vmem>>, vector<1x1x16xf32>,
      %get3A_606 = vector.shape_cast %get3A_605 : vector<1x1x16xf32> to vector<16xf32>
      %add3A_607 = arith.addf %add3A_571, %get3A_606 : vector<16xf32>
      %add3A_608 = arith.constant 7 : i32
      %add3A_609 = arith.addi %mul3A_338, %add3A_608 : i32
      %get3A_610 = arith.constant 0 : i32
      %get3A_611 = arith.index_cast %get3A_610 : i32 to index
      %get3A_612 = arith.index_cast %add3A_609 : i32 to index
      %get3A_613 = arith.constant 32 : index
      %get3A_614 = tpu.vector_load %arg8[%get3A_611, %get3A_612, %get3A_613] {strides = array<i32>} : memref<2x200x64xf32, #tpu.memory_space<vmem>>, vector<1x1x16xf32>,
      %get3A_615 = vector.shape_cast %get3A_614 : vector<1x1x16xf32> to vector<16xf32>
      %add3A_616 = arith.addf %add3A_580, %get3A_615 : vector<16xf32>
      %add3A_617 = arith.constant 7 : i32
      %add3A_618 = arith.addi %mul3A_338, %add3A_617 : i32
      %get3A_619 = arith.constant 0 : i32
      %get3A_620 = arith.index_cast %get3A_619 : i32 to index
      %get3A_621 = arith.index_cast %add3A_618 : i32 to index
      %get3A_622 = arith.constant 48 : index
      %get3A_623 = tpu.vector_load %arg8[%get3A_620, %get3A_621, %get3A_622] {strides = array<i32>} : memref<2x200x64xf32, #tpu.memory_space<vmem>>, vector<1x1x16xf32>,
      %get3A_624 = vector.shape_cast %get3A_623 : vector<1x1x16xf32> to vector<16xf32>
      %add3A_625 = arith.addf %add3A_589, %get3A_624 : vector<16xf32>
      scf.yield %add3A_598, %add3A_607, %add3A_616, %add3A_625 : vector<16xf32>, vector<16xf32>, vector<16xf32>, vector<16xf32>
    }
    %scan3A_239 = arith.constant 25 : i32
    %mul3A_240 = arith.constant 5.000000e-03 : f32
    %mul3A_241 = vector.broadcast %mul3A_240 : f32 to vector<16xf32>
    %mul3A_242 = arith.mulf %scan3A_238#0, %mul3A_241 : vector<16xf32>
    %swap3A_243 = arith.constant 126 : i32
    %swap3A_244 = arith.index_cast %swap3A_243 : i32 to index
    %swap3A_245 = arith.constant 0 : index
    %swap3A_246 = tpu.vector_load %arg9[%swap3A_244, %swap3A_245] {strides = array<i32>} : memref<128x64xf32, #tpu.memory_space<vmem>>, vector<1x16xf32>,
    %swap3A_247 = vector.shape_cast %swap3A_246 : vector<1x16xf32> to vector<16xf32>
    %swap3A_248 = vector.shape_cast %mul3A_242 : vector<16xf32> to vector<1x16xf32>
    tpu.vector_store %arg9[%swap3A_244, %swap3A_245], %swap3A_248 {strides = array<i32>} : memref<128x64xf32, #tpu.memory_space<vmem>>, vector<1x16xf32>,
    %mul3A_249 = arith.constant 5.000000e-03 : f32
    %mul3A_250 = vector.broadcast %mul3A_249 : f32 to vector<16xf32>
    %mul3A_251 = arith.mulf %scan3A_238#1, %mul3A_250 : vector<16xf32>
    %swap3A_252 = arith.constant 126 : i32
    %swap3A_253 = arith.index_cast %swap3A_252 : i32 to index
    %swap3A_254 = arith.constant 16 : index
    %swap3A_255 = tpu.vector_load %arg9[%swap3A_253, %swap3A_254] {strides = array<i32>} : memref<128x64xf32, #tpu.memory_space<vmem>>, vector<1x16xf32>,
    %swap3A_256 = vector.shape_cast %swap3A_255 : vector<1x16xf32> to vector<16xf32>
    %swap3A_257 = vector.shape_cast %mul3A_251 : vector<16xf32> to vector<1x16xf32>
    tpu.vector_store %arg9[%swap3A_253, %swap3A_254], %swap3A_257 {strides = array<i32>} : memref<128x64xf32, #tpu.memory_space<vmem>>, vector<1x16xf32>,
    %mul3A_258 = arith.constant 5.000000e-03 : f32
    %mul3A_259 = vector.broadcast %mul3A_258 : f32 to vector<16xf32>
    %mul3A_260 = arith.mulf %scan3A_238#2, %mul3A_259 : vector<16xf32>
    %swap3A_261 = arith.constant 126 : i32
    %swap3A_262 = arith.index_cast %swap3A_261 : i32 to index
    %swap3A_263 = arith.constant 32 : index
    %swap3A_264 = tpu.vector_load %arg9[%swap3A_262, %swap3A_263] {strides = array<i32>} : memref<128x64xf32, #tpu.memory_space<vmem>>, vector<1x16xf32>,
    %swap3A_265 = vector.shape_cast %swap3A_264 : vector<1x16xf32> to vector<16xf32>
    %swap3A_266 = vector.shape_cast %mul3A_260 : vector<16xf32> to vector<1x16xf32>
    tpu.vector_store %arg9[%swap3A_262, %swap3A_263], %swap3A_266 {strides = array<i32>} : memref<128x64xf32, #tpu.memory_space<vmem>>, vector<1x16xf32>,
    %mul3A_267 = arith.constant 5.000000e-03 : f32
    %mul3A_268 = vector.broadcast %mul3A_267 : f32 to vector<16xf32>
    %mul3A_269 = arith.mulf %scan3A_238#3, %mul3A_268 : vector<16xf32>
    %swap3A_270 = arith.constant 126 : i32
    %swap3A_271 = arith.index_cast %swap3A_270 : i32 to index
    %swap3A_272 = arith.constant 48 : index
    %swap3A_273 = tpu.vector_load %arg9[%swap3A_271, %swap3A_272] {strides = array<i32>} : memref<128x64xf32, #tpu.memory_space<vmem>>, vector<1x16xf32>,
    %swap3A_274 = vector.shape_cast %swap3A_273 : vector<1x16xf32> to vector<16xf32>
    %swap3A_275 = vector.shape_cast %mul3A_269 : vector<16xf32> to vector<1x16xf32>
    tpu.vector_store %arg9[%swap3A_271, %swap3A_272], %swap3A_275 {strides = array<i32>} : memref<128x64xf32, #tpu.memory_space<vmem>>, vector<1x16xf32>,
    %dma_wait3A_276 = arith.constant 0 : i32
    %dma_wait3A_277 = arith.constant 1 : i32
    %dma_wait3A_278 = arith.constant 0 : i32
    %dma_wait3A_279 = arith.constant 0 : i32
    %dma_wait3A_280 = tpu.memref_slice %arg8[%dma_wait3A_277, %dma_wait3A_278, %dma_wait3A_279] : memref<2x200x64xf32, #tpu.memory_space<vmem>> -> memref<1x200x64xf32, #tpu.memory_space<vmem>>
    %dma_wait3A_281 = tpu.memref_squeeze %dma_wait3A_280 : memref<1x200x64xf32, #tpu.memory_space<vmem>> -> memref<200x64xf32, #tpu.memory_space<vmem>>
    %dma_wait3A_282 = arith.constant 0 : i32
    %dma_wait3A_283 = tpu.memref_slice %arg7[%dma_wait3A_276, %dma_wait3A_282] : memref<128x200xi32, #tpu.memory_space<vmem>> -> memref<1x96xi32, #tpu.memory_space<vmem>>
    %dma_wait3A_284 = tpu.memref_squeeze %dma_wait3A_283 : memref<1x96xi32, #tpu.memory_space<vmem>> -> memref<96xi32, #tpu.memory_space<vmem>>
    %dma_wait3A_285 = arith.constant 0 : i32
    %dma_wait3A_286 = arith.constant 0 : i32
    %dma_wait3A_287 = tpu.memref_slice %arg4[%dma_wait3A_285, %dma_wait3A_286] : memref<100000x64xf32, #tpu.memory_space<hbm>> -> memref<100000x64xf32, #tpu.memory_space<hbm>>
    tpu.wait_indirect_dma semaphore(%arg11 : memref<!tpu.dma_semaphore, #tpu.memory_space<semaphore_mem>>) src(%dma_wait3A_287 : memref<100000x64xf32, #tpu.memory_space<hbm>>) dst(%dma_wait3A_281 : memref<200x64xf32, #tpu.memory_space<vmem>>)
    %broadcast_in_dim3A_288 = arith.constant 0.000000e+00 : f32
    %broadcast_in_dim3A_289 = vector.broadcast %broadcast_in_dim3A_288 : f32 to vector<16xf32>
    %scan3A_290 = arith.constant 0 : i32
    %scan3A_291 = arith.constant 25 : i32
    %scan3A_292 = arith.addi %scan3A_290, %scan3A_291 : i32
    %scan3A_293 = arith.constant 1 : i32
    %scan3A_294:4 = scf.for %scan3A_332 = %scan3A_290 to %scan3A_292 step %scan3A_293 iter_args(%scan3A_333 = %broadcast_in_dim3A_289, %scan3A_334 = %broadcast_in_dim3A_289, %scan3A_335 = %broadcast_in_dim3A_289, %scan3A_336 = %broadcast_in_dim3A_289) -> (vector<16xf32>, vector<16xf32>, vector<16xf32>, vector<16xf32>)  : i32 {
      %mul3A_337 = arith.constant 8 : i32
      %mul3A_338 = arith.muli %scan3A_332, %mul3A_337 : i32
      %add3A_339 = arith.constant 0 : i32
      %add3A_340 = arith.addi %mul3A_338, %add3A_339 : i32
      %get3A = arith.constant 1 : i32
      %get3A_341 = arith.index_cast %get3A : i32 to index
      %get3A_342 = arith.index_cast %add3A_340 : i32 to index
      %get3A_343 = arith.constant 0 : index
      %get3A_344 = tpu.vector_load %arg8[%get3A_341, %get3A_342, %get3A_343] {strides = array<i32>} : memref<2x200x64xf32, #tpu.memory_space<vmem>>, vector<1x1x16xf32>,
      %get3A_345 = vector.shape_cast %get3A_344 : vector<1x1x16xf32> to vector<16xf32>
      %add3A_346 = arith.addf %scan3A_333, %get3A_345 : vector<16xf32>
      %add3A_347 = arith.constant 0 : i32
      %add3A_348 = arith.addi %mul3A_338, %add3A_347 : i32
      %get3A_349 = arith.constant 1 : i32
      %get3A_350 = arith.index_cast %get3A_349 : i32 to index
      %get3A_351 = arith.index_cast %add3A_348 : i32 to index
      %get3A_352 = arith.constant 16 : index
      %get3A_353 = tpu.vector_load %arg8[%get3A_350, %get3A_351, %get3A_352] {strides = array<i32>} : memref<2x200x64xf32, #tpu.memory_space<vmem>>, vector<1x1x16xf32>,
      %get3A_354 = vector.shape_cast %get3A_353 : vector<1x1x16xf32> to vector<16xf32>
      %add3A_355 = arith.addf %scan3A_334, %get3A_354 : vector<16xf32>
      %add3A_356 = arith.constant 0 : i32
      %add3A_357 = arith.addi %mul3A_338, %add3A_356 : i32
      %get3A_358 = arith.constant 1 : i32
      %get3A_359 = arith.index_cast %get3A_358 : i32 to index
      %get3A_360 = arith.index_cast %add3A_357 : i32 to index
      %get3A_361 = arith.constant 32 : index
      %get3A_362 = tpu.vector_load %arg8[%get3A_359, %get3A_360, %get3A_361] {strides = array<i32>} : memref<2x200x64xf32, #tpu.memory_space<vmem>>, vector<1x1x16xf32>,
      %get3A_363 = vector.shape_cast %get3A_362 : vector<1x1x16xf32> to vector<16xf32>
      %add3A_364 = arith.addf %scan3A_335, %get3A_363 : vector<16xf32>
      %add3A_365 = arith.constant 0 : i32
      %add3A_366 = arith.addi %mul3A_338, %add3A_365 : i32
      %get3A_367 = arith.constant 1 : i32
      %get3A_368 = arith.index_cast %get3A_367 : i32 to index
      %get3A_369 = arith.index_cast %add3A_366 : i32 to index
      %get3A_370 = arith.constant 48 : index
      %get3A_371 = tpu.vector_load %arg8[%get3A_368, %get3A_369, %get3A_370] {strides = array<i32>} : memref<2x200x64xf32, #tpu.memory_space<vmem>>, vector<1x1x16xf32>,
      %get3A_372 = vector.shape_cast %get3A_371 : vector<1x1x16xf32> to vector<16xf32>
      %add3A_373 = arith.addf %scan3A_336, %get3A_372 : vector<16xf32>
      %add3A_374 = arith.constant 1 : i32
      %add3A_375 = arith.addi %mul3A_338, %add3A_374 : i32
      %get3A_376 = arith.constant 1 : i32
      %get3A_377 = arith.index_cast %get3A_376 : i32 to index
      %get3A_378 = arith.index_cast %add3A_375 : i32 to index
      %get3A_379 = arith.constant 0 : index
      %get3A_380 = tpu.vector_load %arg8[%get3A_377, %get3A_378, %get3A_379] {strides = array<i32>} : memref<2x200x64xf32, #tpu.memory_space<vmem>>, vector<1x1x16xf32>,
      %get3A_381 = vector.shape_cast %get3A_380 : vector<1x1x16xf32> to vector<16xf32>
      %add3A_382 = arith.addf %add3A_346, %get3A_381 : vector<16xf32>
      %add3A_383 = arith.constant 1 : i32
      %add3A_384 = arith.addi %mul3A_338, %add3A_383 : i32
      %get3A_385 = arith.constant 1 : i32
      %get3A_386 = arith.index_cast %get3A_385 : i32 to index
      %get3A_387 = arith.index_cast %add3A_384 : i32 to index
      %get3A_388 = arith.constant 16 : index
      %get3A_389 = tpu.vector_load %arg8[%get3A_386, %get3A_387, %get3A_388] {strides = array<i32>} : memref<2x200x64xf32, #tpu.memory_space<vmem>>, vector<1x1x16xf32>,
      %get3A_390 = vector.shape_cast %get3A_389 : vector<1x1x16xf32> to vector<16xf32>
      %add3A_391 = arith.addf %add3A_355, %get3A_390 : vector<16xf32>
      %add3A_392 = arith.constant 1 : i32
      %add3A_393 = arith.addi %mul3A_338, %add3A_392 : i32
      %get3A_394 = arith.constant 1 : i32
      %get3A_395 = arith.index_cast %get3A_394 : i32 to index
      %get3A_396 = arith.index_cast %add3A_393 : i32 to index
      %get3A_397 = arith.constant 32 : index
      %get3A_398 = tpu.vector_load %arg8[%get3A_395, %get3A_396, %get3A_397] {strides = array<i32>} : memref<2x200x64xf32, #tpu.memory_space<vmem>>, vector<1x1x16xf32>,
      %get3A_399 = vector.shape_cast %get3A_398 : vector<1x1x16xf32> to vector<16xf32>
      %add3A_400 = arith.addf %add3A_364, %get3A_399 : vector<16xf32>
      %add3A_401 = arith.constant 1 : i32
      %add3A_402 = arith.addi %mul3A_338, %add3A_401 : i32
      %get3A_403 = arith.constant 1 : i32
      %get3A_404 = arith.index_cast %get3A_403 : i32 to index
      %get3A_405 = arith.index_cast %add3A_402 : i32 to index
      %get3A_406 = arith.constant 48 : index
      %get3A_407 = tpu.vector_load %arg8[%get3A_404, %get3A_405, %get3A_406] {strides = array<i32>} : memref<2x200x64xf32, #tpu.memory_space<vmem>>, vector<1x1x16xf32>,
      %get3A_408 = vector.shape_cast %get3A_407 : vector<1x1x16xf32> to vector<16xf32>
      %add3A_409 = arith.addf %add3A_373, %get3A_408 : vector<16xf32>
      %add3A_410 = arith.constant 2 : i32
      %add3A_411 = arith.addi %mul3A_338, %add3A_410 : i32
      %get3A_412 = arith.constant 1 : i32
      %get3A_413 = arith.index_cast %get3A_412 : i32 to index
      %get3A_414 = arith.index_cast %add3A_411 : i32 to index
      %get3A_415 = arith.constant 0 : index
      %get3A_416 = tpu.vector_load %arg8[%get3A_413, %get3A_414, %get3A_415] {strides = array<i32>} : memref<2x200x64xf32, #tpu.memory_space<vmem>>, vector<1x1x16xf32>,
      %get3A_417 = vector.shape_cast %get3A_416 : vector<1x1x16xf32> to vector<16xf32>
      %add3A_418 = arith.addf %add3A_382, %get3A_417 : vector<16xf32>
      %add3A_419 = arith.constant 2 : i32
      %add3A_420 = arith.addi %mul3A_338, %add3A_419 : i32
      %get3A_421 = arith.constant 1 : i32
      %get3A_422 = arith.index_cast %get3A_421 : i32 to index
      %get3A_423 = arith.index_cast %add3A_420 : i32 to index
      %get3A_424 = arith.constant 16 : index
      %get3A_425 = tpu.vector_load %arg8[%get3A_422, %get3A_423, %get3A_424] {strides = array<i32>} : memref<2x200x64xf32, #tpu.memory_space<vmem>>, vector<1x1x16xf32>,
      %get3A_426 = vector.shape_cast %get3A_425 : vector<1x1x16xf32> to vector<16xf32>
      %add3A_427 = arith.addf %add3A_391, %get3A_426 : vector<16xf32>
      %add3A_428 = arith.constant 2 : i32
      %add3A_429 = arith.addi %mul3A_338, %add3A_428 : i32
      %get3A_430 = arith.constant 1 : i32
      %get3A_431 = arith.index_cast %get3A_430 : i32 to index
      %get3A_432 = arith.index_cast %add3A_429 : i32 to index
      %get3A_433 = arith.constant 32 : index
      %get3A_434 = tpu.vector_load %arg8[%get3A_431, %get3A_432, %get3A_433] {strides = array<i32>} : memref<2x200x64xf32, #tpu.memory_space<vmem>>, vector<1x1x16xf32>,
      %get3A_435 = vector.shape_cast %get3A_434 : vector<1x1x16xf32> to vector<16xf32>
      %add3A_436 = arith.addf %add3A_400, %get3A_435 : vector<16xf32>
      %add3A_437 = arith.constant 2 : i32
      %add3A_438 = arith.addi %mul3A_338, %add3A_437 : i32
      %get3A_439 = arith.constant 1 : i32
      %get3A_440 = arith.index_cast %get3A_439 : i32 to index
      %get3A_441 = arith.index_cast %add3A_438 : i32 to index
      %get3A_442 = arith.constant 48 : index
      %get3A_443 = tpu.vector_load %arg8[%get3A_440, %get3A_441, %get3A_442] {strides = array<i32>} : memref<2x200x64xf32, #tpu.memory_space<vmem>>, vector<1x1x16xf32>,
      %get3A_444 = vector.shape_cast %get3A_443 : vector<1x1x16xf32> to vector<16xf32>
      %add3A_445 = arith.addf %add3A_409, %get3A_444 : vector<16xf32>
      %add3A_446 = arith.constant 3 : i32
      %add3A_447 = arith.addi %mul3A_338, %add3A_446 : i32
      %get3A_448 = arith.constant 1 : i32
      %get3A_449 = arith.index_cast %get3A_448 : i32 to index
      %get3A_450 = arith.index_cast %add3A_447 : i32 to index
      %get3A_451 = arith.constant 0 : index
      %get3A_452 = tpu.vector_load %arg8[%get3A_449, %get3A_450, %get3A_451] {strides = array<i32>} : memref<2x200x64xf32, #tpu.memory_space<vmem>>, vector<1x1x16xf32>,
      %get3A_453 = vector.shape_cast %get3A_452 : vector<1x1x16xf32> to vector<16xf32>
      %add3A_454 = arith.addf %add3A_418, %get3A_453 : vector<16xf32>
      %add3A_455 = arith.constant 3 : i32
      %add3A_456 = arith.addi %mul3A_338, %add3A_455 : i32
      %get3A_457 = arith.constant 1 : i32
      %get3A_458 = arith.index_cast %get3A_457 : i32 to index
      %get3A_459 = arith.index_cast %add3A_456 : i32 to index
      %get3A_460 = arith.constant 16 : index
      %get3A_461 = tpu.vector_load %arg8[%get3A_458, %get3A_459, %get3A_460] {strides = array<i32>} : memref<2x200x64xf32, #tpu.memory_space<vmem>>, vector<1x1x16xf32>,
      %get3A_462 = vector.shape_cast %get3A_461 : vector<1x1x16xf32> to vector<16xf32>
      %add3A_463 = arith.addf %add3A_427, %get3A_462 : vector<16xf32>
      %add3A_464 = arith.constant 3 : i32
      %add3A_465 = arith.addi %mul3A_338, %add3A_464 : i32
      %get3A_466 = arith.constant 1 : i32
      %get3A_467 = arith.index_cast %get3A_466 : i32 to index
      %get3A_468 = arith.index_cast %add3A_465 : i32 to index
      %get3A_469 = arith.constant 32 : index
      %get3A_470 = tpu.vector_load %arg8[%get3A_467, %get3A_468, %get3A_469] {strides = array<i32>} : memref<2x200x64xf32, #tpu.memory_space<vmem>>, vector<1x1x16xf32>,
      %get3A_471 = vector.shape_cast %get3A_470 : vector<1x1x16xf32> to vector<16xf32>
      %add3A_472 = arith.addf %add3A_436, %get3A_471 : vector<16xf32>
      %add3A_473 = arith.constant 3 : i32
      %add3A_474 = arith.addi %mul3A_338, %add3A_473 : i32
      %get3A_475 = arith.constant 1 : i32
      %get3A_476 = arith.index_cast %get3A_475 : i32 to index
      %get3A_477 = arith.index_cast %add3A_474 : i32 to index
      %get3A_478 = arith.constant 48 : index
      %get3A_479 = tpu.vector_load %arg8[%get3A_476, %get3A_477, %get3A_478] {strides = array<i32>} : memref<2x200x64xf32, #tpu.memory_space<vmem>>, vector<1x1x16xf32>,
      %get3A_480 = vector.shape_cast %get3A_479 : vector<1x1x16xf32> to vector<16xf32>
      %add3A_481 = arith.addf %add3A_445, %get3A_480 : vector<16xf32>
      %add3A_482 = arith.constant 4 : i32
      %add3A_483 = arith.addi %mul3A_338, %add3A_482 : i32
      %get3A_484 = arith.constant 1 : i32
      %get3A_485 = arith.index_cast %get3A_484 : i32 to index
      %get3A_486 = arith.index_cast %add3A_483 : i32 to index
      %get3A_487 = arith.constant 0 : index
      %get3A_488 = tpu.vector_load %arg8[%get3A_485, %get3A_486, %get3A_487] {strides = array<i32>} : memref<2x200x64xf32, #tpu.memory_space<vmem>>, vector<1x1x16xf32>,
      %get3A_489 = vector.shape_cast %get3A_488 : vector<1x1x16xf32> to vector<16xf32>
      %add3A_490 = arith.addf %add3A_454, %get3A_489 : vector<16xf32>
      %add3A_491 = arith.constant 4 : i32
      %add3A_492 = arith.addi %mul3A_338, %add3A_491 : i32
      %get3A_493 = arith.constant 1 : i32
      %get3A_494 = arith.index_cast %get3A_493 : i32 to index
      %get3A_495 = arith.index_cast %add3A_492 : i32 to index
      %get3A_496 = arith.constant 16 : index
      %get3A_497 = tpu.vector_load %arg8[%get3A_494, %get3A_495, %get3A_496] {strides = array<i32>} : memref<2x200x64xf32, #tpu.memory_space<vmem>>, vector<1x1x16xf32>,
      %get3A_498 = vector.shape_cast %get3A_497 : vector<1x1x16xf32> to vector<16xf32>
      %add3A_499 = arith.addf %add3A_463, %get3A_498 : vector<16xf32>
      %add3A_500 = arith.constant 4 : i32
      %add3A_501 = arith.addi %mul3A_338, %add3A_500 : i32
      %get3A_502 = arith.constant 1 : i32
      %get3A_503 = arith.index_cast %get3A_502 : i32 to index
      %get3A_504 = arith.index_cast %add3A_501 : i32 to index
      %get3A_505 = arith.constant 32 : index
      %get3A_506 = tpu.vector_load %arg8[%get3A_503, %get3A_504, %get3A_505] {strides = array<i32>} : memref<2x200x64xf32, #tpu.memory_space<vmem>>, vector<1x1x16xf32>,
      %get3A_507 = vector.shape_cast %get3A_506 : vector<1x1x16xf32> to vector<16xf32>
      %add3A_508 = arith.addf %add3A_472, %get3A_507 : vector<16xf32>
      %add3A_509 = arith.constant 4 : i32
      %add3A_510 = arith.addi %mul3A_338, %add3A_509 : i32
      %get3A_511 = arith.constant 1 : i32
      %get3A_512 = arith.index_cast %get3A_511 : i32 to index
      %get3A_513 = arith.index_cast %add3A_510 : i32 to index
      %get3A_514 = arith.constant 48 : index
      %get3A_515 = tpu.vector_load %arg8[%get3A_512, %get3A_513, %get3A_514] {strides = array<i32>} : memref<2x200x64xf32, #tpu.memory_space<vmem>>, vector<1x1x16xf32>,
      %get3A_516 = vector.shape_cast %get3A_515 : vector<1x1x16xf32> to vector<16xf32>
      %add3A_517 = arith.addf %add3A_481, %get3A_516 : vector<16xf32>
      %add3A_518 = arith.constant 5 : i32
      %add3A_519 = arith.addi %mul3A_338, %add3A_518 : i32
      %get3A_520 = arith.constant 1 : i32
      %get3A_521 = arith.index_cast %get3A_520 : i32 to index
      %get3A_522 = arith.index_cast %add3A_519 : i32 to index
      %get3A_523 = arith.constant 0 : index
      %get3A_524 = tpu.vector_load %arg8[%get3A_521, %get3A_522, %get3A_523] {strides = array<i32>} : memref<2x200x64xf32, #tpu.memory_space<vmem>>, vector<1x1x16xf32>,
      %get3A_525 = vector.shape_cast %get3A_524 : vector<1x1x16xf32> to vector<16xf32>
      %add3A_526 = arith.addf %add3A_490, %get3A_525 : vector<16xf32>
      %add3A_527 = arith.constant 5 : i32
      %add3A_528 = arith.addi %mul3A_338, %add3A_527 : i32
      %get3A_529 = arith.constant 1 : i32
      %get3A_530 = arith.index_cast %get3A_529 : i32 to index
      %get3A_531 = arith.index_cast %add3A_528 : i32 to index
      %get3A_532 = arith.constant 16 : index
      %get3A_533 = tpu.vector_load %arg8[%get3A_530, %get3A_531, %get3A_532] {strides = array<i32>} : memref<2x200x64xf32, #tpu.memory_space<vmem>>, vector<1x1x16xf32>,
      %get3A_534 = vector.shape_cast %get3A_533 : vector<1x1x16xf32> to vector<16xf32>
      %add3A_535 = arith.addf %add3A_499, %get3A_534 : vector<16xf32>
      %add3A_536 = arith.constant 5 : i32
      %add3A_537 = arith.addi %mul3A_338, %add3A_536 : i32
      %get3A_538 = arith.constant 1 : i32
      %get3A_539 = arith.index_cast %get3A_538 : i32 to index
      %get3A_540 = arith.index_cast %add3A_537 : i32 to index
      %get3A_541 = arith.constant 32 : index
      %get3A_542 = tpu.vector_load %arg8[%get3A_539, %get3A_540, %get3A_541] {strides = array<i32>} : memref<2x200x64xf32, #tpu.memory_space<vmem>>, vector<1x1x16xf32>,
      %get3A_543 = vector.shape_cast %get3A_542 : vector<1x1x16xf32> to vector<16xf32>
      %add3A_544 = arith.addf %add3A_508, %get3A_543 : vector<16xf32>
      %add3A_545 = arith.constant 5 : i32
      %add3A_546 = arith.addi %mul3A_338, %add3A_545 : i32
      %get3A_547 = arith.constant 1 : i32
      %get3A_548 = arith.index_cast %get3A_547 : i32 to index
      %get3A_549 = arith.index_cast %add3A_546 : i32 to index
      %get3A_550 = arith.constant 48 : index
      %get3A_551 = tpu.vector_load %arg8[%get3A_548, %get3A_549, %get3A_550] {strides = array<i32>} : memref<2x200x64xf32, #tpu.memory_space<vmem>>, vector<1x1x16xf32>,
      %get3A_552 = vector.shape_cast %get3A_551 : vector<1x1x16xf32> to vector<16xf32>
      %add3A_553 = arith.addf %add3A_517, %get3A_552 : vector<16xf32>
      %add3A_554 = arith.constant 6 : i32
      %add3A_555 = arith.addi %mul3A_338, %add3A_554 : i32
      %get3A_556 = arith.constant 1 : i32
      %get3A_557 = arith.index_cast %get3A_556 : i32 to index
      %get3A_558 = arith.index_cast %add3A_555 : i32 to index
      %get3A_559 = arith.constant 0 : index
      %get3A_560 = tpu.vector_load %arg8[%get3A_557, %get3A_558, %get3A_559] {strides = array<i32>} : memref<2x200x64xf32, #tpu.memory_space<vmem>>, vector<1x1x16xf32>,
      %get3A_561 = vector.shape_cast %get3A_560 : vector<1x1x16xf32> to vector<16xf32>
      %add3A_562 = arith.addf %add3A_526, %get3A_561 : vector<16xf32>
      %add3A_563 = arith.constant 6 : i32
      %add3A_564 = arith.addi %mul3A_338, %add3A_563 : i32
      %get3A_565 = arith.constant 1 : i32
      %get3A_566 = arith.index_cast %get3A_565 : i32 to index
      %get3A_567 = arith.index_cast %add3A_564 : i32 to index
      %get3A_568 = arith.constant 16 : index
      %get3A_569 = tpu.vector_load %arg8[%get3A_566, %get3A_567, %get3A_568] {strides = array<i32>} : memref<2x200x64xf32, #tpu.memory_space<vmem>>, vector<1x1x16xf32>,
      %get3A_570 = vector.shape_cast %get3A_569 : vector<1x1x16xf32> to vector<16xf32>
      %add3A_571 = arith.addf %add3A_535, %get3A_570 : vector<16xf32>
      %add3A_572 = arith.constant 6 : i32
      %add3A_573 = arith.addi %mul3A_338, %add3A_572 : i32
      %get3A_574 = arith.constant 1 : i32
      %get3A_575 = arith.index_cast %get3A_574 : i32 to index
      %get3A_576 = arith.index_cast %add3A_573 : i32 to index
      %get3A_577 = arith.constant 32 : index
      %get3A_578 = tpu.vector_load %arg8[%get3A_575, %get3A_576, %get3A_577] {strides = array<i32>} : memref<2x200x64xf32, #tpu.memory_space<vmem>>, vector<1x1x16xf32>,
      %get3A_579 = vector.shape_cast %get3A_578 : vector<1x1x16xf32> to vector<16xf32>
      %add3A_580 = arith.addf %add3A_544, %get3A_579 : vector<16xf32>
      %add3A_581 = arith.constant 6 : i32
      %add3A_582 = arith.addi %mul3A_338, %add3A_581 : i32
      %get3A_583 = arith.constant 1 : i32
      %get3A_584 = arith.index_cast %get3A_583 : i32 to index
      %get3A_585 = arith.index_cast %add3A_582 : i32 to index
      %get3A_586 = arith.constant 48 : index
      %get3A_587 = tpu.vector_load %arg8[%get3A_584, %get3A_585, %get3A_586] {strides = array<i32>} : memref<2x200x64xf32, #tpu.memory_space<vmem>>, vector<1x1x16xf32>,
      %get3A_588 = vector.shape_cast %get3A_587 : vector<1x1x16xf32> to vector<16xf32>
      %add3A_589 = arith.addf %add3A_553, %get3A_588 : vector<16xf32>
      %add3A_590 = arith.constant 7 : i32
      %add3A_591 = arith.addi %mul3A_338, %add3A_590 : i32
      %get3A_592 = arith.constant 1 : i32
      %get3A_593 = arith.index_cast %get3A_592 : i32 to index
      %get3A_594 = arith.index_cast %add3A_591 : i32 to index
      %get3A_595 = arith.constant 0 : index
      %get3A_596 = tpu.vector_load %arg8[%get3A_593, %get3A_594, %get3A_595] {strides = array<i32>} : memref<2x200x64xf32, #tpu.memory_space<vmem>>, vector<1x1x16xf32>,
      %get3A_597 = vector.shape_cast %get3A_596 : vector<1x1x16xf32> to vector<16xf32>
      %add3A_598 = arith.addf %add3A_562, %get3A_597 : vector<16xf32>
      %add3A_599 = arith.constant 7 : i32
      %add3A_600 = arith.addi %mul3A_338, %add3A_599 : i32
      %get3A_601 = arith.constant 1 : i32
      %get3A_602 = arith.index_cast %get3A_601 : i32 to index
      %get3A_603 = arith.index_cast %add3A_600 : i32 to index
      %get3A_604 = arith.constant 16 : index
      %get3A_605 = tpu.vector_load %arg8[%get3A_602, %get3A_603, %get3A_604] {strides = array<i32>} : memref<2x200x64xf32, #tpu.memory_space<vmem>>, vector<1x1x16xf32>,
      %get3A_606 = vector.shape_cast %get3A_605 : vector<1x1x16xf32> to vector<16xf32>
      %add3A_607 = arith.addf %add3A_571, %get3A_606 : vector<16xf32>
      %add3A_608 = arith.constant 7 : i32
      %add3A_609 = arith.addi %mul3A_338, %add3A_608 : i32
      %get3A_610 = arith.constant 1 : i32
      %get3A_611 = arith.index_cast %get3A_610 : i32 to index
      %get3A_612 = arith.index_cast %add3A_609 : i32 to index
      %get3A_613 = arith.constant 32 : index
      %get3A_614 = tpu.vector_load %arg8[%get3A_611, %get3A_612, %get3A_613] {strides = array<i32>} : memref<2x200x64xf32, #tpu.memory_space<vmem>>, vector<1x1x16xf32>,
      %get3A_615 = vector.shape_cast %get3A_614 : vector<1x1x16xf32> to vector<16xf32>
      %add3A_616 = arith.addf %add3A_580, %get3A_615 : vector<16xf32>
      %add3A_617 = arith.constant 7 : i32
      %add3A_618 = arith.addi %mul3A_338, %add3A_617 : i32
      %get3A_619 = arith.constant 1 : i32
      %get3A_620 = arith.index_cast %get3A_619 : i32 to index
      %get3A_621 = arith.index_cast %add3A_618 : i32 to index
      %get3A_622 = arith.constant 48 : index
      %get3A_623 = tpu.vector_load %arg8[%get3A_620, %get3A_621, %get3A_622] {strides = array<i32>} : memref<2x200x64xf32, #tpu.memory_space<vmem>>, vector<1x1x16xf32>,
      %get3A_624 = vector.shape_cast %get3A_623 : vector<1x1x16xf32> to vector<16xf32>
      %add3A_625 = arith.addf %add3A_589, %get3A_624 : vector<16xf32>
      scf.yield %add3A_598, %add3A_607, %add3A_616, %add3A_625 : vector<16xf32>, vector<16xf32>, vector<16xf32>, vector<16xf32>
    }
    %scan3A_295 = arith.constant 25 : i32
    %mul3A_296 = arith.constant 5.000000e-03 : f32
    %mul3A_297 = vector.broadcast %mul3A_296 : f32 to vector<16xf32>
    %mul3A_298 = arith.mulf %scan3A_294#0, %mul3A_297 : vector<16xf32>
    %swap3A_299 = arith.constant 127 : i32
    %swap3A_300 = arith.index_cast %swap3A_299 : i32 to index
    %swap3A_301 = arith.constant 0 : index
    %swap3A_302 = tpu.vector_load %arg9[%swap3A_300, %swap3A_301] {strides = array<i32>} : memref<128x64xf32, #tpu.memory_space<vmem>>, vector<1x16xf32>,
    %swap3A_303 = vector.shape_cast %swap3A_302 : vector<1x16xf32> to vector<16xf32>
    %swap3A_304 = vector.shape_cast %mul3A_298 : vector<16xf32> to vector<1x16xf32>
    tpu.vector_store %arg9[%swap3A_300, %swap3A_301], %swap3A_304 {strides = array<i32>} : memref<128x64xf32, #tpu.memory_space<vmem>>, vector<1x16xf32>,
    %mul3A_305 = arith.constant 5.000000e-03 : f32
    %mul3A_306 = vector.broadcast %mul3A_305 : f32 to vector<16xf32>
    %mul3A_307 = arith.mulf %scan3A_294#1, %mul3A_306 : vector<16xf32>
    %swap3A_308 = arith.constant 127 : i32
    %swap3A_309 = arith.index_cast %swap3A_308 : i32 to index
    %swap3A_310 = arith.constant 16 : index
    %swap3A_311 = tpu.vector_load %arg9[%swap3A_309, %swap3A_310] {strides = array<i32>} : memref<128x64xf32, #tpu.memory_space<vmem>>, vector<1x16xf32>,
    %swap3A_312 = vector.shape_cast %swap3A_311 : vector<1x16xf32> to vector<16xf32>
    %swap3A_313 = vector.shape_cast %mul3A_307 : vector<16xf32> to vector<1x16xf32>
    tpu.vector_store %arg9[%swap3A_309, %swap3A_310], %swap3A_313 {strides = array<i32>} : memref<128x64xf32, #tpu.memory_space<vmem>>, vector<1x16xf32>,
    %mul3A_314 = arith.constant 5.000000e-03 : f32
    %mul3A_315 = vector.broadcast %mul3A_314 : f32 to vector<16xf32>
    %mul3A_316 = arith.mulf %scan3A_294#2, %mul3A_315 : vector<16xf32>
    %swap3A_317 = arith.constant 127 : i32
    %swap3A_318 = arith.index_cast %swap3A_317 : i32 to index
    %swap3A_319 = arith.constant 32 : index
    %swap3A_320 = tpu.vector_load %arg9[%swap3A_318, %swap3A_319] {strides = array<i32>} : memref<128x64xf32, #tpu.memory_space<vmem>>, vector<1x16xf32>,
    %swap3A_321 = vector.shape_cast %swap3A_320 : vector<1x16xf32> to vector<16xf32>
    %swap3A_322 = vector.shape_cast %mul3A_316 : vector<16xf32> to vector<1x16xf32>
    tpu.vector_store %arg9[%swap3A_318, %swap3A_319], %swap3A_322 {strides = array<i32>} : memref<128x64xf32, #tpu.memory_space<vmem>>, vector<1x16xf32>,
    %mul3A_323 = arith.constant 5.000000e-03 : f32
    %mul3A_324 = vector.broadcast %mul3A_323 : f32 to vector<16xf32>
    %mul3A_325 = arith.mulf %scan3A_294#3, %mul3A_324 : vector<16xf32>
    %swap3A_326 = arith.constant 127 : i32
    %swap3A_327 = arith.index_cast %swap3A_326 : i32 to index
    %swap3A_328 = arith.constant 48 : index
    %swap3A_329 = tpu.vector_load %arg9[%swap3A_327, %swap3A_328] {strides = array<i32>} : memref<128x64xf32, #tpu.memory_space<vmem>>, vector<1x16xf32>,
    %swap3A_330 = vector.shape_cast %swap3A_329 : vector<1x16xf32> to vector<16xf32>
    %swap3A_331 = vector.shape_cast %mul3A_325 : vector<16xf32> to vector<1x16xf32>
    tpu.vector_store %arg9[%swap3A_327, %swap3A_328], %swap3A_331 {strides = array<i32>} : memref<128x64xf32, #tpu.memory_space<vmem>>, vector<1x16xf32>,
    "tpu.region"() ({
      %run_scoped3A = tpu.sem_alloc : memref<!tpu.dma_semaphore, #tpu.memory_space<semaphore_mem>>
      %dma_start3A_332 = arith.constant 0 : i32
      %dma_start3A_333 = tpu.memref_slice %arg6[%mul3A_2, %dma_start3A_332] : memref<4096x64xf32, #tpu.memory_space<hbm>> -> memref<128x64xf32, #tpu.memory_space<hbm>>
      %dma_start3A_334 = arith.constant 0 : i32
      %dma_start3A_335 = tpu.memref_slice %arg6[%mul3A_2, %dma_start3A_334] : memref<4096x64xf32, #tpu.memory_space<hbm>> -> memref<128x64xf32, #tpu.memory_space<hbm>>
      tpu.enqueue_dma source(%arg9 : memref<128x64xf32, #tpu.memory_space<vmem>>) target(%dma_start3A_335 : memref<128x64xf32, #tpu.memory_space<hbm>>) target_semaphore(%run_scoped3A : memref<!tpu.dma_semaphore, #tpu.memory_space<semaphore_mem>>)
      %dma_wait3A_336 = arith.constant 0 : i32
      %dma_wait3A_337 = tpu.memref_slice %arg6[%mul3A_2, %dma_wait3A_336] : memref<4096x64xf32, #tpu.memory_space<hbm>> -> memref<128x64xf32, #tpu.memory_space<hbm>>
      %dma_wait3A_338 = arith.constant 0 : i32
      %dma_wait3A_339 = tpu.memref_slice %arg6[%mul3A_2, %dma_wait3A_338] : memref<4096x64xf32, #tpu.memory_space<hbm>> -> memref<128x64xf32, #tpu.memory_space<hbm>>
      tpu.wait_dma2 semaphore(%run_scoped3A : memref<!tpu.dma_semaphore, #tpu.memory_space<semaphore_mem>>) src(%arg9 : memref<128x64xf32, #tpu.memory_space<vmem>>) dst(%dma_wait3A_339 : memref<128x64xf32, #tpu.memory_space<hbm>>)
      tpu.yield
    }) : () -> ()
    return
  }
}

</mosaic_0001>

<sc_bundles>
// kernel: kernel.4.cloned.1.call-start
scs
__scs_entry_jumppad:
0x0: {  	(pc) =	sbr.rel $0x88, $3  }
0x1: {  	(tag) =	ssettag $0x0;
	lr =	simm.s32 $0x1  }
0x2: {  	[smem:$0x3F98] =	sst lr;
	_ =	strace $0xD0000000  }
0x3: {  	_ = 	snop  }
0x4: {  	_ = 	snop  }
0x5: {  	_ = 	snop  }
0x6: {  	_ = 	snop  }
0x7: {  	_ = 	snop  }
__scs_overlays_trampoline_lowered:
0x8: {  	[smem:$0x3FA7] =	sst s0  }
0x9: {  	[smem:$0x3FA8] =	sst s1  }
0xa: {  	[smem:$0x3FA9] =	sst s2  }
0xb: {  	[smem:$0x3FAA] =	sst s3  }
0xc: {  	[smem:$0x3FAB] =	sst s4  }
0xd: {  	[smem:$0x3FAC] =	sst s5  }
0xe: {  	[smem:$0x3FAD] =	sst s6  }
0xf: {  	[smem:$0x3FAE] =	sst s7  }
0x10: {  	[smem:$0x3FAF] =	sst s8  }
0x11: {  	[smem:$0x3FB0] =	sst s9;
	s0 =	simm.s32 @!p0 $0x0  }
0x12: {  	s1 =	sld [smem:$0x3F96];
	s0 =	simm.s32 @p0 $0x1  }
0x13: {  	[smem:$0x3FB1] =	sst s0;
	s0 =	simm.s32 @!p1 $0x0  }
0x14: {  	s2 =	sld [smem:$0x3F95];
	s0 =	simm.s32 @p1 $0x1  }
0x15: {  	[smem:$0x3FB2] =	sst s0;
	s0 =	simm.s32 @!p2 $0x0  }
0x16: {  	s3 =	sld [smem:$0x3FDB];
	s0 =	simm.s32 @p2 $0x1  }
0x17: {  	s4 =	simm.s32 $0x1BF5;
	[smem:$0x3FB4] =	sst s0  }
0x18: {  	s0 =	sld [smem:$0x3F97];
	_ =	swait.ge [sflag:s4], $0x0  }
0x19: {  	s7 =	sld [smem:$0x3F98]  }
0x1a: {  	s8 =	sadd.s32 $0xFFFFE003, lr  }
0x1b: {  	s9 =	sadd.s32 $0xFFFFFEF7, lr;
	s5 =	simm.s32 $0xFFFFFFFF;
	p2 =	slt.u32 s8, $0xFFFFF086  }
0x1c: {  	p1 =	slt.u32 s9, $0xF7A;
	s5 =	simm.s32 @!p2 $0x0  }
0x1d: {  	s5 =	simm.s32 @p1 $0x1;
	p0 =	seq.s32 s7, s2  }
0x1e: {  	s7 =	smul.u32 @!p0 $0xF7A, s2;
	p2 =	seq.s32 @!p0 s5, $0x0  }
0x1f: {  	s9 =	smul.u32 $0xF7A, s1;
	s8 =	simm.s32 @!p0 $0x1BF5;
	p2 =	por !p2, p0  }
0x20: {  	[sflag:s8] =	ssyncset.s32 @!p0 $0xFFFFF086;
	s6 =	sadd.s32 @!p0 s3, s7;
	s7 =	simm.s32 @!p0 $0x108  }
0x21: {  	s3 =	sadd.s32 s3, s9;
	s6 =	sadd.s32 @!p0 $0x88, s6;
	s7 =	simm.s32 @p2 $0x1082  }
0x22: {  	[simem:s7], [sflag:s8] =	dma.local @!p0 [hbm:s6], $0xF7A  }
0x23: {  	s9 =	sor.u32 $0xD0000000, s2;
	s6 =	simm.s32 $0x108;
	_ =	swait.ge @!p0 [sflag:s8], $0x0  }
0x24: {  	s3 =	sadd.s32 $0x88, s3;
	s6 =	simm.s32 @!p1 $0x1082;
	[sflag:s4] =	ssyncset.s32 $0xFFFFF086  }
0x25: {  	[simem:s6], [sflag:s4] =	dma.local [hbm:s3], $0xF7A  }
0x26: {  	[smem:$0x3F98] =	sst s1;
	(tag) =	ssettag s2;
	_ =	strace s9  }
0x27: {  	s1 =	sld [smem:$0x3FA8]  }
0x28: {  	s2 =	sld [smem:$0x3FA9]  }
0x29: {  	s4 =	sld [smem:$0x3FAB]  }
0x2a: {  	p0 =	seq.s32 s5, $0x0;
	s5 =	sld [smem:$0x3FAC]  }
0x2b: {  	s6 =	sld [smem:$0x3FAD]  }
0x2c: {  	s7 =	sld [smem:$0x3FAE]  }
0x2d: {  	s3 =	simm.s32 $0x108;
	s8 =	sld [smem:$0x3FAF]  }
0x2e: {  	s3 =	simm.s32 @!p0 $0x1082;
	s9 =	sld [smem:$0x3FB0]  }
0x2f: {  	lr =	sadd.s32 s0, s3;
	s0 =	sld [smem:$0x3FA7]  }
0x30: {  	s3 =	sld [smem:$0x3FAA]  }
0x31: {  	[smem:$0x3FB3] =	sst s10  }
0x32: {  	s10 =	sld [smem:$0x3FB1];
	_ =	sdelay $0x3  }
0x33: {  	p0 =	seq.s32 s10, $0x1;
	s10 =	sld [smem:$0x3FB3];
	_ =	sdelay $0x3  }
0x34: {  	[smem:$0x3FB3] =	sst s10  }
0x35: {  	s10 =	sld [smem:$0x3FB2];
	_ =	sdelay $0x3  }
0x36: {  	p1 =	seq.s32 s10, $0x1;
	s10 =	sld [smem:$0x3FB3];
	_ =	sdelay $0x3  }
0x37: {  	[smem:$0x3FB3] =	sst s10  }
0x38: {  	s10 =	sld [smem:$0x3FB4]  }
0x39: {  	_ = 	snop;
	(pc) =	sbr.ind lr, $3  }
0x3a: {  	_ = 	snop  }
0x3b: {  	_ = 	snop  }
0x3c: {  	p2 =	seq.s32 s10, $0x1;
	s10 =	sld [smem:$0x3FB3]  }
0x3d: {  	_ =	shalt  }
0x3e: {  	_ =	shalt  }
0x3f: {  	_ =	shalt  }
0x40: {  	_ =	shalt  }
0x41: {  	_ =	shalt  }
0x42: {  	_ =	shalt  }
0x43: {  	_ =	shalt  }
0x44: {  	_ =	shalt  }
0x45: {  	_ =	shalt  }
0x46: {  	_ =	shalt  }
0x47: {  	_ =	shalt  }
0x48: {  	_ =	shalt  }
0x49: {  	_ =	shalt  }
0x4a: {  	_ =	shalt  }
0x4b: {  	_ =	shalt  }
0x4c: {  	_ =	shalt  }
0x4d: {  	_ =	shalt  }
0x4e: {  	_ =	shalt  }
0x4f: {  	_ =	shalt  }
0x50: {  	_ =	shalt  }
0x51: {  	_ =	shalt  }
0x52: {  	_ =	shalt  }
0x53: {  	_ =	shalt  }
0x54: {  	_ =	shalt  }
0x55: {  	_ =	shalt  }
0x56: {  	_ =	shalt  }
0x57: {  	_ =	shalt  }
0x58: {  	_ =	shalt  }
0x59: {  	_ =	shalt  }
0x5a: {  	_ =	shalt  }
0x5b: {  	_ =	shalt  }
0x5c: {  	_ =	shalt  }
0x5d: {  	_ =	shalt  }
0x5e: {  	_ =	shalt  }
0x5f: {  	_ =	shalt  }
0x60: {  	_ =	shalt  }
0x61: {  	_ =	shalt  }
0x62: {  	_ =	shalt  }
0x63: {  	_ =	shalt  }
0x64: {  	_ =	shalt  }
0x65: {  	_ =	shalt  }
0x66: {  	_ =	shalt  }
0x67: {  	_ =	shalt  }
0x68: {  	_ =	shalt  }
0x69: {  	_ =	shalt  }
0x6a: {  	_ =	shalt  }
0x6b: {  	_ =	shalt  }
0x6c: {  	_ =	shalt  }
0x6d: {  	_ =	shalt  }
0x6e: {  	_ =	shalt  }
0x6f: {  	_ =	shalt  }
0x70: {  	_ =	shalt  }
0x71: {  	_ =	shalt  }
0x72: {  	_ =	shalt  }
0x73: {  	_ =	shalt  }
0x74: {  	_ =	shalt  }
0x75: {  	_ =	shalt  }
0x76: {  	_ =	shalt  }
0x77: {  	_ =	shalt  }
0x78: {  	_ =	shalt  }
0x79: {  	_ =	shalt  }
0x7a: {  	_ =	shalt  }
0x7b: {  	_ =	shalt  }
0x7c: {  	_ =	shalt  }
0x7d: {  	_ =	shalt  }
0x7e: {  	_ =	shalt  }
0x7f: {  	_ =	shalt  }
0x80: {  	_ =	shalt  }
0x81: {  	_ =	shalt  }
0x82: {  	_ =	shalt  }
0x83: {  	_ =	shalt  }
0x84: {  	_ =	shalt  }
0x85: {  	_ =	shalt  }
0x86: {  	_ =	shalt  }
0x87: {  	_ =	shalt  }
.Lfunc_end0:
.L_simem_size_0:
called_computation_lowered:
.L_overlay_start_0:
0x88: {  	s2 =	sld [smem:$0x3FD9]  }
0x89: {  	s3 =	sld [smem:$0x3FFE];
	_ =	sdelay $0x1  }
0x8a: {  	s1 =	srdreg.scid  }
0x8b: {  	s0 =	sand.u32 $0x1, s1  }
0x8c: {  	s14 =	sshll.u32 s0, $0xA;
	s2 =	sadd.s32 s3, s2  }
0x8d: {  	s2 =	sadd.s32 s2, s14  }
0x8e: {  	[smem:$0x3FBF] =	sst s2  }
0x8f: {  	_ = 	snop  }
0x90: {  	s2 =	sld [smem:$0x3FD0];
	_ =	sdelay $0x2  }
0x91: {  	s15 =	simm.s32 $0xA;
	s4 =	simm.s32 $0x10  }
0x92: {  	[smem:s4], [sflag:s15] =	dma.local [hbm:s2], $0x1  }
0x93: {  	_ =	swait.eq [sflag:s15], $0x1  }
0x94: {  	[sflag:s15] =	ssyncset.done $0x0  }
0x95: {  	s16 =	sld [smem:$0x14];
	[sflag:s15] =	ssyncadd.s32 $0xFFFFFFFF  }
0x96: {  	s17 =	sld [smem:$0x15];
	(tm) =	ssettm $0x1  }
0x97: {  	s18 =	sld [smem:$0x3FFB];
	_ =	sdelay $0x3  }
0x98: {  	_ =	strace s18  }
0x99: {  	s4 =	sld [smem:$0x3FFC];
	_ =	sdelay $0x3  }
0x9a: {  	_ =	strace s4  }
0x9b: {  	s4 =	sld [smem:$0x3FFD];
	_ =	sdelay $0x3  }
0x9c: {  	_ =	strace s4  }
0x9d: {  	_ =	strace $0x8FFFFFFF  }
0x9e: {  	s19 =	sld [smem:$0x3FDB];
	_ =	sdelay $0x1  }
0x9f: {  	s5 =	simm.s32 $_scs_section_size  }
0xa0: {  	s6 =	simm.s32 $_size__tile_overlayer_lowered;
	s7 =	simm.s32 $_tile_overlayer_lowered  }
0xa1: {  	s22 =	simm.s32 $0x1BFF;
	s21 =	sshll.u32 s7, $0x1;
	s4 =	sadd.s32 s5, s19  }
0xa2: {  	s8 =	simm.s32 $0x0;
	s20 =	sshll.u32 s6, $0x1;
	s6 =	sadd.s32 s21, s4  }
0xa3: {  	[timem:s8], [sflag:s22] =	dma.local [hbm:s6], s20  }
0xa4: {  	_ =	swait.ge [sflag:s22], s20  }
0xa5: {  	s5 =	ssub.s32 $0x0, s20;
	[sflag:s22] =	ssyncset.done $0x0  }
0xa6: {  	[sflag:s22] =	ssyncadd.s32 s5;
	_ =	sdelay $0x1  }
0xa7: {  	s23 =	simm.s32 $0x1B8B  }
0xa8: {  	_ =	swait.ge [sflag:s23], $0x1  }
0xa9: {  	[sflag:s23] =	ssyncset.done $0x0  }
0xaa: {  	s25 =	simm.s32 $0x1B8E;
	s24 =	sld [smem:$0x3FFE];
	[sflag:s23] =	ssyncadd.s32 $0xFFFFFFFF  }
0xab: {  	s26 =	simm.s32 $execute0_lowered;
	[smem:$0x3FD2] =	sst s25  }
0xac: {  	s6 =	sshll.u32 s26, $0x1;
	_ =	strace $0x80000046;
	[dreg:$0x1] =	wrdreg $0xFFFFFFFF  }
0xad: {  	s28 =	simm.s32 $_size_execute0_lowered;
	s4 =	sadd.s32 s4, s6;
	[dreg:$0x0] =	wrdreg $0x0  }
0xae: {  	s6 =	sshll.u32 s28, $0x1;
	[dreg:$0x2] =	wrdreg s4  }
0xaf: {  	[dreg:$0x3] =	wrdreg s6  }
0xb0: {  	[dreg:$0x4] =	wrdreg $0xC0  }
0xb1: {  	_ =	task [dreg:s8], $0x5FFFF  }
0xb2: {  	[dreg:$0x1] =	wrdreg $0xFFFFFFFF  }
0xb3: {  	[dreg:$0x0] =	wrdreg $0x60  }
0xb4: {  	[dreg:$0x2] =	wrdreg s24  }
0xb5: {  	[dreg:$0x3] =	wrdreg s17  }
0xb6: {  	[dreg:$0x4] =	wrdreg s16  }
0xb7: {  	[dreg:$0x5] =	wrdreg $0x9  }
0xb8: {  	_ =	task.clear_ibuf [dreg:s8], $0x6FFFF;
	_ =	strace $0x90000046  }
0xb9: {  	s29 =	simm.s32 $0x9;
	_ =	strace $0x80000048  }
0xba: {  	_ =	swait.ge [sflag:s29], $0x1  }
0xbb: {  	[sflag:s29] =	ssyncadd.s32 $0xFFFFFFFF  }
0xbc: {  	_ =	strace $0x90000048  }
0xbd: {  	_ =	sfence  }
0xbe: {  	s30 =	sld [smem:$0x0];
	_ =	sdelay $0x2  }
0xbf: {  	s31 =	sshll.u32 s1, $0xD;
	s1 =	sshrl.u32 s1, $0x2  }
0xc0: {  	s3 =	sand.u32 $0x4000, s31;
	s1 =	sadd.s32 s1, s30  }
0xc1: {  	s0 =	sor.u32 s3, s0;
	s1 =	sshll.u32 s1, $0x11  }
0xc2: {  	s0 =	sor.u32 s1, s0  }
0xc3: {  	s0 =	sadd.s32 $0x8F2B, s0  }
0xc4: {  	[sflag:s0] =	ssyncadd.remote.s32 $0x1  }
0xc5: {  	_ =	sfence.sel $0xFFFF  }
0xc6: {  	[dreg:$0x0] =	wrdreg $0xFFFFFFFF;
	(pc) =	sbr.abs _section_cstart, $3  }
0xc7: {  	[dreg:$0x1] =	wrdreg $0xFFFFFFFF  }
0xc8: {  	_ =	task.clear_ibuf [dreg:s8], $0x2FFFF;
	_ =	strace $0x9FFFFFFF  }
0xc9: {  	(tm) =	ssettm $0x7FFFFFFF  }
tec
execute0_lowered:
.L_overlay_start_1:
0x0: {  	(tag) =	ssettag $0x1  }
0x1: {  	s3 =	rddreg [dreg:$0x0]  }
0x2: {  	s1 =	srdreg.scid;
	s5 =	rddreg [dreg:$0x1]  }
0x3: {  	s0 =	stileid.u32;
	s7 =	rddreg [dreg:$0x2]  }
0x4: {  	s11 =	simm.s32 $0x6400;
	s12 =	simm.s32 $0x68;
	s13 =	simm.s32 $0x7C00  }
0x5: {  	s14 =	simm.s32 $0xC8;
	s15 =	simm.s32 $0x9600;
	s16 =	simm.s32 $0x128  }
0x6: {  	s17 =	simm.s32 $0xAE00;
	s18 =	simm.s32 $0x1;
	s19 =	simm.s32 $0x2  }
0x7: {  	s20 =	simm.s32 $0xC800;
	s21 =	simm.s32 $0x0;
	s4 =	sand.u32 $0x1, s1  }
0x8: {  	s31 =	sshll.u32 s0, $0x8;
	s1 =	rddreg [dreg:$0x3];
	s2 =	sshll.u32 s4, $0x7  }
0x9: {  	s4 =	ssub.s32 $0x2, s4;
	s6 =	sor.u32 s2, s31;
	s2 =	simm.s32 $0x0  }
0xa: {  	s9 =	sshrl.u32 s4, $0x1;
	s8 =	smul.u32 $0x19, s6;
	[smem:$0x7FF] =	sst s2  }
0xb: {  	s9 =	ssub.s32 s4, s9;
	s10 =	sshll.u32 s6, $0x3;
	_ =	strace $0x80000047  }
0xc: {  	s5 =	sadd.s32 s5, s10;
	s7 =	sadd.s32 s7, s10;
	s8 =	sadd.s32 s8, s3  }
0xd: {  	s10 =	simm.s32 $0x60;
	s3 =	sadd.s32 $0x1BCC00, s3;
	s4 =	sadd.s32 $0x4200, s8  }
0xe: {  	s6 =	sadd.s32 $0x1D200, s8;
	s8 =	smax.u32 s9, $0x1;
	s9 =	simm.s32 $0x3  }
.LBB2_1:
0xf: {  	[tilespmem:s2], [sflag:$0x3] =	stream.linear.gather [hbm4b:s4+s2], $0x6400, $0x38;
	[tilespmem:$0xE800] =	vst v63  }
0x10: {  	_ =	swait.ge [sflag:s9], $0x6400  }
0x11: {  	[sflag:s9] =	ssyncset.done $0x0  }
0x12: {  	[sflag:s9] =	ssyncadd.s32 $0xFFFF9C00  }
0x13: {  	[tilespmem:s11], [sflag:$0x1] =	stream.indirect.gather [hbm4b:s3+s10], $0x40, s2, s10, $0xb8;
	[tilespmem:$0xE800] =	vst v63  }
0x14: {  	_ = 	snop  }
0x15: {  	[tilespmem:s13], [sflag:$0x1] =	stream.indirect.gather [hbm4b:s3+s12], $0x40, s10, s12, $0xb8;
	[tilespmem:$0xE800] =	vst v63  }
0x16: {  	_ = 	snop  }
0x17: {  	[tilespmem:s15], [sflag:$0x2] =	stream.indirect.gather [hbm4b:s3+s10], $0x40, s14, s10, $0xb8;
	[tilespmem:$0xE800] =	vst v63  }
0x18: {  	s22 =	simm.s32 $0x0  }
0x19: {  	[tilespmem:s17], [sflag:$0x2] =	stream.indirect.gather [hbm4b:s3+s12], $0x40, s16, s12, $0xb8;
	[tilespmem:$0xE800] =	vst v63  }
.LBB2_2:
0x1a: {  	_ =	swait.ge [sflag:s18], $0x3200  }
0x1b: {  	[sflag:s18] =	ssyncset.done $0x0  }
0x1c: {  	s23 =	simm.s32 $0x0;
	[sflag:s18] =	ssyncadd.s32 $0xFFFFCE00  }
0x1d: {  	v0 =	vld [tilespmem:s23+$0x65C0]  }
0x1e: {  	v1 =	vld [tilespmem:s23+$0x65D0]  }
0x1f: {  	v2 =	vld [tilespmem:s23+$0x6580]  }
0x20: {  	v3 =	vld [tilespmem:s23+$0x6590]  }
0x21: {  	v4 =	vld [tilespmem:s23+$0x6540]  }
0x22: {  	v5 =	vld [tilespmem:s23+$0x6550]  }
0x23: {  	v6 =	vld [tilespmem:s23+$0x6500]  }
0x24: {  	v7 =	vld [tilespmem:s23+$0x6510]  }
0x25: {  	v9 =	vld [tilespmem:s23+$0x64C0]  }
0x26: {  	v8 =	vld [tilespmem:s23+$0x64D0]  }
0x27: {  	v11 =	vld [tilespmem:s23+$0x6480]  }
0x28: {  	v10 =	vld [tilespmem:s23+$0x6490]  }
0x29: {  	v17 =	vld [tilespmem:s23+$0x6440]  }
0x2a: {  	v16 =	vld [tilespmem:s23+$0x6450]  }
0x2b: {  	v19 =	vld [tilespmem:s23+$0x6400]  }
0x2c: {  	v12 =	vimm.f32 $0.0e+00;
	v20 =	vld [tilespmem:s23+$0x6410]  }
0x2d: {  	s24 =	simm.s32 $0x800;
	v15 =	vimm.f32 $0.0e+00;
	v14 =	vimm.f32 $0.0e+00;
	v13 =	vimm.f32 $0.0e+00;
	v18 =	vld [tilespmem:s23+$0x6420]  }
.LBB2_3:
0x2e: {  	p0 =	sne.s32 s24, $0xC000;
	v21 =	vld [tilespmem:s23+$0x6430]  }
0x2f: {  	v22 =	vld [tilespmem:s23+$0x6460]  }
0x30: {  	v23 =	vld [tilespmem:s23+$0x6470]  }
0x31: {  	v24 =	vld [tilespmem:s23+$0x64A0]  }
0x32: {  	v12 =	vadd.f32 v19, v12;
	v15 =	vadd.f32 v20, v15;
	v19 =	vld [tilespmem:s23+$0x64B0]  }
0x33: {  	v14 =	vadd.f32 v18, v14;
	v13 =	vadd.f32 v21, v13;
	v18 =	vld [tilespmem:s23+$0x64E0]  }
0x34: {  	v12 =	vadd.f32 v17, v12;
	v15 =	vadd.f32 v16, v15;
	v16 =	vld [tilespmem:s23+$0x64F0]  }
0x35: {  	v14 =	vadd.f32 v22, v14;
	v13 =	vadd.f32 v23, v13;
	v17 =	vld [tilespmem:s23+$0x6520]  }
0x36: {  	v11 =	vadd.f32 v11, v12;
	v10 =	vadd.f32 v10, v15;
	v12 =	vld [tilespmem:s23+$0x6530]  }
0x37: {  	v14 =	vadd.f32 v24, v14;
	v13 =	vadd.f32 v19, v13;
	v15 =	vld [tilespmem:s23+$0x6560]  }
0x38: {  	v9 =	vadd.f32 v9, v11;
	v8 =	vadd.f32 v8, v10;
	v10 =	vld [tilespmem:s23+$0x6570]  }
0x39: {  	v11 =	vadd.f32 v18, v14;
	v13 =	vadd.f32 v16, v13;
	v14 =	vld [tilespmem:s23+$0x65A0]  }
0x3a: {  	v6 =	vadd.f32 v6, v9;
	v7 =	vadd.f32 v7, v8;
	v8 =	vld [tilespmem:s23+$0x65B0]  }
0x3b: {  	v9 =	vadd.f32 v17, v11;
	v11 =	vadd.f32 v12, v13;
	v13 =	vld [tilespmem:s23+$0x65E0]  }
0x3c: {  	v4 =	vadd.f32 v4, v6;
	v5 =	vadd.f32 v5, v7;
	v6 =	vld [tilespmem:s23+$0x65F0];
	s23 =	sshra.s32 s24, $0x2  }
0x3d: {  	v9 =	vadd.f32 v15, v9;
	v7 =	vld [tilespmem:s23+$0x65C0];
	v10 =	vadd.f32 v10, v11  }
0x3e: {  	v4 =	vadd.f32 v2, v4;
	v5 =	vadd.f32 v3, v5;
	v11 =	vld [tilespmem:s23+$0x65D0]  }
0x3f: {  	v9 =	vadd.f32 v14, v9;
	v2 =	vld [tilespmem:s23+$0x6580];
	v8 =	vadd.f32 v8, v10  }
0x40: {  	v12 =	vadd.f32 v0, v4;
	v15 =	vadd.f32 v1, v5;
	v3 =	vld [tilespmem:s23+$0x6590]  }
0x41: {  	v14 =	vadd.f32 v13, v9;
	v4 =	vld [tilespmem:s23+$0x6540];
	v13 =	vadd.f32 v6, v8  }
0x42: {  	v5 =	vld [tilespmem:s23+$0x6550];
	v0 =	vmov v7  }
0x43: {  	v6 =	vld [tilespmem:s23+$0x6500];
	v1 =	vmov v11  }
0x44: {  	v7 =	vld [tilespmem:s23+$0x6510]  }
0x45: {  	v9 =	vld [tilespmem:s23+$0x64C0]  }
0x46: {  	v8 =	vld [tilespmem:s23+$0x64D0]  }
0x47: {  	v11 =	vld [tilespmem:s23+$0x6480]  }
0x48: {  	v10 =	vld [tilespmem:s23+$0x6490]  }
.Ltmp0:
0x49: {  	v17 =	vld [tilespmem:s23+$0x6440];
	(pc) =	sbr.rel @p0 .LBB2_3-.Ltmp0, $4  }
0x4a: {  	v16 =	vld [tilespmem:s23+$0x6450]  }
0x4b: {  	v19 =	vld [tilespmem:s23+$0x6400]  }
0x4c: {  	v20 =	vld [tilespmem:s23+$0x6410]  }
0x4d: {  	s24 =	sadd.s32 $0x800, s24;
	v18 =	vld [tilespmem:s23+$0x6420]  }
0x4e: {  	v21 =	vld [tilespmem:s23+$0x6430]  }
0x4f: {  	v22 =	vld [tilespmem:s23+$0x6460]  }
0x50: {  	v23 =	vld [tilespmem:s23+$0x6470];
	v12 =	vadd.f32 v19, v12  }
0x51: {  	v19 =	vld [tilespmem:s23+$0x64A0];
	v15 =	vadd.f32 v20, v15  }
0x52: {  	v20 =	vld [tilespmem:s23+$0x64B0];
	v14 =	vadd.f32 v18, v14;
	v12 =	vadd.f32 v17, v12  }
0x53: {  	v17 =	vld [tilespmem:s23+$0x64E0];
	v13 =	vadd.f32 v21, v13;
	v15 =	vadd.f32 v16, v15  }
0x54: {  	v16 =	vld [tilespmem:s23+$0x64F0];
	v14 =	vadd.f32 v22, v14;
	v11 =	vadd.f32 v11, v12  }
0x55: {  	v12 =	vadd.f32 v23, v13;
	v13 =	vld [tilespmem:s23+$0x6520];
	v10 =	vadd.f32 v10, v15  }
0x56: {  	v15 =	vld [tilespmem:s23+$0x6530];
	v14 =	vadd.f32 v19, v14;
	v9 =	vadd.f32 v9, v11  }
0x57: {  	v11 =	vadd.f32 v20, v12;
	v12 =	vld [tilespmem:s23+$0x6560];
	v8 =	vadd.f32 v8, v10  }
0x58: {  	v10 =	vld [tilespmem:s23+$0x6570];
	v14 =	vadd.f32 v17, v14;
	v6 =	vadd.f32 v6, v9  }
0x59: {  	v9 =	vadd.f32 v16, v11;
	v11 =	vld [tilespmem:s23+$0x65A0];
	v7 =	vadd.f32 v7, v8  }
0x5a: {  	v8 =	vld [tilespmem:s23+$0x65B0];
	v13 =	vadd.f32 v13, v14;
	v4 =	vadd.f32 v4, v6  }
0x5b: {  	v6 =	vadd.f32 v15, v9;
	v9 =	vld [tilespmem:s23+$0x65E0];
	v5 =	vadd.f32 v5, v7  }
0x5c: {  	v7 =	vld [tilespmem:s23+$0x65F0];
	v12 =	vadd.f32 v12, v13;
	v2 =	vadd.f32 v2, v4  }
0x5d: {  	v4 =	vadd.f32 v10, v6;
	v3 =	vadd.f32 v3, v5  }
0x5e: {  	v5 =	vadd.f32 v11, v12;
	v0 =	vadd.f32 v0, v2  }
0x5f: {  	v2 =	vadd.f32 v8, v4;
	v1 =	vadd.f32 v1, v3  }
0x60: {  	s30 =	sshll.u32 s22, $0x7;
	v3 =	vadd.f32 v9, v5;
	v0 =	vmul.f32 $4.999999890e-03, v0  }
0x61: {  	s23 =	sand.u32 $0x3FFFFF80, s30;
	v2 =	vadd.f32 v7, v2;
	v1 =	vmul.f32 $4.999999890e-03, v1  }
0x62: {  	s24 =	smul.u32 $0x640, s22;
	[tilespmem:s23+$0xC800] =	vst v0;
	v0 =	vmul.f32 $4.999999890e-03, v3  }
0x63: {  	[tilespmem:s23+$0xC810] =	vst v1;
	v1 =	vmul.f32 $4.999999890e-03, v2  }
0x64: {  	s24 =	sshra.s32 s24, $0x2;
	[tilespmem:s23+$0xC820] =	vst v0  }
0x65: {  	s25 =	sadd.s32 $0x190, s24;
	[tilespmem:s23+$0xC830] =	vst v1  }
0x66: {  	[tilespmem:s11], [sflag:$0x1] =	stream.indirect.gather [hbm4b:s3+s10], $0x40, s25, s10, $0xb8;
	[tilespmem:$0xE800] =	vst v63  }
0x67: {  	s31 =	sadd.s32 $0x1F0, s24  }
0x68: {  	[tilespmem:s13], [sflag:$0x1] =	stream.indirect.gather [hbm4b:s3+s12], $0x40, s31, s12, $0xb8;
	[tilespmem:$0xE800] =	vst v63  }
0x69: {  	_ =	swait.ge [sflag:s19], $0x3200  }
0x6a: {  	[sflag:s19] =	ssyncset.done $0x0  }
0x6b: {  	s25 =	simm.s32 $0x0;
	[sflag:s19] =	ssyncadd.s32 $0xFFFFCE00  }
0x6c: {  	v0 =	vld [tilespmem:s25+$0x97C0]  }
0x6d: {  	v1 =	vld [tilespmem:s25+$0x97D0]  }
0x6e: {  	v2 =	vld [tilespmem:s25+$0x9780]  }
0x6f: {  	v3 =	vld [tilespmem:s25+$0x9790]  }
0x70: {  	v4 =	vld [tilespmem:s25+$0x9740]  }
0x71: {  	v5 =	vld [tilespmem:s25+$0x9750]  }
0x72: {  	v6 =	vld [tilespmem:s25+$0x9700]  }
0x73: {  	v7 =	vld [tilespmem:s25+$0x9710]  }
0x74: {  	v9 =	vld [tilespmem:s25+$0x96C0]  }
0x75: {  	v8 =	vld [tilespmem:s25+$0x96D0]  }
0x76: {  	v11 =	vld [tilespmem:s25+$0x9680]  }
0x77: {  	v10 =	vld [tilespmem:s25+$0x9690]  }
0x78: {  	v17 =	vld [tilespmem:s25+$0x9640]  }
0x79: {  	v16 =	vld [tilespmem:s25+$0x9650]  }
0x7a: {  	v19 =	vld [tilespmem:s25+$0x9600]  }
0x7b: {  	v14 =	vimm.f32 $0.0e+00;
	v20 =	vld [tilespmem:s25+$0x9610]  }
0x7c: {  	s26 =	simm.s32 $0x800;
	v15 =	vimm.f32 $0.0e+00;
	v13 =	vimm.f32 $0.0e+00;
	v12 =	vimm.f32 $0.0e+00;
	v18 =	vld [tilespmem:s25+$0x9620]  }
.LBB2_5:
0x7d: {  	p0 =	sne.s32 s26, $0xC000;
	v21 =	vld [tilespmem:s25+$0x9630]  }
0x7e: {  	v22 =	vld [tilespmem:s25+$0x9660]  }
0x7f: {  	v23 =	vld [tilespmem:s25+$0x9670]  }
0x80: {  	v24 =	vld [tilespmem:s25+$0x96A0]  }
0x81: {  	v12 =	vadd.f32 v19, v12;
	v15 =	vadd.f32 v20, v15;
	v19 =	vld [tilespmem:s25+$0x96B0]  }
0x82: {  	v14 =	vadd.f32 v18, v14;
	v13 =	vadd.f32 v21, v13;
	v18 =	vld [tilespmem:s25+$0x96E0]  }
0x83: {  	v12 =	vadd.f32 v17, v12;
	v15 =	vadd.f32 v16, v15;
	v16 =	vld [tilespmem:s25+$0x96F0]  }
0x84: {  	v14 =	vadd.f32 v22, v14;
	v13 =	vadd.f32 v23, v13;
	v17 =	vld [tilespmem:s25+$0x9720]  }
0x85: {  	v11 =	vadd.f32 v11, v12;
	v10 =	vadd.f32 v10, v15;
	v12 =	vld [tilespmem:s25+$0x9730]  }
0x86: {  	v14 =	vadd.f32 v24, v14;
	v13 =	vadd.f32 v19, v13;
	v15 =	vld [tilespmem:s25+$0x9760]  }
0x87: {  	v9 =	vadd.f32 v9, v11;
	v8 =	vadd.f32 v8, v10;
	v10 =	vld [tilespmem:s25+$0x9770]  }
0x88: {  	v11 =	vadd.f32 v18, v14;
	v13 =	vadd.f32 v16, v13;
	v14 =	vld [tilespmem:s25+$0x97A0]  }
0x89: {  	v6 =	vadd.f32 v6, v9;
	v7 =	vadd.f32 v7, v8;
	v8 =	vld [tilespmem:s25+$0x97B0]  }
0x8a: {  	v9 =	vadd.f32 v17, v11;
	v11 =	vadd.f32 v12, v13;
	v13 =	vld [tilespmem:s25+$0x97E0]  }
0x8b: {  	v4 =	vadd.f32 v4, v6;
	v5 =	vadd.f32 v5, v7;
	v6 =	vld [tilespmem:s25+$0x97F0];
	s25 =	sshra.s32 s26, $0x2  }
0x8c: {  	v9 =	vadd.f32 v15, v9;
	v7 =	vld [tilespmem:s25+$0x97C0];
	v10 =	vadd.f32 v10, v11  }
0x8d: {  	v4 =	vadd.f32 v2, v4;
	v5 =	vadd.f32 v3, v5;
	v11 =	vld [tilespmem:s25+$0x97D0]  }
0x8e: {  	v9 =	vadd.f32 v14, v9;
	v2 =	vld [tilespmem:s25+$0x9780];
	v8 =	vadd.f32 v8, v10  }
0x8f: {  	v12 =	vadd.f32 v0, v4;
	v15 =	vadd.f32 v1, v5;
	v3 =	vld [tilespmem:s25+$0x9790]  }
0x90: {  	v14 =	vadd.f32 v13, v9;
	v4 =	vld [tilespmem:s25+$0x9740];
	v13 =	vadd.f32 v6, v8  }
0x91: {  	v5 =	vld [tilespmem:s25+$0x9750];
	v0 =	vmov v7  }
0x92: {  	v6 =	vld [tilespmem:s25+$0x9700];
	v1 =	vmov v11  }
0x93: {  	v7 =	vld [tilespmem:s25+$0x9710]  }
0x94: {  	v9 =	vld [tilespmem:s25+$0x96C0]  }
0x95: {  	v8 =	vld [tilespmem:s25+$0x96D0]  }
0x96: {  	v11 =	vld [tilespmem:s25+$0x9680]  }
0x97: {  	v10 =	vld [tilespmem:s25+$0x9690]  }
.Ltmp1:
0x98: {  	v17 =	vld [tilespmem:s25+$0x9640];
	(pc) =	sbr.rel @p0 .LBB2_5-.Ltmp1, $4  }
0x99: {  	v16 =	vld [tilespmem:s25+$0x9650]  }
0x9a: {  	v19 =	vld [tilespmem:s25+$0x9600]  }
0x9b: {  	v20 =	vld [tilespmem:s25+$0x9610]  }
0x9c: {  	s26 =	sadd.s32 $0x800, s26;
	v18 =	vld [tilespmem:s25+$0x9620]  }
0x9d: {  	v21 =	vld [tilespmem:s25+$0x9630]  }
0x9e: {  	v22 =	vld [tilespmem:s25+$0x9660]  }
0x9f: {  	v23 =	vld [tilespmem:s25+$0x9670];
	v12 =	vadd.f32 v19, v12  }
0xa0: {  	v42 =	vld [tilespmem:s25+$0x96A0];
	v15 =	vadd.f32 v20, v15  }
0xa1: {  	v43 =	vld [tilespmem:s25+$0x96B0];
	v14 =	vadd.f32 v18, v14;
	v12 =	vadd.f32 v17, v12  }
0xa2: {  	v44 =	vld [tilespmem:s25+$0x96E0];
	v13 =	vadd.f32 v21, v13;
	v15 =	vadd.f32 v16, v15  }
0xa3: {  	v45 =	vld [tilespmem:s25+$0x96F0];
	v14 =	vadd.f32 v22, v14;
	v11 =	vadd.f32 v11, v12  }
0xa4: {  	v47 =	vld [tilespmem:s25+$0x9720];
	v46 =	vadd.f32 v23, v13;
	v10 =	vadd.f32 v10, v15  }
0xa5: {  	v48 =	vld [tilespmem:s25+$0x9730];
	v14 =	vadd.f32 v42, v14;
	v9 =	vadd.f32 v9, v11  }
0xa6: {  	v50 =	vld [tilespmem:s25+$0x9760];
	v49 =	vadd.f32 v43, v46;
	v8 =	vadd.f32 v8, v10  }
0xa7: {  	v51 =	vld [tilespmem:s25+$0x9770];
	v14 =	vadd.f32 v44, v14;
	v6 =	vadd.f32 v6, v9  }
0xa8: {  	v53 =	vld [tilespmem:s25+$0x97A0];
	v52 =	vadd.f32 v45, v49;
	v7 =	vadd.f32 v7, v8  }
0xa9: {  	v54 =	vld [tilespmem:s25+$0x97B0];
	v13 =	vadd.f32 v47, v14;
	v4 =	vadd.f32 v4, v6  }
0xaa: {  	v56 =	vld [tilespmem:s25+$0x97E0];
	v55 =	vadd.f32 v48, v52;
	v5 =	vadd.f32 v5, v7  }
0xab: {  	v57 =	vld [tilespmem:s25+$0x97F0];
	v12 =	vadd.f32 v50, v13;
	v2 =	vadd.f32 v2, v4  }
0xac: {  	v58 =	vadd.f32 v51, v55;
	v3 =	vadd.f32 v3, v5  }
0xad: {  	v59 =	vadd.f32 v53, v12;
	v0 =	vadd.f32 v0, v2  }
0xae: {  	v60 =	vadd.f32 v54, v58;
	v1 =	vadd.f32 v1, v3  }
0xaf: {  	v61 =	vadd.f32 v56, v59;
	v0 =	vmul.f32 $4.999999890e-03, v0  }
0xb0: {  	v2 =	vadd.f32 v57, v60;
	v1 =	vmul.f32 $4.999999890e-03, v1  }
0xb1: {  	s22 =	sadd.s32 $0x1, s22;
	[tilespmem:s23+$0xC840] =	vst v0;
	v62 =	vmul.f32 $4.999999890e-03, v61  }
0xb2: {  	p0 =	sne.s32 s22, $0x3F;
	[tilespmem:s23+$0xC850] =	vst v1;
	v63 =	vmul.f32 $4.999999890e-03, v2  }
.Ltmp2:
0xb3: {  	[tilespmem:s23+$0xC860] =	vst v62;
	(pc) =	sbr.rel @p0 .LBB2_2-.Ltmp2, $4  }
0xb4: {  	s30 =	sadd.s32 $0x258, s24;
	[tilespmem:s23+$0xC870] =	vst v63  }
0xb5: {  	[tilespmem:s15], [sflag:$0x2] =	stream.indirect.gather [hbm4b:s3+s10], $0x40, s30, s10, $0xb8;
	[tilespmem:$0xE800] =	vst v63  }
0xb6: {  	s31 =	sadd.s32 $0x2B8, s24  }
0xb7: {  	[tilespmem:s17], [sflag:$0x2] =	stream.indirect.gather [hbm4b:s3+s12], $0x40, s31, s12, $0xb8;
	[tilespmem:$0xE800] =	vst v63  }
0xb8: {  	_ =	swait.ge [sflag:s18], $0x3200  }
0xb9: {  	[sflag:s18] =	ssyncset.done $0x0  }
0xba: {  	s22 =	simm.s32 $0x0;
	[sflag:s18] =	ssyncadd.s32 $0xFFFFCE00  }
0xbb: {  	v0 =	vld [tilespmem:s22+$0x65C0]  }
0xbc: {  	v1 =	vld [tilespmem:s22+$0x65D0]  }
0xbd: {  	v2 =	vld [tilespmem:s22+$0x6580]  }
0xbe: {  	v3 =	vld [tilespmem:s22+$0x6590]  }
0xbf: {  	v4 =	vld [tilespmem:s22+$0x6540]  }
0xc0: {  	v5 =	vld [tilespmem:s22+$0x6550]  }
0xc1: {  	v6 =	vld [tilespmem:s22+$0x6500]  }
0xc2: {  	v7 =	vld [tilespmem:s22+$0x6510]  }
0xc3: {  	v9 =	vld [tilespmem:s22+$0x64C0]  }
0xc4: {  	v8 =	vld [tilespmem:s22+$0x64D0]  }
0xc5: {  	v11 =	vld [tilespmem:s22+$0x6480]  }
0xc6: {  	v10 =	vld [tilespmem:s22+$0x6490]  }
0xc7: {  	v17 =	vld [tilespmem:s22+$0x6440]  }
0xc8: {  	v16 =	vld [tilespmem:s22+$0x6450]  }
0xc9: {  	v19 =	vld [tilespmem:s22+$0x6400]  }
0xca: {  	v12 =	vimm.f32 $0.0e+00;
	v20 =	vld [tilespmem:s22+$0x6410]  }
0xcb: {  	s23 =	simm.s32 $0x800;
	v15 =	vimm.f32 $0.0e+00;
	v14 =	vimm.f32 $0.0e+00;
	v13 =	vimm.f32 $0.0e+00;
	v18 =	vld [tilespmem:s22+$0x6420]  }
.LBB2_8:
0xcc: {  	p0 =	sne.s32 s23, $0xC000;
	v21 =	vld [tilespmem:s22+$0x6430]  }
0xcd: {  	v22 =	vld [tilespmem:s22+$0x6460]  }
0xce: {  	v23 =	vld [tilespmem:s22+$0x6470]  }
0xcf: {  	v24 =	vld [tilespmem:s22+$0x64A0]  }
0xd0: {  	v12 =	vadd.f32 v19, v12;
	v15 =	vadd.f32 v20, v15;
	v19 =	vld [tilespmem:s22+$0x64B0]  }
0xd1: {  	v14 =	vadd.f32 v18, v14;
	v13 =	vadd.f32 v21, v13;
	v18 =	vld [tilespmem:s22+$0x64E0]  }
0xd2: {  	v12 =	vadd.f32 v17, v12;
	v15 =	vadd.f32 v16, v15;
	v16 =	vld [tilespmem:s22+$0x64F0]  }
0xd3: {  	v14 =	vadd.f32 v22, v14;
	v13 =	vadd.f32 v23, v13;
	v17 =	vld [tilespmem:s22+$0x6520]  }
0xd4: {  	v11 =	vadd.f32 v11, v12;
	v10 =	vadd.f32 v10, v15;
	v12 =	vld [tilespmem:s22+$0x6530]  }
0xd5: {  	v14 =	vadd.f32 v24, v14;
	v13 =	vadd.f32 v19, v13;
	v15 =	vld [tilespmem:s22+$0x6560]  }
0xd6: {  	v9 =	vadd.f32 v9, v11;
	v8 =	vadd.f32 v8, v10;
	v10 =	vld [tilespmem:s22+$0x6570]  }
0xd7: {  	v11 =	vadd.f32 v18, v14;
	v13 =	vadd.f32 v16, v13;
	v14 =	vld [tilespmem:s22+$0x65A0]  }
0xd8: {  	v6 =	vadd.f32 v6, v9;
	v7 =	vadd.f32 v7, v8;
	v8 =	vld [tilespmem:s22+$0x65B0]  }
0xd9: {  	v9 =	vadd.f32 v17, v11;
	v11 =	vadd.f32 v12, v13;
	v13 =	vld [tilespmem:s22+$0x65E0]  }
0xda: {  	v4 =	vadd.f32 v4, v6;
	v5 =	vadd.f32 v5, v7;
	v6 =	vld [tilespmem:s22+$0x65F0];
	s22 =	sshra.s32 s23, $0x2  }
0xdb: {  	v9 =	vadd.f32 v15, v9;
	v7 =	vld [tilespmem:s22+$0x65C0];
	v10 =	vadd.f32 v10, v11  }
0xdc: {  	v4 =	vadd.f32 v2, v4;
	v5 =	vadd.f32 v3, v5;
	v11 =	vld [tilespmem:s22+$0x65D0]  }
0xdd: {  	v9 =	vadd.f32 v14, v9;
	v2 =	vld [tilespmem:s22+$0x6580];
	v8 =	vadd.f32 v8, v10  }
0xde: {  	v12 =	vadd.f32 v0, v4;
	v15 =	vadd.f32 v1, v5;
	v3 =	vld [tilespmem:s22+$0x6590]  }
0xdf: {  	v14 =	vadd.f32 v13, v9;
	v4 =	vld [tilespmem:s22+$0x6540];
	v13 =	vadd.f32 v6, v8  }
0xe0: {  	v5 =	vld [tilespmem:s22+$0x6550];
	v0 =	vmov v7  }
0xe1: {  	v6 =	vld [tilespmem:s22+$0x6500];
	v1 =	vmov v11  }
0xe2: {  	v7 =	vld [tilespmem:s22+$0x6510]  }
0xe3: {  	v9 =	vld [tilespmem:s22+$0x64C0]  }
0xe4: {  	v8 =	vld [tilespmem:s22+$0x64D0]  }
0xe5: {  	v11 =	vld [tilespmem:s22+$0x6480]  }
0xe6: {  	v10 =	vld [tilespmem:s22+$0x6490]  }
.Ltmp3:
0xe7: {  	v17 =	vld [tilespmem:s22+$0x6440];
	(pc) =	sbr.rel @p0 .LBB2_8-.Ltmp3, $4  }
0xe8: {  	v16 =	vld [tilespmem:s22+$0x6450]  }
0xe9: {  	v19 =	vld [tilespmem:s22+$0x6400]  }
0xea: {  	v20 =	vld [tilespmem:s22+$0x6410]  }
0xeb: {  	s23 =	sadd.s32 $0x800, s23;
	v18 =	vld [tilespmem:s22+$0x6420]  }
0xec: {  	v21 =	vld [tilespmem:s22+$0x6430]  }
0xed: {  	v22 =	vld [tilespmem:s22+$0x6460]  }
0xee: {  	v23 =	vld [tilespmem:s22+$0x6470];
	v12 =	vadd.f32 v19, v12  }
0xef: {  	v19 =	vld [tilespmem:s22+$0x64A0];
	v15 =	vadd.f32 v20, v15  }
0xf0: {  	v20 =	vld [tilespmem:s22+$0x64B0];
	v14 =	vadd.f32 v18, v14;
	v12 =	vadd.f32 v17, v12  }
0xf1: {  	v17 =	vld [tilespmem:s22+$0x64E0];
	v13 =	vadd.f32 v21, v13;
	v15 =	vadd.f32 v16, v15  }
0xf2: {  	v16 =	vld [tilespmem:s22+$0x64F0];
	v14 =	vadd.f32 v22, v14;
	v11 =	vadd.f32 v11, v12  }
0xf3: {  	v12 =	vadd.f32 v23, v13;
	v13 =	vld [tilespmem:s22+$0x6520];
	v10 =	vadd.f32 v10, v15  }
0xf4: {  	v15 =	vld [tilespmem:s22+$0x6530];
	v14 =	vadd.f32 v19, v14;
	v9 =	vadd.f32 v9, v11  }
0xf5: {  	v11 =	vadd.f32 v20, v12;
	v12 =	vld [tilespmem:s22+$0x6560];
	v8 =	vadd.f32 v8, v10  }
0xf6: {  	v10 =	vld [tilespmem:s22+$0x6570];
	v14 =	vadd.f32 v17, v14;
	v6 =	vadd.f32 v6, v9  }
0xf7: {  	v9 =	vadd.f32 v16, v11;
	v11 =	vld [tilespmem:s22+$0x65A0];
	v7 =	vadd.f32 v7, v8  }
0xf8: {  	v8 =	vld [tilespmem:s22+$0x65B0];
	v13 =	vadd.f32 v13, v14;
	v4 =	vadd.f32 v4, v6  }
0xf9: {  	v6 =	vadd.f32 v15, v9;
	v9 =	vld [tilespmem:s22+$0x65E0];
	v5 =	vadd.f32 v5, v7  }
0xfa: {  	v7 =	vld [tilespmem:s22+$0x65F0];
	v12 =	vadd.f32 v12, v13;
	v2 =	vadd.f32 v2, v4  }
0xfb: {  	v4 =	vadd.f32 v10, v6;
	v3 =	vadd.f32 v3, v5  }
0xfc: {  	v5 =	vadd.f32 v11, v12;
	v0 =	vadd.f32 v0, v2  }
0xfd: {  	v2 =	vadd.f32 v8, v4;
	v1 =	vadd.f32 v1, v3  }
0xfe: {  	v3 =	vadd.f32 v9, v5;
	v0 =	vmul.f32 $4.999999890e-03, v0  }
0xff: {  	v2 =	vadd.f32 v7, v2;
	v1 =	vmul.f32 $4.999999890e-03, v1  }
0x100: {  	[tilespmem:$0xE780] =	vst v0;
	v0 =	vmul.f32 $4.999999890e-03, v3  }
0x101: {  	[tilespmem:$0xE790] =	vst v1;
	v1 =	vmul.f32 $4.999999890e-03, v2  }
0x102: {  	[tilespmem:$0xE7A0] =	vst v0  }
0x103: {  	[tilespmem:$0xE7B0] =	vst v1  }
0x104: {  	_ =	swait.ge [sflag:s19], $0x3200  }
0x105: {  	[sflag:s19] =	ssyncset.done $0x0  }
0x106: {  	s22 =	simm.s32 $0x0;
	[sflag:s19] =	ssyncadd.s32 $0xFFFFCE00  }
0x107: {  	v0 =	vld [tilespmem:s22+$0x97C0]  }
0x108: {  	v1 =	vld [tilespmem:s22+$0x97D0]  }
0x109: {  	v2 =	vld [tilespmem:s22+$0x9780]  }
0x10a: {  	v3 =	vld [tilespmem:s22+$0x9790]  }
0x10b: {  	v4 =	vld [tilespmem:s22+$0x9740]  }
0x10c: {  	v5 =	vld [tilespmem:s22+$0x9750]  }
0x10d: {  	v6 =	vld [tilespmem:s22+$0x9700]  }
0x10e: {  	v7 =	vld [tilespmem:s22+$0x9710]  }
0x10f: {  	v9 =	vld [tilespmem:s22+$0x96C0]  }
0x110: {  	v8 =	vld [tilespmem:s22+$0x96D0]  }
0x111: {  	v11 =	vld [tilespmem:s22+$0x9680]  }
0x112: {  	v10 =	vld [tilespmem:s22+$0x9690]  }
0x113: {  	v17 =	vld [tilespmem:s22+$0x9640]  }
0x114: {  	v16 =	vld [tilespmem:s22+$0x9650]  }
0x115: {  	v19 =	vld [tilespmem:s22+$0x9600]  }
0x116: {  	v14 =	vimm.f32 $0.0e+00;
	v20 =	vld [tilespmem:s22+$0x9610]  }
0x117: {  	s23 =	simm.s32 $0x800;
	v15 =	vimm.f32 $0.0e+00;
	v13 =	vimm.f32 $0.0e+00;
	v12 =	vimm.f32 $0.0e+00;
	v18 =	vld [tilespmem:s22+$0x9620]  }
.LBB2_10:
0x118: {  	p0 =	sne.s32 s23, $0xC000;
	v21 =	vld [tilespmem:s22+$0x9630]  }
0x119: {  	v22 =	vld [tilespmem:s22+$0x9660]  }
0x11a: {  	v23 =	vld [tilespmem:s22+$0x9670]  }
0x11b: {  	v24 =	vld [tilespmem:s22+$0x96A0]  }
0x11c: {  	v12 =	vadd.f32 v19, v12;
	v15 =	vadd.f32 v20, v15;
	v19 =	vld [tilespmem:s22+$0x96B0]  }
0x11d: {  	v14 =	vadd.f32 v18, v14;
	v13 =	vadd.f32 v21, v13;
	v18 =	vld [tilespmem:s22+$0x96E0]  }
0x11e: {  	v12 =	vadd.f32 v17, v12;
	v15 =	vadd.f32 v16, v15;
	v16 =	vld [tilespmem:s22+$0x96F0]  }
0x11f: {  	v14 =	vadd.f32 v22, v14;
	v13 =	vadd.f32 v23, v13;
	v17 =	vld [tilespmem:s22+$0x9720]  }
0x120: {  	v11 =	vadd.f32 v11, v12;
	v10 =	vadd.f32 v10, v15;
	v12 =	vld [tilespmem:s22+$0x9730]  }
0x121: {  	v14 =	vadd.f32 v24, v14;
	v13 =	vadd.f32 v19, v13;
	v15 =	vld [tilespmem:s22+$0x9760]  }
0x122: {  	v9 =	vadd.f32 v9, v11;
	v8 =	vadd.f32 v8, v10;
	v10 =	vld [tilespmem:s22+$0x9770]  }
0x123: {  	v11 =	vadd.f32 v18, v14;
	v13 =	vadd.f32 v16, v13;
	v14 =	vld [tilespmem:s22+$0x97A0]  }
0x124: {  	v6 =	vadd.f32 v6, v9;
	v7 =	vadd.f32 v7, v8;
	v8 =	vld [tilespmem:s22+$0x97B0]  }
0x125: {  	v9 =	vadd.f32 v17, v11;
	v11 =	vadd.f32 v12, v13;
	v13 =	vld [tilespmem:s22+$0x97E0]  }
0x126: {  	v4 =	vadd.f32 v4, v6;
	v5 =	vadd.f32 v5, v7;
	v6 =	vld [tilespmem:s22+$0x97F0];
	s22 =	sshra.s32 s23, $0x2  }
0x127: {  	v9 =	vadd.f32 v15, v9;
	v7 =	vld [tilespmem:s22+$0x97C0];
	v10 =	vadd.f32 v10, v11  }
0x128: {  	v4 =	vadd.f32 v2, v4;
	v5 =	vadd.f32 v3, v5;
	v11 =	vld [tilespmem:s22+$0x97D0]  }
0x129: {  	v9 =	vadd.f32 v14, v9;
	v2 =	vld [tilespmem:s22+$0x9780];
	v8 =	vadd.f32 v8, v10  }
0x12a: {  	v12 =	vadd.f32 v0, v4;
	v15 =	vadd.f32 v1, v5;
	v3 =	vld [tilespmem:s22+$0x9790]  }
0x12b: {  	v14 =	vadd.f32 v13, v9;
	v4 =	vld [tilespmem:s22+$0x9740];
	v13 =	vadd.f32 v6, v8  }
0x12c: {  	v5 =	vld [tilespmem:s22+$0x9750];
	v0 =	vmov v7  }
0x12d: {  	v6 =	vld [tilespmem:s22+$0x9700];
	v1 =	vmov v11  }
0x12e: {  	v7 =	vld [tilespmem:s22+$0x9710]  }
0x12f: {  	v9 =	vld [tilespmem:s22+$0x96C0]  }
0x130: {  	v8 =	vld [tilespmem:s22+$0x96D0]  }
0x131: {  	v11 =	vld [tilespmem:s22+$0x9680]  }
0x132: {  	v10 =	vld [tilespmem:s22+$0x9690]  }
.Ltmp4:
0x133: {  	v17 =	vld [tilespmem:s22+$0x9640];
	(pc) =	sbr.rel @p0 .LBB2_10-.Ltmp4, $4  }
0x134: {  	v16 =	vld [tilespmem:s22+$0x9650]  }
0x135: {  	v19 =	vld [tilespmem:s22+$0x9600]  }
0x136: {  	v20 =	vld [tilespmem:s22+$0x9610]  }
0x137: {  	s23 =	sadd.s32 $0x800, s23;
	v18 =	vld [tilespmem:s22+$0x9620]  }
0x138: {  	v21 =	vld [tilespmem:s22+$0x9630]  }
0x139: {  	v22 =	vld [tilespmem:s22+$0x9660]  }
0x13a: {  	v23 =	vld [tilespmem:s22+$0x9670];
	v12 =	vadd.f32 v19, v12  }
0x13b: {  	v42 =	vld [tilespmem:s22+$0x96A0];
	v15 =	vadd.f32 v20, v15  }
0x13c: {  	v43 =	vld [tilespmem:s22+$0x96B0];
	v14 =	vadd.f32 v18, v14;
	v12 =	vadd.f32 v17, v12  }
0x13d: {  	v44 =	vld [tilespmem:s22+$0x96E0];
	v13 =	vadd.f32 v21, v13;
	v15 =	vadd.f32 v16, v15  }
0x13e: {  	v45 =	vld [tilespmem:s22+$0x96F0];
	v14 =	vadd.f32 v22, v14;
	v11 =	vadd.f32 v11, v12  }
0x13f: {  	v47 =	vld [tilespmem:s22+$0x9720];
	v46 =	vadd.f32 v23, v13;
	v10 =	vadd.f32 v10, v15  }
0x140: {  	v48 =	vld [tilespmem:s22+$0x9730];
	v14 =	vadd.f32 v42, v14;
	v9 =	vadd.f32 v9, v11  }
0x141: {  	v50 =	vld [tilespmem:s22+$0x9760];
	v49 =	vadd.f32 v43, v46;
	v8 =	vadd.f32 v8, v10  }
0x142: {  	v51 =	vld [tilespmem:s22+$0x9770];
	v14 =	vadd.f32 v44, v14;
	v6 =	vadd.f32 v6, v9  }
0x143: {  	v53 =	vld [tilespmem:s22+$0x97A0];
	v52 =	vadd.f32 v45, v49;
	v7 =	vadd.f32 v7, v8  }
0x144: {  	v54 =	vld [tilespmem:s22+$0x97B0];
	v13 =	vadd.f32 v47, v14;
	v4 =	vadd.f32 v4, v6  }
0x145: {  	v56 =	vld [tilespmem:s22+$0x97E0];
	v55 =	vadd.f32 v48, v52;
	v5 =	vadd.f32 v5, v7  }
0x146: {  	v57 =	vld [tilespmem:s22+$0x97F0];
	v12 =	vadd.f32 v50, v13;
	v2 =	vadd.f32 v2, v4  }
0x147: {  	v58 =	vadd.f32 v51, v55;
	v3 =	vadd.f32 v3, v5  }
0x148: {  	v59 =	vadd.f32 v53, v12;
	v0 =	vadd.f32 v0, v2  }
0x149: {  	v60 =	vadd.f32 v54, v58;
	v1 =	vadd.f32 v1, v3  }
0x14a: {  	v61 =	vadd.f32 v56, v59;
	v0 =	vmul.f32 $4.999999890e-03, v0  }
0x14b: {  	v2 =	vadd.f32 v57, v60;
	v1 =	vmul.f32 $4.999999890e-03, v1  }
0x14c: {  	[tilespmem:$0xE7C0] =	vst v0;
	v62 =	vmul.f32 $4.999999890e-03, v61  }
0x14d: {  	[tilespmem:$0xE7D0] =	vst v1;
	v63 =	vmul.f32 $4.999999890e-03, v2  }
0x14e: {  	[tilespmem:$0xE7E0] =	vst v62  }
0x14f: {  	s22 =	simm.s32 $0x0;
	[tilespmem:$0xE7F0] =	vst v63  }
0x150: {  	[hbm4b:s5+s22] =	stream.linear.scatter [tilespmem:s20], [sflag:$0x3], $0x2000, $0x38;
	[tilespmem:$0xE800] =	vst v63  }
0x151: {  	_ =	swait.ge [sflag:s9], $0x2000  }
0x152: {  	[sflag:s9] =	ssyncset.done $0x0  }
0x153: {  	[sflag:s9] =	ssyncadd.s32 $0xFFFFE000  }
0x154: {  	[tilespmem:s22], [sflag:$0x3] =	stream.linear.gather [hbm4b:s6+s22], $0x6400, $0x38;
	[tilespmem:$0xE800] =	vst v63  }
0x155: {  	_ =	swait.ge [sflag:s9], $0x6400  }
0x156: {  	[sflag:s9] =	ssyncset.done $0x0  }
0x157: {  	[sflag:s9] =	ssyncadd.s32 $0xFFFF9C00  }
0x158: {  	[tilespmem:s11], [sflag:$0x1] =	stream.indirect.gather [hbm4b:s3+s10], $0x40, s22, s10, $0xb8;
	[tilespmem:$0xE800] =	vst v63  }
0x159: {  	_ = 	snop  }
0x15a: {  	[tilespmem:s13], [sflag:$0x1] =	stream.indirect.gather [hbm4b:s3+s12], $0x40, s10, s12, $0xb8;
	[tilespmem:$0xE800] =	vst v63  }
0x15b: {  	_ = 	snop  }
0x15c: {  	[tilespmem:s15], [sflag:$0x2] =	stream.indirect.gather [hbm4b:s3+s10], $0x40, s14, s10, $0xb8;
	[tilespmem:$0xE800] =	vst v63  }
0x15d: {  	_ = 	snop  }
0x15e: {  	[tilespmem:s17], [sflag:$0x2] =	stream.indirect.gather [hbm4b:s3+s12], $0x40, s16, s12, $0xb8;
	[tilespmem:$0xE800] =	vst v63  }
.LBB2_12:
0x15f: {  	_ =	swait.ge [sflag:s18], $0x3200  }
0x160: {  	[sflag:s18] =	ssyncset.done $0x0  }
0x161: {  	s23 =	simm.s32 $0x0;
	[sflag:s18] =	ssyncadd.s32 $0xFFFFCE00  }
0x162: {  	v0 =	vld [tilespmem:s23+$0x65C0]  }
0x163: {  	v1 =	vld [tilespmem:s23+$0x65D0]  }
0x164: {  	v2 =	vld [tilespmem:s23+$0x6580]  }
0x165: {  	v3 =	vld [tilespmem:s23+$0x6590]  }
0x166: {  	v4 =	vld [tilespmem:s23+$0x6540]  }
0x167: {  	v5 =	vld [tilespmem:s23+$0x6550]  }
0x168: {  	v6 =	vld [tilespmem:s23+$0x6500]  }
0x169: {  	v7 =	vld [tilespmem:s23+$0x6510]  }
0x16a: {  	v9 =	vld [tilespmem:s23+$0x64C0]  }
0x16b: {  	v8 =	vld [tilespmem:s23+$0x64D0]  }
0x16c: {  	v11 =	vld [tilespmem:s23+$0x6480]  }
0x16d: {  	v10 =	vld [tilespmem:s23+$0x6490]  }
0x16e: {  	v17 =	vld [tilespmem:s23+$0x6440]  }
0x16f: {  	v16 =	vld [tilespmem:s23+$0x6450]  }
0x170: {  	v19 =	vld [tilespmem:s23+$0x6400]  }
0x171: {  	v12 =	vimm.f32 $0.0e+00;
	v20 =	vld [tilespmem:s23+$0x6410]  }
0x172: {  	s24 =	simm.s32 $0x800;
	v15 =	vimm.f32 $0.0e+00;
	v14 =	vimm.f32 $0.0e+00;
	v13 =	vimm.f32 $0.0e+00;
	v18 =	vld [tilespmem:s23+$0x6420]  }
.LBB2_13:
0x173: {  	p0 =	sne.s32 s24, $0xC000;
	v21 =	vld [tilespmem:s23+$0x6430]  }
0x174: {  	v22 =	vld [tilespmem:s23+$0x6460]  }
0x175: {  	v23 =	vld [tilespmem:s23+$0x6470]  }
0x176: {  	v24 =	vld [tilespmem:s23+$0x64A0]  }
0x177: {  	v12 =	vadd.f32 v19, v12;
	v15 =	vadd.f32 v20, v15;
	v19 =	vld [tilespmem:s23+$0x64B0]  }
0x178: {  	v14 =	vadd.f32 v18, v14;
	v13 =	vadd.f32 v21, v13;
	v18 =	vld [tilespmem:s23+$0x64E0]  }
0x179: {  	v12 =	vadd.f32 v17, v12;
	v15 =	vadd.f32 v16, v15;
	v16 =	vld [tilespmem:s23+$0x64F0]  }
0x17a: {  	v14 =	vadd.f32 v22, v14;
	v13 =	vadd.f32 v23, v13;
	v17 =	vld [tilespmem:s23+$0x6520]  }
0x17b: {  	v11 =	vadd.f32 v11, v12;
	v10 =	vadd.f32 v10, v15;
	v12 =	vld [tilespmem:s23+$0x6530]  }
0x17c: {  	v14 =	vadd.f32 v24, v14;
	v13 =	vadd.f32 v19, v13;
	v15 =	vld [tilespmem:s23+$0x6560]  }
0x17d: {  	v9 =	vadd.f32 v9, v11;
	v8 =	vadd.f32 v8, v10;
	v10 =	vld [tilespmem:s23+$0x6570]  }
0x17e: {  	v11 =	vadd.f32 v18, v14;
	v13 =	vadd.f32 v16, v13;
	v14 =	vld [tilespmem:s23+$0x65A0]  }
0x17f: {  	v6 =	vadd.f32 v6, v9;
	v7 =	vadd.f32 v7, v8;
	v8 =	vld [tilespmem:s23+$0x65B0]  }
0x180: {  	v9 =	vadd.f32 v17, v11;
	v11 =	vadd.f32 v12, v13;
	v13 =	vld [tilespmem:s23+$0x65E0]  }
0x181: {  	v4 =	vadd.f32 v4, v6;
	v5 =	vadd.f32 v5, v7;
	v6 =	vld [tilespmem:s23+$0x65F0];
	s23 =	sshra.s32 s24, $0x2  }
0x182: {  	v9 =	vadd.f32 v15, v9;
	v7 =	vld [tilespmem:s23+$0x65C0];
	v10 =	vadd.f32 v10, v11  }
0x183: {  	v4 =	vadd.f32 v2, v4;
	v5 =	vadd.f32 v3, v5;
	v11 =	vld [tilespmem:s23+$0x65D0]  }
0x184: {  	v9 =	vadd.f32 v14, v9;
	v2 =	vld [tilespmem:s23+$0x6580];
	v8 =	vadd.f32 v8, v10  }
0x185: {  	v12 =	vadd.f32 v0, v4;
	v15 =	vadd.f32 v1, v5;
	v3 =	vld [tilespmem:s23+$0x6590]  }
0x186: {  	v14 =	vadd.f32 v13, v9;
	v4 =	vld [tilespmem:s23+$0x6540];
	v13 =	vadd.f32 v6, v8  }
0x187: {  	v5 =	vld [tilespmem:s23+$0x6550];
	v0 =	vmov v7  }
0x188: {  	v6 =	vld [tilespmem:s23+$0x6500];
	v1 =	vmov v11  }
0x189: {  	v7 =	vld [tilespmem:s23+$0x6510]  }
0x18a: {  	v9 =	vld [tilespmem:s23+$0x64C0]  }
0x18b: {  	v8 =	vld [tilespmem:s23+$0x64D0]  }
0x18c: {  	v11 =	vld [tilespmem:s23+$0x6480]  }
0x18d: {  	v10 =	vld [tilespmem:s23+$0x6490]  }
.Ltmp5:
0x18e: {  	v17 =	vld [tilespmem:s23+$0x6440];
	(pc) =	sbr.rel @p0 .LBB2_13-.Ltmp5, $4  }
0x18f: {  	v16 =	vld [tilespmem:s23+$0x6450]  }
0x190: {  	v19 =	vld [tilespmem:s23+$0x6400]  }
0x191: {  	v20 =	vld [tilespmem:s23+$0x6410]  }
0x192: {  	s24 =	sadd.s32 $0x800, s24;
	v18 =	vld [tilespmem:s23+$0x6420]  }
0x193: {  	v21 =	vld [tilespmem:s23+$0x6430]  }
0x194: {  	v22 =	vld [tilespmem:s23+$0x6460]  }
0x195: {  	v23 =	vld [tilespmem:s23+$0x6470];
	v12 =	vadd.f32 v19, v12  }
0x196: {  	v19 =	vld [tilespmem:s23+$0x64A0];
	v15 =	vadd.f32 v20, v15  }
0x197: {  	v20 =	vld [tilespmem:s23+$0x64B0];
	v14 =	vadd.f32 v18, v14;
	v12 =	vadd.f32 v17, v12  }
0x198: {  	v17 =	vld [tilespmem:s23+$0x64E0];
	v13 =	vadd.f32 v21, v13;
	v15 =	vadd.f32 v16, v15  }
0x199: {  	v16 =	vld [tilespmem:s23+$0x64F0];
	v14 =	vadd.f32 v22, v14;
	v11 =	vadd.f32 v11, v12  }
0x19a: {  	v12 =	vadd.f32 v23, v13;
	v13 =	vld [tilespmem:s23+$0x6520];
	v10 =	vadd.f32 v10, v15  }
0x19b: {  	v15 =	vld [tilespmem:s23+$0x6530];
	v14 =	vadd.f32 v19, v14;
	v9 =	vadd.f32 v9, v11  }
0x19c: {  	v11 =	vadd.f32 v20, v12;
	v12 =	vld [tilespmem:s23+$0x6560];
	v8 =	vadd.f32 v8, v10  }
0x19d: {  	v10 =	vld [tilespmem:s23+$0x6570];
	v14 =	vadd.f32 v17, v14;
	v6 =	vadd.f32 v6, v9  }
0x19e: {  	v9 =	vadd.f32 v16, v11;
	v11 =	vld [tilespmem:s23+$0x65A0];
	v7 =	vadd.f32 v7, v8  }
0x19f: {  	v8 =	vld [tilespmem:s23+$0x65B0];
	v13 =	vadd.f32 v13, v14;
	v4 =	vadd.f32 v4, v6  }
0x1a0: {  	v6 =	vadd.f32 v15, v9;
	v9 =	vld [tilespmem:s23+$0x65E0];
	v5 =	vadd.f32 v5, v7  }
0x1a1: {  	v7 =	vld [tilespmem:s23+$0x65F0];
	v12 =	vadd.f32 v12, v13;
	v2 =	vadd.f32 v2, v4  }
0x1a2: {  	v4 =	vadd.f32 v10, v6;
	v3 =	vadd.f32 v3, v5  }
0x1a3: {  	v5 =	vadd.f32 v11, v12;
	v0 =	vadd.f32 v0, v2  }
0x1a4: {  	v2 =	vadd.f32 v8, v4;
	v1 =	vadd.f32 v1, v3  }
0x1a5: {  	s30 =	sshll.u32 s22, $0x7;
	v3 =	vadd.f32 v9, v5;
	v0 =	vmul.f32 $4.999999890e-03, v0  }
0x1a6: {  	s23 =	sand.u32 $0x3FFFFF80, s30;
	v2 =	vadd.f32 v7, v2;
	v1 =	vmul.f32 $4.999999890e-03, v1  }
0x1a7: {  	s24 =	smul.u32 $0x640, s22;
	[tilespmem:s23+$0xC800] =	vst v0;
	v0 =	vmul.f32 $4.999999890e-03, v3  }
0x1a8: {  	[tilespmem:s23+$0xC810] =	vst v1;
	v1 =	vmul.f32 $4.999999890e-03, v2  }
0x1a9: {  	s24 =	sshra.s32 s24, $0x2;
	[tilespmem:s23+$0xC820] =	vst v0  }
0x1aa: {  	s25 =	sadd.s32 $0x190, s24;
	[tilespmem:s23+$0xC830] =	vst v1  }
0x1ab: {  	[tilespmem:s11], [sflag:$0x1] =	stream.indirect.gather [hbm4b:s3+s10], $0x40, s25, s10, $0xb8;
	[tilespmem:$0xE800] =	vst v63  }
0x1ac: {  	s31 =	sadd.s32 $0x1F0, s24  }
0x1ad: {  	[tilespmem:s13], [sflag:$0x1] =	stream.indirect.gather [hbm4b:s3+s12], $0x40, s31, s12, $0xb8;
	[tilespmem:$0xE800] =	vst v63  }
0x1ae: {  	_ =	swait.ge [sflag:s19], $0x3200  }
0x1af: {  	[sflag:s19] =	ssyncset.done $0x0  }
0x1b0: {  	s25 =	simm.s32 $0x0;
	[sflag:s19] =	ssyncadd.s32 $0xFFFFCE00  }
0x1b1: {  	v0 =	vld [tilespmem:s25+$0x97C0]  }
0x1b2: {  	v1 =	vld [tilespmem:s25+$0x97D0]  }
0x1b3: {  	v2 =	vld [tilespmem:s25+$0x9780]  }
0x1b4: {  	v3 =	vld [tilespmem:s25+$0x9790]  }
0x1b5: {  	v4 =	vld [tilespmem:s25+$0x9740]  }
0x1b6: {  	v5 =	vld [tilespmem:s25+$0x9750]  }
0x1b7: {  	v6 =	vld [tilespmem:s25+$0x9700]  }
0x1b8: {  	v7 =	vld [tilespmem:s25+$0x9710]  }
0x1b9: {  	v9 =	vld [tilespmem:s25+$0x96C0]  }
0x1ba: {  	v8 =	vld [tilespmem:s25+$0x96D0]  }
0x1bb: {  	v11 =	vld [tilespmem:s25+$0x9680]  }
0x1bc: {  	v10 =	vld [tilespmem:s25+$0x9690]  }
0x1bd: {  	v17 =	vld [tilespmem:s25+$0x9640]  }
0x1be: {  	v16 =	vld [tilespmem:s25+$0x9650]  }
0x1bf: {  	v19 =	vld [tilespmem:s25+$0x9600]  }
0x1c0: {  	v14 =	vimm.f32 $0.0e+00;
	v20 =	vld [tilespmem:s25+$0x9610]  }
0x1c1: {  	s26 =	simm.s32 $0x800;
	v15 =	vimm.f32 $0.0e+00;
	v13 =	vimm.f32 $0.0e+00;
	v12 =	vimm.f32 $0.0e+00;
	v18 =	vld [tilespmem:s25+$0x9620]  }
.LBB2_15:
0x1c2: {  	p0 =	sne.s32 s26, $0xC000;
	v21 =	vld [tilespmem:s25+$0x9630]  }
0x1c3: {  	v22 =	vld [tilespmem:s25+$0x9660]  }
0x1c4: {  	v23 =	vld [tilespmem:s25+$0x9670]  }
0x1c5: {  	v24 =	vld [tilespmem:s25+$0x96A0]  }
0x1c6: {  	v12 =	vadd.f32 v19, v12;
	v15 =	vadd.f32 v20, v15;
	v19 =	vld [tilespmem:s25+$0x96B0]  }
0x1c7: {  	v14 =	vadd.f32 v18, v14;
	v13 =	vadd.f32 v21, v13;
	v18 =	vld [tilespmem:s25+$0x96E0]  }
0x1c8: {  	v12 =	vadd.f32 v17, v12;
	v15 =	vadd.f32 v16, v15;
	v16 =	vld [tilespmem:s25+$0x96F0]  }
0x1c9: {  	v14 =	vadd.f32 v22, v14;
	v13 =	vadd.f32 v23, v13;
	v17 =	vld [tilespmem:s25+$0x9720]  }
0x1ca: {  	v11 =	vadd.f32 v11, v12;
	v10 =	vadd.f32 v10, v15;
	v12 =	vld [tilespmem:s25+$0x9730]  }
0x1cb: {  	v14 =	vadd.f32 v24, v14;
	v13 =	vadd.f32 v19, v13;
	v15 =	vld [tilespmem:s25+$0x9760]  }
0x1cc: {  	v9 =	vadd.f32 v9, v11;
	v8 =	vadd.f32 v8, v10;
	v10 =	vld [tilespmem:s25+$0x9770]  }
0x1cd: {  	v11 =	vadd.f32 v18, v14;
	v13 =	vadd.f32 v16, v13;
	v14 =	vld [tilespmem:s25+$0x97A0]  }
0x1ce: {  	v6 =	vadd.f32 v6, v9;
	v7 =	vadd.f32 v7, v8;
	v8 =	vld [tilespmem:s25+$0x97B0]  }
0x1cf: {  	v9 =	vadd.f32 v17, v11;
	v11 =	vadd.f32 v12, v13;
	v13 =	vld [tilespmem:s25+$0x97E0]  }
0x1d0: {  	v4 =	vadd.f32 v4, v6;
	v5 =	vadd.f32 v5, v7;
	v6 =	vld [tilespmem:s25+$0x97F0];
	s25 =	sshra.s32 s26, $0x2  }
0x1d1: {  	v9 =	vadd.f32 v15, v9;
	v7 =	vld [tilespmem:s25+$0x97C0];
	v10 =	vadd.f32 v10, v11  }
0x1d2: {  	v4 =	vadd.f32 v2, v4;
	v5 =	vadd.f32 v3, v5;
	v11 =	vld [tilespmem:s25+$0x97D0]  }
0x1d3: {  	v9 =	vadd.f32 v14, v9;
	v2 =	vld [tilespmem:s25+$0x9780];
	v8 =	vadd.f32 v8, v10  }
0x1d4: {  	v12 =	vadd.f32 v0, v4;
	v15 =	vadd.f32 v1, v5;
	v3 =	vld [tilespmem:s25+$0x9790]  }
0x1d5: {  	v14 =	vadd.f32 v13, v9;
	v4 =	vld [tilespmem:s25+$0x9740];
	v13 =	vadd.f32 v6, v8  }
0x1d6: {  	v5 =	vld [tilespmem:s25+$0x9750];
	v0 =	vmov v7  }
0x1d7: {  	v6 =	vld [tilespmem:s25+$0x9700];
	v1 =	vmov v11  }
0x1d8: {  	v7 =	vld [tilespmem:s25+$0x9710]  }
0x1d9: {  	v9 =	vld [tilespmem:s25+$0x96C0]  }
0x1da: {  	v8 =	vld [tilespmem:s25+$0x96D0]  }
0x1db: {  	v11 =	vld [tilespmem:s25+$0x9680]  }
0x1dc: {  	v10 =	vld [tilespmem:s25+$0x9690]  }
.Ltmp6:
0x1dd: {  	v17 =	vld [tilespmem:s25+$0x9640];
	(pc) =	sbr.rel @p0 .LBB2_15-.Ltmp6, $4  }
0x1de: {  	v16 =	vld [tilespmem:s25+$0x9650]  }
0x1df: {  	v19 =	vld [tilespmem:s25+$0x9600]  }
0x1e0: {  	v20 =	vld [tilespmem:s25+$0x9610]  }
0x1e1: {  	s26 =	sadd.s32 $0x800, s26;
	v18 =	vld [tilespmem:s25+$0x9620]  }
0x1e2: {  	v21 =	vld [tilespmem:s25+$0x9630]  }
0x1e3: {  	v22 =	vld [tilespmem:s25+$0x9660]  }
0x1e4: {  	v23 =	vld [tilespmem:s25+$0x9670];
	v12 =	vadd.f32 v19, v12  }
0x1e5: {  	v42 =	vld [tilespmem:s25+$0x96A0];
	v15 =	vadd.f32 v20, v15  }
0x1e6: {  	v43 =	vld [tilespmem:s25+$0x96B0];
	v14 =	vadd.f32 v18, v14;
	v12 =	vadd.f32 v17, v12  }
0x1e7: {  	v44 =	vld [tilespmem:s25+$0x96E0];
	v13 =	vadd.f32 v21, v13;
	v15 =	vadd.f32 v16, v15  }
0x1e8: {  	v45 =	vld [tilespmem:s25+$0x96F0];
	v14 =	vadd.f32 v22, v14;
	v11 =	vadd.f32 v11, v12  }
0x1e9: {  	v47 =	vld [tilespmem:s25+$0x9720];
	v46 =	vadd.f32 v23, v13;
	v10 =	vadd.f32 v10, v15  }
0x1ea: {  	v48 =	vld [tilespmem:s25+$0x9730];
	v14 =	vadd.f32 v42, v14;
	v9 =	vadd.f32 v9, v11  }
0x1eb: {  	v50 =	vld [tilespmem:s25+$0x9760];
	v49 =	vadd.f32 v43, v46;
	v8 =	vadd.f32 v8, v10  }
0x1ec: {  	v51 =	vld [tilespmem:s25+$0x9770];
	v14 =	vadd.f32 v44, v14;
	v6 =	vadd.f32 v6, v9  }
0x1ed: {  	v53 =	vld [tilespmem:s25+$0x97A0];
	v52 =	vadd.f32 v45, v49;
	v7 =	vadd.f32 v7, v8  }
0x1ee: {  	v54 =	vld [tilespmem:s25+$0x97B0];
	v13 =	vadd.f32 v47, v14;
	v4 =	vadd.f32 v4, v6  }
0x1ef: {  	v56 =	vld [tilespmem:s25+$0x97E0];
	v55 =	vadd.f32 v48, v52;
	v5 =	vadd.f32 v5, v7  }
0x1f0: {  	v57 =	vld [tilespmem:s25+$0x97F0];
	v12 =	vadd.f32 v50, v13;
	v2 =	vadd.f32 v2, v4  }
0x1f1: {  	v58 =	vadd.f32 v51, v55;
	v3 =	vadd.f32 v3, v5  }
0x1f2: {  	v59 =	vadd.f32 v53, v12;
	v0 =	vadd.f32 v0, v2  }
0x1f3: {  	v60 =	vadd.f32 v54, v58;
	v1 =	vadd.f32 v1, v3  }
0x1f4: {  	v61 =	vadd.f32 v56, v59;
	v0 =	vmul.f32 $4.999999890e-03, v0  }
0x1f5: {  	v2 =	vadd.f32 v57, v60;
	v1 =	vmul.f32 $4.999999890e-03, v1  }
0x1f6: {  	s22 =	sadd.s32 $0x1, s22;
	[tilespmem:s23+$0xC840] =	vst v0;
	v62 =	vmul.f32 $4.999999890e-03, v61  }
0x1f7: {  	p0 =	sne.s32 s22, $0x3F;
	[tilespmem:s23+$0xC850] =	vst v1;
	v63 =	vmul.f32 $4.999999890e-03, v2  }
.Ltmp7:
0x1f8: {  	[tilespmem:s23+$0xC860] =	vst v62;
	(pc) =	sbr.rel @p0 .LBB2_12-.Ltmp7, $4  }
0x1f9: {  	s30 =	sadd.s32 $0x258, s24;
	[tilespmem:s23+$0xC870] =	vst v63  }
0x1fa: {  	[tilespmem:s15], [sflag:$0x2] =	stream.indirect.gather [hbm4b:s3+s10], $0x40, s30, s10, $0xb8;
	[tilespmem:$0xE800] =	vst v63  }
0x1fb: {  	s31 =	sadd.s32 $0x2B8, s24  }
0x1fc: {  	[tilespmem:s17], [sflag:$0x2] =	stream.indirect.gather [hbm4b:s3+s12], $0x40, s31, s12, $0xb8;
	[tilespmem:$0xE800] =	vst v63  }
0x1fd: {  	_ =	swait.ge [sflag:s18], $0x3200  }
0x1fe: {  	[sflag:s18] =	ssyncset.done $0x0  }
0x1ff: {  	s22 =	simm.s32 $0x0;
	[sflag:s18] =	ssyncadd.s32 $0xFFFFCE00  }
0x200: {  	v0 =	vld [tilespmem:s22+$0x65C0]  }
0x201: {  	v1 =	vld [tilespmem:s22+$0x65D0]  }
0x202: {  	v2 =	vld [tilespmem:s22+$0x6580]  }
0x203: {  	v3 =	vld [tilespmem:s22+$0x6590]  }
0x204: {  	v4 =	vld [tilespmem:s22+$0x6540]  }
0x205: {  	v5 =	vld [tilespmem:s22+$0x6550]  }
0x206: {  	v6 =	vld [tilespmem:s22+$0x6500]  }
0x207: {  	v7 =	vld [tilespmem:s22+$0x6510]  }
0x208: {  	v9 =	vld [tilespmem:s22+$0x64C0]  }
0x209: {  	v8 =	vld [tilespmem:s22+$0x64D0]  }
0x20a: {  	v11 =	vld [tilespmem:s22+$0x6480]  }
0x20b: {  	v10 =	vld [tilespmem:s22+$0x6490]  }
0x20c: {  	v17 =	vld [tilespmem:s22+$0x6440]  }
0x20d: {  	v16 =	vld [tilespmem:s22+$0x6450]  }
0x20e: {  	v19 =	vld [tilespmem:s22+$0x6400]  }
0x20f: {  	v12 =	vimm.f32 $0.0e+00;
	v20 =	vld [tilespmem:s22+$0x6410]  }
0x210: {  	s23 =	simm.s32 $0x800;
	v15 =	vimm.f32 $0.0e+00;
	v14 =	vimm.f32 $0.0e+00;
	v13 =	vimm.f32 $0.0e+00;
	v18 =	vld [tilespmem:s22+$0x6420]  }
.LBB2_18:
0x211: {  	p0 =	sne.s32 s23, $0xC000;
	v21 =	vld [tilespmem:s22+$0x6430]  }
0x212: {  	v22 =	vld [tilespmem:s22+$0x6460]  }
0x213: {  	v23 =	vld [tilespmem:s22+$0x6470]  }
0x214: {  	v24 =	vld [tilespmem:s22+$0x64A0]  }
0x215: {  	v12 =	vadd.f32 v19, v12;
	v15 =	vadd.f32 v20, v15;
	v19 =	vld [tilespmem:s22+$0x64B0]  }
0x216: {  	v14 =	vadd.f32 v18, v14;
	v13 =	vadd.f32 v21, v13;
	v18 =	vld [tilespmem:s22+$0x64E0]  }
0x217: {  	v12 =	vadd.f32 v17, v12;
	v15 =	vadd.f32 v16, v15;
	v16 =	vld [tilespmem:s22+$0x64F0]  }
0x218: {  	v14 =	vadd.f32 v22, v14;
	v13 =	vadd.f32 v23, v13;
	v17 =	vld [tilespmem:s22+$0x6520]  }
0x219: {  	v11 =	vadd.f32 v11, v12;
	v10 =	vadd.f32 v10, v15;
	v12 =	vld [tilespmem:s22+$0x6530]  }
0x21a: {  	v14 =	vadd.f32 v24, v14;
	v13 =	vadd.f32 v19, v13;
	v15 =	vld [tilespmem:s22+$0x6560]  }
0x21b: {  	v9 =	vadd.f32 v9, v11;
	v8 =	vadd.f32 v8, v10;
	v10 =	vld [tilespmem:s22+$0x6570]  }
0x21c: {  	v11 =	vadd.f32 v18, v14;
	v13 =	vadd.f32 v16, v13;
	v14 =	vld [tilespmem:s22+$0x65A0]  }
0x21d: {  	v6 =	vadd.f32 v6, v9;
	v7 =	vadd.f32 v7, v8;
	v8 =	vld [tilespmem:s22+$0x65B0]  }
0x21e: {  	v9 =	vadd.f32 v17, v11;
	v11 =	vadd.f32 v12, v13;
	v13 =	vld [tilespmem:s22+$0x65E0]  }
0x21f: {  	v4 =	vadd.f32 v4, v6;
	v5 =	vadd.f32 v5, v7;
	v6 =	vld [tilespmem:s22+$0x65F0];
	s22 =	sshra.s32 s23, $0x2  }
0x220: {  	v9 =	vadd.f32 v15, v9;
	v7 =	vld [tilespmem:s22+$0x65C0];
	v10 =	vadd.f32 v10, v11  }
0x221: {  	v4 =	vadd.f32 v2, v4;
	v5 =	vadd.f32 v3, v5;
	v11 =	vld [tilespmem:s22+$0x65D0]  }
0x222: {  	v9 =	vadd.f32 v14, v9;
	v2 =	vld [tilespmem:s22+$0x6580];
	v8 =	vadd.f32 v8, v10  }
0x223: {  	v12 =	vadd.f32 v0, v4;
	v15 =	vadd.f32 v1, v5;
	v3 =	vld [tilespmem:s22+$0x6590]  }
0x224: {  	v14 =	vadd.f32 v13, v9;
	v4 =	vld [tilespmem:s22+$0x6540];
	v13 =	vadd.f32 v6, v8  }
0x225: {  	v5 =	vld [tilespmem:s22+$0x6550];
	v0 =	vmov v7  }
0x226: {  	v6 =	vld [tilespmem:s22+$0x6500];
	v1 =	vmov v11  }
0x227: {  	v7 =	vld [tilespmem:s22+$0x6510]  }
0x228: {  	v9 =	vld [tilespmem:s22+$0x64C0]  }
0x229: {  	v8 =	vld [tilespmem:s22+$0x64D0]  }
0x22a: {  	v11 =	vld [tilespmem:s22+$0x6480]  }
0x22b: {  	v10 =	vld [tilespmem:s22+$0x6490]  }
.Ltmp8:
0x22c: {  	v17 =	vld [tilespmem:s22+$0x6440];
	(pc) =	sbr.rel @p0 .LBB2_18-.Ltmp8, $4  }
0x22d: {  	v16 =	vld [tilespmem:s22+$0x6450]  }
0x22e: {  	v19 =	vld [tilespmem:s22+$0x6400]  }
0x22f: {  	v20 =	vld [tilespmem:s22+$0x6410]  }
0x230: {  	s23 =	sadd.s32 $0x800, s23;
	v18 =	vld [tilespmem:s22+$0x6420]  }
0x231: {  	v21 =	vld [tilespmem:s22+$0x6430]  }
0x232: {  	v22 =	vld [tilespmem:s22+$0x6460]  }
0x233: {  	v23 =	vld [tilespmem:s22+$0x6470];
	v12 =	vadd.f32 v19, v12  }
0x234: {  	v19 =	vld [tilespmem:s22+$0x64A0];
	v15 =	vadd.f32 v20, v15  }
0x235: {  	v20 =	vld [tilespmem:s22+$0x64B0];
	v14 =	vadd.f32 v18, v14;
	v12 =	vadd.f32 v17, v12  }
0x236: {  	v17 =	vld [tilespmem:s22+$0x64E0];
	v13 =	vadd.f32 v21, v13;
	v15 =	vadd.f32 v16, v15  }
0x237: {  	v16 =	vld [tilespmem:s22+$0x64F0];
	v14 =	vadd.f32 v22, v14;
	v11 =	vadd.f32 v11, v12  }
0x238: {  	v12 =	vadd.f32 v23, v13;
	v13 =	vld [tilespmem:s22+$0x6520];
	v10 =	vadd.f32 v10, v15  }
0x239: {  	v15 =	vld [tilespmem:s22+$0x6530];
	v14 =	vadd.f32 v19, v14;
	v9 =	vadd.f32 v9, v11  }
0x23a: {  	v11 =	vadd.f32 v20, v12;
	v12 =	vld [tilespmem:s22+$0x6560];
	v8 =	vadd.f32 v8, v10  }
0x23b: {  	v10 =	vld [tilespmem:s22+$0x6570];
	v14 =	vadd.f32 v17, v14;
	v6 =	vadd.f32 v6, v9  }
0x23c: {  	v9 =	vadd.f32 v16, v11;
	v11 =	vld [tilespmem:s22+$0x65A0];
	v7 =	vadd.f32 v7, v8  }
0x23d: {  	v8 =	vld [tilespmem:s22+$0x65B0];
	v13 =	vadd.f32 v13, v14;
	v4 =	vadd.f32 v4, v6  }
0x23e: {  	v6 =	vadd.f32 v15, v9;
	v9 =	vld [tilespmem:s22+$0x65E0];
	v5 =	vadd.f32 v5, v7  }
0x23f: {  	v7 =	vld [tilespmem:s22+$0x65F0];
	v12 =	vadd.f32 v12, v13;
	v2 =	vadd.f32 v2, v4  }
0x240: {  	v4 =	vadd.f32 v10, v6;
	v3 =	vadd.f32 v3, v5  }
0x241: {  	v5 =	vadd.f32 v11, v12;
	v0 =	vadd.f32 v0, v2  }
0x242: {  	v2 =	vadd.f32 v8, v4;
	v1 =	vadd.f32 v1, v3  }
0x243: {  	v3 =	vadd.f32 v9, v5;
	v0 =	vmul.f32 $4.999999890e-03, v0  }
0x244: {  	v2 =	vadd.f32 v7, v2;
	v1 =	vmul.f32 $4.999999890e-03, v1  }
0x245: {  	[tilespmem:$0xE780] =	vst v0;
	v0 =	vmul.f32 $4.999999890e-03, v3  }
0x246: {  	[tilespmem:$0xE790] =	vst v1;
	v1 =	vmul.f32 $4.999999890e-03, v2  }
0x247: {  	[tilespmem:$0xE7A0] =	vst v0  }
0x248: {  	[tilespmem:$0xE7B0] =	vst v1  }
0x249: {  	_ =	swait.ge [sflag:s19], $0x3200  }
0x24a: {  	[sflag:s19] =	ssyncset.done $0x0  }
0x24b: {  	s22 =	simm.s32 $0x0;
	[sflag:s19] =	ssyncadd.s32 $0xFFFFCE00  }
0x24c: {  	v0 =	vld [tilespmem:s22+$0x97C0]  }
0x24d: {  	v1 =	vld [tilespmem:s22+$0x97D0]  }
0x24e: {  	v2 =	vld [tilespmem:s22+$0x9780]  }
0x24f: {  	v3 =	vld [tilespmem:s22+$0x9790]  }
0x250: {  	v4 =	vld [tilespmem:s22+$0x9740]  }
0x251: {  	v5 =	vld [tilespmem:s22+$0x9750]  }
0x252: {  	v6 =	vld [tilespmem:s22+$0x9700]  }
0x253: {  	v7 =	vld [tilespmem:s22+$0x9710]  }
0x254: {  	v9 =	vld [tilespmem:s22+$0x96C0]  }
0x255: {  	v8 =	vld [tilespmem:s22+$0x96D0]  }
0x256: {  	v11 =	vld [tilespmem:s22+$0x9680]  }
0x257: {  	v10 =	vld [tilespmem:s22+$0x9690]  }
0x258: {  	v17 =	vld [tilespmem:s22+$0x9640]  }
0x259: {  	v16 =	vld [tilespmem:s22+$0x9650]  }
0x25a: {  	v19 =	vld [tilespmem:s22+$0x9600]  }
0x25b: {  	v14 =	vimm.f32 $0.0e+00;
	v20 =	vld [tilespmem:s22+$0x9610]  }
0x25c: {  	s23 =	simm.s32 $0x800;
	v15 =	vimm.f32 $0.0e+00;
	v13 =	vimm.f32 $0.0e+00;
	v12 =	vimm.f32 $0.0e+00;
	v18 =	vld [tilespmem:s22+$0x9620]  }
.LBB2_20:
0x25d: {  	p0 =	sne.s32 s23, $0xC000;
	v21 =	vld [tilespmem:s22+$0x9630]  }
0x25e: {  	v22 =	vld [tilespmem:s22+$0x9660]  }
0x25f: {  	v23 =	vld [tilespmem:s22+$0x9670]  }
0x260: {  	v24 =	vld [tilespmem:s22+$0x96A0]  }
0x261: {  	v12 =	vadd.f32 v19, v12;
	v15 =	vadd.f32 v20, v15;
	v19 =	vld [tilespmem:s22+$0x96B0]  }
0x262: {  	v14 =	vadd.f32 v18, v14;
	v13 =	vadd.f32 v21, v13;
	v18 =	vld [tilespmem:s22+$0x96E0]  }
0x263: {  	v12 =	vadd.f32 v17, v12;
	v15 =	vadd.f32 v16, v15;
	v16 =	vld [tilespmem:s22+$0x96F0]  }
0x264: {  	v14 =	vadd.f32 v22, v14;
	v13 =	vadd.f32 v23, v13;
	v17 =	vld [tilespmem:s22+$0x9720]  }
0x265: {  	v11 =	vadd.f32 v11, v12;
	v10 =	vadd.f32 v10, v15;
	v12 =	vld [tilespmem:s22+$0x9730]  }
0x266: {  	v14 =	vadd.f32 v24, v14;
	v13 =	vadd.f32 v19, v13;
	v15 =	vld [tilespmem:s22+$0x9760]  }
0x267: {  	v9 =	vadd.f32 v9, v11;
	v8 =	vadd.f32 v8, v10;
	v10 =	vld [tilespmem:s22+$0x9770]  }
0x268: {  	v11 =	vadd.f32 v18, v14;
	v13 =	vadd.f32 v16, v13;
	v14 =	vld [tilespmem:s22+$0x97A0]  }
0x269: {  	v6 =	vadd.f32 v6, v9;
	v7 =	vadd.f32 v7, v8;
	v8 =	vld [tilespmem:s22+$0x97B0]  }
0x26a: {  	v9 =	vadd.f32 v17, v11;
	v11 =	vadd.f32 v12, v13;
	v13 =	vld [tilespmem:s22+$0x97E0]  }
0x26b: {  	v4 =	vadd.f32 v4, v6;
	v5 =	vadd.f32 v5, v7;
	v6 =	vld [tilespmem:s22+$0x97F0];
	s22 =	sshra.s32 s23, $0x2  }
0x26c: {  	v9 =	vadd.f32 v15, v9;
	v7 =	vld [tilespmem:s22+$0x97C0];
	v10 =	vadd.f32 v10, v11  }
0x26d: {  	v4 =	vadd.f32 v2, v4;
	v5 =	vadd.f32 v3, v5;
	v11 =	vld [tilespmem:s22+$0x97D0]  }
0x26e: {  	v9 =	vadd.f32 v14, v9;
	v2 =	vld [tilespmem:s22+$0x9780];
	v8 =	vadd.f32 v8, v10  }
0x26f: {  	v12 =	vadd.f32 v0, v4;
	v15 =	vadd.f32 v1, v5;
	v3 =	vld [tilespmem:s22+$0x9790]  }
0x270: {  	v14 =	vadd.f32 v13, v9;
	v4 =	vld [tilespmem:s22+$0x9740];
	v13 =	vadd.f32 v6, v8  }
0x271: {  	v5 =	vld [tilespmem:s22+$0x9750];
	v0 =	vmov v7  }
0x272: {  	v6 =	vld [tilespmem:s22+$0x9700];
	v1 =	vmov v11  }
0x273: {  	v7 =	vld [tilespmem:s22+$0x9710]  }
0x274: {  	v9 =	vld [tilespmem:s22+$0x96C0]  }
0x275: {  	v8 =	vld [tilespmem:s22+$0x96D0]  }
0x276: {  	v11 =	vld [tilespmem:s22+$0x9680]  }
0x277: {  	v10 =	vld [tilespmem:s22+$0x9690]  }
.Ltmp9:
0x278: {  	v17 =	vld [tilespmem:s22+$0x9640];
	(pc) =	sbr.rel @p0 .LBB2_20-.Ltmp9, $4  }
0x279: {  	v16 =	vld [tilespmem:s22+$0x9650]  }
0x27a: {  	v19 =	vld [tilespmem:s22+$0x9600]  }
0x27b: {  	v20 =	vld [tilespmem:s22+$0x9610]  }
0x27c: {  	s23 =	sadd.s32 $0x800, s23;
	v18 =	vld [tilespmem:s22+$0x9620]  }
0x27d: {  	v21 =	vld [tilespmem:s22+$0x9630]  }
0x27e: {  	v22 =	vld [tilespmem:s22+$0x9660]  }
0x27f: {  	v23 =	vld [tilespmem:s22+$0x9670];
	v12 =	vadd.f32 v19, v12  }
0x280: {  	v42 =	vld [tilespmem:s22+$0x96A0];
	v15 =	vadd.f32 v20, v15  }
0x281: {  	v43 =	vld [tilespmem:s22+$0x96B0];
	v14 =	vadd.f32 v18, v14;
	v12 =	vadd.f32 v17, v12  }
0x282: {  	v44 =	vld [tilespmem:s22+$0x96E0];
	v13 =	vadd.f32 v21, v13;
	v15 =	vadd.f32 v16, v15  }
0x283: {  	v45 =	vld [tilespmem:s22+$0x96F0];
	v14 =	vadd.f32 v22, v14;
	v11 =	vadd.f32 v11, v12  }
0x284: {  	v47 =	vld [tilespmem:s22+$0x9720];
	v46 =	vadd.f32 v23, v13;
	v10 =	vadd.f32 v10, v15  }
0x285: {  	v48 =	vld [tilespmem:s22+$0x9730];
	v14 =	vadd.f32 v42, v14;
	v9 =	vadd.f32 v9, v11  }
0x286: {  	v50 =	vld [tilespmem:s22+$0x9760];
	v49 =	vadd.f32 v43, v46;
	v8 =	vadd.f32 v8, v10  }
0x287: {  	v51 =	vld [tilespmem:s22+$0x9770];
	v14 =	vadd.f32 v44, v14;
	v6 =	vadd.f32 v6, v9  }
0x288: {  	v53 =	vld [tilespmem:s22+$0x97A0];
	v52 =	vadd.f32 v45, v49;
	v7 =	vadd.f32 v7, v8  }
0x289: {  	v54 =	vld [tilespmem:s22+$0x97B0];
	v13 =	vadd.f32 v47, v14;
	v4 =	vadd.f32 v4, v6  }
0x28a: {  	v56 =	vld [tilespmem:s22+$0x97E0];
	v55 =	vadd.f32 v48, v52;
	v5 =	vadd.f32 v5, v7  }
0x28b: {  	v57 =	vld [tilespmem:s22+$0x97F0];
	v12 =	vadd.f32 v50, v13;
	v2 =	vadd.f32 v2, v4  }
0x28c: {  	v58 =	vadd.f32 v51, v55;
	v3 =	vadd.f32 v3, v5  }
0x28d: {  	v59 =	vadd.f32 v53, v12;
	v0 =	vadd.f32 v0, v2  }
0x28e: {  	v60 =	vadd.f32 v54, v58;
	v1 =	vadd.f32 v1, v3  }
0x28f: {  	v61 =	vadd.f32 v56, v59;
	v0 =	vmul.f32 $4.999999890e-03, v0  }
0x290: {  	v2 =	vadd.f32 v57, v60;
	v1 =	vmul.f32 $4.999999890e-03, v1  }
0x291: {  	[tilespmem:$0xE7C0] =	vst v0;
	v62 =	vmul.f32 $4.999999890e-03, v61  }
0x292: {  	s21 =	sadd.s32 $0x1, s21;
	[tilespmem:$0xE7D0] =	vst v1;
	v63 =	vmul.f32 $4.999999890e-03, v2  }
0x293: {  	p0 =	sne.s32 s21, s8;
	[tilespmem:$0xE7E0] =	vst v62  }
.Ltmp10:
0x294: {  	[tilespmem:$0xE7F0] =	vst v63;
	(pc) =	sbr.rel @p0 .LBB2_1-.Ltmp10, $4  }
0x295: {  	[hbm4b:s7+s2] =	stream.linear.scatter [tilespmem:s20], [sflag:$0x3], $0x2000, $0x38;
	[tilespmem:$0xE800] =	vst v63  }
0x296: {  	_ =	swait.ge [sflag:s9], $0x2000  }
0x297: {  	[sflag:s9] =	ssyncset.done $0x0  }
0x298: {  	[sflag:s9] =	ssyncadd.s32 $0xFFFFE000  }
0x299: {  	_ =	sfence.sel $0x180000  }
0x29a: {  	[bflag:$0x0] =	sbarrier.arrive $0xFFFF  }
0x29b: {  	p0 =	sne.s32 s0, $0x0;
	_ =	strace $0x90000047  }
0x29c: {  	s0 =	sadd.s32 @!p0 $0x100000, s1;
	[bflag:$0x2] =	sbarrier.arrive $0xFFFF  }
0x29d: {  	[sflag:s0] =	ssyncadd.tile.s32 @!p0 $0x1;
	_ =	shalt  }
.Lfunc_end2:
_tile_overlayer_lowered:
.L_overlay_start_2:
0x29e: {  	(tag) =	ssettag $0x2  }
0x29f: {  	s0 =	rddreg [dreg:$0x0];
	s2 =	stileid.u32  }
0x2a0: {  	s1 =	rddreg [dreg:$0x1];
	p0 =	sne.s32 s2, $0x0  }
0x2a1: {  	s3 =	rddreg [dreg:$0x2];
	[bflag:$0x3] =	sbarrier.arrive $0xFFFF;
	s2 =	simm.s32 @!p0 $0x1C03  }
0x2a2: {  	[timem:s3], [sflag:s2] =	dma.local @!p0 [hbm:s0], s1  }
0x2a3: {  	s0 =	simm.s32 @!p0 $0x3  }
0x2a4: {  	_ =	swait.ge @!p0 [sflag:s0], s1  }
0x2a5: {  	s1 =	ssub.s32 @!p0 $0x0, s1;
	[sflag:s0] =	ssyncset.done @!p0 $0x0  }
0x2a6: {  	[sflag:s0] =	ssyncadd.s32 @!p0 s1  }
0x2a7: {  	[bflag:$0x3] =	sbarrier.arrive $0xFFFF  }
0x2a8: {  	_ =	shalt  }

// kernel: kernel.7.cloned.1.call-start
scs
__scs_entry_jumppad:
0x0: {  	(pc) =	sbr.rel $0x88, $3  }
0x1: {  	(tag) =	ssettag $0x0;
	lr =	simm.s32 $0x1  }
0x2: {  	[smem:$0x3F98] =	sst lr;
	_ =	strace $0xD0000000  }
0x3: {  	_ = 	snop  }
0x4: {  	_ = 	snop  }
0x5: {  	_ = 	snop  }
0x6: {  	_ = 	snop  }
0x7: {  	_ = 	snop  }
__scs_overlays_trampoline_lowered:
0x8: {  	[smem:$0x3FA7] =	sst s0  }
0x9: {  	[smem:$0x3FA8] =	sst s1  }
0xa: {  	[smem:$0x3FA9] =	sst s2  }
0xb: {  	[smem:$0x3FAA] =	sst s3  }
0xc: {  	[smem:$0x3FAB] =	sst s4  }
0xd: {  	[smem:$0x3FAC] =	sst s5  }
0xe: {  	[smem:$0x3FAD] =	sst s6  }
0xf: {  	[smem:$0x3FAE] =	sst s7  }
0x10: {  	[smem:$0x3FAF] =	sst s8  }
0x11: {  	[smem:$0x3FB0] =	sst s9;
	s0 =	simm.s32 @!p0 $0x0  }
0x12: {  	s1 =	sld [smem:$0x3F96];
	s0 =	simm.s32 @p0 $0x1  }
0x13: {  	[smem:$0x3FB1] =	sst s0;
	s0 =	simm.s32 @!p1 $0x0  }
0x14: {  	s2 =	sld [smem:$0x3F95];
	s0 =	simm.s32 @p1 $0x1  }
0x15: {  	[smem:$0x3FB2] =	sst s0;
	s0 =	simm.s32 @!p2 $0x0  }
0x16: {  	s3 =	sld [smem:$0x3FDB];
	s0 =	simm.s32 @p2 $0x1  }
0x17: {  	s4 =	simm.s32 $0x1BF5;
	[smem:$0x3FB4] =	sst s0  }
0x18: {  	s0 =	sld [smem:$0x3F97];
	_ =	swait.ge [sflag:s4], $0x0  }
0x19: {  	s7 =	sld [smem:$0x3F98]  }
0x1a: {  	s8 =	sadd.s32 $0xFFFFE003, lr  }
0x1b: {  	s9 =	sadd.s32 $0xFFFFFEF7, lr;
	s5 =	simm.s32 $0xFFFFFFFF;
	p2 =	slt.u32 s8, $0xFFFFF086  }
0x1c: {  	p1 =	slt.u32 s9, $0xF7A;
	s5 =	simm.s32 @!p2 $0x0  }
0x1d: {  	s5 =	simm.s32 @p1 $0x1;
	p0 =	seq.s32 s7, s2  }
0x1e: {  	s7 =	smul.u32 @!p0 $0xF7A, s2;
	p2 =	seq.s32 @!p0 s5, $0x0  }
0x1f: {  	s9 =	smul.u32 $0xF7A, s1;
	s8 =	simm.s32 @!p0 $0x1BF5;
	p2 =	por !p2, p0  }
0x20: {  	[sflag:s8] =	ssyncset.s32 @!p0 $0xFFFFF086;
	s6 =	sadd.s32 @!p0 s3, s7;
	s7 =	simm.s32 @!p0 $0x108  }
0x21: {  	s3 =	sadd.s32 s3, s9;
	s6 =	sadd.s32 @!p0 $0x88, s6;
	s7 =	simm.s32 @p2 $0x1082  }
0x22: {  	[simem:s7], [sflag:s8] =	dma.local @!p0 [hbm:s6], $0xF7A  }
0x23: {  	s9 =	sor.u32 $0xD0000000, s2;
	s6 =	simm.s32 $0x108;
	_ =	swait.ge @!p0 [sflag:s8], $0x0  }
0x24: {  	s3 =	sadd.s32 $0x88, s3;
	s6 =	simm.s32 @!p1 $0x1082;
	[sflag:s4] =	ssyncset.s32 $0xFFFFF086  }
0x25: {  	[simem:s6], [sflag:s4] =	dma.local [hbm:s3], $0xF7A  }
0x26: {  	[smem:$0x3F98] =	sst s1;
	(tag) =	ssettag s2;
	_ =	strace s9  }
0x27: {  	s1 =	sld [smem:$0x3FA8]  }
0x28: {  	s2 =	sld [smem:$0x3FA9]  }
0x29: {  	s4 =	sld [smem:$0x3FAB]  }
0x2a: {  	p0 =	seq.s32 s5, $0x0;
	s5 =	sld [smem:$0x3FAC]  }
0x2b: {  	s6 =	sld [smem:$0x3FAD]  }
0x2c: {  	s7 =	sld [smem:$0x3FAE]  }
0x2d: {  	s3 =	simm.s32 $0x108;
	s8 =	sld [smem:$0x3FAF]  }
0x2e: {  	s3 =	simm.s32 @!p0 $0x1082;
	s9 =	sld [smem:$0x3FB0]  }
0x2f: {  	lr =	sadd.s32 s0, s3;
	s0 =	sld [smem:$0x3FA7]  }
0x30: {  	s3 =	sld [smem:$0x3FAA]  }
0x31: {  	[smem:$0x3FB3] =	sst s10  }
0x32: {  	s10 =	sld [smem:$0x3FB1];
	_ =	sdelay $0x3  }
0x33: {  	p0 =	seq.s32 s10, $0x1;
	s10 =	sld [smem:$0x3FB3];
	_ =	sdelay $0x3  }
0x34: {  	[smem:$0x3FB3] =	sst s10  }
0x35: {  	s10 =	sld [smem:$0x3FB2];
	_ =	sdelay $0x3  }
0x36: {  	p1 =	seq.s32 s10, $0x1;
	s10 =	sld [smem:$0x3FB3];
	_ =	sdelay $0x3  }
0x37: {  	[smem:$0x3FB3] =	sst s10  }
0x38: {  	s10 =	sld [smem:$0x3FB4]  }
0x39: {  	_ = 	snop;
	(pc) =	sbr.ind lr, $3  }
0x3a: {  	_ = 	snop  }
0x3b: {  	_ = 	snop  }
0x3c: {  	p2 =	seq.s32 s10, $0x1;
	s10 =	sld [smem:$0x3FB3]  }
0x3d: {  	_ =	shalt  }
0x3e: {  	_ =	shalt  }
0x3f: {  	_ =	shalt  }
0x40: {  	_ =	shalt  }
0x41: {  	_ =	shalt  }
0x42: {  	_ =	shalt  }
0x43: {  	_ =	shalt  }
0x44: {  	_ =	shalt  }
0x45: {  	_ =	shalt  }
0x46: {  	_ =	shalt  }
0x47: {  	_ =	shalt  }
0x48: {  	_ =	shalt  }
0x49: {  	_ =	shalt  }
0x4a: {  	_ =	shalt  }
0x4b: {  	_ =	shalt  }
0x4c: {  	_ =	shalt  }
0x4d: {  	_ =	shalt  }
0x4e: {  	_ =	shalt  }
0x4f: {  	_ =	shalt  }
0x50: {  	_ =	shalt  }
0x51: {  	_ =	shalt  }
0x52: {  	_ =	shalt  }
0x53: {  	_ =	shalt  }
0x54: {  	_ =	shalt  }
0x55: {  	_ =	shalt  }
0x56: {  	_ =	shalt  }
0x57: {  	_ =	shalt  }
0x58: {  	_ =	shalt  }
0x59: {  	_ =	shalt  }
0x5a: {  	_ =	shalt  }
0x5b: {  	_ =	shalt  }
0x5c: {  	_ =	shalt  }
0x5d: {  	_ =	shalt  }
0x5e: {  	_ =	shalt  }
0x5f: {  	_ =	shalt  }
0x60: {  	_ =	shalt  }
0x61: {  	_ =	shalt  }
0x62: {  	_ =	shalt  }
0x63: {  	_ =	shalt  }
0x64: {  	_ =	shalt  }
0x65: {  	_ =	shalt  }
0x66: {  	_ =	shalt  }
0x67: {  	_ =	shalt  }
0x68: {  	_ =	shalt  }
0x69: {  	_ =	shalt  }
0x6a: {  	_ =	shalt  }
0x6b: {  	_ =	shalt  }
0x6c: {  	_ =	shalt  }
0x6d: {  	_ =	shalt  }
0x6e: {  	_ =	shalt  }
0x6f: {  	_ =	shalt  }
0x70: {  	_ =	shalt  }
0x71: {  	_ =	shalt  }
0x72: {  	_ =	shalt  }
0x73: {  	_ =	shalt  }
0x74: {  	_ =	shalt  }
0x75: {  	_ =	shalt  }
0x76: {  	_ =	shalt  }
0x77: {  	_ =	shalt  }
0x78: {  	_ =	shalt  }
0x79: {  	_ =	shalt  }
0x7a: {  	_ =	shalt  }
0x7b: {  	_ =	shalt  }
0x7c: {  	_ =	shalt  }
0x7d: {  	_ =	shalt  }
0x7e: {  	_ =	shalt  }
0x7f: {  	_ =	shalt  }
0x80: {  	_ =	shalt  }
0x81: {  	_ =	shalt  }
0x82: {  	_ =	shalt  }
0x83: {  	_ =	shalt  }
0x84: {  	_ =	shalt  }
0x85: {  	_ =	shalt  }
0x86: {  	_ =	shalt  }
0x87: {  	_ =	shalt  }
.Lfunc_end0:
.L_simem_size_0:
called_computation.1_lowered:
.L_overlay_start_0:
0x88: {  	s2 =	sld [smem:$0x3FD9]  }
0x89: {  	s3 =	sld [smem:$0x3FFE];
	_ =	sdelay $0x1  }
0x8a: {  	s1 =	srdreg.scid  }
0x8b: {  	s0 =	sand.u32 $0x1, s1  }
0x8c: {  	s22 =	sshll.u32 s0, $0xA;
	s2 =	sadd.s32 s3, s2  }
0x8d: {  	s2 =	sadd.s32 s2, s22  }
0x8e: {  	[smem:$0x3FBF] =	sst s2  }
0x8f: {  	_ = 	snop  }
0x90: {  	s2 =	sld [smem:$0x3FD0];
	_ =	sdelay $0x2  }
0x91: {  	s23 =	simm.s32 $0xD;
	s4 =	simm.s32 $0x410  }
0x92: {  	[smem:s4], [sflag:s23] =	dma.local [hbm:s2], $0x1  }
0x93: {  	_ =	swait.eq [sflag:s23], $0x1  }
0x94: {  	[sflag:s23] =	ssyncset.done $0x0;
	s17 =	sld [smem:$0x412]  }
0x95: {  	s6 =	simm.s32 $0x0;
	s11 =	sld [smem:$0x413];
	[sflag:s23] =	ssyncadd.s32 $0xFFFFFFFF  }
0x96: {  	[smem:$0xF] =	sst s6  }
0x97: {  	(tm) =	ssettm $0x1  }
0x98: {  	s24 =	sld [smem:$0x3FFB];
	_ =	sdelay $0x3  }
0x99: {  	_ =	strace s24  }
0x9a: {  	s2 =	sld [smem:$0x3FFC];
	_ =	sdelay $0x3  }
0x9b: {  	_ =	strace s2  }
0x9c: {  	s2 =	sld [smem:$0x3FFD];
	_ =	sdelay $0x3  }
0x9d: {  	_ =	strace s2  }
0x9e: {  	s25 =	simm.s32 $0x1B8B;
	_ =	strace $0x8FFFFFFF  }
0x9f: {  	_ =	swait.ge [sflag:s25], $0x1  }
0xa0: {  	[sflag:s25] =	ssyncset.done $0x0  }
0xa1: {  	s28 =	simm.s32 $0x1B8E;
	s5 =	simm.s32 $0xC;
	[sflag:s25] =	ssyncadd.s32 $0xFFFFFFFF  }
0xa2: {  	s29 =	simm.s32 $0x10;
	s12 =	sshll.u32 s0, $0x8;
	[smem:$0x3FD2] =	sst s28  }
0xa3: {  	s16 =	sadd.s32 s12, s17;
	s26 =	sld [smem:$0x3FFE];
	_ =	strace $0x80000049  }
0xa4: {  	[smem:s29], [sflag:s5] =	dma.local [hbm:s16], $0x80  }
0xa5: {  	_ =	swait.ge [sflag:s5], $0x80  }
0xa6: {  	[sflag:s5] =	ssyncset.done $0x0  }
0xa7: {  	[sflag:s5] =	ssyncadd.s32 $0xFFFFFF80  }
0xa8: {  	s30 =	sld [smem:$0x10];
	_ =	sdelay $0x2  }
0xa9: {  	s9 =	simm.s32 $0x0;
	s4 =	simm.s32 $0xA;
	s8 =	sadd.s32 $0x36200, s26  }
0xaa: {  	s10 =	sadd.s32 $0x406C00, s26;
	s15 =	sadd.s32 $0x280200, s26;
	s31 =	sshll.u32 s30, $0x4  }
0xab: {  	s3 =	sadd.s32 $0x1349000, s26;
	s18 =	sadd.s32 $0x24200, s26;
	s7 =	sand.u32 $0x1FFFFFF0, s31  }
0xac: {  	s14 =	sadd.s32 $0x1CCC00, s26;
	s2 =	sadd.s32 $0x1DCC00, s26;
	s7 =	sadd.s32 s8, s7  }
0xad: {  	[spmem:s9], [sflag:s4] =	dma.local [hbm:s7], $0x10  }
0xae: {  	s9 =	sadd.s32 $0x1BCC00, s26;
	s7 =	simm.s32 $0x8;
	s13 =	sld [smem:$0x11]  }
.LBB1_1:
0xaf: {  	p0 =	sne.s32 s7, $0xFFC;
	_ =	sdelay $0x2  }
0xb0: {  	s13 =	sshll.u32 s13, $0x4  }
.Ltmp0:
0xb1: {  	s6 =	sadd.s32 $0x80, s6;
	s13 =	sand.u32 $0x1FFFFFF0, s13;
	(pc) =	sbr.rel @p0 .LBB1_1-.Ltmp0, $3  }
0xb2: {  	s19 =	sshra.s32 s7, $0x2;
	s20 =	sshrl.u32 s6, $0x3;
	s13 =	sadd.s32 s8, s13  }
0xb3: {  	[spmem:s20], [sflag:s4] =	dma.local [hbm:s13], $0x10  }
0xb4: {  	s7 =	sadd.s32 $0x4, s7;
	s13 =	sld [smem:s19+$0x10]  }
0xb5: {  	_ =	sdelay $0x2  }
0xb6: {  	s7 =	sshll.u32 s13, $0x4  }
0xb7: {  	s6 =	sadd.s32 $0x80, s6;
	s7 =	sand.u32 $0x1FFFFFF0, s7  }
0xb8: {  	s6 =	sshrl.u32 s6, $0x3;
	s7 =	sadd.s32 s8, s7  }
0xb9: {  	[spmem:s6], [sflag:s4] =	dma.local [hbm:s7], $0x10  }
0xba: {  	s6 =	simm.s32 $0xA  }
0xbb: {  	_ =	swait.ge [sflag:s6], $0x10  }
0xbc: {  	s7 =	simm.s32 $0x3FF;
	[sflag:s6] =	ssyncset.done $0x0  }
.LBB1_3:
0xbd: {  	p0 =	sne.s32 s7, $0x1;
	s7 =	sadd.s32 $0xFFFFFFFF, s7;
	[sflag:s6] =	ssyncadd.s32 $0xFFFFFFF0  }
.Ltmp1:
0xbe: {  	(pc) =	sbr.rel @p0 .LBB1_3-.Ltmp1, $3  }
0xbf: {  	_ = 	snop  }
0xc0: {  	_ =	swait.ge [sflag:s6], $0x10  }
0xc1: {  	[sflag:s6] =	ssyncset.done $0x0  }
0xc2: {  	[sflag:s6] =	ssyncadd.s32 $0xFFFFFFF0;
	s7 =	sshll.u32 s0, $0xF  }
0xc3: {  	s6 =	simm.s32 $0xB;
	s20 =	simm.s32 $0x0;
	s19 =	sadd.s32 s7, s18  }
0xc4: {  	[hbm:s19], [sflag:s6] =	dma.local [spmem:s20], $0x4000  }
0xc5: {  	s13 =	sshll.u32 s0, $0xB;
	_ =	swait.ge [sflag:s6], $0x4000  }
0xc6: {  	s19 =	sor.u32 $0x400, s13;
	[sflag:s6] =	ssyncset.done $0x0  }
0xc7: {  	s13 =	sshrl.u32 s19, $0x3;
	[sflag:s6] =	ssyncadd.s32 $0xFFFFC000  }
0xc8: {  	s21 =	simm.s32 $0x10;
	s31 =	simm.s32 $0xC;
	s17 =	sadd.s32 s13, s17  }
0xc9: {  	[smem:s21], [sflag:s5] =	dma.local [hbm:s17], $0x80  }
0xca: {  	_ =	swait.ge [sflag:s31], $0x80  }
0xcb: {  	[sflag:s31] =	ssyncset.done $0x0  }
0xcc: {  	[sflag:s31] =	ssyncadd.s32 $0xFFFFFF80  }
0xcd: {  	s21 =	sld [smem:$0x10];
	_ =	sdelay $0x3  }
0xce: {  	s21 =	sshll.u32 s21, $0x4  }
0xcf: {  	s21 =	sand.u32 $0x1FFFFFF0, s21  }
0xd0: {  	s22 =	simm.s32 $0x0;
	s21 =	sadd.s32 s8, s21  }
0xd1: {  	[spmem:s22], [sflag:s4] =	dma.local [hbm:s21], $0x10  }
0xd2: {  	s21 =	simm.s32 $0x8;
	s22 =	sld [smem:$0x11]  }
.LBB1_5:
0xd3: {  	p0 =	sne.s32 s21, $0xFFC;
	_ =	sdelay $0x2  }
0xd4: {  	s22 =	sshll.u32 s22, $0x4  }
.Ltmp2:
0xd5: {  	s20 =	sadd.s32 $0x80, s20;
	s22 =	sand.u32 $0x1FFFFFF0, s22;
	(pc) =	sbr.rel @p0 .LBB1_5-.Ltmp2, $3  }
0xd6: {  	s23 =	sshra.s32 s21, $0x2;
	s24 =	sshrl.u32 s20, $0x3;
	s22 =	sadd.s32 s8, s22  }
0xd7: {  	[spmem:s24], [sflag:s4] =	dma.local [hbm:s22], $0x10  }
0xd8: {  	s21 =	sadd.s32 $0x4, s21;
	s22 =	sld [smem:s23+$0x10]  }
0xd9: {  	_ =	sdelay $0x2  }
0xda: {  	s21 =	sshll.u32 s22, $0x4  }
0xdb: {  	s20 =	sadd.s32 $0x80, s20;
	s21 =	sand.u32 $0x1FFFFFF0, s21  }
0xdc: {  	s20 =	sshrl.u32 s20, $0x3;
	s8 =	sadd.s32 s8, s21  }
0xdd: {  	[spmem:s20], [sflag:s4] =	dma.local [hbm:s8], $0x10  }
0xde: {  	s20 =	simm.s32 $0xA  }
0xdf: {  	_ =	swait.ge [sflag:s20], $0x10  }
0xe0: {  	s8 =	simm.s32 $0x3FF;
	[sflag:s20] =	ssyncset.done $0x0  }
.LBB1_7:
0xe1: {  	p0 =	sne.s32 s8, $0x1;
	s8 =	sadd.s32 $0xFFFFFFFF, s8;
	[sflag:s20] =	ssyncadd.s32 $0xFFFFFFF0  }
.Ltmp3:
0xe2: {  	(pc) =	sbr.rel @p0 .LBB1_7-.Ltmp3, $3  }
0xe3: {  	_ = 	snop  }
0xe4: {  	_ =	swait.ge [sflag:s20], $0x10  }
0xe5: {  	[sflag:s20] =	ssyncset.done $0x0  }
0xe6: {  	s8 =	sshll.u32 s19, $0x4;
	[sflag:s20] =	ssyncadd.s32 $0xFFFFFFF0  }
0xe7: {  	s28 =	simm.s32 $0xB;
	s19 =	sadd.s32 s8, s18;
	s18 =	simm.s32 $0x0  }
0xe8: {  	[hbm:s19], [sflag:s6] =	dma.local [spmem:s18], $0x4000  }
0xe9: {  	_ =	swait.ge [sflag:s28], $0x4000  }
0xea: {  	[sflag:s28] =	ssyncset.done $0x0  }
0xeb: {  	[sflag:s28] =	ssyncadd.s32 $0xFFFFC000  }
0xec: {  	s29 =	simm.s32 $0x10;
	s30 =	simm.s32 $0xC  }
0xed: {  	[smem:s29], [sflag:s5] =	dma.local [hbm:s16], $0x80  }
0xee: {  	_ =	swait.ge [sflag:s30], $0x80  }
0xef: {  	[sflag:s30] =	ssyncset.done $0x0  }
0xf0: {  	[sflag:s30] =	ssyncadd.s32 $0xFFFFFF80  }
0xf1: {  	s16 =	sld [smem:$0x10];
	_ =	sdelay $0x3  }
0xf2: {  	s16 =	sshll.u32 s16, $0x4  }
0xf3: {  	s16 =	sand.u32 $0x1FFFFFF0, s16  }
0xf4: {  	s31 =	simm.s32 $0x0;
	s16 =	sadd.s32 s15, s16  }
0xf5: {  	[spmem:s31], [sflag:s4] =	dma.local [hbm:s16], $0x10  }
0xf6: {  	s16 =	simm.s32 $0x8;
	s19 =	sld [smem:$0x11]  }
.LBB1_9:
0xf7: {  	p0 =	sne.s32 s16, $0xFFC;
	_ =	sdelay $0x2  }
0xf8: {  	s19 =	sshll.u32 s19, $0x4  }
.Ltmp4:
0xf9: {  	s18 =	sadd.s32 $0x80, s18;
	s19 =	sand.u32 $0x1FFFFFF0, s19;
	(pc) =	sbr.rel @p0 .LBB1_9-.Ltmp4, $3  }
0xfa: {  	s20 =	sshra.s32 s16, $0x2;
	s21 =	sshrl.u32 s18, $0x3;
	s19 =	sadd.s32 s15, s19  }
0xfb: {  	[spmem:s21], [sflag:s4] =	dma.local [hbm:s19], $0x10  }
0xfc: {  	s16 =	sadd.s32 $0x4, s16;
	s19 =	sld [smem:s20+$0x10]  }
0xfd: {  	_ =	sdelay $0x2  }
0xfe: {  	s16 =	sshll.u32 s19, $0x4  }
0xff: {  	s18 =	sadd.s32 $0x80, s18;
	s16 =	sand.u32 $0x1FFFFFF0, s16  }
0x100: {  	s18 =	sshrl.u32 s18, $0x3;
	s16 =	sadd.s32 s15, s16  }
0x101: {  	[spmem:s18], [sflag:s4] =	dma.local [hbm:s16], $0x10  }
0x102: {  	s16 =	simm.s32 $0xA  }
0x103: {  	_ =	swait.ge [sflag:s16], $0x10  }
0x104: {  	s18 =	simm.s32 $0x3FF;
	[sflag:s16] =	ssyncset.done $0x0  }
.LBB1_11:
0x105: {  	p0 =	sne.s32 s18, $0x1;
	s18 =	sadd.s32 $0xFFFFFFFF, s18;
	[sflag:s16] =	ssyncadd.s32 $0xFFFFFFF0  }
.Ltmp5:
0x106: {  	(pc) =	sbr.rel @p0 .LBB1_11-.Ltmp5, $3  }
0x107: {  	_ = 	snop  }
0x108: {  	_ =	swait.ge [sflag:s16], $0x10  }
0x109: {  	[sflag:s16] =	ssyncset.done $0x0  }
0x10a: {  	[sflag:s16] =	ssyncadd.s32 $0xFFFFFFF0  }
0x10b: {  	s18 =	sadd.s32 s7, s14;
	s16 =	simm.s32 $0x0;
	s28 =	simm.s32 $0xB  }
0x10c: {  	[hbm:s18], [sflag:s6] =	dma.local [spmem:s16], $0x4000  }
0x10d: {  	_ =	swait.ge [sflag:s28], $0x4000  }
0x10e: {  	[sflag:s28] =	ssyncset.done $0x0  }
0x10f: {  	[sflag:s28] =	ssyncadd.s32 $0xFFFFC000  }
0x110: {  	s29 =	simm.s32 $0x10;
	s30 =	simm.s32 $0xC  }
0x111: {  	[smem:s29], [sflag:s5] =	dma.local [hbm:s17], $0x80  }
0x112: {  	_ =	swait.ge [sflag:s30], $0x80  }
0x113: {  	[sflag:s30] =	ssyncset.done $0x0  }
0x114: {  	[sflag:s30] =	ssyncadd.s32 $0xFFFFFF80  }
0x115: {  	s17 =	sld [smem:$0x10];
	_ =	sdelay $0x3  }
0x116: {  	s17 =	sshll.u32 s17, $0x4  }
0x117: {  	s17 =	sand.u32 $0x1FFFFFF0, s17  }
0x118: {  	s31 =	simm.s32 $0x0;
	s17 =	sadd.s32 s15, s17  }
0x119: {  	[spmem:s31], [sflag:s4] =	dma.local [hbm:s17], $0x10  }
0x11a: {  	s17 =	simm.s32 $0x8;
	s18 =	sld [smem:$0x11]  }
.LBB1_13:
0x11b: {  	p0 =	sne.s32 s17, $0xFFC;
	_ =	sdelay $0x2  }
0x11c: {  	s18 =	sshll.u32 s18, $0x4  }
.Ltmp6:
0x11d: {  	s16 =	sadd.s32 $0x80, s16;
	s18 =	sand.u32 $0x1FFFFFF0, s18;
	(pc) =	sbr.rel @p0 .LBB1_13-.Ltmp6, $3  }
0x11e: {  	s19 =	sshra.s32 s17, $0x2;
	s20 =	sshrl.u32 s16, $0x3;
	s18 =	sadd.s32 s15, s18  }
0x11f: {  	[spmem:s20], [sflag:s4] =	dma.local [hbm:s18], $0x10  }
0x120: {  	s17 =	sadd.s32 $0x4, s17;
	s18 =	sld [smem:s19+$0x10]  }
0x121: {  	_ =	sdelay $0x2  }
0x122: {  	s17 =	sshll.u32 s18, $0x4  }
0x123: {  	s16 =	sadd.s32 $0x80, s16;
	s17 =	sand.u32 $0x1FFFFFF0, s17  }
0x124: {  	s16 =	sshrl.u32 s16, $0x3;
	s15 =	sadd.s32 s15, s17  }
0x125: {  	[spmem:s16], [sflag:s4] =	dma.local [hbm:s15], $0x10  }
0x126: {  	s15 =	simm.s32 $0xA  }
0x127: {  	_ =	swait.ge [sflag:s15], $0x10  }
0x128: {  	s16 =	simm.s32 $0x3FF;
	[sflag:s15] =	ssyncset.done $0x0  }
.LBB1_15:
0x129: {  	p0 =	sne.s32 s16, $0x1;
	s16 =	sadd.s32 $0xFFFFFFFF, s16;
	[sflag:s15] =	ssyncadd.s32 $0xFFFFFFF0  }
.Ltmp7:
0x12a: {  	(pc) =	sbr.rel @p0 .LBB1_15-.Ltmp7, $3  }
0x12b: {  	_ = 	snop  }
0x12c: {  	_ =	swait.ge [sflag:s15], $0x10  }
0x12d: {  	[sflag:s15] =	ssyncset.done $0x0  }
0x12e: {  	[sflag:s15] =	ssyncadd.s32 $0xFFFFFFF0  }
0x12f: {  	s28 =	sadd.s32 s8, s14;
	s14 =	simm.s32 $0x0;
	s29 =	simm.s32 $0xB  }
0x130: {  	[hbm:s28], [sflag:s6] =	dma.local [spmem:s14], $0x4000  }
0x131: {  	_ =	swait.ge [sflag:s29], $0x4000  }
0x132: {  	[sflag:s29] =	ssyncset.done $0x0  }
0x133: {  	[sflag:s29] =	ssyncadd.s32 $0xFFFFC000  }
0x134: {  	s12 =	sadd.s32 s12, s11;
	s30 =	simm.s32 $0x10;
	s31 =	simm.s32 $0xC  }
0x135: {  	[smem:s30], [sflag:s5] =	dma.local [hbm:s12], $0x80  }
0x136: {  	_ =	swait.ge [sflag:s31], $0x80  }
0x137: {  	[sflag:s31] =	ssyncset.done $0x0  }
0x138: {  	[sflag:s31] =	ssyncadd.s32 $0xFFFFFF80  }
0x139: {  	s15 =	sld [smem:$0x10];
	_ =	sdelay $0x3  }
0x13a: {  	s15 =	sshll.u32 s15, $0x4  }
0x13b: {  	s15 =	sand.u32 $0x1FFFFFF0, s15  }
0x13c: {  	s16 =	simm.s32 $0x0;
	s15 =	sadd.s32 s10, s15  }
0x13d: {  	[spmem:s16], [sflag:s4] =	dma.local [hbm:s15], $0x10  }
0x13e: {  	s15 =	simm.s32 $0x8;
	s16 =	sld [smem:$0x11]  }
.LBB1_17:
0x13f: {  	p0 =	sne.s32 s15, $0xFFC;
	_ =	sdelay $0x2  }
0x140: {  	s16 =	sshll.u32 s16, $0x4  }
.Ltmp8:
0x141: {  	s14 =	sadd.s32 $0x80, s14;
	s16 =	sand.u32 $0x1FFFFFF0, s16;
	(pc) =	sbr.rel @p0 .LBB1_17-.Ltmp8, $3  }
0x142: {  	s17 =	sshra.s32 s15, $0x2;
	s18 =	sshrl.u32 s14, $0x3;
	s16 =	sadd.s32 s10, s16  }
0x143: {  	[spmem:s18], [sflag:s4] =	dma.local [hbm:s16], $0x10  }
0x144: {  	s15 =	sadd.s32 $0x4, s15;
	s16 =	sld [smem:s17+$0x10]  }
0x145: {  	_ =	sdelay $0x2  }
0x146: {  	s15 =	sshll.u32 s16, $0x4  }
0x147: {  	s14 =	sadd.s32 $0x80, s14;
	s15 =	sand.u32 $0x1FFFFFF0, s15  }
0x148: {  	s14 =	sshrl.u32 s14, $0x3;
	s15 =	sadd.s32 s10, s15  }
0x149: {  	[spmem:s14], [sflag:s4] =	dma.local [hbm:s15], $0x10  }
0x14a: {  	s14 =	simm.s32 $0xA  }
0x14b: {  	_ =	swait.ge [sflag:s14], $0x10  }
0x14c: {  	s15 =	simm.s32 $0x3FF;
	[sflag:s14] =	ssyncset.done $0x0  }
.LBB1_19:
0x14d: {  	p0 =	sne.s32 s15, $0x1;
	s15 =	sadd.s32 $0xFFFFFFFF, s15;
	[sflag:s14] =	ssyncadd.s32 $0xFFFFFFF0  }
.Ltmp9:
0x14e: {  	(pc) =	sbr.rel @p0 .LBB1_19-.Ltmp9, $3  }
0x14f: {  	_ = 	snop  }
0x150: {  	_ =	swait.ge [sflag:s14], $0x10  }
0x151: {  	[sflag:s14] =	ssyncset.done $0x0  }
0x152: {  	[sflag:s14] =	ssyncadd.s32 $0xFFFFFFF0  }
0x153: {  	s15 =	sadd.s32 s7, s9;
	s14 =	simm.s32 $0x0;
	s28 =	simm.s32 $0xB  }
0x154: {  	[hbm:s15], [sflag:s6] =	dma.local [spmem:s14], $0x4000  }
0x155: {  	_ =	swait.ge [sflag:s28], $0x4000  }
0x156: {  	[sflag:s28] =	ssyncset.done $0x0  }
0x157: {  	[sflag:s28] =	ssyncadd.s32 $0xFFFFC000  }
0x158: {  	s11 =	sadd.s32 s13, s11;
	s29 =	simm.s32 $0x10;
	s30 =	simm.s32 $0xC  }
0x159: {  	[smem:s29], [sflag:s5] =	dma.local [hbm:s11], $0x80  }
0x15a: {  	_ =	swait.ge [sflag:s30], $0x80  }
0x15b: {  	[sflag:s30] =	ssyncset.done $0x0  }
0x15c: {  	[sflag:s30] =	ssyncadd.s32 $0xFFFFFF80  }
0x15d: {  	s13 =	sld [smem:$0x10];
	_ =	sdelay $0x3  }
0x15e: {  	s13 =	sshll.u32 s13, $0x4  }
0x15f: {  	s13 =	sand.u32 $0x1FFFFFF0, s13  }
0x160: {  	s31 =	simm.s32 $0x0;
	s13 =	sadd.s32 s10, s13  }
0x161: {  	[spmem:s31], [sflag:s4] =	dma.local [hbm:s13], $0x10  }
0x162: {  	s13 =	simm.s32 $0x8;
	s15 =	sld [smem:$0x11]  }
.LBB1_21:
0x163: {  	p0 =	sne.s32 s13, $0xFFC;
	_ =	sdelay $0x2  }
0x164: {  	s15 =	sshll.u32 s15, $0x4  }
.Ltmp10:
0x165: {  	s14 =	sadd.s32 $0x80, s14;
	s15 =	sand.u32 $0x1FFFFFF0, s15;
	(pc) =	sbr.rel @p0 .LBB1_21-.Ltmp10, $3  }
0x166: {  	s16 =	sshra.s32 s13, $0x2;
	s17 =	sshrl.u32 s14, $0x3;
	s15 =	sadd.s32 s10, s15  }
0x167: {  	[spmem:s17], [sflag:s4] =	dma.local [hbm:s15], $0x10  }
0x168: {  	s13 =	sadd.s32 $0x4, s13;
	s15 =	sld [smem:s16+$0x10]  }
0x169: {  	_ =	sdelay $0x2  }
0x16a: {  	s13 =	sshll.u32 s15, $0x4  }
0x16b: {  	s14 =	sadd.s32 $0x80, s14;
	s13 =	sand.u32 $0x1FFFFFF0, s13  }
0x16c: {  	s31 =	sshrl.u32 s14, $0x3;
	s10 =	sadd.s32 s10, s13  }
0x16d: {  	[spmem:s31], [sflag:s4] =	dma.local [hbm:s10], $0x10  }
0x16e: {  	s10 =	simm.s32 $0xA  }
0x16f: {  	_ =	swait.ge [sflag:s10], $0x10  }
0x170: {  	s13 =	simm.s32 $0x3FF;
	[sflag:s10] =	ssyncset.done $0x0  }
.LBB1_23:
0x171: {  	p0 =	sne.s32 s13, $0x1;
	s13 =	sadd.s32 $0xFFFFFFFF, s13;
	[sflag:s10] =	ssyncadd.s32 $0xFFFFFFF0  }
.Ltmp11:
0x172: {  	(pc) =	sbr.rel @p0 .LBB1_23-.Ltmp11, $3  }
0x173: {  	_ = 	snop  }
0x174: {  	_ =	swait.ge [sflag:s10], $0x10  }
0x175: {  	[sflag:s10] =	ssyncset.done $0x0  }
0x176: {  	[sflag:s10] =	ssyncadd.s32 $0xFFFFFFF0  }
0x177: {  	s26 =	sadd.s32 s8, s9;
	s9 =	simm.s32 $0x0;
	s28 =	simm.s32 $0xB  }
0x178: {  	[hbm:s26], [sflag:s6] =	dma.local [spmem:s9], $0x4000  }
0x179: {  	_ =	swait.ge [sflag:s28], $0x4000  }
0x17a: {  	[sflag:s28] =	ssyncset.done $0x0  }
0x17b: {  	[sflag:s28] =	ssyncadd.s32 $0xFFFFC000  }
0x17c: {  	s29 =	simm.s32 $0x10;
	s30 =	simm.s32 $0xC  }
0x17d: {  	[smem:s29], [sflag:s5] =	dma.local [hbm:s12], $0x80  }
0x17e: {  	_ =	swait.ge [sflag:s30], $0x80  }
0x17f: {  	[sflag:s30] =	ssyncset.done $0x0  }
0x180: {  	[sflag:s30] =	ssyncadd.s32 $0xFFFFFF80  }
0x181: {  	s10 =	sld [smem:$0x10];
	_ =	sdelay $0x3  }
0x182: {  	s10 =	sshll.u32 s10, $0x4  }
0x183: {  	s10 =	sand.u32 $0x1FFFFFF0, s10  }
0x184: {  	s31 =	simm.s32 $0x0;
	s10 =	sadd.s32 s3, s10  }
0x185: {  	[spmem:s31], [sflag:s4] =	dma.local [hbm:s10], $0x10  }
0x186: {  	s10 =	simm.s32 $0x8;
	s12 =	sld [smem:$0x11]  }
.LBB1_25:
0x187: {  	p0 =	sne.s32 s10, $0xFFC;
	_ =	sdelay $0x2  }
0x188: {  	s12 =	sshll.u32 s12, $0x4  }
.Ltmp12:
0x189: {  	s9 =	sadd.s32 $0x80, s9;
	s12 =	sand.u32 $0x1FFFFFF0, s12;
	(pc) =	sbr.rel @p0 .LBB1_25-.Ltmp12, $3  }
0x18a: {  	s13 =	sshra.s32 s10, $0x2;
	s14 =	sshrl.u32 s9, $0x3;
	s12 =	sadd.s32 s3, s12  }
0x18b: {  	[spmem:s14], [sflag:s4] =	dma.local [hbm:s12], $0x10  }
0x18c: {  	s10 =	sadd.s32 $0x4, s10;
	s12 =	sld [smem:s13+$0x10]  }
0x18d: {  	_ =	sdelay $0x2  }
0x18e: {  	s10 =	sshll.u32 s12, $0x4  }
0x18f: {  	s9 =	sadd.s32 $0x80, s9;
	s10 =	sand.u32 $0x1FFFFFF0, s10  }
0x190: {  	s9 =	sshrl.u32 s9, $0x3;
	s10 =	sadd.s32 s3, s10  }
0x191: {  	[spmem:s9], [sflag:s4] =	dma.local [hbm:s10], $0x10  }
0x192: {  	s9 =	simm.s32 $0xA  }
0x193: {  	_ =	swait.ge [sflag:s9], $0x10  }
0x194: {  	s10 =	simm.s32 $0x3FF;
	[sflag:s9] =	ssyncset.done $0x0  }
.LBB1_27:
0x195: {  	p0 =	sne.s32 s10, $0x1;
	s10 =	sadd.s32 $0xFFFFFFFF, s10;
	[sflag:s9] =	ssyncadd.s32 $0xFFFFFFF0  }
.Ltmp13:
0x196: {  	(pc) =	sbr.rel @p0 .LBB1_27-.Ltmp13, $3  }
0x197: {  	_ = 	snop  }
0x198: {  	_ =	swait.ge [sflag:s9], $0x10  }
0x199: {  	[sflag:s9] =	ssyncset.done $0x0  }
0x19a: {  	[sflag:s9] =	ssyncadd.s32 $0xFFFFFFF0  }
0x19b: {  	s26 =	sadd.s32 s7, s2;
	s7 =	simm.s32 $0x0;
	s28 =	simm.s32 $0xB  }
0x19c: {  	[hbm:s26], [sflag:s6] =	dma.local [spmem:s7], $0x4000  }
0x19d: {  	_ =	swait.ge [sflag:s28], $0x4000  }
0x19e: {  	[sflag:s28] =	ssyncset.done $0x0  }
0x19f: {  	[sflag:s28] =	ssyncadd.s32 $0xFFFFC000  }
0x1a0: {  	s29 =	simm.s32 $0x10;
	s30 =	simm.s32 $0xC  }
0x1a1: {  	[smem:s29], [sflag:s5] =	dma.local [hbm:s11], $0x80  }
0x1a2: {  	_ =	swait.ge [sflag:s30], $0x80  }
0x1a3: {  	[sflag:s30] =	ssyncset.done $0x0  }
0x1a4: {  	[sflag:s30] =	ssyncadd.s32 $0xFFFFFF80  }
0x1a5: {  	s5 =	sld [smem:$0x10];
	_ =	sdelay $0x3  }
0x1a6: {  	s5 =	sshll.u32 s5, $0x4  }
0x1a7: {  	s5 =	sand.u32 $0x1FFFFFF0, s5  }
0x1a8: {  	s31 =	simm.s32 $0x0;
	s5 =	sadd.s32 s3, s5  }
0x1a9: {  	[spmem:s31], [sflag:s4] =	dma.local [hbm:s5], $0x10  }
0x1aa: {  	s5 =	simm.s32 $0x8;
	s9 =	sld [smem:$0x11]  }
.LBB1_29:
0x1ab: {  	p0 =	sne.s32 s5, $0xFFC;
	_ =	sdelay $0x2  }
0x1ac: {  	s9 =	sshll.u32 s9, $0x4  }
.Ltmp14:
0x1ad: {  	s7 =	sadd.s32 $0x80, s7;
	s9 =	sand.u32 $0x1FFFFFF0, s9;
	(pc) =	sbr.rel @p0 .LBB1_29-.Ltmp14, $3  }
0x1ae: {  	s10 =	sshra.s32 s5, $0x2;
	s11 =	sshrl.u32 s7, $0x3;
	s9 =	sadd.s32 s3, s9  }
0x1af: {  	[spmem:s11], [sflag:s4] =	dma.local [hbm:s9], $0x10  }
0x1b0: {  	s5 =	sadd.s32 $0x4, s5;
	s9 =	sld [smem:s10+$0x10]  }
0x1b1: {  	_ =	sdelay $0x2  }
0x1b2: {  	s5 =	sshll.u32 s9, $0x4  }
0x1b3: {  	s7 =	sadd.s32 $0x80, s7;
	s5 =	sand.u32 $0x1FFFFFF0, s5  }
0x1b4: {  	s31 =	sshrl.u32 s7, $0x3;
	s3 =	sadd.s32 s3, s5  }
0x1b5: {  	[spmem:s31], [sflag:s4] =	dma.local [hbm:s3], $0x10  }
0x1b6: {  	s3 =	simm.s32 $0xA  }
0x1b7: {  	_ =	swait.ge [sflag:s3], $0x10  }
0x1b8: {  	s4 =	simm.s32 $0x3FF;
	[sflag:s3] =	ssyncset.done $0x0  }
.LBB1_31:
0x1b9: {  	p0 =	sne.s32 s4, $0x1;
	s4 =	sadd.s32 $0xFFFFFFFF, s4;
	[sflag:s3] =	ssyncadd.s32 $0xFFFFFFF0  }
.Ltmp15:
0x1ba: {  	(pc) =	sbr.rel @p0 .LBB1_31-.Ltmp15, $3  }
0x1bb: {  	_ = 	snop  }
0x1bc: {  	_ =	swait.ge [sflag:s3], $0x10  }
0x1bd: {  	[sflag:s3] =	ssyncset.done $0x0  }
0x1be: {  	[sflag:s3] =	ssyncadd.s32 $0xFFFFFFF0  }
0x1bf: {  	s2 =	sadd.s32 s8, s2;
	s26 =	simm.s32 $0x0;
	s28 =	simm.s32 $0xB  }
0x1c0: {  	[hbm:s2], [sflag:s6] =	dma.local [spmem:s26], $0x4000  }
0x1c1: {  	_ =	swait.ge [sflag:s28], $0x4000  }
0x1c2: {  	[sflag:s28] =	ssyncset.done $0x0  }
0x1c3: {  	[sflag:s28] =	ssyncadd.s32 $0xFFFFC000  }
0x1c4: {  	_ =	strace $0x90000049  }
0x1c5: {  	_ =	sfence  }
0x1c6: {  	s29 =	sld [smem:$0x0];
	_ =	sdelay $0x2  }
0x1c7: {  	s30 =	sshll.u32 s1, $0xD;
	s31 =	sshrl.u32 s1, $0x2  }
0x1c8: {  	s3 =	sand.u32 $0x4000, s30;
	s1 =	sadd.s32 s31, s29  }
0x1c9: {  	s0 =	sor.u32 s3, s0;
	s1 =	sshll.u32 s1, $0x11  }
0x1ca: {  	s0 =	sor.u32 s1, s0  }
0x1cb: {  	s0 =	sadd.s32 $0x8F2B, s0;
	(pc) =	sbr.abs _section_cstart, $3  }
0x1cc: {  	[sflag:s0] =	ssyncadd.remote.s32 $0x1  }
0x1cd: {  	_ =	strace $0x9FFFFFFF  }
0x1ce: {  	(tm) =	ssettm $0x7FFFFFFF  }
0x1cf: {  	_ =	shalt  }

</sc_bundles>
